<compile_context>
chip_gen: v7x
topology: tpu7x:2x2x1
jax: 0.10.2.dev20260603
libtpu: 0.0.44.dev20260713+nightly
codegen_flags: <defaults>
</compile_context>

<pallas_src>
import functools

import jax
import jax.numpy as jnp
from jax import lax
from jax.experimental import pallas as pl
from jax.experimental.pallas import tpu as pltpu
from jax.experimental.pallas import tpu_sc as plsc

N = 10000
E = 320000
D = 128
H = 32
WPAD = 48
NC, NS, L = 2, 16, 16
NW = NC * NS
EPW = E // NW
SB = 80
K = 5
B = SB * K
NB = EPW // B
NPAD = 10240
RPS = NPAD // NS

R = 400
GRID = N // R


def _pre_kernel(xc_ref, xn_ref, wc_ref, bc_ref, wn_ref, bn_ref, wa_ref,
                ba_ref, nbrp_ref, acur_ref):
    wa = wa_ref[...]
    wa1 = wa[:H, :]
    wa2 = wa[H:, :]
    cur = jnp.dot(xc_ref[...], wc_ref[...],
                  preferred_element_type=jnp.float32) + bc_ref[...][None, :]
    nbr = jnp.dot(xn_ref[...], wn_ref[...],
                  preferred_element_type=jnp.float32) + bn_ref[...][None, :]
    acur = jnp.dot(cur, wa1, preferred_element_type=jnp.float32) + ba_ref[...]
    anbr = jnp.dot(nbr, wa2, preferred_element_type=jnp.float32)
    ones = jnp.ones((N, 1), jnp.float32)
    zeros = jnp.zeros((N, WPAD - H - 2), jnp.float32)
    nbrp_ref[...] = jnp.concatenate([nbr, ones, anbr, zeros], axis=1)
    acur_ref[...] = acur


def _pre(x_cur, x_nbr, W_cur, b_cur, W_nbr, b_nbr, W_att, b_att):
    return pl.pallas_call(
        _pre_kernel,
        out_shape=[
            jax.ShapeDtypeStruct((N, WPAD), jnp.float32),
            jax.ShapeDtypeStruct((N, 1), jnp.float32),
        ],
    )(x_cur, x_nbr, W_cur, b_cur, W_nbr, b_nbr, W_att, b_att)


def _sc_edge_kernel(acur_hbm, nbrp_hbm, src_hbm, dst_hbm, out_hbm,
                    acur_v, srcb_v, dstb_v, rows0, rows1, sbuf, wsum,
                    g0, g1, s0, s1):
    cid = lax.axis_index("c")
    sid = lax.axis_index("s")
    wid = cid * NS + sid
    stage = [pltpu.async_copy(acur_hbm, acur_v, g0),
             pltpu.async_copy(src_hbm.at[wid], srcb_v, g0),
             pltpu.async_copy(dst_hbm.at[wid], dstb_v, g0)]
    zero16 = jnp.zeros((L,), jnp.float32)

    def zrow(r, c):
        for cc in range(WPAD // L):
            rows0[r, pl.ds(cc * L, L)] = zero16
        return c

    lax.fori_loop(0, SB, zrow, 0)
    zc = [pltpu.async_copy(rows0.at[pl.ds(0, SB)],
                           wsum.at[pl.ds(sid * RPS + k * SB, SB)], g1)
          for k in range(RPS // SB)]
    for d in stage + zc:
        d.wait()
    plsc.subcore_barrier()

    def fire_gathers(b, buf, sem):
        for k in range(K):
            pltpu.async_copy(nbrp_hbm.at[dstb_v.at[b, k]],
                             buf.at[pl.ds(k * SB, SB)], sem)

    def drain_gathers(b, buf, sem):
        for k in range(K):
            pltpu.make_async_copy(nbrp_hbm.at[dstb_v.at[b, k]],
                                  buf.at[pl.ds(k * SB, SB)], sem).wait()

    def fire_scatters(b, buf, sem):
        for k in range(K):
            pltpu.async_copy(buf.at[pl.ds(k * SB, SB)],
                             wsum.at[srcb_v.at[b, k]], sem, add=True)

    def drain_scatters(b, buf, sem):
        for k in range(K):
            pltpu.make_async_copy(buf.at[pl.ds(k * SB, SB)],
                                  wsum.at[srcb_v.at[b, k]], sem).wait()

    iota16 = lax.iota(jnp.int32, L)
    c32 = jnp.full((L,), H, jnp.int32)
    c33 = jnp.full((L,), H + 1, jnp.int32)

    def compute(b, buf):
        def grp(g):
            evec = iota16 + g * L
            src16 = srcb_v[b, g // (SB // L), pl.ds((g % (SB // L)) * L, L)]
            sv = plsc.load_gather(acur_v, [src16])
            dv = plsc.load_gather(buf, [evec, c33])
            s = sv + dv
            s = jnp.where(s >= 0.0, s, 0.3 * s)
            wv = jnp.exp(s)
            plsc.store_scatter(sbuf, [evec, c32], wv)

            def colbody(j):
                cj = jnp.full((L,), 0, jnp.int32) + j
                col = plsc.load_gather(buf, [evec, cj])
                plsc.store_scatter(sbuf, [evec, cj], col * wv)

            plsc.parallel_loop(0, H, unroll=8)(colbody)

        plsc.parallel_loop(0, B // L, unroll=5)(grp)

    fire_gathers(0, rows0, g0)
    fire_gathers(1, rows1, g1)
    drain_gathers(0, rows0, g0)
    compute(0, rows0)
    fire_scatters(0, sbuf, s0)

    def pipe(p, c):
        b0 = 2 * p
        fire_gathers(b0 + 2, rows0, g0)
        drain_gathers(b0 + 1, rows1, g1)
        drain_scatters(b0, sbuf, s0)
        compute(b0 + 1, rows1)
        fire_scatters(b0 + 1, sbuf, s0)
        fire_gathers(b0 + 3, rows1, g1)
        drain_gathers(b0 + 2, rows0, g0)
        drain_scatters(b0 + 1, sbuf, s0)
        compute(b0 + 2, rows0)
        fire_scatters(b0 + 2, sbuf, s0)
        return c

    lax.fori_loop(0, (NB - 3) // 2, pipe, 0)
    fire_gathers(NB - 1, rows0, g0)
    drain_gathers(NB - 2, rows1, g1)
    drain_scatters(NB - 3, sbuf, s0)
    compute(NB - 2, rows1)
    fire_scatters(NB - 2, sbuf, s0)
    drain_gathers(NB - 1, rows0, g0)
    drain_scatters(NB - 2, sbuf, s0)
    compute(NB - 1, rows0)
    fire_scatters(NB - 1, sbuf, s0)
    drain_scatters(NB - 1, sbuf, s0)

    plsc.subcore_barrier()
    pltpu.sync_copy(wsum.at[pl.ds(sid * RPS, RPS)],
                    out_hbm.at[cid, pl.ds(sid * RPS, RPS)])


_sc_edges = functools.partial(
    pl.kernel,
    out_type=jax.ShapeDtypeStruct((NC, NPAD, WPAD), jnp.float32),
    mesh=plsc.VectorSubcoreMesh(core_axis_name="c", subcore_axis_name="s"),
    compiler_params=pltpu.CompilerParams(needs_layout_passes=False,
                                         use_tc_tiling_on_sc=False),
    scratch_types=[
        pltpu.VMEM((N,), jnp.float32),
        pltpu.VMEM((NB, K, SB), jnp.int32),
        pltpu.VMEM((NB, K, SB), jnp.int32),
        pltpu.VMEM((B, WPAD), jnp.float32),
        pltpu.VMEM((B, WPAD), jnp.float32),
        pltpu.VMEM((B, WPAD), jnp.float32),
        pltpu.VMEM_SHARED((NPAD, WPAD), jnp.float32),
        pltpu.SemaphoreType.DMA,
        pltpu.SemaphoreType.DMA,
        pltpu.SemaphoreType.DMA,
        pltpu.SemaphoreType.DMA,
    ],
)(_sc_edge_kernel)


def _post_kernel(p_ref, o_ref):
    p = p_ref[0, :N] + p_ref[1, :N]
    den = p[:, H:H + 1]
    num = p[:, 0:H]
    o_ref[...] = jnp.where(den > 0.0, num / den, 0.0)


def _post(parts):
    return pl.pallas_call(
        _post_kernel,
        out_shape=jax.ShapeDtypeStruct((N, H), jnp.float32),
    )(parts)


def kernel(x_cur, x_nbr, W_cur, b_cur, W_nbr, b_nbr, W_att, b_att, edges):
    nbrp, acur2d = _pre(x_cur, x_nbr, W_cur, b_cur, W_nbr, b_nbr, W_att, b_att)
    acur = acur2d.reshape(N)
    src = edges[:, 0].reshape(NW, NB, K, SB)
    dst = edges[:, 1].reshape(NW, NB, K, SB)
    parts = _sc_edges(acur, nbrp, src, dst)
    return _post(parts)

# --- scband reference (transcript-rebuilt; emitter-appended) ---
"""Pipeline reference for scband-hete-attention-head-48284022342203 (READ-ONLY COPY).

The authoritative reference and input builder live on the scoring server;
editing this copy changes nothing except your own understanding.
"""

import jax, jax.numpy as jnp
import numpy as np

N = 10000
E = 320000
D = 128
H = 32


def setup_inputs(seed: int = 0) -> dict:
    key = jax.random.key(seed)
    ks = jax.random.split(key, 7)
    x_cur = jax.random.normal(ks[0], (N, D), jnp.float32)
    x_nbr = jax.random.normal(ks[1], (N, D), jnp.float32)
    # tf.math.segment_sum requires sorted segment ids -> sort the src column
    src = jnp.sort(jax.random.randint(ks[2], (E,), 0, N, dtype=jnp.int32))
    dst = jax.random.randint(ks[3], (E,), 0, N, dtype=jnp.int32)
    edges = jnp.stack([src, dst], axis=1)
    # learned parameters: one Dense per Sequential (hidden_units=[32]) + attention Dense(1)
    W_cur = jax.random.normal(ks[4], (D, H), jnp.float32) / np.sqrt(D)
    b_cur = jnp.zeros((H,), jnp.float32)
    W_nbr = jax.random.normal(ks[5], (D, H), jnp.float32) / np.sqrt(D)
    b_nbr = jnp.zeros((H,), jnp.float32)
    W_att = jax.random.normal(ks[6], (2 * H, 1), jnp.float32) / np.sqrt(2 * H)
    b_att = jnp.zeros((1,), jnp.float32)
    return {"x_cur": x_cur, "x_nbr": x_nbr, "W_cur": W_cur, "b_cur": b_cur,
            "W_nbr": W_nbr, "b_nbr": b_nbr, "W_att": W_att, "b_att": b_att,
            "edges": edges}


def reference(x_cur, x_nbr, W_cur, b_cur, W_nbr, b_nbr, W_att, b_att, edges):
    cur = x_cur @ W_cur + b_cur
    nbr = x_nbr @ W_nbr + b_nbr
    src = edges[:, 0]
    dst = edges[:, 1]
    e_cur = jnp.take(cur, src, axis=0)
    e_nbr = jnp.take(nbr, dst, axis=0)
    pair = jnp.concatenate([e_cur, e_nbr], axis=1)
    s = pair @ W_att + b_att
    # keras LeakyReLU default alpha=0.3
    s = jnp.where(s >= 0.0, s, 0.3 * s)
    s = s[:, 0]
    exp_s = jnp.exp(s)
    denom = jax.ops.segment_sum(exp_s, src, num_segments=N)
    norm = exp_s / jnp.take(denom, src)
    # tf.scatter_nd sums contributions at duplicate indices -> .at[...].add
    adj = jnp.zeros((N, N), jnp.float32).at[src, dst].add(norm)
    return adj @ nbr

if __name__ == "__main__":
    import jax
    _d = setup_inputs()
    print(jax.jit(kernel)(*tuple(_d.values())))

</pallas_src>

<mosaic_0001>
#map = affine_map<(d0, d1) -> (0)>
#map1 = affine_map<(d0, d1) -> (0, 0)>
#map2 = affine_map<(d0, d1) -> (0, 0, 0, 0)>
#map3 = affine_map<(d0, d1) -> (0, 0, 0)>
module attributes {stable_mosaic.version = 14 : i64} {
  func.func @_sc_edge_kernel(%arg0: i32, %arg1: i32, %arg2: memref<10000xf32, #tpu.memory_space<hbm>>, %arg3: memref<10000x48xf32, #tpu.memory_space<hbm>>, %arg4: memref<32x25x5x80xi32, #tpu.memory_space<hbm>>, %arg5: memref<32x25x5x80xi32, #tpu.memory_space<hbm>>, %arg6: memref<2x10240x48xf32, #tpu.memory_space<hbm>>, %arg7: memref<10000xf32, #tpu.memory_space<vmem>>, %arg8: memref<25x5x80xi32, #tpu.memory_space<vmem>>, %arg9: memref<25x5x80xi32, #tpu.memory_space<vmem>>, %arg10: memref<400x48xf32, #tpu.memory_space<vmem>>, %arg11: memref<400x48xf32, #tpu.memory_space<vmem>>, %arg12: memref<400x48xf32, #tpu.memory_space<vmem>>, %arg13: memref<10240x48xf32, #tpu.memory_space<vmem_shared>>, %arg14: memref<!tpu.dma_semaphore, #tpu.memory_space<semaphore_mem>>, %arg15: memref<!tpu.dma_semaphore, #tpu.memory_space<semaphore_mem>>, %arg16: memref<!tpu.dma_semaphore, #tpu.memory_space<semaphore_mem>>, %arg17: memref<!tpu.dma_semaphore, #tpu.memory_space<semaphore_mem>>) attributes {dimension_semantics = [#tpu.dimension_semantics<core_parallel>, #tpu.dimension_semantics<subcore_parallel>], iteration_bounds = array<i64: 2, 16>, scalar_prefetch = 0 : i64, scratch_operands = 11 : i64, tpu.core_type = #tpu.core_type<sc_vector_subcore>, window_params = [{transform_indices = #map}, {transform_indices = #map1}, {transform_indices = #map2}, {transform_indices = #map2}, {transform_indices = #map3}]} {
    %mul3A = arith.constant 16 : i32
    %mul3A_0 = arith.muli %arg0, %mul3A : i32
    %add3A = arith.addi %mul3A_0, %arg1 : i32
    tpu.enqueue_dma source(%arg2 : memref<10000xf32, #tpu.memory_space<hbm>>) target(%arg7 : memref<10000xf32, #tpu.memory_space<vmem>>) target_semaphore(%arg14 : memref<!tpu.dma_semaphore, #tpu.memory_space<semaphore_mem>>)
    %dma_start3A = arith.constant 0 : i32
    %dma_start3A_1 = arith.constant 0 : i32
    %dma_start3A_2 = arith.constant 0 : i32
    %dma_start3A_3 = tpu.memref_slice %arg4[%add3A, %dma_start3A, %dma_start3A_1, %dma_start3A_2] : memref<32x25x5x80xi32, #tpu.memory_space<hbm>> -> memref<1x25x5x80xi32, #tpu.memory_space<hbm>>
    %dma_start3A_4 = tpu.memref_squeeze %dma_start3A_3 : memref<1x25x5x80xi32, #tpu.memory_space<hbm>> -> memref<25x5x80xi32, #tpu.memory_space<hbm>>
    %dma_start3A_5 = arith.constant 0 : i32
    %dma_start3A_6 = arith.constant 0 : i32
    %dma_start3A_7 = arith.constant 0 : i32
    %dma_start3A_8 = tpu.memref_slice %arg4[%add3A, %dma_start3A_5, %dma_start3A_6, %dma_start3A_7] : memref<32x25x5x80xi32, #tpu.memory_space<hbm>> -> memref<1x25x5x80xi32, #tpu.memory_space<hbm>>
    %dma_start3A_9 = tpu.memref_squeeze %dma_start3A_8 : memref<1x25x5x80xi32, #tpu.memory_space<hbm>> -> memref<25x5x80xi32, #tpu.memory_space<hbm>>
    tpu.enqueue_dma source(%dma_start3A_9 : memref<25x5x80xi32, #tpu.memory_space<hbm>>) target(%arg8 : memref<25x5x80xi32, #tpu.memory_space<vmem>>) target_semaphore(%arg14 : memref<!tpu.dma_semaphore, #tpu.memory_space<semaphore_mem>>)
    %dma_start3A_10 = arith.constant 0 : i32
    %dma_start3A_11 = arith.constant 0 : i32
    %dma_start3A_12 = arith.constant 0 : i32
    %dma_start3A_13 = tpu.memref_slice %arg5[%add3A, %dma_start3A_10, %dma_start3A_11, %dma_start3A_12] : memref<32x25x5x80xi32, #tpu.memory_space<hbm>> -> memref<1x25x5x80xi32, #tpu.memory_space<hbm>>
    %dma_start3A_14 = tpu.memref_squeeze %dma_start3A_13 : memref<1x25x5x80xi32, #tpu.memory_space<hbm>> -> memref<25x5x80xi32, #tpu.memory_space<hbm>>
    %dma_start3A_15 = arith.constant 0 : i32
    %dma_start3A_16 = arith.constant 0 : i32
    %dma_start3A_17 = arith.constant 0 : i32
    %dma_start3A_18 = tpu.memref_slice %arg5[%add3A, %dma_start3A_15, %dma_start3A_16, %dma_start3A_17] : memref<32x25x5x80xi32, #tpu.memory_space<hbm>> -> memref<1x25x5x80xi32, #tpu.memory_space<hbm>>
    %dma_start3A_19 = tpu.memref_squeeze %dma_start3A_18 : memref<1x25x5x80xi32, #tpu.memory_space<hbm>> -> memref<25x5x80xi32, #tpu.memory_space<hbm>>
    tpu.enqueue_dma source(%dma_start3A_19 : memref<25x5x80xi32, #tpu.memory_space<hbm>>) target(%arg9 : memref<25x5x80xi32, #tpu.memory_space<vmem>>) target_semaphore(%arg14 : memref<!tpu.dma_semaphore, #tpu.memory_space<semaphore_mem>>)
    %broadcast_in_dim3A = arith.constant 0.000000e+00 : f32
    %broadcast_in_dim3A_20 = vector.broadcast %broadcast_in_dim3A : f32 to vector<16xf32>
    %scan3A = arith.constant 0 : i32
    %scan3A_21 = arith.constant 0 : i32
    %scan3A_22 = arith.constant 80 : i32
    %scan3A_23 = arith.addi %scan3A_21, %scan3A_22 : i32
    %scan3A_24 = arith.constant 1 : i32
    scf.for %scan3A_920 = %scan3A_21 to %scan3A_23 step %scan3A_24  : i32 {
      %swap3A = arith.index_cast %scan3A_920 : i32 to index
      %swap3A_921 = arith.constant 0 : index
      %swap3A_922 = tpu.vector_load %arg10[%swap3A, %swap3A_921] {strides = array<i32>} : memref<400x48xf32, #tpu.memory_space<vmem>>, vector<16xf32>,
      tpu.vector_store %arg10[%swap3A, %swap3A_921], %broadcast_in_dim3A_20 {strides = array<i32>} : memref<400x48xf32, #tpu.memory_space<vmem>>, vector<16xf32>,
      %swap3A_923 = arith.index_cast %scan3A_920 : i32 to index
      %swap3A_924 = arith.constant 16 : index
      %swap3A_925 = tpu.vector_load %arg10[%swap3A_923, %swap3A_924] {strides = array<i32>} : memref<400x48xf32, #tpu.memory_space<vmem>>, vector<16xf32>,
      tpu.vector_store %arg10[%swap3A_923, %swap3A_924], %broadcast_in_dim3A_20 {strides = array<i32>} : memref<400x48xf32, #tpu.memory_space<vmem>>, vector<16xf32>,
      %swap3A_926 = arith.index_cast %scan3A_920 : i32 to index
      %swap3A_927 = arith.constant 32 : index
      %swap3A_928 = tpu.vector_load %arg10[%swap3A_926, %swap3A_927] {strides = array<i32>} : memref<400x48xf32, #tpu.memory_space<vmem>>, vector<16xf32>,
      tpu.vector_store %arg10[%swap3A_926, %swap3A_927], %broadcast_in_dim3A_20 {strides = array<i32>} : memref<400x48xf32, #tpu.memory_space<vmem>>, vector<16xf32>,
    }
    %scan3A_25 = arith.constant 80 : i32
    %mul3A_26 = arith.constant 640 : i32
    %mul3A_27 = arith.muli %arg1, %mul3A_26 : i32
    %add3A_28 = arith.constant 0 : i32
    %add3A_29 = arith.addi %mul3A_27, %add3A_28 : i32
    %dma_start3A_30 = arith.constant 0 : i32
    %dma_start3A_31 = arith.constant 0 : i32
    %dma_start3A_32 = tpu.memref_slice %arg10[%dma_start3A_30, %dma_start3A_31] : memref<400x48xf32, #tpu.memory_space<vmem>> -> memref<80x48xf32, #tpu.memory_space<vmem>>
    %dma_start3A_33 = arith.constant 0 : i32
    %dma_start3A_34 = tpu.memref_slice %arg13[%add3A_29, %dma_start3A_33] : memref<10240x48xf32, #tpu.memory_space<vmem_shared>> -> memref<80x48xf32, #tpu.memory_space<vmem_shared>>
    %dma_start3A_35 = arith.constant 0 : i32
    %dma_start3A_36 = tpu.memref_slice %arg13[%add3A_29, %dma_start3A_35] : memref<10240x48xf32, #tpu.memory_space<vmem_shared>> -> memref<80x48xf32, #tpu.memory_space<vmem_shared>>
    %dma_start3A_37 = arith.constant 0 : i32
    %dma_start3A_38 = arith.constant 0 : i32
    %dma_start3A_39 = tpu.memref_slice %arg10[%dma_start3A_37, %dma_start3A_38] : memref<400x48xf32, #tpu.memory_space<vmem>> -> memref<80x48xf32, #tpu.memory_space<vmem>>
    tpu.enqueue_dma source(%dma_start3A_39 : memref<80x48xf32, #tpu.memory_space<vmem>>) target(%dma_start3A_36 : memref<80x48xf32, #tpu.memory_space<vmem_shared>>) target_semaphore(%arg15 : memref<!tpu.dma_semaphore, #tpu.memory_space<semaphore_mem>>)
    %mul3A_40 = arith.constant 640 : i32
    %mul3A_41 = arith.muli %arg1, %mul3A_40 : i32
    %add3A_42 = arith.constant 80 : i32
    %add3A_43 = arith.addi %mul3A_41, %add3A_42 : i32
    %dma_start3A_44 = arith.constant 0 : i32
    %dma_start3A_45 = arith.constant 0 : i32
    %dma_start3A_46 = tpu.memref_slice %arg10[%dma_start3A_44, %dma_start3A_45] : memref<400x48xf32, #tpu.memory_space<vmem>> -> memref<80x48xf32, #tpu.memory_space<vmem>>
    %dma_start3A_47 = arith.constant 0 : i32
    %dma_start3A_48 = tpu.memref_slice %arg13[%add3A_43, %dma_start3A_47] : memref<10240x48xf32, #tpu.memory_space<vmem_shared>> -> memref<80x48xf32, #tpu.memory_space<vmem_shared>>
    %dma_start3A_49 = arith.constant 0 : i32
    %dma_start3A_50 = tpu.memref_slice %arg13[%add3A_43, %dma_start3A_49] : memref<10240x48xf32, #tpu.memory_space<vmem_shared>> -> memref<80x48xf32, #tpu.memory_space<vmem_shared>>
    %dma_start3A_51 = arith.constant 0 : i32
    %dma_start3A_52 = arith.constant 0 : i32
    %dma_start3A_53 = tpu.memref_slice %arg10[%dma_start3A_51, %dma_start3A_52] : memref<400x48xf32, #tpu.memory_space<vmem>> -> memref<80x48xf32, #tpu.memory_space<vmem>>
    tpu.enqueue_dma source(%dma_start3A_53 : memref<80x48xf32, #tpu.memory_space<vmem>>) target(%dma_start3A_50 : memref<80x48xf32, #tpu.memory_space<vmem_shared>>) target_semaphore(%arg15 : memref<!tpu.dma_semaphore, #tpu.memory_space<semaphore_mem>>)
    %mul3A_54 = arith.constant 640 : i32
    %mul3A_55 = arith.muli %arg1, %mul3A_54 : i32
    %add3A_56 = arith.constant 160 : i32
    %add3A_57 = arith.addi %mul3A_55, %add3A_56 : i32
    %dma_start3A_58 = arith.constant 0 : i32
    %dma_start3A_59 = arith.constant 0 : i32
    %dma_start3A_60 = tpu.memref_slice %arg10[%dma_start3A_58, %dma_start3A_59] : memref<400x48xf32, #tpu.memory_space<vmem>> -> memref<80x48xf32, #tpu.memory_space<vmem>>
    %dma_start3A_61 = arith.constant 0 : i32
    %dma_start3A_62 = tpu.memref_slice %arg13[%add3A_57, %dma_start3A_61] : memref<10240x48xf32, #tpu.memory_space<vmem_shared>> -> memref<80x48xf32, #tpu.memory_space<vmem_shared>>
    %dma_start3A_63 = arith.constant 0 : i32
    %dma_start3A_64 = tpu.memref_slice %arg13[%add3A_57, %dma_start3A_63] : memref<10240x48xf32, #tpu.memory_space<vmem_shared>> -> memref<80x48xf32, #tpu.memory_space<vmem_shared>>
    %dma_start3A_65 = arith.constant 0 : i32
    %dma_start3A_66 = arith.constant 0 : i32
    %dma_start3A_67 = tpu.memref_slice %arg10[%dma_start3A_65, %dma_start3A_66] : memref<400x48xf32, #tpu.memory_space<vmem>> -> memref<80x48xf32, #tpu.memory_space<vmem>>
    tpu.enqueue_dma source(%dma_start3A_67 : memref<80x48xf32, #tpu.memory_space<vmem>>) target(%dma_start3A_64 : memref<80x48xf32, #tpu.memory_space<vmem_shared>>) target_semaphore(%arg15 : memref<!tpu.dma_semaphore, #tpu.memory_space<semaphore_mem>>)
    %mul3A_68 = arith.constant 640 : i32
    %mul3A_69 = arith.muli %arg1, %mul3A_68 : i32
    %add3A_70 = arith.constant 240 : i32
    %add3A_71 = arith.addi %mul3A_69, %add3A_70 : i32
    %dma_start3A_72 = arith.constant 0 : i32
    %dma_start3A_73 = arith.constant 0 : i32
    %dma_start3A_74 = tpu.memref_slice %arg10[%dma_start3A_72, %dma_start3A_73] : memref<400x48xf32, #tpu.memory_space<vmem>> -> memref<80x48xf32, #tpu.memory_space<vmem>>
    %dma_start3A_75 = arith.constant 0 : i32
    %dma_start3A_76 = tpu.memref_slice %arg13[%add3A_71, %dma_start3A_75] : memref<10240x48xf32, #tpu.memory_space<vmem_shared>> -> memref<80x48xf32, #tpu.memory_space<vmem_shared>>
    %dma_start3A_77 = arith.constant 0 : i32
    %dma_start3A_78 = tpu.memref_slice %arg13[%add3A_71, %dma_start3A_77] : memref<10240x48xf32, #tpu.memory_space<vmem_shared>> -> memref<80x48xf32, #tpu.memory_space<vmem_shared>>
    %dma_start3A_79 = arith.constant 0 : i32
    %dma_start3A_80 = arith.constant 0 : i32
    %dma_start3A_81 = tpu.memref_slice %arg10[%dma_start3A_79, %dma_start3A_80] : memref<400x48xf32, #tpu.memory_space<vmem>> -> memref<80x48xf32, #tpu.memory_space<vmem>>
    tpu.enqueue_dma source(%dma_start3A_81 : memref<80x48xf32, #tpu.memory_space<vmem>>) target(%dma_start3A_78 : memref<80x48xf32, #tpu.memory_space<vmem_shared>>) target_semaphore(%arg15 : memref<!tpu.dma_semaphore, #tpu.memory_space<semaphore_mem>>)
    %mul3A_82 = arith.constant 640 : i32
    %mul3A_83 = arith.muli %arg1, %mul3A_82 : i32
    %add3A_84 = arith.constant 320 : i32
    %add3A_85 = arith.addi %mul3A_83, %add3A_84 : i32
    %dma_start3A_86 = arith.constant 0 : i32
    %dma_start3A_87 = arith.constant 0 : i32
    %dma_start3A_88 = tpu.memref_slice %arg10[%dma_start3A_86, %dma_start3A_87] : memref<400x48xf32, #tpu.memory_space<vmem>> -> memref<80x48xf32, #tpu.memory_space<vmem>>
    %dma_start3A_89 = arith.constant 0 : i32
    %dma_start3A_90 = tpu.memref_slice %arg13[%add3A_85, %dma_start3A_89] : memref<10240x48xf32, #tpu.memory_space<vmem_shared>> -> memref<80x48xf32, #tpu.memory_space<vmem_shared>>
    %dma_start3A_91 = arith.constant 0 : i32
    %dma_start3A_92 = tpu.memref_slice %arg13[%add3A_85, %dma_start3A_91] : memref<10240x48xf32, #tpu.memory_space<vmem_shared>> -> memref<80x48xf32, #tpu.memory_space<vmem_shared>>
    %dma_start3A_93 = arith.constant 0 : i32
    %dma_start3A_94 = arith.constant 0 : i32
    %dma_start3A_95 = tpu.memref_slice %arg10[%dma_start3A_93, %dma_start3A_94] : memref<400x48xf32, #tpu.memory_space<vmem>> -> memref<80x48xf32, #tpu.memory_space<vmem>>
    tpu.enqueue_dma source(%dma_start3A_95 : memref<80x48xf32, #tpu.memory_space<vmem>>) target(%dma_start3A_92 : memref<80x48xf32, #tpu.memory_space<vmem_shared>>) target_semaphore(%arg15 : memref<!tpu.dma_semaphore, #tpu.memory_space<semaphore_mem>>)
    %mul3A_96 = arith.constant 640 : i32
    %mul3A_97 = arith.muli %arg1, %mul3A_96 : i32
    %add3A_98 = arith.constant 400 : i32
    %add3A_99 = arith.addi %mul3A_97, %add3A_98 : i32
    %dma_start3A_100 = arith.constant 0 : i32
    %dma_start3A_101 = arith.constant 0 : i32
    %dma_start3A_102 = tpu.memref_slice %arg10[%dma_start3A_100, %dma_start3A_101] : memref<400x48xf32, #tpu.memory_space<vmem>> -> memref<80x48xf32, #tpu.memory_space<vmem>>
    %dma_start3A_103 = arith.constant 0 : i32
    %dma_start3A_104 = tpu.memref_slice %arg13[%add3A_99, %dma_start3A_103] : memref<10240x48xf32, #tpu.memory_space<vmem_shared>> -> memref<80x48xf32, #tpu.memory_space<vmem_shared>>
    %dma_start3A_105 = arith.constant 0 : i32
    %dma_start3A_106 = tpu.memref_slice %arg13[%add3A_99, %dma_start3A_105] : memref<10240x48xf32, #tpu.memory_space<vmem_shared>> -> memref<80x48xf32, #tpu.memory_space<vmem_shared>>
    %dma_start3A_107 = arith.constant 0 : i32
    %dma_start3A_108 = arith.constant 0 : i32
    %dma_start3A_109 = tpu.memref_slice %arg10[%dma_start3A_107, %dma_start3A_108] : memref<400x48xf32, #tpu.memory_space<vmem>> -> memref<80x48xf32, #tpu.memory_space<vmem>>
    tpu.enqueue_dma source(%dma_start3A_109 : memref<80x48xf32, #tpu.memory_space<vmem>>) target(%dma_start3A_106 : memref<80x48xf32, #tpu.memory_space<vmem_shared>>) target_semaphore(%arg15 : memref<!tpu.dma_semaphore, #tpu.memory_space<semaphore_mem>>)
    %mul3A_110 = arith.constant 640 : i32
    %mul3A_111 = arith.muli %arg1, %mul3A_110 : i32
    %add3A_112 = arith.constant 480 : i32
    %add3A_113 = arith.addi %mul3A_111, %add3A_112 : i32
    %dma_start3A_114 = arith.constant 0 : i32
    %dma_start3A_115 = arith.constant 0 : i32
    %dma_start3A_116 = tpu.memref_slice %arg10[%dma_start3A_114, %dma_start3A_115] : memref<400x48xf32, #tpu.memory_space<vmem>> -> memref<80x48xf32, #tpu.memory_space<vmem>>
    %dma_start3A_117 = arith.constant 0 : i32
    %dma_start3A_118 = tpu.memref_slice %arg13[%add3A_113, %dma_start3A_117] : memref<10240x48xf32, #tpu.memory_space<vmem_shared>> -> memref<80x48xf32, #tpu.memory_space<vmem_shared>>
    %dma_start3A_119 = arith.constant 0 : i32
    %dma_start3A_120 = tpu.memref_slice %arg13[%add3A_113, %dma_start3A_119] : memref<10240x48xf32, #tpu.memory_space<vmem_shared>> -> memref<80x48xf32, #tpu.memory_space<vmem_shared>>
    %dma_start3A_121 = arith.constant 0 : i32
    %dma_start3A_122 = arith.constant 0 : i32
    %dma_start3A_123 = tpu.memref_slice %arg10[%dma_start3A_121, %dma_start3A_122] : memref<400x48xf32, #tpu.memory_space<vmem>> -> memref<80x48xf32, #tpu.memory_space<vmem>>
    tpu.enqueue_dma source(%dma_start3A_123 : memref<80x48xf32, #tpu.memory_space<vmem>>) target(%dma_start3A_120 : memref<80x48xf32, #tpu.memory_space<vmem_shared>>) target_semaphore(%arg15 : memref<!tpu.dma_semaphore, #tpu.memory_space<semaphore_mem>>)
    %mul3A_124 = arith.constant 640 : i32
    %mul3A_125 = arith.muli %arg1, %mul3A_124 : i32
    %add3A_126 = arith.constant 560 : i32
    %add3A_127 = arith.addi %mul3A_125, %add3A_126 : i32
    %dma_start3A_128 = arith.constant 0 : i32
    %dma_start3A_129 = arith.constant 0 : i32
    %dma_start3A_130 = tpu.memref_slice %arg10[%dma_start3A_128, %dma_start3A_129] : memref<400x48xf32, #tpu.memory_space<vmem>> -> memref<80x48xf32, #tpu.memory_space<vmem>>
    %dma_start3A_131 = arith.constant 0 : i32
    %dma_start3A_132 = tpu.memref_slice %arg13[%add3A_127, %dma_start3A_131] : memref<10240x48xf32, #tpu.memory_space<vmem_shared>> -> memref<80x48xf32, #tpu.memory_space<vmem_shared>>
    %dma_start3A_133 = arith.constant 0 : i32
    %dma_start3A_134 = tpu.memref_slice %arg13[%add3A_127, %dma_start3A_133] : memref<10240x48xf32, #tpu.memory_space<vmem_shared>> -> memref<80x48xf32, #tpu.memory_space<vmem_shared>>
    %dma_start3A_135 = arith.constant 0 : i32
    %dma_start3A_136 = arith.constant 0 : i32
    %dma_start3A_137 = tpu.memref_slice %arg10[%dma_start3A_135, %dma_start3A_136] : memref<400x48xf32, #tpu.memory_space<vmem>> -> memref<80x48xf32, #tpu.memory_space<vmem>>
    tpu.enqueue_dma source(%dma_start3A_137 : memref<80x48xf32, #tpu.memory_space<vmem>>) target(%dma_start3A_134 : memref<80x48xf32, #tpu.memory_space<vmem_shared>>) target_semaphore(%arg15 : memref<!tpu.dma_semaphore, #tpu.memory_space<semaphore_mem>>)
    tpu.wait_dma2 semaphore(%arg14 : memref<!tpu.dma_semaphore, #tpu.memory_space<semaphore_mem>>) src(%arg2 : memref<10000xf32, #tpu.memory_space<hbm>>) dst(%arg7 : memref<10000xf32, #tpu.memory_space<vmem>>)
    %dma_wait3A = arith.constant 0 : i32
    %dma_wait3A_138 = arith.constant 0 : i32
    %dma_wait3A_139 = arith.constant 0 : i32
    %dma_wait3A_140 = tpu.memref_slice %arg4[%add3A, %dma_wait3A, %dma_wait3A_138, %dma_wait3A_139] : memref<32x25x5x80xi32, #tpu.memory_space<hbm>> -> memref<1x25x5x80xi32, #tpu.memory_space<hbm>>
    %dma_wait3A_141 = tpu.memref_squeeze %dma_wait3A_140 : memref<1x25x5x80xi32, #tpu.memory_space<hbm>> -> memref<25x5x80xi32, #tpu.memory_space<hbm>>
    %dma_wait3A_142 = arith.constant 0 : i32
    %dma_wait3A_143 = arith.constant 0 : i32
    %dma_wait3A_144 = arith.constant 0 : i32
    %dma_wait3A_145 = tpu.memref_slice %arg4[%add3A, %dma_wait3A_142, %dma_wait3A_143, %dma_wait3A_144] : memref<32x25x5x80xi32, #tpu.memory_space<hbm>> -> memref<1x25x5x80xi32, #tpu.memory_space<hbm>>
    %dma_wait3A_146 = tpu.memref_squeeze %dma_wait3A_145 : memref<1x25x5x80xi32, #tpu.memory_space<hbm>> -> memref<25x5x80xi32, #tpu.memory_space<hbm>>
    tpu.wait_dma2 semaphore(%arg14 : memref<!tpu.dma_semaphore, #tpu.memory_space<semaphore_mem>>) src(%dma_wait3A_146 : memref<25x5x80xi32, #tpu.memory_space<hbm>>) dst(%arg8 : memref<25x5x80xi32, #tpu.memory_space<vmem>>)
    %dma_wait3A_147 = arith.constant 0 : i32
    %dma_wait3A_148 = arith.constant 0 : i32
    %dma_wait3A_149 = arith.constant 0 : i32
    %dma_wait3A_150 = tpu.memref_slice %arg5[%add3A, %dma_wait3A_147, %dma_wait3A_148, %dma_wait3A_149] : memref<32x25x5x80xi32, #tpu.memory_space<hbm>> -> memref<1x25x5x80xi32, #tpu.memory_space<hbm>>
    %dma_wait3A_151 = tpu.memref_squeeze %dma_wait3A_150 : memref<1x25x5x80xi32, #tpu.memory_space<hbm>> -> memref<25x5x80xi32, #tpu.memory_space<hbm>>
    %dma_wait3A_152 = arith.constant 0 : i32
    %dma_wait3A_153 = arith.constant 0 : i32
    %dma_wait3A_154 = arith.constant 0 : i32
    %dma_wait3A_155 = tpu.memref_slice %arg5[%add3A, %dma_wait3A_152, %dma_wait3A_153, %dma_wait3A_154] : memref<32x25x5x80xi32, #tpu.memory_space<hbm>> -> memref<1x25x5x80xi32, #tpu.memory_space<hbm>>
    %dma_wait3A_156 = tpu.memref_squeeze %dma_wait3A_155 : memref<1x25x5x80xi32, #tpu.memory_space<hbm>> -> memref<25x5x80xi32, #tpu.memory_space<hbm>>
    tpu.wait_dma2 semaphore(%arg14 : memref<!tpu.dma_semaphore, #tpu.memory_space<semaphore_mem>>) src(%dma_wait3A_156 : memref<25x5x80xi32, #tpu.memory_space<hbm>>) dst(%arg9 : memref<25x5x80xi32, #tpu.memory_space<vmem>>)
    %dma_wait3A_157 = arith.constant 0 : i32
    %dma_wait3A_158 = arith.constant 0 : i32
    %dma_wait3A_159 = tpu.memref_slice %arg10[%dma_wait3A_157, %dma_wait3A_158] : memref<400x48xf32, #tpu.memory_space<vmem>> -> memref<80x48xf32, #tpu.memory_space<vmem>>
    %dma_wait3A_160 = arith.constant 0 : i32
    %dma_wait3A_161 = tpu.memref_slice %arg13[%add3A_29, %dma_wait3A_160] : memref<10240x48xf32, #tpu.memory_space<vmem_shared>> -> memref<80x48xf32, #tpu.memory_space<vmem_shared>>
    %dma_wait3A_162 = arith.constant 0 : i32
    %dma_wait3A_163 = tpu.memref_slice %arg13[%add3A_29, %dma_wait3A_162] : memref<10240x48xf32, #tpu.memory_space<vmem_shared>> -> memref<80x48xf32, #tpu.memory_space<vmem_shared>>
    %dma_wait3A_164 = arith.constant 0 : i32
    %dma_wait3A_165 = arith.constant 0 : i32
    %dma_wait3A_166 = tpu.memref_slice %arg10[%dma_wait3A_164, %dma_wait3A_165] : memref<400x48xf32, #tpu.memory_space<vmem>> -> memref<80x48xf32, #tpu.memory_space<vmem>>
    tpu.wait_dma2 semaphore(%arg15 : memref<!tpu.dma_semaphore, #tpu.memory_space<semaphore_mem>>) src(%dma_wait3A_166 : memref<80x48xf32, #tpu.memory_space<vmem>>) dst(%dma_wait3A_163 : memref<80x48xf32, #tpu.memory_space<vmem_shared>>)
    %dma_wait3A_167 = arith.constant 0 : i32
    %dma_wait3A_168 = arith.constant 0 : i32
    %dma_wait3A_169 = tpu.memref_slice %arg10[%dma_wait3A_167, %dma_wait3A_168] : memref<400x48xf32, #tpu.memory_space<vmem>> -> memref<80x48xf32, #tpu.memory_space<vmem>>
    %dma_wait3A_170 = arith.constant 0 : i32
    %dma_wait3A_171 = tpu.memref_slice %arg13[%add3A_43, %dma_wait3A_170] : memref<10240x48xf32, #tpu.memory_space<vmem_shared>> -> memref<80x48xf32, #tpu.memory_space<vmem_shared>>
    %dma_wait3A_172 = arith.constant 0 : i32
    %dma_wait3A_173 = tpu.memref_slice %arg13[%add3A_43, %dma_wait3A_172] : memref<10240x48xf32, #tpu.memory_space<vmem_shared>> -> memref<80x48xf32, #tpu.memory_space<vmem_shared>>
    %dma_wait3A_174 = arith.constant 0 : i32
    %dma_wait3A_175 = arith.constant 0 : i32
    %dma_wait3A_176 = tpu.memref_slice %arg10[%dma_wait3A_174, %dma_wait3A_175] : memref<400x48xf32, #tpu.memory_space<vmem>> -> memref<80x48xf32, #tpu.memory_space<vmem>>
    tpu.wait_dma2 semaphore(%arg15 : memref<!tpu.dma_semaphore, #tpu.memory_space<semaphore_mem>>) src(%dma_wait3A_176 : memref<80x48xf32, #tpu.memory_space<vmem>>) dst(%dma_wait3A_173 : memref<80x48xf32, #tpu.memory_space<vmem_shared>>)
    %dma_wait3A_177 = arith.constant 0 : i32
    %dma_wait3A_178 = arith.constant 0 : i32
    %dma_wait3A_179 = tpu.memref_slice %arg10[%dma_wait3A_177, %dma_wait3A_178] : memref<400x48xf32, #tpu.memory_space<vmem>> -> memref<80x48xf32, #tpu.memory_space<vmem>>
    %dma_wait3A_180 = arith.constant 0 : i32
    %dma_wait3A_181 = tpu.memref_slice %arg13[%add3A_57, %dma_wait3A_180] : memref<10240x48xf32, #tpu.memory_space<vmem_shared>> -> memref<80x48xf32, #tpu.memory_space<vmem_shared>>
    %dma_wait3A_182 = arith.constant 0 : i32
    %dma_wait3A_183 = tpu.memref_slice %arg13[%add3A_57, %dma_wait3A_182] : memref<10240x48xf32, #tpu.memory_space<vmem_shared>> -> memref<80x48xf32, #tpu.memory_space<vmem_shared>>
    %dma_wait3A_184 = arith.constant 0 : i32
    %dma_wait3A_185 = arith.constant 0 : i32
    %dma_wait3A_186 = tpu.memref_slice %arg10[%dma_wait3A_184, %dma_wait3A_185] : memref<400x48xf32, #tpu.memory_space<vmem>> -> memref<80x48xf32, #tpu.memory_space<vmem>>
    tpu.wait_dma2 semaphore(%arg15 : memref<!tpu.dma_semaphore, #tpu.memory_space<semaphore_mem>>) src(%dma_wait3A_186 : memref<80x48xf32, #tpu.memory_space<vmem>>) dst(%dma_wait3A_183 : memref<80x48xf32, #tpu.memory_space<vmem_shared>>)
    %dma_wait3A_187 = arith.constant 0 : i32
    %dma_wait3A_188 = arith.constant 0 : i32
    %dma_wait3A_189 = tpu.memref_slice %arg10[%dma_wait3A_187, %dma_wait3A_188] : memref<400x48xf32, #tpu.memory_space<vmem>> -> memref<80x48xf32, #tpu.memory_space<vmem>>
    %dma_wait3A_190 = arith.constant 0 : i32
    %dma_wait3A_191 = tpu.memref_slice %arg13[%add3A_71, %dma_wait3A_190] : memref<10240x48xf32, #tpu.memory_space<vmem_shared>> -> memref<80x48xf32, #tpu.memory_space<vmem_shared>>
    %dma_wait3A_192 = arith.constant 0 : i32
    %dma_wait3A_193 = tpu.memref_slice %arg13[%add3A_71, %dma_wait3A_192] : memref<10240x48xf32, #tpu.memory_space<vmem_shared>> -> memref<80x48xf32, #tpu.memory_space<vmem_shared>>
    %dma_wait3A_194 = arith.constant 0 : i32
    %dma_wait3A_195 = arith.constant 0 : i32
    %dma_wait3A_196 = tpu.memref_slice %arg10[%dma_wait3A_194, %dma_wait3A_195] : memref<400x48xf32, #tpu.memory_space<vmem>> -> memref<80x48xf32, #tpu.memory_space<vmem>>
    tpu.wait_dma2 semaphore(%arg15 : memref<!tpu.dma_semaphore, #tpu.memory_space<semaphore_mem>>) src(%dma_wait3A_196 : memref<80x48xf32, #tpu.memory_space<vmem>>) dst(%dma_wait3A_193 : memref<80x48xf32, #tpu.memory_space<vmem_shared>>)
    %dma_wait3A_197 = arith.constant 0 : i32
    %dma_wait3A_198 = arith.constant 0 : i32
    %dma_wait3A_199 = tpu.memref_slice %arg10[%dma_wait3A_197, %dma_wait3A_198] : memref<400x48xf32, #tpu.memory_space<vmem>> -> memref<80x48xf32, #tpu.memory_space<vmem>>
    %dma_wait3A_200 = arith.constant 0 : i32
    %dma_wait3A_201 = tpu.memref_slice %arg13[%add3A_85, %dma_wait3A_200] : memref<10240x48xf32, #tpu.memory_space<vmem_shared>> -> memref<80x48xf32, #tpu.memory_space<vmem_shared>>
    %dma_wait3A_202 = arith.constant 0 : i32
    %dma_wait3A_203 = tpu.memref_slice %arg13[%add3A_85, %dma_wait3A_202] : memref<10240x48xf32, #tpu.memory_space<vmem_shared>> -> memref<80x48xf32, #tpu.memory_space<vmem_shared>>
    %dma_wait3A_204 = arith.constant 0 : i32
    %dma_wait3A_205 = arith.constant 0 : i32
    %dma_wait3A_206 = tpu.memref_slice %arg10[%dma_wait3A_204, %dma_wait3A_205] : memref<400x48xf32, #tpu.memory_space<vmem>> -> memref<80x48xf32, #tpu.memory_space<vmem>>
    tpu.wait_dma2 semaphore(%arg15 : memref<!tpu.dma_semaphore, #tpu.memory_space<semaphore_mem>>) src(%dma_wait3A_206 : memref<80x48xf32, #tpu.memory_space<vmem>>) dst(%dma_wait3A_203 : memref<80x48xf32, #tpu.memory_space<vmem_shared>>)
    %dma_wait3A_207 = arith.constant 0 : i32
    %dma_wait3A_208 = arith.constant 0 : i32
    %dma_wait3A_209 = tpu.memref_slice %arg10[%dma_wait3A_207, %dma_wait3A_208] : memref<400x48xf32, #tpu.memory_space<vmem>> -> memref<80x48xf32, #tpu.memory_space<vmem>>
    %dma_wait3A_210 = arith.constant 0 : i32
    %dma_wait3A_211 = tpu.memref_slice %arg13[%add3A_99, %dma_wait3A_210] : memref<10240x48xf32, #tpu.memory_space<vmem_shared>> -> memref<80x48xf32, #tpu.memory_space<vmem_shared>>
    %dma_wait3A_212 = arith.constant 0 : i32
    %dma_wait3A_213 = tpu.memref_slice %arg13[%add3A_99, %dma_wait3A_212] : memref<10240x48xf32, #tpu.memory_space<vmem_shared>> -> memref<80x48xf32, #tpu.memory_space<vmem_shared>>
    %dma_wait3A_214 = arith.constant 0 : i32
    %dma_wait3A_215 = arith.constant 0 : i32
    %dma_wait3A_216 = tpu.memref_slice %arg10[%dma_wait3A_214, %dma_wait3A_215] : memref<400x48xf32, #tpu.memory_space<vmem>> -> memref<80x48xf32, #tpu.memory_space<vmem>>
    tpu.wait_dma2 semaphore(%arg15 : memref<!tpu.dma_semaphore, #tpu.memory_space<semaphore_mem>>) src(%dma_wait3A_216 : memref<80x48xf32, #tpu.memory_space<vmem>>) dst(%dma_wait3A_213 : memref<80x48xf32, #tpu.memory_space<vmem_shared>>)
    %dma_wait3A_217 = arith.constant 0 : i32
    %dma_wait3A_218 = arith.constant 0 : i32
    %dma_wait3A_219 = tpu.memref_slice %arg10[%dma_wait3A_217, %dma_wait3A_218] : memref<400x48xf32, #tpu.memory_space<vmem>> -> memref<80x48xf32, #tpu.memory_space<vmem>>
    %dma_wait3A_220 = arith.constant 0 : i32
    %dma_wait3A_221 = tpu.memref_slice %arg13[%add3A_113, %dma_wait3A_220] : memref<10240x48xf32, #tpu.memory_space<vmem_shared>> -> memref<80x48xf32, #tpu.memory_space<vmem_shared>>
    %dma_wait3A_222 = arith.constant 0 : i32
    %dma_wait3A_223 = tpu.memref_slice %arg13[%add3A_113, %dma_wait3A_222] : memref<10240x48xf32, #tpu.memory_space<vmem_shared>> -> memref<80x48xf32, #tpu.memory_space<vmem_shared>>
    %dma_wait3A_224 = arith.constant 0 : i32
    %dma_wait3A_225 = arith.constant 0 : i32
    %dma_wait3A_226 = tpu.memref_slice %arg10[%dma_wait3A_224, %dma_wait3A_225] : memref<400x48xf32, #tpu.memory_space<vmem>> -> memref<80x48xf32, #tpu.memory_space<vmem>>
    tpu.wait_dma2 semaphore(%arg15 : memref<!tpu.dma_semaphore, #tpu.memory_space<semaphore_mem>>) src(%dma_wait3A_226 : memref<80x48xf32, #tpu.memory_space<vmem>>) dst(%dma_wait3A_223 : memref<80x48xf32, #tpu.memory_space<vmem_shared>>)
    %dma_wait3A_227 = arith.constant 0 : i32
    %dma_wait3A_228 = arith.constant 0 : i32
    %dma_wait3A_229 = tpu.memref_slice %arg10[%dma_wait3A_227, %dma_wait3A_228] : memref<400x48xf32, #tpu.memory_space<vmem>> -> memref<80x48xf32, #tpu.memory_space<vmem>>
    %dma_wait3A_230 = arith.constant 0 : i32
    %dma_wait3A_231 = tpu.memref_slice %arg13[%add3A_127, %dma_wait3A_230] : memref<10240x48xf32, #tpu.memory_space<vmem_shared>> -> memref<80x48xf32, #tpu.memory_space<vmem_shared>>
    %dma_wait3A_232 = arith.constant 0 : i32
    %dma_wait3A_233 = tpu.memref_slice %arg13[%add3A_127, %dma_wait3A_232] : memref<10240x48xf32, #tpu.memory_space<vmem_shared>> -> memref<80x48xf32, #tpu.memory_space<vmem_shared>>
    %dma_wait3A_234 = arith.constant 0 : i32
    %dma_wait3A_235 = arith.constant 0 : i32
    %dma_wait3A_236 = tpu.memref_slice %arg10[%dma_wait3A_234, %dma_wait3A_235] : memref<400x48xf32, #tpu.memory_space<vmem>> -> memref<80x48xf32, #tpu.memory_space<vmem>>
    tpu.wait_dma2 semaphore(%arg15 : memref<!tpu.dma_semaphore, #tpu.memory_space<semaphore_mem>>) src(%dma_wait3A_236 : memref<80x48xf32, #tpu.memory_space<vmem>>) dst(%dma_wait3A_233 : memref<80x48xf32, #tpu.memory_space<vmem_shared>>)
    %barrier3A = arith.constant 0 : index
    tpu.barrier barrier_id(%barrier3A)
    %iota3A = tpu.iota {dimensions = array<i32: 0>} : vector<16xi32>
    %broadcast_in_dim3A_237 = arith.constant 32 : i32
    %broadcast_in_dim3A_238 = vector.broadcast %broadcast_in_dim3A_237 : i32 to vector<16xi32>
    %broadcast_in_dim3A_239 = arith.constant 33 : i32
    %broadcast_in_dim3A_240 = vector.broadcast %broadcast_in_dim3A_239 : i32 to vector<16xi32>
    %dma_start3A_241 = arith.constant 0 : i32
    %dma_start3A_242 = arith.constant 0 : i32
    %dma_start3A_243 = arith.constant 0 : i32
    %dma_start3A_244 = arith.constant 0 : i32
    %dma_start3A_245 = tpu.memref_slice %arg10[%dma_start3A_243, %dma_start3A_244] : memref<400x48xf32, #tpu.memory_space<vmem>> -> memref<80x48xf32, #tpu.memory_space<vmem>>
    %dma_start3A_246 = arith.constant 0 : i32
    %dma_start3A_247 = tpu.memref_slice %arg9[%dma_start3A_241, %dma_start3A_242, %dma_start3A_246] : memref<25x5x80xi32, #tpu.memory_space<vmem>> -> memref<1x1x80xi32, #tpu.memory_space<vmem>>
    %dma_start3A_248 = tpu.memref_squeeze %dma_start3A_247 : memref<1x1x80xi32, #tpu.memory_space<vmem>> -> memref<80xi32, #tpu.memory_space<vmem>>
    %dma_start3A_249 = arith.constant 0 : i32
    %dma_start3A_250 = arith.constant 0 : i32
    %dma_start3A_251 = tpu.memref_slice %arg3[%dma_start3A_249, %dma_start3A_250] : memref<10000x48xf32, #tpu.memory_space<hbm>> -> memref<10000x48xf32, #tpu.memory_space<hbm>>
    tpu.enqueue_indirect_dma source(%dma_start3A_251 : memref<10000x48xf32, #tpu.memory_space<hbm>>) target(%dma_start3A_245 : memref<80x48xf32, #tpu.memory_space<vmem>>) offsets(%dma_start3A_248 : memref<80xi32, #tpu.memory_space<vmem>>) semaphore(%arg14 : memref<!tpu.dma_semaphore, #tpu.memory_space<semaphore_mem>>)
    %dma_start3A_252 = arith.constant 0 : i32
    %dma_start3A_253 = arith.constant 1 : i32
    %dma_start3A_254 = arith.constant 80 : i32
    %dma_start3A_255 = arith.constant 0 : i32
    %dma_start3A_256 = tpu.memref_slice %arg10[%dma_start3A_254, %dma_start3A_255] : memref<400x48xf32, #tpu.memory_space<vmem>> -> memref<80x48xf32, #tpu.memory_space<vmem>>
    %dma_start3A_257 = arith.constant 0 : i32
    %dma_start3A_258 = tpu.memref_slice %arg9[%dma_start3A_252, %dma_start3A_253, %dma_start3A_257] : memref<25x5x80xi32, #tpu.memory_space<vmem>> -> memref<1x1x80xi32, #tpu.memory_space<vmem>>
    %dma_start3A_259 = tpu.memref_squeeze %dma_start3A_258 : memref<1x1x80xi32, #tpu.memory_space<vmem>> -> memref<80xi32, #tpu.memory_space<vmem>>
    %dma_start3A_260 = arith.constant 0 : i32
    %dma_start3A_261 = arith.constant 0 : i32
    %dma_start3A_262 = tpu.memref_slice %arg3[%dma_start3A_260, %dma_start3A_261] : memref<10000x48xf32, #tpu.memory_space<hbm>> -> memref<10000x48xf32, #tpu.memory_space<hbm>>
    tpu.enqueue_indirect_dma source(%dma_start3A_262 : memref<10000x48xf32, #tpu.memory_space<hbm>>) target(%dma_start3A_256 : memref<80x48xf32, #tpu.memory_space<vmem>>) offsets(%dma_start3A_259 : memref<80xi32, #tpu.memory_space<vmem>>) semaphore(%arg14 : memref<!tpu.dma_semaphore, #tpu.memory_space<semaphore_mem>>)
    %dma_start3A_263 = arith.constant 0 : i32
    %dma_start3A_264 = arith.constant 2 : i32
    %dma_start3A_265 = arith.constant 160 : i32
    %dma_start3A_266 = arith.constant 0 : i32
    %dma_start3A_267 = tpu.memref_slice %arg10[%dma_start3A_265, %dma_start3A_266] : memref<400x48xf32, #tpu.memory_space<vmem>> -> memref<80x48xf32, #tpu.memory_space<vmem>>
    %dma_start3A_268 = arith.constant 0 : i32
    %dma_start3A_269 = tpu.memref_slice %arg9[%dma_start3A_263, %dma_start3A_264, %dma_start3A_268] : memref<25x5x80xi32, #tpu.memory_space<vmem>> -> memref<1x1x80xi32, #tpu.memory_space<vmem>>
    %dma_start3A_270 = tpu.memref_squeeze %dma_start3A_269 : memref<1x1x80xi32, #tpu.memory_space<vmem>> -> memref<80xi32, #tpu.memory_space<vmem>>
    %dma_start3A_271 = arith.constant 0 : i32
    %dma_start3A_272 = arith.constant 0 : i32
    %dma_start3A_273 = tpu.memref_slice %arg3[%dma_start3A_271, %dma_start3A_272] : memref<10000x48xf32, #tpu.memory_space<hbm>> -> memref<10000x48xf32, #tpu.memory_space<hbm>>
    tpu.enqueue_indirect_dma source(%dma_start3A_273 : memref<10000x48xf32, #tpu.memory_space<hbm>>) target(%dma_start3A_267 : memref<80x48xf32, #tpu.memory_space<vmem>>) offsets(%dma_start3A_270 : memref<80xi32, #tpu.memory_space<vmem>>) semaphore(%arg14 : memref<!tpu.dma_semaphore, #tpu.memory_space<semaphore_mem>>)
    %dma_start3A_274 = arith.constant 0 : i32
    %dma_start3A_275 = arith.constant 3 : i32
    %dma_start3A_276 = arith.constant 240 : i32
    %dma_start3A_277 = arith.constant 0 : i32
    %dma_start3A_278 = tpu.memref_slice %arg10[%dma_start3A_276, %dma_start3A_277] : memref<400x48xf32, #tpu.memory_space<vmem>> -> memref<80x48xf32, #tpu.memory_space<vmem>>
    %dma_start3A_279 = arith.constant 0 : i32
    %dma_start3A_280 = tpu.memref_slice %arg9[%dma_start3A_274, %dma_start3A_275, %dma_start3A_279] : memref<25x5x80xi32, #tpu.memory_space<vmem>> -> memref<1x1x80xi32, #tpu.memory_space<vmem>>
    %dma_start3A_281 = tpu.memref_squeeze %dma_start3A_280 : memref<1x1x80xi32, #tpu.memory_space<vmem>> -> memref<80xi32, #tpu.memory_space<vmem>>
    %dma_start3A_282 = arith.constant 0 : i32
    %dma_start3A_283 = arith.constant 0 : i32
    %dma_start3A_284 = tpu.memref_slice %arg3[%dma_start3A_282, %dma_start3A_283] : memref<10000x48xf32, #tpu.memory_space<hbm>> -> memref<10000x48xf32, #tpu.memory_space<hbm>>
    tpu.enqueue_indirect_dma source(%dma_start3A_284 : memref<10000x48xf32, #tpu.memory_space<hbm>>) target(%dma_start3A_278 : memref<80x48xf32, #tpu.memory_space<vmem>>) offsets(%dma_start3A_281 : memref<80xi32, #tpu.memory_space<vmem>>) semaphore(%arg14 : memref<!tpu.dma_semaphore, #tpu.memory_space<semaphore_mem>>)
    %dma_start3A_285 = arith.constant 0 : i32
    %dma_start3A_286 = arith.constant 4 : i32
    %dma_start3A_287 = arith.constant 320 : i32
    %dma_start3A_288 = arith.constant 0 : i32
    %dma_start3A_289 = tpu.memref_slice %arg10[%dma_start3A_287, %dma_start3A_288] : memref<400x48xf32, #tpu.memory_space<vmem>> -> memref<80x48xf32, #tpu.memory_space<vmem>>
    %dma_start3A_290 = arith.constant 0 : i32
    %dma_start3A_291 = tpu.memref_slice %arg9[%dma_start3A_285, %dma_start3A_286, %dma_start3A_290] : memref<25x5x80xi32, #tpu.memory_space<vmem>> -> memref<1x1x80xi32, #tpu.memory_space<vmem>>
    %dma_start3A_292 = tpu.memref_squeeze %dma_start3A_291 : memref<1x1x80xi32, #tpu.memory_space<vmem>> -> memref<80xi32, #tpu.memory_space<vmem>>
    %dma_start3A_293 = arith.constant 0 : i32
    %dma_start3A_294 = arith.constant 0 : i32
    %dma_start3A_295 = tpu.memref_slice %arg3[%dma_start3A_293, %dma_start3A_294] : memref<10000x48xf32, #tpu.memory_space<hbm>> -> memref<10000x48xf32, #tpu.memory_space<hbm>>
    tpu.enqueue_indirect_dma source(%dma_start3A_295 : memref<10000x48xf32, #tpu.memory_space<hbm>>) target(%dma_start3A_289 : memref<80x48xf32, #tpu.memory_space<vmem>>) offsets(%dma_start3A_292 : memref<80xi32, #tpu.memory_space<vmem>>) semaphore(%arg14 : memref<!tpu.dma_semaphore, #tpu.memory_space<semaphore_mem>>)
    %dma_start3A_296 = arith.constant 1 : i32
    %dma_start3A_297 = arith.constant 0 : i32
    %dma_start3A_298 = arith.constant 0 : i32
    %dma_start3A_299 = arith.constant 0 : i32
    %dma_start3A_300 = tpu.memref_slice %arg11[%dma_start3A_298, %dma_start3A_299] : memref<400x48xf32, #tpu.memory_space<vmem>> -> memref<80x48xf32, #tpu.memory_space<vmem>>
    %dma_start3A_301 = arith.constant 0 : i32
    %dma_start3A_302 = tpu.memref_slice %arg9[%dma_start3A_296, %dma_start3A_297, %dma_start3A_301] : memref<25x5x80xi32, #tpu.memory_space<vmem>> -> memref<1x1x80xi32, #tpu.memory_space<vmem>>
    %dma_start3A_303 = tpu.memref_squeeze %dma_start3A_302 : memref<1x1x80xi32, #tpu.memory_space<vmem>> -> memref<80xi32, #tpu.memory_space<vmem>>
    %dma_start3A_304 = arith.constant 0 : i32
    %dma_start3A_305 = arith.constant 0 : i32
    %dma_start3A_306 = tpu.memref_slice %arg3[%dma_start3A_304, %dma_start3A_305] : memref<10000x48xf32, #tpu.memory_space<hbm>> -> memref<10000x48xf32, #tpu.memory_space<hbm>>
    tpu.enqueue_indirect_dma source(%dma_start3A_306 : memref<10000x48xf32, #tpu.memory_space<hbm>>) target(%dma_start3A_300 : memref<80x48xf32, #tpu.memory_space<vmem>>) offsets(%dma_start3A_303 : memref<80xi32, #tpu.memory_space<vmem>>) semaphore(%arg15 : memref<!tpu.dma_semaphore, #tpu.memory_space<semaphore_mem>>)
    %dma_start3A_307 = arith.constant 1 : i32
    %dma_start3A_308 = arith.constant 1 : i32
    %dma_start3A_309 = arith.constant 80 : i32
    %dma_start3A_310 = arith.constant 0 : i32
    %dma_start3A_311 = tpu.memref_slice %arg11[%dma_start3A_309, %dma_start3A_310] : memref<400x48xf32, #tpu.memory_space<vmem>> -> memref<80x48xf32, #tpu.memory_space<vmem>>
    %dma_start3A_312 = arith.constant 0 : i32
    %dma_start3A_313 = tpu.memref_slice %arg9[%dma_start3A_307, %dma_start3A_308, %dma_start3A_312] : memref<25x5x80xi32, #tpu.memory_space<vmem>> -> memref<1x1x80xi32, #tpu.memory_space<vmem>>
    %dma_start3A_314 = tpu.memref_squeeze %dma_start3A_313 : memref<1x1x80xi32, #tpu.memory_space<vmem>> -> memref<80xi32, #tpu.memory_space<vmem>>
    %dma_start3A_315 = arith.constant 0 : i32
    %dma_start3A_316 = arith.constant 0 : i32
    %dma_start3A_317 = tpu.memref_slice %arg3[%dma_start3A_315, %dma_start3A_316] : memref<10000x48xf32, #tpu.memory_space<hbm>> -> memref<10000x48xf32, #tpu.memory_space<hbm>>
    tpu.enqueue_indirect_dma source(%dma_start3A_317 : memref<10000x48xf32, #tpu.memory_space<hbm>>) target(%dma_start3A_311 : memref<80x48xf32, #tpu.memory_space<vmem>>) offsets(%dma_start3A_314 : memref<80xi32, #tpu.memory_space<vmem>>) semaphore(%arg15 : memref<!tpu.dma_semaphore, #tpu.memory_space<semaphore_mem>>)
    %dma_start3A_318 = arith.constant 1 : i32
    %dma_start3A_319 = arith.constant 2 : i32
    %dma_start3A_320 = arith.constant 160 : i32
    %dma_start3A_321 = arith.constant 0 : i32
    %dma_start3A_322 = tpu.memref_slice %arg11[%dma_start3A_320, %dma_start3A_321] : memref<400x48xf32, #tpu.memory_space<vmem>> -> memref<80x48xf32, #tpu.memory_space<vmem>>
    %dma_start3A_323 = arith.constant 0 : i32
    %dma_start3A_324 = tpu.memref_slice %arg9[%dma_start3A_318, %dma_start3A_319, %dma_start3A_323] : memref<25x5x80xi32, #tpu.memory_space<vmem>> -> memref<1x1x80xi32, #tpu.memory_space<vmem>>
    %dma_start3A_325 = tpu.memref_squeeze %dma_start3A_324 : memref<1x1x80xi32, #tpu.memory_space<vmem>> -> memref<80xi32, #tpu.memory_space<vmem>>
    %dma_start3A_326 = arith.constant 0 : i32
    %dma_start3A_327 = arith.constant 0 : i32
    %dma_start3A_328 = tpu.memref_slice %arg3[%dma_start3A_326, %dma_start3A_327] : memref<10000x48xf32, #tpu.memory_space<hbm>> -> memref<10000x48xf32, #tpu.memory_space<hbm>>
    tpu.enqueue_indirect_dma source(%dma_start3A_328 : memref<10000x48xf32, #tpu.memory_space<hbm>>) target(%dma_start3A_322 : memref<80x48xf32, #tpu.memory_space<vmem>>) offsets(%dma_start3A_325 : memref<80xi32, #tpu.memory_space<vmem>>) semaphore(%arg15 : memref<!tpu.dma_semaphore, #tpu.memory_space<semaphore_mem>>)
    %dma_start3A_329 = arith.constant 1 : i32
    %dma_start3A_330 = arith.constant 3 : i32
    %dma_start3A_331 = arith.constant 240 : i32
    %dma_start3A_332 = arith.constant 0 : i32
    %dma_start3A_333 = tpu.memref_slice %arg11[%dma_start3A_331, %dma_start3A_332] : memref<400x48xf32, #tpu.memory_space<vmem>> -> memref<80x48xf32, #tpu.memory_space<vmem>>
    %dma_start3A_334 = arith.constant 0 : i32
    %dma_start3A_335 = tpu.memref_slice %arg9[%dma_start3A_329, %dma_start3A_330, %dma_start3A_334] : memref<25x5x80xi32, #tpu.memory_space<vmem>> -> memref<1x1x80xi32, #tpu.memory_space<vmem>>
    %dma_start3A_336 = tpu.memref_squeeze %dma_start3A_335 : memref<1x1x80xi32, #tpu.memory_space<vmem>> -> memref<80xi32, #tpu.memory_space<vmem>>
    %dma_start3A_337 = arith.constant 0 : i32
    %dma_start3A_338 = arith.constant 0 : i32
    %dma_start3A_339 = tpu.memref_slice %arg3[%dma_start3A_337, %dma_start3A_338] : memref<10000x48xf32, #tpu.memory_space<hbm>> -> memref<10000x48xf32, #tpu.memory_space<hbm>>
    tpu.enqueue_indirect_dma source(%dma_start3A_339 : memref<10000x48xf32, #tpu.memory_space<hbm>>) target(%dma_start3A_333 : memref<80x48xf32, #tpu.memory_space<vmem>>) offsets(%dma_start3A_336 : memref<80xi32, #tpu.memory_space<vmem>>) semaphore(%arg15 : memref<!tpu.dma_semaphore, #tpu.memory_space<semaphore_mem>>)
    %dma_start3A_340 = arith.constant 1 : i32
    %dma_start3A_341 = arith.constant 4 : i32
    %dma_start3A_342 = arith.constant 320 : i32
    %dma_start3A_343 = arith.constant 0 : i32
    %dma_start3A_344 = tpu.memref_slice %arg11[%dma_start3A_342, %dma_start3A_343] : memref<400x48xf32, #tpu.memory_space<vmem>> -> memref<80x48xf32, #tpu.memory_space<vmem>>
    %dma_start3A_345 = arith.constant 0 : i32
    %dma_start3A_346 = tpu.memref_slice %arg9[%dma_start3A_340, %dma_start3A_341, %dma_start3A_345] : memref<25x5x80xi32, #tpu.memory_space<vmem>> -> memref<1x1x80xi32, #tpu.memory_space<vmem>>
    %dma_start3A_347 = tpu.memref_squeeze %dma_start3A_346 : memref<1x1x80xi32, #tpu.memory_space<vmem>> -> memref<80xi32, #tpu.memory_space<vmem>>
    %dma_start3A_348 = arith.constant 0 : i32
    %dma_start3A_349 = arith.constant 0 : i32
    %dma_start3A_350 = tpu.memref_slice %arg3[%dma_start3A_348, %dma_start3A_349] : memref<10000x48xf32, #tpu.memory_space<hbm>> -> memref<10000x48xf32, #tpu.memory_space<hbm>>
    tpu.enqueue_indirect_dma source(%dma_start3A_350 : memref<10000x48xf32, #tpu.memory_space<hbm>>) target(%dma_start3A_344 : memref<80x48xf32, #tpu.memory_space<vmem>>) offsets(%dma_start3A_347 : memref<80xi32, #tpu.memory_space<vmem>>) semaphore(%arg15 : memref<!tpu.dma_semaphore, #tpu.memory_space<semaphore_mem>>)
    %dma_wait3A_351 = arith.constant 0 : i32
    %dma_wait3A_352 = arith.constant 0 : i32
    %dma_wait3A_353 = arith.constant 0 : i32
    %dma_wait3A_354 = arith.constant 0 : i32
    %dma_wait3A_355 = tpu.memref_slice %arg10[%dma_wait3A_353, %dma_wait3A_354] : memref<400x48xf32, #tpu.memory_space<vmem>> -> memref<80x48xf32, #tpu.memory_space<vmem>>
    %dma_wait3A_356 = arith.constant 0 : i32
    %dma_wait3A_357 = tpu.memref_slice %arg9[%dma_wait3A_351, %dma_wait3A_352, %dma_wait3A_356] : memref<25x5x80xi32, #tpu.memory_space<vmem>> -> memref<1x1x80xi32, #tpu.memory_space<vmem>>
    %dma_wait3A_358 = tpu.memref_squeeze %dma_wait3A_357 : memref<1x1x80xi32, #tpu.memory_space<vmem>> -> memref<80xi32, #tpu.memory_space<vmem>>
    %dma_wait3A_359 = arith.constant 0 : i32
    %dma_wait3A_360 = arith.constant 0 : i32
    %dma_wait3A_361 = tpu.memref_slice %arg3[%dma_wait3A_359, %dma_wait3A_360] : memref<10000x48xf32, #tpu.memory_space<hbm>> -> memref<10000x48xf32, #tpu.memory_space<hbm>>
    tpu.wait_indirect_dma semaphore(%arg14 : memref<!tpu.dma_semaphore, #tpu.memory_space<semaphore_mem>>) src(%dma_wait3A_361 : memref<10000x48xf32, #tpu.memory_space<hbm>>) dst(%dma_wait3A_355 : memref<80x48xf32, #tpu.memory_space<vmem>>)
    %dma_wait3A_362 = arith.constant 0 : i32
    %dma_wait3A_363 = arith.constant 1 : i32
    %dma_wait3A_364 = arith.constant 80 : i32
    %dma_wait3A_365 = arith.constant 0 : i32
    %dma_wait3A_366 = tpu.memref_slice %arg10[%dma_wait3A_364, %dma_wait3A_365] : memref<400x48xf32, #tpu.memory_space<vmem>> -> memref<80x48xf32, #tpu.memory_space<vmem>>
    %dma_wait3A_367 = arith.constant 0 : i32
    %dma_wait3A_368 = tpu.memref_slice %arg9[%dma_wait3A_362, %dma_wait3A_363, %dma_wait3A_367] : memref<25x5x80xi32, #tpu.memory_space<vmem>> -> memref<1x1x80xi32, #tpu.memory_space<vmem>>
    %dma_wait3A_369 = tpu.memref_squeeze %dma_wait3A_368 : memref<1x1x80xi32, #tpu.memory_space<vmem>> -> memref<80xi32, #tpu.memory_space<vmem>>
    %dma_wait3A_370 = arith.constant 0 : i32
    %dma_wait3A_371 = arith.constant 0 : i32
    %dma_wait3A_372 = tpu.memref_slice %arg3[%dma_wait3A_370, %dma_wait3A_371] : memref<10000x48xf32, #tpu.memory_space<hbm>> -> memref<10000x48xf32, #tpu.memory_space<hbm>>
    tpu.wait_indirect_dma semaphore(%arg14 : memref<!tpu.dma_semaphore, #tpu.memory_space<semaphore_mem>>) src(%dma_wait3A_372 : memref<10000x48xf32, #tpu.memory_space<hbm>>) dst(%dma_wait3A_366 : memref<80x48xf32, #tpu.memory_space<vmem>>)
    %dma_wait3A_373 = arith.constant 0 : i32
    %dma_wait3A_374 = arith.constant 2 : i32
    %dma_wait3A_375 = arith.constant 160 : i32
    %dma_wait3A_376 = arith.constant 0 : i32
    %dma_wait3A_377 = tpu.memref_slice %arg10[%dma_wait3A_375, %dma_wait3A_376] : memref<400x48xf32, #tpu.memory_space<vmem>> -> memref<80x48xf32, #tpu.memory_space<vmem>>
    %dma_wait3A_378 = arith.constant 0 : i32
    %dma_wait3A_379 = tpu.memref_slice %arg9[%dma_wait3A_373, %dma_wait3A_374, %dma_wait3A_378] : memref<25x5x80xi32, #tpu.memory_space<vmem>> -> memref<1x1x80xi32, #tpu.memory_space<vmem>>
    %dma_wait3A_380 = tpu.memref_squeeze %dma_wait3A_379 : memref<1x1x80xi32, #tpu.memory_space<vmem>> -> memref<80xi32, #tpu.memory_space<vmem>>
    %dma_wait3A_381 = arith.constant 0 : i32
    %dma_wait3A_382 = arith.constant 0 : i32
    %dma_wait3A_383 = tpu.memref_slice %arg3[%dma_wait3A_381, %dma_wait3A_382] : memref<10000x48xf32, #tpu.memory_space<hbm>> -> memref<10000x48xf32, #tpu.memory_space<hbm>>
    tpu.wait_indirect_dma semaphore(%arg14 : memref<!tpu.dma_semaphore, #tpu.memory_space<semaphore_mem>>) src(%dma_wait3A_383 : memref<10000x48xf32, #tpu.memory_space<hbm>>) dst(%dma_wait3A_377 : memref<80x48xf32, #tpu.memory_space<vmem>>)
    %dma_wait3A_384 = arith.constant 0 : i32
    %dma_wait3A_385 = arith.constant 3 : i32
    %dma_wait3A_386 = arith.constant 240 : i32
    %dma_wait3A_387 = arith.constant 0 : i32
    %dma_wait3A_388 = tpu.memref_slice %arg10[%dma_wait3A_386, %dma_wait3A_387] : memref<400x48xf32, #tpu.memory_space<vmem>> -> memref<80x48xf32, #tpu.memory_space<vmem>>
    %dma_wait3A_389 = arith.constant 0 : i32
    %dma_wait3A_390 = tpu.memref_slice %arg9[%dma_wait3A_384, %dma_wait3A_385, %dma_wait3A_389] : memref<25x5x80xi32, #tpu.memory_space<vmem>> -> memref<1x1x80xi32, #tpu.memory_space<vmem>>
    %dma_wait3A_391 = tpu.memref_squeeze %dma_wait3A_390 : memref<1x1x80xi32, #tpu.memory_space<vmem>> -> memref<80xi32, #tpu.memory_space<vmem>>
    %dma_wait3A_392 = arith.constant 0 : i32
    %dma_wait3A_393 = arith.constant 0 : i32
    %dma_wait3A_394 = tpu.memref_slice %arg3[%dma_wait3A_392, %dma_wait3A_393] : memref<10000x48xf32, #tpu.memory_space<hbm>> -> memref<10000x48xf32, #tpu.memory_space<hbm>>
    tpu.wait_indirect_dma semaphore(%arg14 : memref<!tpu.dma_semaphore, #tpu.memory_space<semaphore_mem>>) src(%dma_wait3A_394 : memref<10000x48xf32, #tpu.memory_space<hbm>>) dst(%dma_wait3A_388 : memref<80x48xf32, #tpu.memory_space<vmem>>)
    %dma_wait3A_395 = arith.constant 0 : i32
    %dma_wait3A_396 = arith.constant 4 : i32
    %dma_wait3A_397 = arith.constant 320 : i32
    %dma_wait3A_398 = arith.constant 0 : i32
    %dma_wait3A_399 = tpu.memref_slice %arg10[%dma_wait3A_397, %dma_wait3A_398] : memref<400x48xf32, #tpu.memory_space<vmem>> -> memref<80x48xf32, #tpu.memory_space<vmem>>
    %dma_wait3A_400 = arith.constant 0 : i32
    %dma_wait3A_401 = tpu.memref_slice %arg9[%dma_wait3A_395, %dma_wait3A_396, %dma_wait3A_400] : memref<25x5x80xi32, #tpu.memory_space<vmem>> -> memref<1x1x80xi32, #tpu.memory_space<vmem>>
    %dma_wait3A_402 = tpu.memref_squeeze %dma_wait3A_401 : memref<1x1x80xi32, #tpu.memory_space<vmem>> -> memref<80xi32, #tpu.memory_space<vmem>>
    %dma_wait3A_403 = arith.constant 0 : i32
    %dma_wait3A_404 = arith.constant 0 : i32
    %dma_wait3A_405 = tpu.memref_slice %arg3[%dma_wait3A_403, %dma_wait3A_404] : memref<10000x48xf32, #tpu.memory_space<hbm>> -> memref<10000x48xf32, #tpu.memory_space<hbm>>
    tpu.wait_indirect_dma semaphore(%arg14 : memref<!tpu.dma_semaphore, #tpu.memory_space<semaphore_mem>>) src(%dma_wait3A_405 : memref<10000x48xf32, #tpu.memory_space<hbm>>) dst(%dma_wait3A_399 : memref<80x48xf32, #tpu.memory_space<vmem>>)
    %parallel_loop3A = arith.constant 0 : i32
    %parallel_loop3A_406 = arith.constant 25 : i32
    %parallel_loop3A_407 = arith.constant 1 : i32
    scf.for %parallel_loop3A_920 = %parallel_loop3A to %parallel_loop3A_406 step %parallel_loop3A_407  : i32 {
      %parallel_loop3A_921 = arith.constant 16 : i32
      %parallel_loop3A_922 = arith.muli %parallel_loop3A_920, %parallel_loop3A_921 : i32
      %parallel_loop3A_923 = vector.broadcast %parallel_loop3A_922 : i32 to vector<16xi32>
      %parallel_loop3A_924 = arith.addi %iota3A, %parallel_loop3A_923 : vector<16xi32>
      %parallel_loop3A_925 = arith.constant 5 : i32
      %parallel_loop3A_926 = arith.divsi %parallel_loop3A_920, %parallel_loop3A_925 : i32
      %parallel_loop3A_927 = arith.constant 0 : i32
      %parallel_loop3A_928 = arith.cmpi sgt, %parallel_loop3A_920, %parallel_loop3A_927 : i32
      %parallel_loop3A_929 = arith.extui %parallel_loop3A_928 : i1 to i32
      %parallel_loop3A_930 = arith.constant 0 : i32
      %parallel_loop3A_931 = arith.cmpi slt, %parallel_loop3A_920, %parallel_loop3A_930 : i32
      %parallel_loop3A_932 = arith.extui %parallel_loop3A_931 : i1 to i32
      %parallel_loop3A_933 = arith.subi %parallel_loop3A_929, %parallel_loop3A_932 : i32
      %parallel_loop3A_934 = arith.constant 0 : i32
      %parallel_loop3A_935 = arith.cmpi sgt, %parallel_loop3A_925, %parallel_loop3A_934 : i32
      %parallel_loop3A_936 = arith.extui %parallel_loop3A_935 : i1 to i32
      %parallel_loop3A_937 = arith.constant 0 : i32
      %parallel_loop3A_938 = arith.cmpi slt, %parallel_loop3A_925, %parallel_loop3A_937 : i32
      %parallel_loop3A_939 = arith.extui %parallel_loop3A_938 : i1 to i32
      %parallel_loop3A_940 = arith.subi %parallel_loop3A_936, %parallel_loop3A_939 : i32
      %parallel_loop3A_941 = arith.cmpi ne, %parallel_loop3A_933, %parallel_loop3A_940 : i32
      %parallel_loop3A_942 = arith.remsi %parallel_loop3A_920, %parallel_loop3A_925 : i32
      %parallel_loop3A_943 = arith.constant 0 : i32
      %parallel_loop3A_944 = arith.cmpi ne, %parallel_loop3A_942, %parallel_loop3A_943 : i32
      %parallel_loop3A_945 = arith.andi %parallel_loop3A_941, %parallel_loop3A_944 : i1
      %parallel_loop3A_946 = arith.constant 1 : i32
      %parallel_loop3A_947 = arith.subi %parallel_loop3A_926, %parallel_loop3A_946 : i32
      %parallel_loop3A_948 = arith.select %parallel_loop3A_945, %parallel_loop3A_947, %parallel_loop3A_926 : i32
      %parallel_loop3A_949 = arith.constant 5 : i32
      %parallel_loop3A_950 = arith.constant 0 : i32
      %parallel_loop3A_951 = arith.cmpi eq, %parallel_loop3A_949, %parallel_loop3A_950 : i32
      %parallel_loop3A_952 = arith.constant 1 : i32
      %parallel_loop3A_953 = arith.select %parallel_loop3A_951, %parallel_loop3A_952, %parallel_loop3A_949 : i32
      %parallel_loop3A_954 = arith.remsi %parallel_loop3A_920, %parallel_loop3A_953 : i32
      %parallel_loop3A_955 = arith.constant 0 : i32
      %parallel_loop3A_956 = arith.cmpi ne, %parallel_loop3A_954, %parallel_loop3A_955 : i32
      %parallel_loop3A_957 = arith.constant 0 : i32
      %parallel_loop3A_958 = arith.cmpi slt, %parallel_loop3A_954, %parallel_loop3A_957 : i32
      %parallel_loop3A_959 = arith.constant 0 : i32
      %parallel_loop3A_960 = arith.cmpi slt, %parallel_loop3A_953, %parallel_loop3A_959 : i32
      %parallel_loop3A_961 = arith.xori %parallel_loop3A_958, %parallel_loop3A_960 : i1
      %parallel_loop3A_962 = arith.andi %parallel_loop3A_961, %parallel_loop3A_956 : i1
      %parallel_loop3A_963 = arith.addi %parallel_loop3A_954, %parallel_loop3A_953 : i32
      %parallel_loop3A_964 = arith.select %parallel_loop3A_962, %parallel_loop3A_963, %parallel_loop3A_954 : i32
      %parallel_loop3A_965 = arith.constant 16 : i32
      %parallel_loop3A_966 = arith.muli %parallel_loop3A_964, %parallel_loop3A_965 : i32
      %parallel_loop3A_967 = arith.constant 0 : i32
      %parallel_loop3A_968 = arith.index_cast %parallel_loop3A_967 : i32 to index
      %parallel_loop3A_969 = arith.index_cast %parallel_loop3A_948 : i32 to index
      %parallel_loop3A_970 = arith.index_cast %parallel_loop3A_966 : i32 to index
      %parallel_loop3A_971 = tpu.vector_load %arg8[%parallel_loop3A_968, %parallel_loop3A_969, %parallel_loop3A_970] {strides = array<i32>} : memref<25x5x80xi32, #tpu.memory_space<vmem>>, vector<16xi32>,
      %parallel_loop3A_972 = tpu.vector_load_idx %arg7[%parallel_loop3A_971] : memref<10000xf32, #tpu.memory_space<vmem>>[vector<16xi32>], vector<16xf32>,
      %parallel_loop3A_973 = tpu.vector_load_idx %arg10[%parallel_loop3A_924, %broadcast_in_dim3A_240] : memref<400x48xf32, #tpu.memory_space<vmem>>[vector<16xi32>, vector<16xi32>], vector<16xf32>,
      %parallel_loop3A_974 = arith.addf %parallel_loop3A_972, %parallel_loop3A_973 : vector<16xf32>
      %parallel_loop3A_975 = arith.constant 0.000000e+00 : f32
      %parallel_loop3A_976 = vector.broadcast %parallel_loop3A_975 : f32 to vector<16xf32>
      %parallel_loop3A_977 = arith.cmpf oge, %parallel_loop3A_974, %parallel_loop3A_976 : vector<16xf32>
      %parallel_loop3A_978 = arith.constant 3.000000e-01 : f32
      %parallel_loop3A_979 = vector.broadcast %parallel_loop3A_978 : f32 to vector<16xf32>
      %parallel_loop3A_980 = arith.mulf %parallel_loop3A_979, %parallel_loop3A_974 : vector<16xf32>
      %parallel_loop3A_981 = arith.select %parallel_loop3A_977, %parallel_loop3A_974, %parallel_loop3A_980 : vector<16xi1>, vector<16xf32>
      %parallel_loop3A_982 = math.exp %parallel_loop3A_981 : vector<16xf32>
      tpu.vector_store_idx %arg12[%parallel_loop3A_924, %broadcast_in_dim3A_238], %parallel_loop3A_982 : memref<400x48xf32, #tpu.memory_space<vmem>>[vector<16xi32>, vector<16xi32>], vector<16xf32>,
      %parallel_loop3A_983 = arith.constant 0 : i32
      %parallel_loop3A_984 = arith.constant 32 : i32
      %parallel_loop3A_985 = arith.constant 1 : i32
      scf.for %parallel_loop3A_986 = %parallel_loop3A_983 to %parallel_loop3A_984 step %parallel_loop3A_985  : i32 {
        %parallel_loop3A_987 = arith.constant 0 : i32
        %parallel_loop3A_988 = vector.broadcast %parallel_loop3A_987 : i32 to vector<16xi32>
        %parallel_loop3A_989 = vector.broadcast %parallel_loop3A_986 : i32 to vector<16xi32>
        %parallel_loop3A_990 = arith.addi %parallel_loop3A_988, %parallel_loop3A_989 : vector<16xi32>
        %parallel_loop3A_991 = tpu.vector_load_idx %arg10[%parallel_loop3A_924, %parallel_loop3A_990] : memref<400x48xf32, #tpu.memory_space<vmem>>[vector<16xi32>, vector<16xi32>], vector<16xf32>,
        %parallel_loop3A_992 = arith.mulf %parallel_loop3A_991, %parallel_loop3A_982 : vector<16xf32>
        tpu.vector_store_idx %arg12[%parallel_loop3A_924, %parallel_loop3A_990], %parallel_loop3A_992 : memref<400x48xf32, #tpu.memory_space<vmem>>[vector<16xi32>, vector<16xi32>], vector<16xf32>,
      } {sc.loop_unroll_factor = 8 : i64, sc.parallel_access}
    } {sc.loop_unroll_factor = 5 : i64, sc.parallel_access}
    %dma_start3A_408 = arith.constant 0 : i32
    %dma_start3A_409 = arith.constant 0 : i32
    %dma_start3A_410 = arith.constant 0 : i32
    %dma_start3A_411 = arith.constant 0 : i32
    %dma_start3A_412 = tpu.memref_slice %arg12[%dma_start3A_410, %dma_start3A_411] : memref<400x48xf32, #tpu.memory_space<vmem>> -> memref<80x48xf32, #tpu.memory_space<vmem>>
    %dma_start3A_413 = arith.constant 0 : i32
    %dma_start3A_414 = tpu.memref_slice %arg8[%dma_start3A_408, %dma_start3A_409, %dma_start3A_413] : memref<25x5x80xi32, #tpu.memory_space<vmem>> -> memref<1x1x80xi32, #tpu.memory_space<vmem>>
    %dma_start3A_415 = tpu.memref_squeeze %dma_start3A_414 : memref<1x1x80xi32, #tpu.memory_space<vmem>> -> memref<80xi32, #tpu.memory_space<vmem>>
    %dma_start3A_416 = arith.constant 0 : i32
    %dma_start3A_417 = arith.constant 0 : i32
    %dma_start3A_418 = tpu.memref_slice %arg13[%dma_start3A_416, %dma_start3A_417] : memref<10240x48xf32, #tpu.memory_space<vmem_shared>> -> memref<10240x48xf32, #tpu.memory_space<vmem_shared>>
    tpu.enqueue_indirect_dma source(%dma_start3A_412 : memref<80x48xf32, #tpu.memory_space<vmem>>) target(%dma_start3A_418 : memref<10240x48xf32, #tpu.memory_space<vmem_shared>>) offsets(%dma_start3A_415 : memref<80xi32, #tpu.memory_space<vmem>>) semaphore(%arg16 : memref<!tpu.dma_semaphore, #tpu.memory_space<semaphore_mem>>) {add = true}
    %dma_start3A_419 = arith.constant 0 : i32
    %dma_start3A_420 = arith.constant 1 : i32
    %dma_start3A_421 = arith.constant 80 : i32
    %dma_start3A_422 = arith.constant 0 : i32
    %dma_start3A_423 = tpu.memref_slice %arg12[%dma_start3A_421, %dma_start3A_422] : memref<400x48xf32, #tpu.memory_space<vmem>> -> memref<80x48xf32, #tpu.memory_space<vmem>>
    %dma_start3A_424 = arith.constant 0 : i32
    %dma_start3A_425 = tpu.memref_slice %arg8[%dma_start3A_419, %dma_start3A_420, %dma_start3A_424] : memref<25x5x80xi32, #tpu.memory_space<vmem>> -> memref<1x1x80xi32, #tpu.memory_space<vmem>>
    %dma_start3A_426 = tpu.memref_squeeze %dma_start3A_425 : memref<1x1x80xi32, #tpu.memory_space<vmem>> -> memref<80xi32, #tpu.memory_space<vmem>>
    %dma_start3A_427 = arith.constant 0 : i32
    %dma_start3A_428 = arith.constant 0 : i32
    %dma_start3A_429 = tpu.memref_slice %arg13[%dma_start3A_427, %dma_start3A_428] : memref<10240x48xf32, #tpu.memory_space<vmem_shared>> -> memref<10240x48xf32, #tpu.memory_space<vmem_shared>>
    tpu.enqueue_indirect_dma source(%dma_start3A_423 : memref<80x48xf32, #tpu.memory_space<vmem>>) target(%dma_start3A_429 : memref<10240x48xf32, #tpu.memory_space<vmem_shared>>) offsets(%dma_start3A_426 : memref<80xi32, #tpu.memory_space<vmem>>) semaphore(%arg16 : memref<!tpu.dma_semaphore, #tpu.memory_space<semaphore_mem>>) {add = true}
    %dma_start3A_430 = arith.constant 0 : i32
    %dma_start3A_431 = arith.constant 2 : i32
    %dma_start3A_432 = arith.constant 160 : i32
    %dma_start3A_433 = arith.constant 0 : i32
    %dma_start3A_434 = tpu.memref_slice %arg12[%dma_start3A_432, %dma_start3A_433] : memref<400x48xf32, #tpu.memory_space<vmem>> -> memref<80x48xf32, #tpu.memory_space<vmem>>
    %dma_start3A_435 = arith.constant 0 : i32
    %dma_start3A_436 = tpu.memref_slice %arg8[%dma_start3A_430, %dma_start3A_431, %dma_start3A_435] : memref<25x5x80xi32, #tpu.memory_space<vmem>> -> memref<1x1x80xi32, #tpu.memory_space<vmem>>
    %dma_start3A_437 = tpu.memref_squeeze %dma_start3A_436 : memref<1x1x80xi32, #tpu.memory_space<vmem>> -> memref<80xi32, #tpu.memory_space<vmem>>
    %dma_start3A_438 = arith.constant 0 : i32
    %dma_start3A_439 = arith.constant 0 : i32
    %dma_start3A_440 = tpu.memref_slice %arg13[%dma_start3A_438, %dma_start3A_439] : memref<10240x48xf32, #tpu.memory_space<vmem_shared>> -> memref<10240x48xf32, #tpu.memory_space<vmem_shared>>
    tpu.enqueue_indirect_dma source(%dma_start3A_434 : memref<80x48xf32, #tpu.memory_space<vmem>>) target(%dma_start3A_440 : memref<10240x48xf32, #tpu.memory_space<vmem_shared>>) offsets(%dma_start3A_437 : memref<80xi32, #tpu.memory_space<vmem>>) semaphore(%arg16 : memref<!tpu.dma_semaphore, #tpu.memory_space<semaphore_mem>>) {add = true}
    %dma_start3A_441 = arith.constant 0 : i32
    %dma_start3A_442 = arith.constant 3 : i32
    %dma_start3A_443 = arith.constant 240 : i32
    %dma_start3A_444 = arith.constant 0 : i32
    %dma_start3A_445 = tpu.memref_slice %arg12[%dma_start3A_443, %dma_start3A_444] : memref<400x48xf32, #tpu.memory_space<vmem>> -> memref<80x48xf32, #tpu.memory_space<vmem>>
    %dma_start3A_446 = arith.constant 0 : i32
    %dma_start3A_447 = tpu.memref_slice %arg8[%dma_start3A_441, %dma_start3A_442, %dma_start3A_446] : memref<25x5x80xi32, #tpu.memory_space<vmem>> -> memref<1x1x80xi32, #tpu.memory_space<vmem>>
    %dma_start3A_448 = tpu.memref_squeeze %dma_start3A_447 : memref<1x1x80xi32, #tpu.memory_space<vmem>> -> memref<80xi32, #tpu.memory_space<vmem>>
    %dma_start3A_449 = arith.constant 0 : i32
    %dma_start3A_450 = arith.constant 0 : i32
    %dma_start3A_451 = tpu.memref_slice %arg13[%dma_start3A_449, %dma_start3A_450] : memref<10240x48xf32, #tpu.memory_space<vmem_shared>> -> memref<10240x48xf32, #tpu.memory_space<vmem_shared>>
    tpu.enqueue_indirect_dma source(%dma_start3A_445 : memref<80x48xf32, #tpu.memory_space<vmem>>) target(%dma_start3A_451 : memref<10240x48xf32, #tpu.memory_space<vmem_shared>>) offsets(%dma_start3A_448 : memref<80xi32, #tpu.memory_space<vmem>>) semaphore(%arg16 : memref<!tpu.dma_semaphore, #tpu.memory_space<semaphore_mem>>) {add = true}
    %dma_start3A_452 = arith.constant 0 : i32
    %dma_start3A_453 = arith.constant 4 : i32
    %dma_start3A_454 = arith.constant 320 : i32
    %dma_start3A_455 = arith.constant 0 : i32
    %dma_start3A_456 = tpu.memref_slice %arg12[%dma_start3A_454, %dma_start3A_455] : memref<400x48xf32, #tpu.memory_space<vmem>> -> memref<80x48xf32, #tpu.memory_space<vmem>>
    %dma_start3A_457 = arith.constant 0 : i32
    %dma_start3A_458 = tpu.memref_slice %arg8[%dma_start3A_452, %dma_start3A_453, %dma_start3A_457] : memref<25x5x80xi32, #tpu.memory_space<vmem>> -> memref<1x1x80xi32, #tpu.memory_space<vmem>>
    %dma_start3A_459 = tpu.memref_squeeze %dma_start3A_458 : memref<1x1x80xi32, #tpu.memory_space<vmem>> -> memref<80xi32, #tpu.memory_space<vmem>>
    %dma_start3A_460 = arith.constant 0 : i32
    %dma_start3A_461 = arith.constant 0 : i32
    %dma_start3A_462 = tpu.memref_slice %arg13[%dma_start3A_460, %dma_start3A_461] : memref<10240x48xf32, #tpu.memory_space<vmem_shared>> -> memref<10240x48xf32, #tpu.memory_space<vmem_shared>>
    tpu.enqueue_indirect_dma source(%dma_start3A_456 : memref<80x48xf32, #tpu.memory_space<vmem>>) target(%dma_start3A_462 : memref<10240x48xf32, #tpu.memory_space<vmem_shared>>) offsets(%dma_start3A_459 : memref<80xi32, #tpu.memory_space<vmem>>) semaphore(%arg16 : memref<!tpu.dma_semaphore, #tpu.memory_space<semaphore_mem>>) {add = true}
    %scan3A_463 = arith.constant 0 : i32
    %scan3A_464 = arith.constant 0 : i32
    %scan3A_465 = arith.constant 11 : i32
    %scan3A_466 = arith.addi %scan3A_464, %scan3A_465 : i32
    %scan3A_467 = arith.constant 1 : i32
    scf.for %scan3A_920 = %scan3A_464 to %scan3A_466 step %scan3A_467  : i32 {
      %mul3A_921 = arith.constant 2 : i32
      %mul3A_922 = arith.muli %mul3A_921, %scan3A_920 : i32
      %add3A_923 = arith.constant 2 : i32
      %add3A_924 = arith.addi %mul3A_922, %add3A_923 : i32
      %dma_start3A_925 = arith.constant 0 : i32
      %dma_start3A_926 = arith.constant 0 : i32
      %dma_start3A_927 = arith.constant 0 : i32
      %dma_start3A_928 = tpu.memref_slice %arg10[%dma_start3A_926, %dma_start3A_927] : memref<400x48xf32, #tpu.memory_space<vmem>> -> memref<80x48xf32, #tpu.memory_space<vmem>>
      %dma_start3A_929 = arith.constant 0 : i32
      %dma_start3A_930 = tpu.memref_slice %arg9[%add3A_924, %dma_start3A_925, %dma_start3A_929] : memref<25x5x80xi32, #tpu.memory_space<vmem>> -> memref<1x1x80xi32, #tpu.memory_space<vmem>>
      %dma_start3A_931 = tpu.memref_squeeze %dma_start3A_930 : memref<1x1x80xi32, #tpu.memory_space<vmem>> -> memref<80xi32, #tpu.memory_space<vmem>>
      %dma_start3A_932 = arith.constant 0 : i32
      %dma_start3A_933 = arith.constant 0 : i32
      %dma_start3A_934 = tpu.memref_slice %arg3[%dma_start3A_932, %dma_start3A_933] : memref<10000x48xf32, #tpu.memory_space<hbm>> -> memref<10000x48xf32, #tpu.memory_space<hbm>>
      tpu.enqueue_indirect_dma source(%dma_start3A_934 : memref<10000x48xf32, #tpu.memory_space<hbm>>) target(%dma_start3A_928 : memref<80x48xf32, #tpu.memory_space<vmem>>) offsets(%dma_start3A_931 : memref<80xi32, #tpu.memory_space<vmem>>) semaphore(%arg14 : memref<!tpu.dma_semaphore, #tpu.memory_space<semaphore_mem>>)
      %dma_start3A_935 = arith.constant 1 : i32
      %dma_start3A_936 = arith.constant 80 : i32
      %dma_start3A_937 = arith.constant 0 : i32
      %dma_start3A_938 = tpu.memref_slice %arg10[%dma_start3A_936, %dma_start3A_937] : memref<400x48xf32, #tpu.memory_space<vmem>> -> memref<80x48xf32, #tpu.memory_space<vmem>>
      %dma_start3A_939 = arith.constant 0 : i32
      %dma_start3A_940 = tpu.memref_slice %arg9[%add3A_924, %dma_start3A_935, %dma_start3A_939] : memref<25x5x80xi32, #tpu.memory_space<vmem>> -> memref<1x1x80xi32, #tpu.memory_space<vmem>>
      %dma_start3A_941 = tpu.memref_squeeze %dma_start3A_940 : memref<1x1x80xi32, #tpu.memory_space<vmem>> -> memref<80xi32, #tpu.memory_space<vmem>>
      %dma_start3A_942 = arith.constant 0 : i32
      %dma_start3A_943 = arith.constant 0 : i32
      %dma_start3A_944 = tpu.memref_slice %arg3[%dma_start3A_942, %dma_start3A_943] : memref<10000x48xf32, #tpu.memory_space<hbm>> -> memref<10000x48xf32, #tpu.memory_space<hbm>>
      tpu.enqueue_indirect_dma source(%dma_start3A_944 : memref<10000x48xf32, #tpu.memory_space<hbm>>) target(%dma_start3A_938 : memref<80x48xf32, #tpu.memory_space<vmem>>) offsets(%dma_start3A_941 : memref<80xi32, #tpu.memory_space<vmem>>) semaphore(%arg14 : memref<!tpu.dma_semaphore, #tpu.memory_space<semaphore_mem>>)
      %dma_start3A_945 = arith.constant 2 : i32
      %dma_start3A_946 = arith.constant 160 : i32
      %dma_start3A_947 = arith.constant 0 : i32
      %dma_start3A_948 = tpu.memref_slice %arg10[%dma_start3A_946, %dma_start3A_947] : memref<400x48xf32, #tpu.memory_space<vmem>> -> memref<80x48xf32, #tpu.memory_space<vmem>>
      %dma_start3A_949 = arith.constant 0 : i32
      %dma_start3A_950 = tpu.memref_slice %arg9[%add3A_924, %dma_start3A_945, %dma_start3A_949] : memref<25x5x80xi32, #tpu.memory_space<vmem>> -> memref<1x1x80xi32, #tpu.memory_space<vmem>>
      %dma_start3A_951 = tpu.memref_squeeze %dma_start3A_950 : memref<1x1x80xi32, #tpu.memory_space<vmem>> -> memref<80xi32, #tpu.memory_space<vmem>>
      %dma_start3A_952 = arith.constant 0 : i32
      %dma_start3A_953 = arith.constant 0 : i32
      %dma_start3A_954 = tpu.memref_slice %arg3[%dma_start3A_952, %dma_start3A_953] : memref<10000x48xf32, #tpu.memory_space<hbm>> -> memref<10000x48xf32, #tpu.memory_space<hbm>>
      tpu.enqueue_indirect_dma source(%dma_start3A_954 : memref<10000x48xf32, #tpu.memory_space<hbm>>) target(%dma_start3A_948 : memref<80x48xf32, #tpu.memory_space<vmem>>) offsets(%dma_start3A_951 : memref<80xi32, #tpu.memory_space<vmem>>) semaphore(%arg14 : memref<!tpu.dma_semaphore, #tpu.memory_space<semaphore_mem>>)
      %dma_start3A_955 = arith.constant 3 : i32
      %dma_start3A_956 = arith.constant 240 : i32
      %dma_start3A_957 = arith.constant 0 : i32
      %dma_start3A_958 = tpu.memref_slice %arg10[%dma_start3A_956, %dma_start3A_957] : memref<400x48xf32, #tpu.memory_space<vmem>> -> memref<80x48xf32, #tpu.memory_space<vmem>>
      %dma_start3A_959 = arith.constant 0 : i32
      %dma_start3A_960 = tpu.memref_slice %arg9[%add3A_924, %dma_start3A_955, %dma_start3A_959] : memref<25x5x80xi32, #tpu.memory_space<vmem>> -> memref<1x1x80xi32, #tpu.memory_space<vmem>>
      %dma_start3A_961 = tpu.memref_squeeze %dma_start3A_960 : memref<1x1x80xi32, #tpu.memory_space<vmem>> -> memref<80xi32, #tpu.memory_space<vmem>>
      %dma_start3A_962 = arith.constant 0 : i32
      %dma_start3A_963 = arith.constant 0 : i32
      %dma_start3A_964 = tpu.memref_slice %arg3[%dma_start3A_962, %dma_start3A_963] : memref<10000x48xf32, #tpu.memory_space<hbm>> -> memref<10000x48xf32, #tpu.memory_space<hbm>>
      tpu.enqueue_indirect_dma source(%dma_start3A_964 : memref<10000x48xf32, #tpu.memory_space<hbm>>) target(%dma_start3A_958 : memref<80x48xf32, #tpu.memory_space<vmem>>) offsets(%dma_start3A_961 : memref<80xi32, #tpu.memory_space<vmem>>) semaphore(%arg14 : memref<!tpu.dma_semaphore, #tpu.memory_space<semaphore_mem>>)
      %dma_start3A_965 = arith.constant 4 : i32
      %dma_start3A_966 = arith.constant 320 : i32
      %dma_start3A_967 = arith.constant 0 : i32
      %dma_start3A_968 = tpu.memref_slice %arg10[%dma_start3A_966, %dma_start3A_967] : memref<400x48xf32, #tpu.memory_space<vmem>> -> memref<80x48xf32, #tpu.memory_space<vmem>>
      %dma_start3A_969 = arith.constant 0 : i32
      %dma_start3A_970 = tpu.memref_slice %arg9[%add3A_924, %dma_start3A_965, %dma_start3A_969] : memref<25x5x80xi32, #tpu.memory_space<vmem>> -> memref<1x1x80xi32, #tpu.memory_space<vmem>>
      %dma_start3A_971 = tpu.memref_squeeze %dma_start3A_970 : memref<1x1x80xi32, #tpu.memory_space<vmem>> -> memref<80xi32, #tpu.memory_space<vmem>>
      %dma_start3A_972 = arith.constant 0 : i32
      %dma_start3A_973 = arith.constant 0 : i32
      %dma_start3A_974 = tpu.memref_slice %arg3[%dma_start3A_972, %dma_start3A_973] : memref<10000x48xf32, #tpu.memory_space<hbm>> -> memref<10000x48xf32, #tpu.memory_space<hbm>>
      tpu.enqueue_indirect_dma source(%dma_start3A_974 : memref<10000x48xf32, #tpu.memory_space<hbm>>) target(%dma_start3A_968 : memref<80x48xf32, #tpu.memory_space<vmem>>) offsets(%dma_start3A_971 : memref<80xi32, #tpu.memory_space<vmem>>) semaphore(%arg14 : memref<!tpu.dma_semaphore, #tpu.memory_space<semaphore_mem>>)
      %add3A_975 = arith.constant 1 : i32
      %add3A_976 = arith.addi %mul3A_922, %add3A_975 : i32
      %dma_wait3A_977 = arith.constant 0 : i32
      %dma_wait3A_978 = arith.constant 0 : i32
      %dma_wait3A_979 = arith.constant 0 : i32
      %dma_wait3A_980 = tpu.memref_slice %arg11[%dma_wait3A_978, %dma_wait3A_979] : memref<400x48xf32, #tpu.memory_space<vmem>> -> memref<80x48xf32, #tpu.memory_space<vmem>>
      %dma_wait3A_981 = arith.constant 0 : i32
      %dma_wait3A_982 = tpu.memref_slice %arg9[%add3A_976, %dma_wait3A_977, %dma_wait3A_981] : memref<25x5x80xi32, #tpu.memory_space<vmem>> -> memref<1x1x80xi32, #tpu.memory_space<vmem>>
      %dma_wait3A_983 = tpu.memref_squeeze %dma_wait3A_982 : memref<1x1x80xi32, #tpu.memory_space<vmem>> -> memref<80xi32, #tpu.memory_space<vmem>>
      %dma_wait3A_984 = arith.constant 0 : i32
      %dma_wait3A_985 = arith.constant 0 : i32
      %dma_wait3A_986 = tpu.memref_slice %arg3[%dma_wait3A_984, %dma_wait3A_985] : memref<10000x48xf32, #tpu.memory_space<hbm>> -> memref<10000x48xf32, #tpu.memory_space<hbm>>
      tpu.wait_indirect_dma semaphore(%arg15 : memref<!tpu.dma_semaphore, #tpu.memory_space<semaphore_mem>>) src(%dma_wait3A_986 : memref<10000x48xf32, #tpu.memory_space<hbm>>) dst(%dma_wait3A_980 : memref<80x48xf32, #tpu.memory_space<vmem>>)
      %dma_wait3A_987 = arith.constant 1 : i32
      %dma_wait3A_988 = arith.constant 80 : i32
      %dma_wait3A_989 = arith.constant 0 : i32
      %dma_wait3A_990 = tpu.memref_slice %arg11[%dma_wait3A_988, %dma_wait3A_989] : memref<400x48xf32, #tpu.memory_space<vmem>> -> memref<80x48xf32, #tpu.memory_space<vmem>>
      %dma_wait3A_991 = arith.constant 0 : i32
      %dma_wait3A_992 = tpu.memref_slice %arg9[%add3A_976, %dma_wait3A_987, %dma_wait3A_991] : memref<25x5x80xi32, #tpu.memory_space<vmem>> -> memref<1x1x80xi32, #tpu.memory_space<vmem>>
      %dma_wait3A_993 = tpu.memref_squeeze %dma_wait3A_992 : memref<1x1x80xi32, #tpu.memory_space<vmem>> -> memref<80xi32, #tpu.memory_space<vmem>>
      %dma_wait3A_994 = arith.constant 0 : i32
      %dma_wait3A_995 = arith.constant 0 : i32
      %dma_wait3A_996 = tpu.memref_slice %arg3[%dma_wait3A_994, %dma_wait3A_995] : memref<10000x48xf32, #tpu.memory_space<hbm>> -> memref<10000x48xf32, #tpu.memory_space<hbm>>
      tpu.wait_indirect_dma semaphore(%arg15 : memref<!tpu.dma_semaphore, #tpu.memory_space<semaphore_mem>>) src(%dma_wait3A_996 : memref<10000x48xf32, #tpu.memory_space<hbm>>) dst(%dma_wait3A_990 : memref<80x48xf32, #tpu.memory_space<vmem>>)
      %dma_wait3A_997 = arith.constant 2 : i32
      %dma_wait3A_998 = arith.constant 160 : i32
      %dma_wait3A_999 = arith.constant 0 : i32
      %dma_wait3A_1000 = tpu.memref_slice %arg11[%dma_wait3A_998, %dma_wait3A_999] : memref<400x48xf32, #tpu.memory_space<vmem>> -> memref<80x48xf32, #tpu.memory_space<vmem>>
      %dma_wait3A_1001 = arith.constant 0 : i32
      %dma_wait3A_1002 = tpu.memref_slice %arg9[%add3A_976, %dma_wait3A_997, %dma_wait3A_1001] : memref<25x5x80xi32, #tpu.memory_space<vmem>> -> memref<1x1x80xi32, #tpu.memory_space<vmem>>
      %dma_wait3A_1003 = tpu.memref_squeeze %dma_wait3A_1002 : memref<1x1x80xi32, #tpu.memory_space<vmem>> -> memref<80xi32, #tpu.memory_space<vmem>>
      %dma_wait3A_1004 = arith.constant 0 : i32
      %dma_wait3A_1005 = arith.constant 0 : i32
      %dma_wait3A_1006 = tpu.memref_slice %arg3[%dma_wait3A_1004, %dma_wait3A_1005] : memref<10000x48xf32, #tpu.memory_space<hbm>> -> memref<10000x48xf32, #tpu.memory_space<hbm>>
      tpu.wait_indirect_dma semaphore(%arg15 : memref<!tpu.dma_semaphore, #tpu.memory_space<semaphore_mem>>) src(%dma_wait3A_1006 : memref<10000x48xf32, #tpu.memory_space<hbm>>) dst(%dma_wait3A_1000 : memref<80x48xf32, #tpu.memory_space<vmem>>)
      %dma_wait3A_1007 = arith.constant 3 : i32
      %dma_wait3A_1008 = arith.constant 240 : i32
      %dma_wait3A_1009 = arith.constant 0 : i32
      %dma_wait3A_1010 = tpu.memref_slice %arg11[%dma_wait3A_1008, %dma_wait3A_1009] : memref<400x48xf32, #tpu.memory_space<vmem>> -> memref<80x48xf32, #tpu.memory_space<vmem>>
      %dma_wait3A_1011 = arith.constant 0 : i32
      %dma_wait3A_1012 = tpu.memref_slice %arg9[%add3A_976, %dma_wait3A_1007, %dma_wait3A_1011] : memref<25x5x80xi32, #tpu.memory_space<vmem>> -> memref<1x1x80xi32, #tpu.memory_space<vmem>>
      %dma_wait3A_1013 = tpu.memref_squeeze %dma_wait3A_1012 : memref<1x1x80xi32, #tpu.memory_space<vmem>> -> memref<80xi32, #tpu.memory_space<vmem>>
      %dma_wait3A_1014 = arith.constant 0 : i32
      %dma_wait3A_1015 = arith.constant 0 : i32
      %dma_wait3A_1016 = tpu.memref_slice %arg3[%dma_wait3A_1014, %dma_wait3A_1015] : memref<10000x48xf32, #tpu.memory_space<hbm>> -> memref<10000x48xf32, #tpu.memory_space<hbm>>
      tpu.wait_indirect_dma semaphore(%arg15 : memref<!tpu.dma_semaphore, #tpu.memory_space<semaphore_mem>>) src(%dma_wait3A_1016 : memref<10000x48xf32, #tpu.memory_space<hbm>>) dst(%dma_wait3A_1010 : memref<80x48xf32, #tpu.memory_space<vmem>>)
      %dma_wait3A_1017 = arith.constant 4 : i32
      %dma_wait3A_1018 = arith.constant 320 : i32
      %dma_wait3A_1019 = arith.constant 0 : i32
      %dma_wait3A_1020 = tpu.memref_slice %arg11[%dma_wait3A_1018, %dma_wait3A_1019] : memref<400x48xf32, #tpu.memory_space<vmem>> -> memref<80x48xf32, #tpu.memory_space<vmem>>
      %dma_wait3A_1021 = arith.constant 0 : i32
      %dma_wait3A_1022 = tpu.memref_slice %arg9[%add3A_976, %dma_wait3A_1017, %dma_wait3A_1021] : memref<25x5x80xi32, #tpu.memory_space<vmem>> -> memref<1x1x80xi32, #tpu.memory_space<vmem>>
      %dma_wait3A_1023 = tpu.memref_squeeze %dma_wait3A_1022 : memref<1x1x80xi32, #tpu.memory_space<vmem>> -> memref<80xi32, #tpu.memory_space<vmem>>
      %dma_wait3A_1024 = arith.constant 0 : i32
      %dma_wait3A_1025 = arith.constant 0 : i32
      %dma_wait3A_1026 = tpu.memref_slice %arg3[%dma_wait3A_1024, %dma_wait3A_1025] : memref<10000x48xf32, #tpu.memory_space<hbm>> -> memref<10000x48xf32, #tpu.memory_space<hbm>>
      tpu.wait_indirect_dma semaphore(%arg15 : memref<!tpu.dma_semaphore, #tpu.memory_space<semaphore_mem>>) src(%dma_wait3A_1026 : memref<10000x48xf32, #tpu.memory_space<hbm>>) dst(%dma_wait3A_1020 : memref<80x48xf32, #tpu.memory_space<vmem>>)
      %dma_wait3A_1027 = arith.constant 0 : i32
      %dma_wait3A_1028 = arith.constant 0 : i32
      %dma_wait3A_1029 = arith.constant 0 : i32
      %dma_wait3A_1030 = tpu.memref_slice %arg12[%dma_wait3A_1028, %dma_wait3A_1029] : memref<400x48xf32, #tpu.memory_space<vmem>> -> memref<80x48xf32, #tpu.memory_space<vmem>>
      %dma_wait3A_1031 = arith.constant 0 : i32
      %dma_wait3A_1032 = tpu.memref_slice %arg8[%mul3A_922, %dma_wait3A_1027, %dma_wait3A_1031] : memref<25x5x80xi32, #tpu.memory_space<vmem>> -> memref<1x1x80xi32, #tpu.memory_space<vmem>>
      %dma_wait3A_1033 = tpu.memref_squeeze %dma_wait3A_1032 : memref<1x1x80xi32, #tpu.memory_space<vmem>> -> memref<80xi32, #tpu.memory_space<vmem>>
      %dma_wait3A_1034 = arith.constant 0 : i32
      %dma_wait3A_1035 = arith.constant 0 : i32
      %dma_wait3A_1036 = tpu.memref_slice %arg13[%dma_wait3A_1034, %dma_wait3A_1035] : memref<10240x48xf32, #tpu.memory_space<vmem_shared>> -> memref<10240x48xf32, #tpu.memory_space<vmem_shared>>
      tpu.wait_indirect_dma semaphore(%arg16 : memref<!tpu.dma_semaphore, #tpu.memory_space<semaphore_mem>>) src(%dma_wait3A_1030 : memref<80x48xf32, #tpu.memory_space<vmem>>) dst(%dma_wait3A_1036 : memref<10240x48xf32, #tpu.memory_space<vmem_shared>>)
      %dma_wait3A_1037 = arith.constant 1 : i32
      %dma_wait3A_1038 = arith.constant 80 : i32
      %dma_wait3A_1039 = arith.constant 0 : i32
      %dma_wait3A_1040 = tpu.memref_slice %arg12[%dma_wait3A_1038, %dma_wait3A_1039] : memref<400x48xf32, #tpu.memory_space<vmem>> -> memref<80x48xf32, #tpu.memory_space<vmem>>
      %dma_wait3A_1041 = arith.constant 0 : i32
      %dma_wait3A_1042 = tpu.memref_slice %arg8[%mul3A_922, %dma_wait3A_1037, %dma_wait3A_1041] : memref<25x5x80xi32, #tpu.memory_space<vmem>> -> memref<1x1x80xi32, #tpu.memory_space<vmem>>
      %dma_wait3A_1043 = tpu.memref_squeeze %dma_wait3A_1042 : memref<1x1x80xi32, #tpu.memory_space<vmem>> -> memref<80xi32, #tpu.memory_space<vmem>>
      %dma_wait3A_1044 = arith.constant 0 : i32
      %dma_wait3A_1045 = arith.constant 0 : i32
      %dma_wait3A_1046 = tpu.memref_slice %arg13[%dma_wait3A_1044, %dma_wait3A_1045] : memref<10240x48xf32, #tpu.memory_space<vmem_shared>> -> memref<10240x48xf32, #tpu.memory_space<vmem_shared>>
      tpu.wait_indirect_dma semaphore(%arg16 : memref<!tpu.dma_semaphore, #tpu.memory_space<semaphore_mem>>) src(%dma_wait3A_1040 : memref<80x48xf32, #tpu.memory_space<vmem>>) dst(%dma_wait3A_1046 : memref<10240x48xf32, #tpu.memory_space<vmem_shared>>)
      %dma_wait3A_1047 = arith.constant 2 : i32
      %dma_wait3A_1048 = arith.constant 160 : i32
      %dma_wait3A_1049 = arith.constant 0 : i32
      %dma_wait3A_1050 = tpu.memref_slice %arg12[%dma_wait3A_1048, %dma_wait3A_1049] : memref<400x48xf32, #tpu.memory_space<vmem>> -> memref<80x48xf32, #tpu.memory_space<vmem>>
      %dma_wait3A_1051 = arith.constant 0 : i32
      %dma_wait3A_1052 = tpu.memref_slice %arg8[%mul3A_922, %dma_wait3A_1047, %dma_wait3A_1051] : memref<25x5x80xi32, #tpu.memory_space<vmem>> -> memref<1x1x80xi32, #tpu.memory_space<vmem>>
      %dma_wait3A_1053 = tpu.memref_squeeze %dma_wait3A_1052 : memref<1x1x80xi32, #tpu.memory_space<vmem>> -> memref<80xi32, #tpu.memory_space<vmem>>
      %dma_wait3A_1054 = arith.constant 0 : i32
      %dma_wait3A_1055 = arith.constant 0 : i32
      %dma_wait3A_1056 = tpu.memref_slice %arg13[%dma_wait3A_1054, %dma_wait3A_1055] : memref<10240x48xf32, #tpu.memory_space<vmem_shared>> -> memref<10240x48xf32, #tpu.memory_space<vmem_shared>>
      tpu.wait_indirect_dma semaphore(%arg16 : memref<!tpu.dma_semaphore, #tpu.memory_space<semaphore_mem>>) src(%dma_wait3A_1050 : memref<80x48xf32, #tpu.memory_space<vmem>>) dst(%dma_wait3A_1056 : memref<10240x48xf32, #tpu.memory_space<vmem_shared>>)
      %dma_wait3A_1057 = arith.constant 3 : i32
      %dma_wait3A_1058 = arith.constant 240 : i32
      %dma_wait3A_1059 = arith.constant 0 : i32
      %dma_wait3A_1060 = tpu.memref_slice %arg12[%dma_wait3A_1058, %dma_wait3A_1059] : memref<400x48xf32, #tpu.memory_space<vmem>> -> memref<80x48xf32, #tpu.memory_space<vmem>>
      %dma_wait3A_1061 = arith.constant 0 : i32
      %dma_wait3A_1062 = tpu.memref_slice %arg8[%mul3A_922, %dma_wait3A_1057, %dma_wait3A_1061] : memref<25x5x80xi32, #tpu.memory_space<vmem>> -> memref<1x1x80xi32, #tpu.memory_space<vmem>>
      %dma_wait3A_1063 = tpu.memref_squeeze %dma_wait3A_1062 : memref<1x1x80xi32, #tpu.memory_space<vmem>> -> memref<80xi32, #tpu.memory_space<vmem>>
      %dma_wait3A_1064 = arith.constant 0 : i32
      %dma_wait3A_1065 = arith.constant 0 : i32
      %dma_wait3A_1066 = tpu.memref_slice %arg13[%dma_wait3A_1064, %dma_wait3A_1065] : memref<10240x48xf32, #tpu.memory_space<vmem_shared>> -> memref<10240x48xf32, #tpu.memory_space<vmem_shared>>
      tpu.wait_indirect_dma semaphore(%arg16 : memref<!tpu.dma_semaphore, #tpu.memory_space<semaphore_mem>>) src(%dma_wait3A_1060 : memref<80x48xf32, #tpu.memory_space<vmem>>) dst(%dma_wait3A_1066 : memref<10240x48xf32, #tpu.memory_space<vmem_shared>>)
      %dma_wait3A_1067 = arith.constant 4 : i32
      %dma_wait3A_1068 = arith.constant 320 : i32
      %dma_wait3A_1069 = arith.constant 0 : i32
      %dma_wait3A_1070 = tpu.memref_slice %arg12[%dma_wait3A_1068, %dma_wait3A_1069] : memref<400x48xf32, #tpu.memory_space<vmem>> -> memref<80x48xf32, #tpu.memory_space<vmem>>
      %dma_wait3A_1071 = arith.constant 0 : i32
      %dma_wait3A_1072 = tpu.memref_slice %arg8[%mul3A_922, %dma_wait3A_1067, %dma_wait3A_1071] : memref<25x5x80xi32, #tpu.memory_space<vmem>> -> memref<1x1x80xi32, #tpu.memory_space<vmem>>
      %dma_wait3A_1073 = tpu.memref_squeeze %dma_wait3A_1072 : memref<1x1x80xi32, #tpu.memory_space<vmem>> -> memref<80xi32, #tpu.memory_space<vmem>>
      %dma_wait3A_1074 = arith.constant 0 : i32
      %dma_wait3A_1075 = arith.constant 0 : i32
      %dma_wait3A_1076 = tpu.memref_slice %arg13[%dma_wait3A_1074, %dma_wait3A_1075] : memref<10240x48xf32, #tpu.memory_space<vmem_shared>> -> memref<10240x48xf32, #tpu.memory_space<vmem_shared>>
      tpu.wait_indirect_dma semaphore(%arg16 : memref<!tpu.dma_semaphore, #tpu.memory_space<semaphore_mem>>) src(%dma_wait3A_1070 : memref<80x48xf32, #tpu.memory_space<vmem>>) dst(%dma_wait3A_1076 : memref<10240x48xf32, #tpu.memory_space<vmem_shared>>)
      %add3A_1077 = arith.constant 1 : i32
      %add3A_1078 = arith.addi %mul3A_922, %add3A_1077 : i32
      %parallel_loop3A_1079 = arith.constant 0 : i32
      %parallel_loop3A_1080 = arith.constant 25 : i32
      %parallel_loop3A_1081 = arith.constant 1 : i32
      scf.for %parallel_loop3A_1347 = %parallel_loop3A_1079 to %parallel_loop3A_1080 step %parallel_loop3A_1081  : i32 {
        %parallel_loop3A_1348 = arith.constant 16 : i32
        %parallel_loop3A_1349 = arith.muli %parallel_loop3A_1347, %parallel_loop3A_1348 : i32
        %parallel_loop3A_1350 = vector.broadcast %parallel_loop3A_1349 : i32 to vector<16xi32>
        %parallel_loop3A_1351 = arith.addi %iota3A, %parallel_loop3A_1350 : vector<16xi32>
        %parallel_loop3A_1352 = arith.constant 5 : i32
        %parallel_loop3A_1353 = arith.divsi %parallel_loop3A_1347, %parallel_loop3A_1352 : i32
        %parallel_loop3A_1354 = arith.constant 0 : i32
        %parallel_loop3A_1355 = arith.cmpi sgt, %parallel_loop3A_1347, %parallel_loop3A_1354 : i32
        %parallel_loop3A_1356 = arith.extui %parallel_loop3A_1355 : i1 to i32
        %parallel_loop3A_1357 = arith.constant 0 : i32
        %parallel_loop3A_1358 = arith.cmpi slt, %parallel_loop3A_1347, %parallel_loop3A_1357 : i32
        %parallel_loop3A_1359 = arith.extui %parallel_loop3A_1358 : i1 to i32
        %parallel_loop3A_1360 = arith.subi %parallel_loop3A_1356, %parallel_loop3A_1359 : i32
        %parallel_loop3A_1361 = arith.constant 0 : i32
        %parallel_loop3A_1362 = arith.cmpi sgt, %parallel_loop3A_1352, %parallel_loop3A_1361 : i32
        %parallel_loop3A_1363 = arith.extui %parallel_loop3A_1362 : i1 to i32
        %parallel_loop3A_1364 = arith.constant 0 : i32
        %parallel_loop3A_1365 = arith.cmpi slt, %parallel_loop3A_1352, %parallel_loop3A_1364 : i32
        %parallel_loop3A_1366 = arith.extui %parallel_loop3A_1365 : i1 to i32
        %parallel_loop3A_1367 = arith.subi %parallel_loop3A_1363, %parallel_loop3A_1366 : i32
        %parallel_loop3A_1368 = arith.cmpi ne, %parallel_loop3A_1360, %parallel_loop3A_1367 : i32
        %parallel_loop3A_1369 = arith.remsi %parallel_loop3A_1347, %parallel_loop3A_1352 : i32
        %parallel_loop3A_1370 = arith.constant 0 : i32
        %parallel_loop3A_1371 = arith.cmpi ne, %parallel_loop3A_1369, %parallel_loop3A_1370 : i32
        %parallel_loop3A_1372 = arith.andi %parallel_loop3A_1368, %parallel_loop3A_1371 : i1
        %parallel_loop3A_1373 = arith.constant 1 : i32
        %parallel_loop3A_1374 = arith.subi %parallel_loop3A_1353, %parallel_loop3A_1373 : i32
        %parallel_loop3A_1375 = arith.select %parallel_loop3A_1372, %parallel_loop3A_1374, %parallel_loop3A_1353 : i32
        %parallel_loop3A_1376 = arith.constant 5 : i32
        %parallel_loop3A_1377 = arith.constant 0 : i32
        %parallel_loop3A_1378 = arith.cmpi eq, %parallel_loop3A_1376, %parallel_loop3A_1377 : i32
        %parallel_loop3A_1379 = arith.constant 1 : i32
        %parallel_loop3A_1380 = arith.select %parallel_loop3A_1378, %parallel_loop3A_1379, %parallel_loop3A_1376 : i32
        %parallel_loop3A_1381 = arith.remsi %parallel_loop3A_1347, %parallel_loop3A_1380 : i32
        %parallel_loop3A_1382 = arith.constant 0 : i32
        %parallel_loop3A_1383 = arith.cmpi ne, %parallel_loop3A_1381, %parallel_loop3A_1382 : i32
        %parallel_loop3A_1384 = arith.constant 0 : i32
        %parallel_loop3A_1385 = arith.cmpi slt, %parallel_loop3A_1381, %parallel_loop3A_1384 : i32
        %parallel_loop3A_1386 = arith.constant 0 : i32
        %parallel_loop3A_1387 = arith.cmpi slt, %parallel_loop3A_1380, %parallel_loop3A_1386 : i32
        %parallel_loop3A_1388 = arith.xori %parallel_loop3A_1385, %parallel_loop3A_1387 : i1
        %parallel_loop3A_1389 = arith.andi %parallel_loop3A_1388, %parallel_loop3A_1383 : i1
        %parallel_loop3A_1390 = arith.addi %parallel_loop3A_1381, %parallel_loop3A_1380 : i32
        %parallel_loop3A_1391 = arith.select %parallel_loop3A_1389, %parallel_loop3A_1390, %parallel_loop3A_1381 : i32
        %parallel_loop3A_1392 = arith.constant 16 : i32
        %parallel_loop3A_1393 = arith.muli %parallel_loop3A_1391, %parallel_loop3A_1392 : i32
        %parallel_loop3A_1394 = arith.index_cast %add3A_1078 : i32 to index
        %parallel_loop3A_1395 = arith.index_cast %parallel_loop3A_1375 : i32 to index
        %parallel_loop3A_1396 = arith.index_cast %parallel_loop3A_1393 : i32 to index
        %parallel_loop3A_1397 = tpu.vector_load %arg8[%parallel_loop3A_1394, %parallel_loop3A_1395, %parallel_loop3A_1396] {strides = array<i32>} : memref<25x5x80xi32, #tpu.memory_space<vmem>>, vector<16xi32>,
        %parallel_loop3A_1398 = tpu.vector_load_idx %arg7[%parallel_loop3A_1397] : memref<10000xf32, #tpu.memory_space<vmem>>[vector<16xi32>], vector<16xf32>,
        %parallel_loop3A_1399 = tpu.vector_load_idx %arg11[%parallel_loop3A_1351, %broadcast_in_dim3A_240] : memref<400x48xf32, #tpu.memory_space<vmem>>[vector<16xi32>, vector<16xi32>], vector<16xf32>,
        %parallel_loop3A_1400 = arith.addf %parallel_loop3A_1398, %parallel_loop3A_1399 : vector<16xf32>
        %parallel_loop3A_1401 = arith.constant 0.000000e+00 : f32
        %parallel_loop3A_1402 = vector.broadcast %parallel_loop3A_1401 : f32 to vector<16xf32>
        %parallel_loop3A_1403 = arith.cmpf oge, %parallel_loop3A_1400, %parallel_loop3A_1402 : vector<16xf32>
        %parallel_loop3A_1404 = arith.constant 3.000000e-01 : f32
        %parallel_loop3A_1405 = vector.broadcast %parallel_loop3A_1404 : f32 to vector<16xf32>
        %parallel_loop3A_1406 = arith.mulf %parallel_loop3A_1405, %parallel_loop3A_1400 : vector<16xf32>
        %parallel_loop3A_1407 = arith.select %parallel_loop3A_1403, %parallel_loop3A_1400, %parallel_loop3A_1406 : vector<16xi1>, vector<16xf32>
        %parallel_loop3A_1408 = math.exp %parallel_loop3A_1407 : vector<16xf32>
        tpu.vector_store_idx %arg12[%parallel_loop3A_1351, %broadcast_in_dim3A_238], %parallel_loop3A_1408 : memref<400x48xf32, #tpu.memory_space<vmem>>[vector<16xi32>, vector<16xi32>], vector<16xf32>,
        %parallel_loop3A_1409 = arith.constant 0 : i32
        %parallel_loop3A_1410 = arith.constant 32 : i32
        %parallel_loop3A_1411 = arith.constant 1 : i32
        scf.for %parallel_loop3A_1412 = %parallel_loop3A_1409 to %parallel_loop3A_1410 step %parallel_loop3A_1411  : i32 {
          %parallel_loop3A_1413 = arith.constant 0 : i32
          %parallel_loop3A_1414 = vector.broadcast %parallel_loop3A_1413 : i32 to vector<16xi32>
          %parallel_loop3A_1415 = vector.broadcast %parallel_loop3A_1412 : i32 to vector<16xi32>
          %parallel_loop3A_1416 = arith.addi %parallel_loop3A_1414, %parallel_loop3A_1415 : vector<16xi32>
          %parallel_loop3A_1417 = tpu.vector_load_idx %arg11[%parallel_loop3A_1351, %parallel_loop3A_1416] : memref<400x48xf32, #tpu.memory_space<vmem>>[vector<16xi32>, vector<16xi32>], vector<16xf32>,
          %parallel_loop3A_1418 = arith.mulf %parallel_loop3A_1417, %parallel_loop3A_1408 : vector<16xf32>
          tpu.vector_store_idx %arg12[%parallel_loop3A_1351, %parallel_loop3A_1416], %parallel_loop3A_1418 : memref<400x48xf32, #tpu.memory_space<vmem>>[vector<16xi32>, vector<16xi32>], vector<16xf32>,
        } {sc.loop_unroll_factor = 8 : i64, sc.parallel_access}
      } {sc.loop_unroll_factor = 5 : i64, sc.parallel_access}
      %add3A_1082 = arith.constant 1 : i32
      %add3A_1083 = arith.addi %mul3A_922, %add3A_1082 : i32
      %dma_start3A_1084 = arith.constant 0 : i32
      %dma_start3A_1085 = arith.constant 0 : i32
      %dma_start3A_1086 = arith.constant 0 : i32
      %dma_start3A_1087 = tpu.memref_slice %arg12[%dma_start3A_1085, %dma_start3A_1086] : memref<400x48xf32, #tpu.memory_space<vmem>> -> memref<80x48xf32, #tpu.memory_space<vmem>>
      %dma_start3A_1088 = arith.constant 0 : i32
      %dma_start3A_1089 = tpu.memref_slice %arg8[%add3A_1083, %dma_start3A_1084, %dma_start3A_1088] : memref<25x5x80xi32, #tpu.memory_space<vmem>> -> memref<1x1x80xi32, #tpu.memory_space<vmem>>
      %dma_start3A_1090 = tpu.memref_squeeze %dma_start3A_1089 : memref<1x1x80xi32, #tpu.memory_space<vmem>> -> memref<80xi32, #tpu.memory_space<vmem>>
      %dma_start3A_1091 = arith.constant 0 : i32
      %dma_start3A_1092 = arith.constant 0 : i32
      %dma_start3A_1093 = tpu.memref_slice %arg13[%dma_start3A_1091, %dma_start3A_1092] : memref<10240x48xf32, #tpu.memory_space<vmem_shared>> -> memref<10240x48xf32, #tpu.memory_space<vmem_shared>>
      tpu.enqueue_indirect_dma source(%dma_start3A_1087 : memref<80x48xf32, #tpu.memory_space<vmem>>) target(%dma_start3A_1093 : memref<10240x48xf32, #tpu.memory_space<vmem_shared>>) offsets(%dma_start3A_1090 : memref<80xi32, #tpu.memory_space<vmem>>) semaphore(%arg16 : memref<!tpu.dma_semaphore, #tpu.memory_space<semaphore_mem>>) {add = true}
      %dma_start3A_1094 = arith.constant 1 : i32
      %dma_start3A_1095 = arith.constant 80 : i32
      %dma_start3A_1096 = arith.constant 0 : i32
      %dma_start3A_1097 = tpu.memref_slice %arg12[%dma_start3A_1095, %dma_start3A_1096] : memref<400x48xf32, #tpu.memory_space<vmem>> -> memref<80x48xf32, #tpu.memory_space<vmem>>
      %dma_start3A_1098 = arith.constant 0 : i32
      %dma_start3A_1099 = tpu.memref_slice %arg8[%add3A_1083, %dma_start3A_1094, %dma_start3A_1098] : memref<25x5x80xi32, #tpu.memory_space<vmem>> -> memref<1x1x80xi32, #tpu.memory_space<vmem>>
      %dma_start3A_1100 = tpu.memref_squeeze %dma_start3A_1099 : memref<1x1x80xi32, #tpu.memory_space<vmem>> -> memref<80xi32, #tpu.memory_space<vmem>>
      %dma_start3A_1101 = arith.constant 0 : i32
      %dma_start3A_1102 = arith.constant 0 : i32
      %dma_start3A_1103 = tpu.memref_slice %arg13[%dma_start3A_1101, %dma_start3A_1102] : memref<10240x48xf32, #tpu.memory_space<vmem_shared>> -> memref<10240x48xf32, #tpu.memory_space<vmem_shared>>
      tpu.enqueue_indirect_dma source(%dma_start3A_1097 : memref<80x48xf32, #tpu.memory_space<vmem>>) target(%dma_start3A_1103 : memref<10240x48xf32, #tpu.memory_space<vmem_shared>>) offsets(%dma_start3A_1100 : memref<80xi32, #tpu.memory_space<vmem>>) semaphore(%arg16 : memref<!tpu.dma_semaphore, #tpu.memory_space<semaphore_mem>>) {add = true}
      %dma_start3A_1104 = arith.constant 2 : i32
      %dma_start3A_1105 = arith.constant 160 : i32
      %dma_start3A_1106 = arith.constant 0 : i32
      %dma_start3A_1107 = tpu.memref_slice %arg12[%dma_start3A_1105, %dma_start3A_1106] : memref<400x48xf32, #tpu.memory_space<vmem>> -> memref<80x48xf32, #tpu.memory_space<vmem>>
      %dma_start3A_1108 = arith.constant 0 : i32
      %dma_start3A_1109 = tpu.memref_slice %arg8[%add3A_1083, %dma_start3A_1104, %dma_start3A_1108] : memref<25x5x80xi32, #tpu.memory_space<vmem>> -> memref<1x1x80xi32, #tpu.memory_space<vmem>>
      %dma_start3A_1110 = tpu.memref_squeeze %dma_start3A_1109 : memref<1x1x80xi32, #tpu.memory_space<vmem>> -> memref<80xi32, #tpu.memory_space<vmem>>
      %dma_start3A_1111 = arith.constant 0 : i32
      %dma_start3A_1112 = arith.constant 0 : i32
      %dma_start3A_1113 = tpu.memref_slice %arg13[%dma_start3A_1111, %dma_start3A_1112] : memref<10240x48xf32, #tpu.memory_space<vmem_shared>> -> memref<10240x48xf32, #tpu.memory_space<vmem_shared>>
      tpu.enqueue_indirect_dma source(%dma_start3A_1107 : memref<80x48xf32, #tpu.memory_space<vmem>>) target(%dma_start3A_1113 : memref<10240x48xf32, #tpu.memory_space<vmem_shared>>) offsets(%dma_start3A_1110 : memref<80xi32, #tpu.memory_space<vmem>>) semaphore(%arg16 : memref<!tpu.dma_semaphore, #tpu.memory_space<semaphore_mem>>) {add = true}
      %dma_start3A_1114 = arith.constant 3 : i32
      %dma_start3A_1115 = arith.constant 240 : i32
      %dma_start3A_1116 = arith.constant 0 : i32
      %dma_start3A_1117 = tpu.memref_slice %arg12[%dma_start3A_1115, %dma_start3A_1116] : memref<400x48xf32, #tpu.memory_space<vmem>> -> memref<80x48xf32, #tpu.memory_space<vmem>>
      %dma_start3A_1118 = arith.constant 0 : i32
      %dma_start3A_1119 = tpu.memref_slice %arg8[%add3A_1083, %dma_start3A_1114, %dma_start3A_1118] : memref<25x5x80xi32, #tpu.memory_space<vmem>> -> memref<1x1x80xi32, #tpu.memory_space<vmem>>
      %dma_start3A_1120 = tpu.memref_squeeze %dma_start3A_1119 : memref<1x1x80xi32, #tpu.memory_space<vmem>> -> memref<80xi32, #tpu.memory_space<vmem>>
      %dma_start3A_1121 = arith.constant 0 : i32
      %dma_start3A_1122 = arith.constant 0 : i32
      %dma_start3A_1123 = tpu.memref_slice %arg13[%dma_start3A_1121, %dma_start3A_1122] : memref<10240x48xf32, #tpu.memory_space<vmem_shared>> -> memref<10240x48xf32, #tpu.memory_space<vmem_shared>>
      tpu.enqueue_indirect_dma source(%dma_start3A_1117 : memref<80x48xf32, #tpu.memory_space<vmem>>) target(%dma_start3A_1123 : memref<10240x48xf32, #tpu.memory_space<vmem_shared>>) offsets(%dma_start3A_1120 : memref<80xi32, #tpu.memory_space<vmem>>) semaphore(%arg16 : memref<!tpu.dma_semaphore, #tpu.memory_space<semaphore_mem>>) {add = true}
      %dma_start3A_1124 = arith.constant 4 : i32
      %dma_start3A_1125 = arith.constant 320 : i32
      %dma_start3A_1126 = arith.constant 0 : i32
      %dma_start3A_1127 = tpu.memref_slice %arg12[%dma_start3A_1125, %dma_start3A_1126] : memref<400x48xf32, #tpu.memory_space<vmem>> -> memref<80x48xf32, #tpu.memory_space<vmem>>
      %dma_start3A_1128 = arith.constant 0 : i32
      %dma_start3A_1129 = tpu.memref_slice %arg8[%add3A_1083, %dma_start3A_1124, %dma_start3A_1128] : memref<25x5x80xi32, #tpu.memory_space<vmem>> -> memref<1x1x80xi32, #tpu.memory_space<vmem>>
      %dma_start3A_1130 = tpu.memref_squeeze %dma_start3A_1129 : memref<1x1x80xi32, #tpu.memory_space<vmem>> -> memref<80xi32, #tpu.memory_space<vmem>>
      %dma_start3A_1131 = arith.constant 0 : i32
      %dma_start3A_1132 = arith.constant 0 : i32
      %dma_start3A_1133 = tpu.memref_slice %arg13[%dma_start3A_1131, %dma_start3A_1132] : memref<10240x48xf32, #tpu.memory_space<vmem_shared>> -> memref<10240x48xf32, #tpu.memory_space<vmem_shared>>
      tpu.enqueue_indirect_dma source(%dma_start3A_1127 : memref<80x48xf32, #tpu.memory_space<vmem>>) target(%dma_start3A_1133 : memref<10240x48xf32, #tpu.memory_space<vmem_shared>>) offsets(%dma_start3A_1130 : memref<80xi32, #tpu.memory_space<vmem>>) semaphore(%arg16 : memref<!tpu.dma_semaphore, #tpu.memory_space<semaphore_mem>>) {add = true}
      %add3A_1134 = arith.constant 3 : i32
      %add3A_1135 = arith.addi %mul3A_922, %add3A_1134 : i32
      %dma_start3A_1136 = arith.constant 0 : i32
      %dma_start3A_1137 = arith.constant 0 : i32
      %dma_start3A_1138 = arith.constant 0 : i32
      %dma_start3A_1139 = tpu.memref_slice %arg11[%dma_start3A_1137, %dma_start3A_1138] : memref<400x48xf32, #tpu.memory_space<vmem>> -> memref<80x48xf32, #tpu.memory_space<vmem>>
      %dma_start3A_1140 = arith.constant 0 : i32
      %dma_start3A_1141 = tpu.memref_slice %arg9[%add3A_1135, %dma_start3A_1136, %dma_start3A_1140] : memref<25x5x80xi32, #tpu.memory_space<vmem>> -> memref<1x1x80xi32, #tpu.memory_space<vmem>>
      %dma_start3A_1142 = tpu.memref_squeeze %dma_start3A_1141 : memref<1x1x80xi32, #tpu.memory_space<vmem>> -> memref<80xi32, #tpu.memory_space<vmem>>
      %dma_start3A_1143 = arith.constant 0 : i32
      %dma_start3A_1144 = arith.constant 0 : i32
      %dma_start3A_1145 = tpu.memref_slice %arg3[%dma_start3A_1143, %dma_start3A_1144] : memref<10000x48xf32, #tpu.memory_space<hbm>> -> memref<10000x48xf32, #tpu.memory_space<hbm>>
      tpu.enqueue_indirect_dma source(%dma_start3A_1145 : memref<10000x48xf32, #tpu.memory_space<hbm>>) target(%dma_start3A_1139 : memref<80x48xf32, #tpu.memory_space<vmem>>) offsets(%dma_start3A_1142 : memref<80xi32, #tpu.memory_space<vmem>>) semaphore(%arg15 : memref<!tpu.dma_semaphore, #tpu.memory_space<semaphore_mem>>)
      %dma_start3A_1146 = arith.constant 1 : i32
      %dma_start3A_1147 = arith.constant 80 : i32
      %dma_start3A_1148 = arith.constant 0 : i32
      %dma_start3A_1149 = tpu.memref_slice %arg11[%dma_start3A_1147, %dma_start3A_1148] : memref<400x48xf32, #tpu.memory_space<vmem>> -> memref<80x48xf32, #tpu.memory_space<vmem>>
      %dma_start3A_1150 = arith.constant 0 : i32
      %dma_start3A_1151 = tpu.memref_slice %arg9[%add3A_1135, %dma_start3A_1146, %dma_start3A_1150] : memref<25x5x80xi32, #tpu.memory_space<vmem>> -> memref<1x1x80xi32, #tpu.memory_space<vmem>>
      %dma_start3A_1152 = tpu.memref_squeeze %dma_start3A_1151 : memref<1x1x80xi32, #tpu.memory_space<vmem>> -> memref<80xi32, #tpu.memory_space<vmem>>
      %dma_start3A_1153 = arith.constant 0 : i32
      %dma_start3A_1154 = arith.constant 0 : i32
      %dma_start3A_1155 = tpu.memref_slice %arg3[%dma_start3A_1153, %dma_start3A_1154] : memref<10000x48xf32, #tpu.memory_space<hbm>> -> memref<10000x48xf32, #tpu.memory_space<hbm>>
      tpu.enqueue_indirect_dma source(%dma_start3A_1155 : memref<10000x48xf32, #tpu.memory_space<hbm>>) target(%dma_start3A_1149 : memref<80x48xf32, #tpu.memory_space<vmem>>) offsets(%dma_start3A_1152 : memref<80xi32, #tpu.memory_space<vmem>>) semaphore(%arg15 : memref<!tpu.dma_semaphore, #tpu.memory_space<semaphore_mem>>)
      %dma_start3A_1156 = arith.constant 2 : i32
      %dma_start3A_1157 = arith.constant 160 : i32
      %dma_start3A_1158 = arith.constant 0 : i32
      %dma_start3A_1159 = tpu.memref_slice %arg11[%dma_start3A_1157, %dma_start3A_1158] : memref<400x48xf32, #tpu.memory_space<vmem>> -> memref<80x48xf32, #tpu.memory_space<vmem>>
      %dma_start3A_1160 = arith.constant 0 : i32
      %dma_start3A_1161 = tpu.memref_slice %arg9[%add3A_1135, %dma_start3A_1156, %dma_start3A_1160] : memref<25x5x80xi32, #tpu.memory_space<vmem>> -> memref<1x1x80xi32, #tpu.memory_space<vmem>>
      %dma_start3A_1162 = tpu.memref_squeeze %dma_start3A_1161 : memref<1x1x80xi32, #tpu.memory_space<vmem>> -> memref<80xi32, #tpu.memory_space<vmem>>
      %dma_start3A_1163 = arith.constant 0 : i32
      %dma_start3A_1164 = arith.constant 0 : i32
      %dma_start3A_1165 = tpu.memref_slice %arg3[%dma_start3A_1163, %dma_start3A_1164] : memref<10000x48xf32, #tpu.memory_space<hbm>> -> memref<10000x48xf32, #tpu.memory_space<hbm>>
      tpu.enqueue_indirect_dma source(%dma_start3A_1165 : memref<10000x48xf32, #tpu.memory_space<hbm>>) target(%dma_start3A_1159 : memref<80x48xf32, #tpu.memory_space<vmem>>) offsets(%dma_start3A_1162 : memref<80xi32, #tpu.memory_space<vmem>>) semaphore(%arg15 : memref<!tpu.dma_semaphore, #tpu.memory_space<semaphore_mem>>)
      %dma_start3A_1166 = arith.constant 3 : i32
      %dma_start3A_1167 = arith.constant 240 : i32
      %dma_start3A_1168 = arith.constant 0 : i32
      %dma_start3A_1169 = tpu.memref_slice %arg11[%dma_start3A_1167, %dma_start3A_1168] : memref<400x48xf32, #tpu.memory_space<vmem>> -> memref<80x48xf32, #tpu.memory_space<vmem>>
      %dma_start3A_1170 = arith.constant 0 : i32
      %dma_start3A_1171 = tpu.memref_slice %arg9[%add3A_1135, %dma_start3A_1166, %dma_start3A_1170] : memref<25x5x80xi32, #tpu.memory_space<vmem>> -> memref<1x1x80xi32, #tpu.memory_space<vmem>>
      %dma_start3A_1172 = tpu.memref_squeeze %dma_start3A_1171 : memref<1x1x80xi32, #tpu.memory_space<vmem>> -> memref<80xi32, #tpu.memory_space<vmem>>
      %dma_start3A_1173 = arith.constant 0 : i32
      %dma_start3A_1174 = arith.constant 0 : i32
      %dma_start3A_1175 = tpu.memref_slice %arg3[%dma_start3A_1173, %dma_start3A_1174] : memref<10000x48xf32, #tpu.memory_space<hbm>> -> memref<10000x48xf32, #tpu.memory_space<hbm>>
      tpu.enqueue_indirect_dma source(%dma_start3A_1175 : memref<10000x48xf32, #tpu.memory_space<hbm>>) target(%dma_start3A_1169 : memref<80x48xf32, #tpu.memory_space<vmem>>) offsets(%dma_start3A_1172 : memref<80xi32, #tpu.memory_space<vmem>>) semaphore(%arg15 : memref<!tpu.dma_semaphore, #tpu.memory_space<semaphore_mem>>)
      %dma_start3A_1176 = arith.constant 4 : i32
      %dma_start3A_1177 = arith.constant 320 : i32
      %dma_start3A_1178 = arith.constant 0 : i32
      %dma_start3A_1179 = tpu.memref_slice %arg11[%dma_start3A_1177, %dma_start3A_1178] : memref<400x48xf32, #tpu.memory_space<vmem>> -> memref<80x48xf32, #tpu.memory_space<vmem>>
      %dma_start3A_1180 = arith.constant 0 : i32
      %dma_start3A_1181 = tpu.memref_slice %arg9[%add3A_1135, %dma_start3A_1176, %dma_start3A_1180] : memref<25x5x80xi32, #tpu.memory_space<vmem>> -> memref<1x1x80xi32, #tpu.memory_space<vmem>>
      %dma_start3A_1182 = tpu.memref_squeeze %dma_start3A_1181 : memref<1x1x80xi32, #tpu.memory_space<vmem>> -> memref<80xi32, #tpu.memory_space<vmem>>
      %dma_start3A_1183 = arith.constant 0 : i32
      %dma_start3A_1184 = arith.constant 0 : i32
      %dma_start3A_1185 = tpu.memref_slice %arg3[%dma_start3A_1183, %dma_start3A_1184] : memref<10000x48xf32, #tpu.memory_space<hbm>> -> memref<10000x48xf32, #tpu.memory_space<hbm>>
      tpu.enqueue_indirect_dma source(%dma_start3A_1185 : memref<10000x48xf32, #tpu.memory_space<hbm>>) target(%dma_start3A_1179 : memref<80x48xf32, #tpu.memory_space<vmem>>) offsets(%dma_start3A_1182 : memref<80xi32, #tpu.memory_space<vmem>>) semaphore(%arg15 : memref<!tpu.dma_semaphore, #tpu.memory_space<semaphore_mem>>)
      %add3A_1186 = arith.constant 2 : i32
      %add3A_1187 = arith.addi %mul3A_922, %add3A_1186 : i32
      %dma_wait3A_1188 = arith.constant 0 : i32
      %dma_wait3A_1189 = arith.constant 0 : i32
      %dma_wait3A_1190 = arith.constant 0 : i32
      %dma_wait3A_1191 = tpu.memref_slice %arg10[%dma_wait3A_1189, %dma_wait3A_1190] : memref<400x48xf32, #tpu.memory_space<vmem>> -> memref<80x48xf32, #tpu.memory_space<vmem>>
      %dma_wait3A_1192 = arith.constant 0 : i32
      %dma_wait3A_1193 = tpu.memref_slice %arg9[%add3A_1187, %dma_wait3A_1188, %dma_wait3A_1192] : memref<25x5x80xi32, #tpu.memory_space<vmem>> -> memref<1x1x80xi32, #tpu.memory_space<vmem>>
      %dma_wait3A_1194 = tpu.memref_squeeze %dma_wait3A_1193 : memref<1x1x80xi32, #tpu.memory_space<vmem>> -> memref<80xi32, #tpu.memory_space<vmem>>
      %dma_wait3A_1195 = arith.constant 0 : i32
      %dma_wait3A_1196 = arith.constant 0 : i32
      %dma_wait3A_1197 = tpu.memref_slice %arg3[%dma_wait3A_1195, %dma_wait3A_1196] : memref<10000x48xf32, #tpu.memory_space<hbm>> -> memref<10000x48xf32, #tpu.memory_space<hbm>>
      tpu.wait_indirect_dma semaphore(%arg14 : memref<!tpu.dma_semaphore, #tpu.memory_space<semaphore_mem>>) src(%dma_wait3A_1197 : memref<10000x48xf32, #tpu.memory_space<hbm>>) dst(%dma_wait3A_1191 : memref<80x48xf32, #tpu.memory_space<vmem>>)
      %dma_wait3A_1198 = arith.constant 1 : i32
      %dma_wait3A_1199 = arith.constant 80 : i32
      %dma_wait3A_1200 = arith.constant 0 : i32
      %dma_wait3A_1201 = tpu.memref_slice %arg10[%dma_wait3A_1199, %dma_wait3A_1200] : memref<400x48xf32, #tpu.memory_space<vmem>> -> memref<80x48xf32, #tpu.memory_space<vmem>>
      %dma_wait3A_1202 = arith.constant 0 : i32
      %dma_wait3A_1203 = tpu.memref_slice %arg9[%add3A_1187, %dma_wait3A_1198, %dma_wait3A_1202] : memref<25x5x80xi32, #tpu.memory_space<vmem>> -> memref<1x1x80xi32, #tpu.memory_space<vmem>>
      %dma_wait3A_1204 = tpu.memref_squeeze %dma_wait3A_1203 : memref<1x1x80xi32, #tpu.memory_space<vmem>> -> memref<80xi32, #tpu.memory_space<vmem>>
      %dma_wait3A_1205 = arith.constant 0 : i32
      %dma_wait3A_1206 = arith.constant 0 : i32
      %dma_wait3A_1207 = tpu.memref_slice %arg3[%dma_wait3A_1205, %dma_wait3A_1206] : memref<10000x48xf32, #tpu.memory_space<hbm>> -> memref<10000x48xf32, #tpu.memory_space<hbm>>
      tpu.wait_indirect_dma semaphore(%arg14 : memref<!tpu.dma_semaphore, #tpu.memory_space<semaphore_mem>>) src(%dma_wait3A_1207 : memref<10000x48xf32, #tpu.memory_space<hbm>>) dst(%dma_wait3A_1201 : memref<80x48xf32, #tpu.memory_space<vmem>>)
      %dma_wait3A_1208 = arith.constant 2 : i32
      %dma_wait3A_1209 = arith.constant 160 : i32
      %dma_wait3A_1210 = arith.constant 0 : i32
      %dma_wait3A_1211 = tpu.memref_slice %arg10[%dma_wait3A_1209, %dma_wait3A_1210] : memref<400x48xf32, #tpu.memory_space<vmem>> -> memref<80x48xf32, #tpu.memory_space<vmem>>
      %dma_wait3A_1212 = arith.constant 0 : i32
      %dma_wait3A_1213 = tpu.memref_slice %arg9[%add3A_1187, %dma_wait3A_1208, %dma_wait3A_1212] : memref<25x5x80xi32, #tpu.memory_space<vmem>> -> memref<1x1x80xi32, #tpu.memory_space<vmem>>
      %dma_wait3A_1214 = tpu.memref_squeeze %dma_wait3A_1213 : memref<1x1x80xi32, #tpu.memory_space<vmem>> -> memref<80xi32, #tpu.memory_space<vmem>>
      %dma_wait3A_1215 = arith.constant 0 : i32
      %dma_wait3A_1216 = arith.constant 0 : i32
      %dma_wait3A_1217 = tpu.memref_slice %arg3[%dma_wait3A_1215, %dma_wait3A_1216] : memref<10000x48xf32, #tpu.memory_space<hbm>> -> memref<10000x48xf32, #tpu.memory_space<hbm>>
      tpu.wait_indirect_dma semaphore(%arg14 : memref<!tpu.dma_semaphore, #tpu.memory_space<semaphore_mem>>) src(%dma_wait3A_1217 : memref<10000x48xf32, #tpu.memory_space<hbm>>) dst(%dma_wait3A_1211 : memref<80x48xf32, #tpu.memory_space<vmem>>)
      %dma_wait3A_1218 = arith.constant 3 : i32
      %dma_wait3A_1219 = arith.constant 240 : i32
      %dma_wait3A_1220 = arith.constant 0 : i32
      %dma_wait3A_1221 = tpu.memref_slice %arg10[%dma_wait3A_1219, %dma_wait3A_1220] : memref<400x48xf32, #tpu.memory_space<vmem>> -> memref<80x48xf32, #tpu.memory_space<vmem>>
      %dma_wait3A_1222 = arith.constant 0 : i32
      %dma_wait3A_1223 = tpu.memref_slice %arg9[%add3A_1187, %dma_wait3A_1218, %dma_wait3A_1222] : memref<25x5x80xi32, #tpu.memory_space<vmem>> -> memref<1x1x80xi32, #tpu.memory_space<vmem>>
      %dma_wait3A_1224 = tpu.memref_squeeze %dma_wait3A_1223 : memref<1x1x80xi32, #tpu.memory_space<vmem>> -> memref<80xi32, #tpu.memory_space<vmem>>
      %dma_wait3A_1225 = arith.constant 0 : i32
      %dma_wait3A_1226 = arith.constant 0 : i32
      %dma_wait3A_1227 = tpu.memref_slice %arg3[%dma_wait3A_1225, %dma_wait3A_1226] : memref<10000x48xf32, #tpu.memory_space<hbm>> -> memref<10000x48xf32, #tpu.memory_space<hbm>>
      tpu.wait_indirect_dma semaphore(%arg14 : memref<!tpu.dma_semaphore, #tpu.memory_space<semaphore_mem>>) src(%dma_wait3A_1227 : memref<10000x48xf32, #tpu.memory_space<hbm>>) dst(%dma_wait3A_1221 : memref<80x48xf32, #tpu.memory_space<vmem>>)
      %dma_wait3A_1228 = arith.constant 4 : i32
      %dma_wait3A_1229 = arith.constant 320 : i32
      %dma_wait3A_1230 = arith.constant 0 : i32
      %dma_wait3A_1231 = tpu.memref_slice %arg10[%dma_wait3A_1229, %dma_wait3A_1230] : memref<400x48xf32, #tpu.memory_space<vmem>> -> memref<80x48xf32, #tpu.memory_space<vmem>>
      %dma_wait3A_1232 = arith.constant 0 : i32
      %dma_wait3A_1233 = tpu.memref_slice %arg9[%add3A_1187, %dma_wait3A_1228, %dma_wait3A_1232] : memref<25x5x80xi32, #tpu.memory_space<vmem>> -> memref<1x1x80xi32, #tpu.memory_space<vmem>>
      %dma_wait3A_1234 = tpu.memref_squeeze %dma_wait3A_1233 : memref<1x1x80xi32, #tpu.memory_space<vmem>> -> memref<80xi32, #tpu.memory_space<vmem>>
      %dma_wait3A_1235 = arith.constant 0 : i32
      %dma_wait3A_1236 = arith.constant 0 : i32
      %dma_wait3A_1237 = tpu.memref_slice %arg3[%dma_wait3A_1235, %dma_wait3A_1236] : memref<10000x48xf32, #tpu.memory_space<hbm>> -> memref<10000x48xf32, #tpu.memory_space<hbm>>
      tpu.wait_indirect_dma semaphore(%arg14 : memref<!tpu.dma_semaphore, #tpu.memory_space<semaphore_mem>>) src(%dma_wait3A_1237 : memref<10000x48xf32, #tpu.memory_space<hbm>>) dst(%dma_wait3A_1231 : memref<80x48xf32, #tpu.memory_space<vmem>>)
      %add3A_1238 = arith.constant 1 : i32
      %add3A_1239 = arith.addi %mul3A_922, %add3A_1238 : i32
      %dma_wait3A_1240 = arith.constant 0 : i32
      %dma_wait3A_1241 = arith.constant 0 : i32
      %dma_wait3A_1242 = arith.constant 0 : i32
      %dma_wait3A_1243 = tpu.memref_slice %arg12[%dma_wait3A_1241, %dma_wait3A_1242] : memref<400x48xf32, #tpu.memory_space<vmem>> -> memref<80x48xf32, #tpu.memory_space<vmem>>
      %dma_wait3A_1244 = arith.constant 0 : i32
      %dma_wait3A_1245 = tpu.memref_slice %arg8[%add3A_1239, %dma_wait3A_1240, %dma_wait3A_1244] : memref<25x5x80xi32, #tpu.memory_space<vmem>> -> memref<1x1x80xi32, #tpu.memory_space<vmem>>
      %dma_wait3A_1246 = tpu.memref_squeeze %dma_wait3A_1245 : memref<1x1x80xi32, #tpu.memory_space<vmem>> -> memref<80xi32, #tpu.memory_space<vmem>>
      %dma_wait3A_1247 = arith.constant 0 : i32
      %dma_wait3A_1248 = arith.constant 0 : i32
      %dma_wait3A_1249 = tpu.memref_slice %arg13[%dma_wait3A_1247, %dma_wait3A_1248] : memref<10240x48xf32, #tpu.memory_space<vmem_shared>> -> memref<10240x48xf32, #tpu.memory_space<vmem_shared>>
      tpu.wait_indirect_dma semaphore(%arg16 : memref<!tpu.dma_semaphore, #tpu.memory_space<semaphore_mem>>) src(%dma_wait3A_1243 : memref<80x48xf32, #tpu.memory_space<vmem>>) dst(%dma_wait3A_1249 : memref<10240x48xf32, #tpu.memory_space<vmem_shared>>)
      %dma_wait3A_1250 = arith.constant 1 : i32
      %dma_wait3A_1251 = arith.constant 80 : i32
      %dma_wait3A_1252 = arith.constant 0 : i32
      %dma_wait3A_1253 = tpu.memref_slice %arg12[%dma_wait3A_1251, %dma_wait3A_1252] : memref<400x48xf32, #tpu.memory_space<vmem>> -> memref<80x48xf32, #tpu.memory_space<vmem>>
      %dma_wait3A_1254 = arith.constant 0 : i32
      %dma_wait3A_1255 = tpu.memref_slice %arg8[%add3A_1239, %dma_wait3A_1250, %dma_wait3A_1254] : memref<25x5x80xi32, #tpu.memory_space<vmem>> -> memref<1x1x80xi32, #tpu.memory_space<vmem>>
      %dma_wait3A_1256 = tpu.memref_squeeze %dma_wait3A_1255 : memref<1x1x80xi32, #tpu.memory_space<vmem>> -> memref<80xi32, #tpu.memory_space<vmem>>
      %dma_wait3A_1257 = arith.constant 0 : i32
      %dma_wait3A_1258 = arith.constant 0 : i32
      %dma_wait3A_1259 = tpu.memref_slice %arg13[%dma_wait3A_1257, %dma_wait3A_1258] : memref<10240x48xf32, #tpu.memory_space<vmem_shared>> -> memref<10240x48xf32, #tpu.memory_space<vmem_shared>>
      tpu.wait_indirect_dma semaphore(%arg16 : memref<!tpu.dma_semaphore, #tpu.memory_space<semaphore_mem>>) src(%dma_wait3A_1253 : memref<80x48xf32, #tpu.memory_space<vmem>>) dst(%dma_wait3A_1259 : memref<10240x48xf32, #tpu.memory_space<vmem_shared>>)
      %dma_wait3A_1260 = arith.constant 2 : i32
      %dma_wait3A_1261 = arith.constant 160 : i32
      %dma_wait3A_1262 = arith.constant 0 : i32
      %dma_wait3A_1263 = tpu.memref_slice %arg12[%dma_wait3A_1261, %dma_wait3A_1262] : memref<400x48xf32, #tpu.memory_space<vmem>> -> memref<80x48xf32, #tpu.memory_space<vmem>>
      %dma_wait3A_1264 = arith.constant 0 : i32
      %dma_wait3A_1265 = tpu.memref_slice %arg8[%add3A_1239, %dma_wait3A_1260, %dma_wait3A_1264] : memref<25x5x80xi32, #tpu.memory_space<vmem>> -> memref<1x1x80xi32, #tpu.memory_space<vmem>>
      %dma_wait3A_1266 = tpu.memref_squeeze %dma_wait3A_1265 : memref<1x1x80xi32, #tpu.memory_space<vmem>> -> memref<80xi32, #tpu.memory_space<vmem>>
      %dma_wait3A_1267 = arith.constant 0 : i32
      %dma_wait3A_1268 = arith.constant 0 : i32
      %dma_wait3A_1269 = tpu.memref_slice %arg13[%dma_wait3A_1267, %dma_wait3A_1268] : memref<10240x48xf32, #tpu.memory_space<vmem_shared>> -> memref<10240x48xf32, #tpu.memory_space<vmem_shared>>
      tpu.wait_indirect_dma semaphore(%arg16 : memref<!tpu.dma_semaphore, #tpu.memory_space<semaphore_mem>>) src(%dma_wait3A_1263 : memref<80x48xf32, #tpu.memory_space<vmem>>) dst(%dma_wait3A_1269 : memref<10240x48xf32, #tpu.memory_space<vmem_shared>>)
      %dma_wait3A_1270 = arith.constant 3 : i32
      %dma_wait3A_1271 = arith.constant 240 : i32
      %dma_wait3A_1272 = arith.constant 0 : i32
      %dma_wait3A_1273 = tpu.memref_slice %arg12[%dma_wait3A_1271, %dma_wait3A_1272] : memref<400x48xf32, #tpu.memory_space<vmem>> -> memref<80x48xf32, #tpu.memory_space<vmem>>
      %dma_wait3A_1274 = arith.constant 0 : i32
      %dma_wait3A_1275 = tpu.memref_slice %arg8[%add3A_1239, %dma_wait3A_1270, %dma_wait3A_1274] : memref<25x5x80xi32, #tpu.memory_space<vmem>> -> memref<1x1x80xi32, #tpu.memory_space<vmem>>
      %dma_wait3A_1276 = tpu.memref_squeeze %dma_wait3A_1275 : memref<1x1x80xi32, #tpu.memory_space<vmem>> -> memref<80xi32, #tpu.memory_space<vmem>>
      %dma_wait3A_1277 = arith.constant 0 : i32
      %dma_wait3A_1278 = arith.constant 0 : i32
      %dma_wait3A_1279 = tpu.memref_slice %arg13[%dma_wait3A_1277, %dma_wait3A_1278] : memref<10240x48xf32, #tpu.memory_space<vmem_shared>> -> memref<10240x48xf32, #tpu.memory_space<vmem_shared>>
      tpu.wait_indirect_dma semaphore(%arg16 : memref<!tpu.dma_semaphore, #tpu.memory_space<semaphore_mem>>) src(%dma_wait3A_1273 : memref<80x48xf32, #tpu.memory_space<vmem>>) dst(%dma_wait3A_1279 : memref<10240x48xf32, #tpu.memory_space<vmem_shared>>)
      %dma_wait3A_1280 = arith.constant 4 : i32
      %dma_wait3A_1281 = arith.constant 320 : i32
      %dma_wait3A_1282 = arith.constant 0 : i32
      %dma_wait3A_1283 = tpu.memref_slice %arg12[%dma_wait3A_1281, %dma_wait3A_1282] : memref<400x48xf32, #tpu.memory_space<vmem>> -> memref<80x48xf32, #tpu.memory_space<vmem>>
      %dma_wait3A_1284 = arith.constant 0 : i32
      %dma_wait3A_1285 = tpu.memref_slice %arg8[%add3A_1239, %dma_wait3A_1280, %dma_wait3A_1284] : memref<25x5x80xi32, #tpu.memory_space<vmem>> -> memref<1x1x80xi32, #tpu.memory_space<vmem>>
      %dma_wait3A_1286 = tpu.memref_squeeze %dma_wait3A_1285 : memref<1x1x80xi32, #tpu.memory_space<vmem>> -> memref<80xi32, #tpu.memory_space<vmem>>
      %dma_wait3A_1287 = arith.constant 0 : i32
      %dma_wait3A_1288 = arith.constant 0 : i32
      %dma_wait3A_1289 = tpu.memref_slice %arg13[%dma_wait3A_1287, %dma_wait3A_1288] : memref<10240x48xf32, #tpu.memory_space<vmem_shared>> -> memref<10240x48xf32, #tpu.memory_space<vmem_shared>>
      tpu.wait_indirect_dma semaphore(%arg16 : memref<!tpu.dma_semaphore, #tpu.memory_space<semaphore_mem>>) src(%dma_wait3A_1283 : memref<80x48xf32, #tpu.memory_space<vmem>>) dst(%dma_wait3A_1289 : memref<10240x48xf32, #tpu.memory_space<vmem_shared>>)
      %add3A_1290 = arith.constant 2 : i32
      %add3A_1291 = arith.addi %mul3A_922, %add3A_1290 : i32
      %parallel_loop3A_1292 = arith.constant 0 : i32
      %parallel_loop3A_1293 = arith.constant 25 : i32
      %parallel_loop3A_1294 = arith.constant 1 : i32
      scf.for %parallel_loop3A_1347 = %parallel_loop3A_1292 to %parallel_loop3A_1293 step %parallel_loop3A_1294  : i32 {
        %parallel_loop3A_1348 = arith.constant 16 : i32
        %parallel_loop3A_1349 = arith.muli %parallel_loop3A_1347, %parallel_loop3A_1348 : i32
        %parallel_loop3A_1350 = vector.broadcast %parallel_loop3A_1349 : i32 to vector<16xi32>
        %parallel_loop3A_1351 = arith.addi %iota3A, %parallel_loop3A_1350 : vector<16xi32>
        %parallel_loop3A_1352 = arith.constant 5 : i32
        %parallel_loop3A_1353 = arith.divsi %parallel_loop3A_1347, %parallel_loop3A_1352 : i32
        %parallel_loop3A_1354 = arith.constant 0 : i32
        %parallel_loop3A_1355 = arith.cmpi sgt, %parallel_loop3A_1347, %parallel_loop3A_1354 : i32
        %parallel_loop3A_1356 = arith.extui %parallel_loop3A_1355 : i1 to i32
        %parallel_loop3A_1357 = arith.constant 0 : i32
        %parallel_loop3A_1358 = arith.cmpi slt, %parallel_loop3A_1347, %parallel_loop3A_1357 : i32
        %parallel_loop3A_1359 = arith.extui %parallel_loop3A_1358 : i1 to i32
        %parallel_loop3A_1360 = arith.subi %parallel_loop3A_1356, %parallel_loop3A_1359 : i32
        %parallel_loop3A_1361 = arith.constant 0 : i32
        %parallel_loop3A_1362 = arith.cmpi sgt, %parallel_loop3A_1352, %parallel_loop3A_1361 : i32
        %parallel_loop3A_1363 = arith.extui %parallel_loop3A_1362 : i1 to i32
        %parallel_loop3A_1364 = arith.constant 0 : i32
        %parallel_loop3A_1365 = arith.cmpi slt, %parallel_loop3A_1352, %parallel_loop3A_1364 : i32
        %parallel_loop3A_1366 = arith.extui %parallel_loop3A_1365 : i1 to i32
        %parallel_loop3A_1367 = arith.subi %parallel_loop3A_1363, %parallel_loop3A_1366 : i32
        %parallel_loop3A_1368 = arith.cmpi ne, %parallel_loop3A_1360, %parallel_loop3A_1367 : i32
        %parallel_loop3A_1369 = arith.remsi %parallel_loop3A_1347, %parallel_loop3A_1352 : i32
        %parallel_loop3A_1370 = arith.constant 0 : i32
        %parallel_loop3A_1371 = arith.cmpi ne, %parallel_loop3A_1369, %parallel_loop3A_1370 : i32
        %parallel_loop3A_1372 = arith.andi %parallel_loop3A_1368, %parallel_loop3A_1371 : i1
        %parallel_loop3A_1373 = arith.constant 1 : i32
        %parallel_loop3A_1374 = arith.subi %parallel_loop3A_1353, %parallel_loop3A_1373 : i32
        %parallel_loop3A_1375 = arith.select %parallel_loop3A_1372, %parallel_loop3A_1374, %parallel_loop3A_1353 : i32
        %parallel_loop3A_1376 = arith.constant 5 : i32
        %parallel_loop3A_1377 = arith.constant 0 : i32
        %parallel_loop3A_1378 = arith.cmpi eq, %parallel_loop3A_1376, %parallel_loop3A_1377 : i32
        %parallel_loop3A_1379 = arith.constant 1 : i32
        %parallel_loop3A_1380 = arith.select %parallel_loop3A_1378, %parallel_loop3A_1379, %parallel_loop3A_1376 : i32
        %parallel_loop3A_1381 = arith.remsi %parallel_loop3A_1347, %parallel_loop3A_1380 : i32
        %parallel_loop3A_1382 = arith.constant 0 : i32
        %parallel_loop3A_1383 = arith.cmpi ne, %parallel_loop3A_1381, %parallel_loop3A_1382 : i32
        %parallel_loop3A_1384 = arith.constant 0 : i32
        %parallel_loop3A_1385 = arith.cmpi slt, %parallel_loop3A_1381, %parallel_loop3A_1384 : i32
        %parallel_loop3A_1386 = arith.constant 0 : i32
        %parallel_loop3A_1387 = arith.cmpi slt, %parallel_loop3A_1380, %parallel_loop3A_1386 : i32
        %parallel_loop3A_1388 = arith.xori %parallel_loop3A_1385, %parallel_loop3A_1387 : i1
        %parallel_loop3A_1389 = arith.andi %parallel_loop3A_1388, %parallel_loop3A_1383 : i1
        %parallel_loop3A_1390 = arith.addi %parallel_loop3A_1381, %parallel_loop3A_1380 : i32
        %parallel_loop3A_1391 = arith.select %parallel_loop3A_1389, %parallel_loop3A_1390, %parallel_loop3A_1381 : i32
        %parallel_loop3A_1392 = arith.constant 16 : i32
        %parallel_loop3A_1393 = arith.muli %parallel_loop3A_1391, %parallel_loop3A_1392 : i32
        %parallel_loop3A_1394 = arith.index_cast %add3A_1291 : i32 to index
        %parallel_loop3A_1395 = arith.index_cast %parallel_loop3A_1375 : i32 to index
        %parallel_loop3A_1396 = arith.index_cast %parallel_loop3A_1393 : i32 to index
        %parallel_loop3A_1397 = tpu.vector_load %arg8[%parallel_loop3A_1394, %parallel_loop3A_1395, %parallel_loop3A_1396] {strides = array<i32>} : memref<25x5x80xi32, #tpu.memory_space<vmem>>, vector<16xi32>,
        %parallel_loop3A_1398 = tpu.vector_load_idx %arg7[%parallel_loop3A_1397] : memref<10000xf32, #tpu.memory_space<vmem>>[vector<16xi32>], vector<16xf32>,
        %parallel_loop3A_1399 = tpu.vector_load_idx %arg10[%parallel_loop3A_1351, %broadcast_in_dim3A_240] : memref<400x48xf32, #tpu.memory_space<vmem>>[vector<16xi32>, vector<16xi32>], vector<16xf32>,
        %parallel_loop3A_1400 = arith.addf %parallel_loop3A_1398, %parallel_loop3A_1399 : vector<16xf32>
        %parallel_loop3A_1401 = arith.constant 0.000000e+00 : f32
        %parallel_loop3A_1402 = vector.broadcast %parallel_loop3A_1401 : f32 to vector<16xf32>
        %parallel_loop3A_1403 = arith.cmpf oge, %parallel_loop3A_1400, %parallel_loop3A_1402 : vector<16xf32>
        %parallel_loop3A_1404 = arith.constant 3.000000e-01 : f32
        %parallel_loop3A_1405 = vector.broadcast %parallel_loop3A_1404 : f32 to vector<16xf32>
        %parallel_loop3A_1406 = arith.mulf %parallel_loop3A_1405, %parallel_loop3A_1400 : vector<16xf32>
        %parallel_loop3A_1407 = arith.select %parallel_loop3A_1403, %parallel_loop3A_1400, %parallel_loop3A_1406 : vector<16xi1>, vector<16xf32>
        %parallel_loop3A_1408 = math.exp %parallel_loop3A_1407 : vector<16xf32>
        tpu.vector_store_idx %arg12[%parallel_loop3A_1351, %broadcast_in_dim3A_238], %parallel_loop3A_1408 : memref<400x48xf32, #tpu.memory_space<vmem>>[vector<16xi32>, vector<16xi32>], vector<16xf32>,
        %parallel_loop3A_1409 = arith.constant 0 : i32
        %parallel_loop3A_1410 = arith.constant 32 : i32
        %parallel_loop3A_1411 = arith.constant 1 : i32
        scf.for %parallel_loop3A_1412 = %parallel_loop3A_1409 to %parallel_loop3A_1410 step %parallel_loop3A_1411  : i32 {
          %parallel_loop3A_1413 = arith.constant 0 : i32
          %parallel_loop3A_1414 = vector.broadcast %parallel_loop3A_1413 : i32 to vector<16xi32>
          %parallel_loop3A_1415 = vector.broadcast %parallel_loop3A_1412 : i32 to vector<16xi32>
          %parallel_loop3A_1416 = arith.addi %parallel_loop3A_1414, %parallel_loop3A_1415 : vector<16xi32>
          %parallel_loop3A_1417 = tpu.vector_load_idx %arg10[%parallel_loop3A_1351, %parallel_loop3A_1416] : memref<400x48xf32, #tpu.memory_space<vmem>>[vector<16xi32>, vector<16xi32>], vector<16xf32>,
          %parallel_loop3A_1418 = arith.mulf %parallel_loop3A_1417, %parallel_loop3A_1408 : vector<16xf32>
          tpu.vector_store_idx %arg12[%parallel_loop3A_1351, %parallel_loop3A_1416], %parallel_loop3A_1418 : memref<400x48xf32, #tpu.memory_space<vmem>>[vector<16xi32>, vector<16xi32>], vector<16xf32>,
        } {sc.loop_unroll_factor = 8 : i64, sc.parallel_access}
      } {sc.loop_unroll_factor = 5 : i64, sc.parallel_access}
      %add3A_1295 = arith.constant 2 : i32
      %add3A_1296 = arith.addi %mul3A_922, %add3A_1295 : i32
      %dma_start3A_1297 = arith.constant 0 : i32
      %dma_start3A_1298 = arith.constant 0 : i32
      %dma_start3A_1299 = arith.constant 0 : i32
      %dma_start3A_1300 = tpu.memref_slice %arg12[%dma_start3A_1298, %dma_start3A_1299] : memref<400x48xf32, #tpu.memory_space<vmem>> -> memref<80x48xf32, #tpu.memory_space<vmem>>
      %dma_start3A_1301 = arith.constant 0 : i32
      %dma_start3A_1302 = tpu.memref_slice %arg8[%add3A_1296, %dma_start3A_1297, %dma_start3A_1301] : memref<25x5x80xi32, #tpu.memory_space<vmem>> -> memref<1x1x80xi32, #tpu.memory_space<vmem>>
      %dma_start3A_1303 = tpu.memref_squeeze %dma_start3A_1302 : memref<1x1x80xi32, #tpu.memory_space<vmem>> -> memref<80xi32, #tpu.memory_space<vmem>>
      %dma_start3A_1304 = arith.constant 0 : i32
      %dma_start3A_1305 = arith.constant 0 : i32
      %dma_start3A_1306 = tpu.memref_slice %arg13[%dma_start3A_1304, %dma_start3A_1305] : memref<10240x48xf32, #tpu.memory_space<vmem_shared>> -> memref<10240x48xf32, #tpu.memory_space<vmem_shared>>
      tpu.enqueue_indirect_dma source(%dma_start3A_1300 : memref<80x48xf32, #tpu.memory_space<vmem>>) target(%dma_start3A_1306 : memref<10240x48xf32, #tpu.memory_space<vmem_shared>>) offsets(%dma_start3A_1303 : memref<80xi32, #tpu.memory_space<vmem>>) semaphore(%arg16 : memref<!tpu.dma_semaphore, #tpu.memory_space<semaphore_mem>>) {add = true}
      %dma_start3A_1307 = arith.constant 1 : i32
      %dma_start3A_1308 = arith.constant 80 : i32
      %dma_start3A_1309 = arith.constant 0 : i32
      %dma_start3A_1310 = tpu.memref_slice %arg12[%dma_start3A_1308, %dma_start3A_1309] : memref<400x48xf32, #tpu.memory_space<vmem>> -> memref<80x48xf32, #tpu.memory_space<vmem>>
      %dma_start3A_1311 = arith.constant 0 : i32
      %dma_start3A_1312 = tpu.memref_slice %arg8[%add3A_1296, %dma_start3A_1307, %dma_start3A_1311] : memref<25x5x80xi32, #tpu.memory_space<vmem>> -> memref<1x1x80xi32, #tpu.memory_space<vmem>>
      %dma_start3A_1313 = tpu.memref_squeeze %dma_start3A_1312 : memref<1x1x80xi32, #tpu.memory_space<vmem>> -> memref<80xi32, #tpu.memory_space<vmem>>
      %dma_start3A_1314 = arith.constant 0 : i32
      %dma_start3A_1315 = arith.constant 0 : i32
      %dma_start3A_1316 = tpu.memref_slice %arg13[%dma_start3A_1314, %dma_start3A_1315] : memref<10240x48xf32, #tpu.memory_space<vmem_shared>> -> memref<10240x48xf32, #tpu.memory_space<vmem_shared>>
      tpu.enqueue_indirect_dma source(%dma_start3A_1310 : memref<80x48xf32, #tpu.memory_space<vmem>>) target(%dma_start3A_1316 : memref<10240x48xf32, #tpu.memory_space<vmem_shared>>) offsets(%dma_start3A_1313 : memref<80xi32, #tpu.memory_space<vmem>>) semaphore(%arg16 : memref<!tpu.dma_semaphore, #tpu.memory_space<semaphore_mem>>) {add = true}
      %dma_start3A_1317 = arith.constant 2 : i32
      %dma_start3A_1318 = arith.constant 160 : i32
      %dma_start3A_1319 = arith.constant 0 : i32
      %dma_start3A_1320 = tpu.memref_slice %arg12[%dma_start3A_1318, %dma_start3A_1319] : memref<400x48xf32, #tpu.memory_space<vmem>> -> memref<80x48xf32, #tpu.memory_space<vmem>>
      %dma_start3A_1321 = arith.constant 0 : i32
      %dma_start3A_1322 = tpu.memref_slice %arg8[%add3A_1296, %dma_start3A_1317, %dma_start3A_1321] : memref<25x5x80xi32, #tpu.memory_space<vmem>> -> memref<1x1x80xi32, #tpu.memory_space<vmem>>
      %dma_start3A_1323 = tpu.memref_squeeze %dma_start3A_1322 : memref<1x1x80xi32, #tpu.memory_space<vmem>> -> memref<80xi32, #tpu.memory_space<vmem>>
      %dma_start3A_1324 = arith.constant 0 : i32
      %dma_start3A_1325 = arith.constant 0 : i32
      %dma_start3A_1326 = tpu.memref_slice %arg13[%dma_start3A_1324, %dma_start3A_1325] : memref<10240x48xf32, #tpu.memory_space<vmem_shared>> -> memref<10240x48xf32, #tpu.memory_space<vmem_shared>>
      tpu.enqueue_indirect_dma source(%dma_start3A_1320 : memref<80x48xf32, #tpu.memory_space<vmem>>) target(%dma_start3A_1326 : memref<10240x48xf32, #tpu.memory_space<vmem_shared>>) offsets(%dma_start3A_1323 : memref<80xi32, #tpu.memory_space<vmem>>) semaphore(%arg16 : memref<!tpu.dma_semaphore, #tpu.memory_space<semaphore_mem>>) {add = true}
      %dma_start3A_1327 = arith.constant 3 : i32
      %dma_start3A_1328 = arith.constant 240 : i32
      %dma_start3A_1329 = arith.constant 0 : i32
      %dma_start3A_1330 = tpu.memref_slice %arg12[%dma_start3A_1328, %dma_start3A_1329] : memref<400x48xf32, #tpu.memory_space<vmem>> -> memref<80x48xf32, #tpu.memory_space<vmem>>
      %dma_start3A_1331 = arith.constant 0 : i32
      %dma_start3A_1332 = tpu.memref_slice %arg8[%add3A_1296, %dma_start3A_1327, %dma_start3A_1331] : memref<25x5x80xi32, #tpu.memory_space<vmem>> -> memref<1x1x80xi32, #tpu.memory_space<vmem>>
      %dma_start3A_1333 = tpu.memref_squeeze %dma_start3A_1332 : memref<1x1x80xi32, #tpu.memory_space<vmem>> -> memref<80xi32, #tpu.memory_space<vmem>>
      %dma_start3A_1334 = arith.constant 0 : i32
      %dma_start3A_1335 = arith.constant 0 : i32
      %dma_start3A_1336 = tpu.memref_slice %arg13[%dma_start3A_1334, %dma_start3A_1335] : memref<10240x48xf32, #tpu.memory_space<vmem_shared>> -> memref<10240x48xf32, #tpu.memory_space<vmem_shared>>
      tpu.enqueue_indirect_dma source(%dma_start3A_1330 : memref<80x48xf32, #tpu.memory_space<vmem>>) target(%dma_start3A_1336 : memref<10240x48xf32, #tpu.memory_space<vmem_shared>>) offsets(%dma_start3A_1333 : memref<80xi32, #tpu.memory_space<vmem>>) semaphore(%arg16 : memref<!tpu.dma_semaphore, #tpu.memory_space<semaphore_mem>>) {add = true}
      %dma_start3A_1337 = arith.constant 4 : i32
      %dma_start3A_1338 = arith.constant 320 : i32
      %dma_start3A_1339 = arith.constant 0 : i32
      %dma_start3A_1340 = tpu.memref_slice %arg12[%dma_start3A_1338, %dma_start3A_1339] : memref<400x48xf32, #tpu.memory_space<vmem>> -> memref<80x48xf32, #tpu.memory_space<vmem>>
      %dma_start3A_1341 = arith.constant 0 : i32
      %dma_start3A_1342 = tpu.memref_slice %arg8[%add3A_1296, %dma_start3A_1337, %dma_start3A_1341] : memref<25x5x80xi32, #tpu.memory_space<vmem>> -> memref<1x1x80xi32, #tpu.memory_space<vmem>>
      %dma_start3A_1343 = tpu.memref_squeeze %dma_start3A_1342 : memref<1x1x80xi32, #tpu.memory_space<vmem>> -> memref<80xi32, #tpu.memory_space<vmem>>
      %dma_start3A_1344 = arith.constant 0 : i32
      %dma_start3A_1345 = arith.constant 0 : i32
      %dma_start3A_1346 = tpu.memref_slice %arg13[%dma_start3A_1344, %dma_start3A_1345] : memref<10240x48xf32, #tpu.memory_space<vmem_shared>> -> memref<10240x48xf32, #tpu.memory_space<vmem_shared>>
      tpu.enqueue_indirect_dma source(%dma_start3A_1340 : memref<80x48xf32, #tpu.memory_space<vmem>>) target(%dma_start3A_1346 : memref<10240x48xf32, #tpu.memory_space<vmem_shared>>) offsets(%dma_start3A_1343 : memref<80xi32, #tpu.memory_space<vmem>>) semaphore(%arg16 : memref<!tpu.dma_semaphore, #tpu.memory_space<semaphore_mem>>) {add = true}
    }
    %scan3A_468 = arith.constant 11 : i32
    %dma_start3A_469 = arith.constant 24 : i32
    %dma_start3A_470 = arith.constant 0 : i32
    %dma_start3A_471 = arith.constant 0 : i32
    %dma_start3A_472 = arith.constant 0 : i32
    %dma_start3A_473 = tpu.memref_slice %arg10[%dma_start3A_471, %dma_start3A_472] : memref<400x48xf32, #tpu.memory_space<vmem>> -> memref<80x48xf32, #tpu.memory_space<vmem>>
    %dma_start3A_474 = arith.constant 0 : i32
    %dma_start3A_475 = tpu.memref_slice %arg9[%dma_start3A_469, %dma_start3A_470, %dma_start3A_474] : memref<25x5x80xi32, #tpu.memory_space<vmem>> -> memref<1x1x80xi32, #tpu.memory_space<vmem>>
    %dma_start3A_476 = tpu.memref_squeeze %dma_start3A_475 : memref<1x1x80xi32, #tpu.memory_space<vmem>> -> memref<80xi32, #tpu.memory_space<vmem>>
    %dma_start3A_477 = arith.constant 0 : i32
    %dma_start3A_478 = arith.constant 0 : i32
    %dma_start3A_479 = tpu.memref_slice %arg3[%dma_start3A_477, %dma_start3A_478] : memref<10000x48xf32, #tpu.memory_space<hbm>> -> memref<10000x48xf32, #tpu.memory_space<hbm>>
    tpu.enqueue_indirect_dma source(%dma_start3A_479 : memref<10000x48xf32, #tpu.memory_space<hbm>>) target(%dma_start3A_473 : memref<80x48xf32, #tpu.memory_space<vmem>>) offsets(%dma_start3A_476 : memref<80xi32, #tpu.memory_space<vmem>>) semaphore(%arg14 : memref<!tpu.dma_semaphore, #tpu.memory_space<semaphore_mem>>)
    %dma_start3A_480 = arith.constant 24 : i32
    %dma_start3A_481 = arith.constant 1 : i32
    %dma_start3A_482 = arith.constant 80 : i32
    %dma_start3A_483 = arith.constant 0 : i32
    %dma_start3A_484 = tpu.memref_slice %arg10[%dma_start3A_482, %dma_start3A_483] : memref<400x48xf32, #tpu.memory_space<vmem>> -> memref<80x48xf32, #tpu.memory_space<vmem>>
    %dma_start3A_485 = arith.constant 0 : i32
    %dma_start3A_486 = tpu.memref_slice %arg9[%dma_start3A_480, %dma_start3A_481, %dma_start3A_485] : memref<25x5x80xi32, #tpu.memory_space<vmem>> -> memref<1x1x80xi32, #tpu.memory_space<vmem>>
    %dma_start3A_487 = tpu.memref_squeeze %dma_start3A_486 : memref<1x1x80xi32, #tpu.memory_space<vmem>> -> memref<80xi32, #tpu.memory_space<vmem>>
    %dma_start3A_488 = arith.constant 0 : i32
    %dma_start3A_489 = arith.constant 0 : i32
    %dma_start3A_490 = tpu.memref_slice %arg3[%dma_start3A_488, %dma_start3A_489] : memref<10000x48xf32, #tpu.memory_space<hbm>> -> memref<10000x48xf32, #tpu.memory_space<hbm>>
    tpu.enqueue_indirect_dma source(%dma_start3A_490 : memref<10000x48xf32, #tpu.memory_space<hbm>>) target(%dma_start3A_484 : memref<80x48xf32, #tpu.memory_space<vmem>>) offsets(%dma_start3A_487 : memref<80xi32, #tpu.memory_space<vmem>>) semaphore(%arg14 : memref<!tpu.dma_semaphore, #tpu.memory_space<semaphore_mem>>)
    %dma_start3A_491 = arith.constant 24 : i32
    %dma_start3A_492 = arith.constant 2 : i32
    %dma_start3A_493 = arith.constant 160 : i32
    %dma_start3A_494 = arith.constant 0 : i32
    %dma_start3A_495 = tpu.memref_slice %arg10[%dma_start3A_493, %dma_start3A_494] : memref<400x48xf32, #tpu.memory_space<vmem>> -> memref<80x48xf32, #tpu.memory_space<vmem>>
    %dma_start3A_496 = arith.constant 0 : i32
    %dma_start3A_497 = tpu.memref_slice %arg9[%dma_start3A_491, %dma_start3A_492, %dma_start3A_496] : memref<25x5x80xi32, #tpu.memory_space<vmem>> -> memref<1x1x80xi32, #tpu.memory_space<vmem>>
    %dma_start3A_498 = tpu.memref_squeeze %dma_start3A_497 : memref<1x1x80xi32, #tpu.memory_space<vmem>> -> memref<80xi32, #tpu.memory_space<vmem>>
    %dma_start3A_499 = arith.constant 0 : i32
    %dma_start3A_500 = arith.constant 0 : i32
    %dma_start3A_501 = tpu.memref_slice %arg3[%dma_start3A_499, %dma_start3A_500] : memref<10000x48xf32, #tpu.memory_space<hbm>> -> memref<10000x48xf32, #tpu.memory_space<hbm>>
    tpu.enqueue_indirect_dma source(%dma_start3A_501 : memref<10000x48xf32, #tpu.memory_space<hbm>>) target(%dma_start3A_495 : memref<80x48xf32, #tpu.memory_space<vmem>>) offsets(%dma_start3A_498 : memref<80xi32, #tpu.memory_space<vmem>>) semaphore(%arg14 : memref<!tpu.dma_semaphore, #tpu.memory_space<semaphore_mem>>)
    %dma_start3A_502 = arith.constant 24 : i32
    %dma_start3A_503 = arith.constant 3 : i32
    %dma_start3A_504 = arith.constant 240 : i32
    %dma_start3A_505 = arith.constant 0 : i32
    %dma_start3A_506 = tpu.memref_slice %arg10[%dma_start3A_504, %dma_start3A_505] : memref<400x48xf32, #tpu.memory_space<vmem>> -> memref<80x48xf32, #tpu.memory_space<vmem>>
    %dma_start3A_507 = arith.constant 0 : i32
    %dma_start3A_508 = tpu.memref_slice %arg9[%dma_start3A_502, %dma_start3A_503, %dma_start3A_507] : memref<25x5x80xi32, #tpu.memory_space<vmem>> -> memref<1x1x80xi32, #tpu.memory_space<vmem>>
    %dma_start3A_509 = tpu.memref_squeeze %dma_start3A_508 : memref<1x1x80xi32, #tpu.memory_space<vmem>> -> memref<80xi32, #tpu.memory_space<vmem>>
    %dma_start3A_510 = arith.constant 0 : i32
    %dma_start3A_511 = arith.constant 0 : i32
    %dma_start3A_512 = tpu.memref_slice %arg3[%dma_start3A_510, %dma_start3A_511] : memref<10000x48xf32, #tpu.memory_space<hbm>> -> memref<10000x48xf32, #tpu.memory_space<hbm>>
    tpu.enqueue_indirect_dma source(%dma_start3A_512 : memref<10000x48xf32, #tpu.memory_space<hbm>>) target(%dma_start3A_506 : memref<80x48xf32, #tpu.memory_space<vmem>>) offsets(%dma_start3A_509 : memref<80xi32, #tpu.memory_space<vmem>>) semaphore(%arg14 : memref<!tpu.dma_semaphore, #tpu.memory_space<semaphore_mem>>)
    %dma_start3A_513 = arith.constant 24 : i32
    %dma_start3A_514 = arith.constant 4 : i32
    %dma_start3A_515 = arith.constant 320 : i32
    %dma_start3A_516 = arith.constant 0 : i32
    %dma_start3A_517 = tpu.memref_slice %arg10[%dma_start3A_515, %dma_start3A_516] : memref<400x48xf32, #tpu.memory_space<vmem>> -> memref<80x48xf32, #tpu.memory_space<vmem>>
    %dma_start3A_518 = arith.constant 0 : i32
    %dma_start3A_519 = tpu.memref_slice %arg9[%dma_start3A_513, %dma_start3A_514, %dma_start3A_518] : memref<25x5x80xi32, #tpu.memory_space<vmem>> -> memref<1x1x80xi32, #tpu.memory_space<vmem>>
    %dma_start3A_520 = tpu.memref_squeeze %dma_start3A_519 : memref<1x1x80xi32, #tpu.memory_space<vmem>> -> memref<80xi32, #tpu.memory_space<vmem>>
    %dma_start3A_521 = arith.constant 0 : i32
    %dma_start3A_522 = arith.constant 0 : i32
    %dma_start3A_523 = tpu.memref_slice %arg3[%dma_start3A_521, %dma_start3A_522] : memref<10000x48xf32, #tpu.memory_space<hbm>> -> memref<10000x48xf32, #tpu.memory_space<hbm>>
    tpu.enqueue_indirect_dma source(%dma_start3A_523 : memref<10000x48xf32, #tpu.memory_space<hbm>>) target(%dma_start3A_517 : memref<80x48xf32, #tpu.memory_space<vmem>>) offsets(%dma_start3A_520 : memref<80xi32, #tpu.memory_space<vmem>>) semaphore(%arg14 : memref<!tpu.dma_semaphore, #tpu.memory_space<semaphore_mem>>)
    %dma_wait3A_524 = arith.constant 23 : i32
    %dma_wait3A_525 = arith.constant 0 : i32
    %dma_wait3A_526 = arith.constant 0 : i32
    %dma_wait3A_527 = arith.constant 0 : i32
    %dma_wait3A_528 = tpu.memref_slice %arg11[%dma_wait3A_526, %dma_wait3A_527] : memref<400x48xf32, #tpu.memory_space<vmem>> -> memref<80x48xf32, #tpu.memory_space<vmem>>
    %dma_wait3A_529 = arith.constant 0 : i32
    %dma_wait3A_530 = tpu.memref_slice %arg9[%dma_wait3A_524, %dma_wait3A_525, %dma_wait3A_529] : memref<25x5x80xi32, #tpu.memory_space<vmem>> -> memref<1x1x80xi32, #tpu.memory_space<vmem>>
    %dma_wait3A_531 = tpu.memref_squeeze %dma_wait3A_530 : memref<1x1x80xi32, #tpu.memory_space<vmem>> -> memref<80xi32, #tpu.memory_space<vmem>>
    %dma_wait3A_532 = arith.constant 0 : i32
    %dma_wait3A_533 = arith.constant 0 : i32
    %dma_wait3A_534 = tpu.memref_slice %arg3[%dma_wait3A_532, %dma_wait3A_533] : memref<10000x48xf32, #tpu.memory_space<hbm>> -> memref<10000x48xf32, #tpu.memory_space<hbm>>
    tpu.wait_indirect_dma semaphore(%arg15 : memref<!tpu.dma_semaphore, #tpu.memory_space<semaphore_mem>>) src(%dma_wait3A_534 : memref<10000x48xf32, #tpu.memory_space<hbm>>) dst(%dma_wait3A_528 : memref<80x48xf32, #tpu.memory_space<vmem>>)
    %dma_wait3A_535 = arith.constant 23 : i32
    %dma_wait3A_536 = arith.constant 1 : i32
    %dma_wait3A_537 = arith.constant 80 : i32
    %dma_wait3A_538 = arith.constant 0 : i32
    %dma_wait3A_539 = tpu.memref_slice %arg11[%dma_wait3A_537, %dma_wait3A_538] : memref<400x48xf32, #tpu.memory_space<vmem>> -> memref<80x48xf32, #tpu.memory_space<vmem>>
    %dma_wait3A_540 = arith.constant 0 : i32
    %dma_wait3A_541 = tpu.memref_slice %arg9[%dma_wait3A_535, %dma_wait3A_536, %dma_wait3A_540] : memref<25x5x80xi32, #tpu.memory_space<vmem>> -> memref<1x1x80xi32, #tpu.memory_space<vmem>>
    %dma_wait3A_542 = tpu.memref_squeeze %dma_wait3A_541 : memref<1x1x80xi32, #tpu.memory_space<vmem>> -> memref<80xi32, #tpu.memory_space<vmem>>
    %dma_wait3A_543 = arith.constant 0 : i32
    %dma_wait3A_544 = arith.constant 0 : i32
    %dma_wait3A_545 = tpu.memref_slice %arg3[%dma_wait3A_543, %dma_wait3A_544] : memref<10000x48xf32, #tpu.memory_space<hbm>> -> memref<10000x48xf32, #tpu.memory_space<hbm>>
    tpu.wait_indirect_dma semaphore(%arg15 : memref<!tpu.dma_semaphore, #tpu.memory_space<semaphore_mem>>) src(%dma_wait3A_545 : memref<10000x48xf32, #tpu.memory_space<hbm>>) dst(%dma_wait3A_539 : memref<80x48xf32, #tpu.memory_space<vmem>>)
    %dma_wait3A_546 = arith.constant 23 : i32
    %dma_wait3A_547 = arith.constant 2 : i32
    %dma_wait3A_548 = arith.constant 160 : i32
    %dma_wait3A_549 = arith.constant 0 : i32
    %dma_wait3A_550 = tpu.memref_slice %arg11[%dma_wait3A_548, %dma_wait3A_549] : memref<400x48xf32, #tpu.memory_space<vmem>> -> memref<80x48xf32, #tpu.memory_space<vmem>>
    %dma_wait3A_551 = arith.constant 0 : i32
    %dma_wait3A_552 = tpu.memref_slice %arg9[%dma_wait3A_546, %dma_wait3A_547, %dma_wait3A_551] : memref<25x5x80xi32, #tpu.memory_space<vmem>> -> memref<1x1x80xi32, #tpu.memory_space<vmem>>
    %dma_wait3A_553 = tpu.memref_squeeze %dma_wait3A_552 : memref<1x1x80xi32, #tpu.memory_space<vmem>> -> memref<80xi32, #tpu.memory_space<vmem>>
    %dma_wait3A_554 = arith.constant 0 : i32
    %dma_wait3A_555 = arith.constant 0 : i32
    %dma_wait3A_556 = tpu.memref_slice %arg3[%dma_wait3A_554, %dma_wait3A_555] : memref<10000x48xf32, #tpu.memory_space<hbm>> -> memref<10000x48xf32, #tpu.memory_space<hbm>>
    tpu.wait_indirect_dma semaphore(%arg15 : memref<!tpu.dma_semaphore, #tpu.memory_space<semaphore_mem>>) src(%dma_wait3A_556 : memref<10000x48xf32, #tpu.memory_space<hbm>>) dst(%dma_wait3A_550 : memref<80x48xf32, #tpu.memory_space<vmem>>)
    %dma_wait3A_557 = arith.constant 23 : i32
    %dma_wait3A_558 = arith.constant 3 : i32
    %dma_wait3A_559 = arith.constant 240 : i32
    %dma_wait3A_560 = arith.constant 0 : i32
    %dma_wait3A_561 = tpu.memref_slice %arg11[%dma_wait3A_559, %dma_wait3A_560] : memref<400x48xf32, #tpu.memory_space<vmem>> -> memref<80x48xf32, #tpu.memory_space<vmem>>
    %dma_wait3A_562 = arith.constant 0 : i32
    %dma_wait3A_563 = tpu.memref_slice %arg9[%dma_wait3A_557, %dma_wait3A_558, %dma_wait3A_562] : memref<25x5x80xi32, #tpu.memory_space<vmem>> -> memref<1x1x80xi32, #tpu.memory_space<vmem>>
    %dma_wait3A_564 = tpu.memref_squeeze %dma_wait3A_563 : memref<1x1x80xi32, #tpu.memory_space<vmem>> -> memref<80xi32, #tpu.memory_space<vmem>>
    %dma_wait3A_565 = arith.constant 0 : i32
    %dma_wait3A_566 = arith.constant 0 : i32
    %dma_wait3A_567 = tpu.memref_slice %arg3[%dma_wait3A_565, %dma_wait3A_566] : memref<10000x48xf32, #tpu.memory_space<hbm>> -> memref<10000x48xf32, #tpu.memory_space<hbm>>
    tpu.wait_indirect_dma semaphore(%arg15 : memref<!tpu.dma_semaphore, #tpu.memory_space<semaphore_mem>>) src(%dma_wait3A_567 : memref<10000x48xf32, #tpu.memory_space<hbm>>) dst(%dma_wait3A_561 : memref<80x48xf32, #tpu.memory_space<vmem>>)
    %dma_wait3A_568 = arith.constant 23 : i32
    %dma_wait3A_569 = arith.constant 4 : i32
    %dma_wait3A_570 = arith.constant 320 : i32
    %dma_wait3A_571 = arith.constant 0 : i32
    %dma_wait3A_572 = tpu.memref_slice %arg11[%dma_wait3A_570, %dma_wait3A_571] : memref<400x48xf32, #tpu.memory_space<vmem>> -> memref<80x48xf32, #tpu.memory_space<vmem>>
    %dma_wait3A_573 = arith.constant 0 : i32
    %dma_wait3A_574 = tpu.memref_slice %arg9[%dma_wait3A_568, %dma_wait3A_569, %dma_wait3A_573] : memref<25x5x80xi32, #tpu.memory_space<vmem>> -> memref<1x1x80xi32, #tpu.memory_space<vmem>>
    %dma_wait3A_575 = tpu.memref_squeeze %dma_wait3A_574 : memref<1x1x80xi32, #tpu.memory_space<vmem>> -> memref<80xi32, #tpu.memory_space<vmem>>
    %dma_wait3A_576 = arith.constant 0 : i32
    %dma_wait3A_577 = arith.constant 0 : i32
    %dma_wait3A_578 = tpu.memref_slice %arg3[%dma_wait3A_576, %dma_wait3A_577] : memref<10000x48xf32, #tpu.memory_space<hbm>> -> memref<10000x48xf32, #tpu.memory_space<hbm>>
    tpu.wait_indirect_dma semaphore(%arg15 : memref<!tpu.dma_semaphore, #tpu.memory_space<semaphore_mem>>) src(%dma_wait3A_578 : memref<10000x48xf32, #tpu.memory_space<hbm>>) dst(%dma_wait3A_572 : memref<80x48xf32, #tpu.memory_space<vmem>>)
    %dma_wait3A_579 = arith.constant 22 : i32
    %dma_wait3A_580 = arith.constant 0 : i32
    %dma_wait3A_581 = arith.constant 0 : i32
    %dma_wait3A_582 = arith.constant 0 : i32
    %dma_wait3A_583 = tpu.memref_slice %arg12[%dma_wait3A_581, %dma_wait3A_582] : memref<400x48xf32, #tpu.memory_space<vmem>> -> memref<80x48xf32, #tpu.memory_space<vmem>>
    %dma_wait3A_584 = arith.constant 0 : i32
    %dma_wait3A_585 = tpu.memref_slice %arg8[%dma_wait3A_579, %dma_wait3A_580, %dma_wait3A_584] : memref<25x5x80xi32, #tpu.memory_space<vmem>> -> memref<1x1x80xi32, #tpu.memory_space<vmem>>
    %dma_wait3A_586 = tpu.memref_squeeze %dma_wait3A_585 : memref<1x1x80xi32, #tpu.memory_space<vmem>> -> memref<80xi32, #tpu.memory_space<vmem>>
    %dma_wait3A_587 = arith.constant 0 : i32
    %dma_wait3A_588 = arith.constant 0 : i32
    %dma_wait3A_589 = tpu.memref_slice %arg13[%dma_wait3A_587, %dma_wait3A_588] : memref<10240x48xf32, #tpu.memory_space<vmem_shared>> -> memref<10240x48xf32, #tpu.memory_space<vmem_shared>>
    tpu.wait_indirect_dma semaphore(%arg16 : memref<!tpu.dma_semaphore, #tpu.memory_space<semaphore_mem>>) src(%dma_wait3A_583 : memref<80x48xf32, #tpu.memory_space<vmem>>) dst(%dma_wait3A_589 : memref<10240x48xf32, #tpu.memory_space<vmem_shared>>)
    %dma_wait3A_590 = arith.constant 22 : i32
    %dma_wait3A_591 = arith.constant 1 : i32
    %dma_wait3A_592 = arith.constant 80 : i32
    %dma_wait3A_593 = arith.constant 0 : i32
    %dma_wait3A_594 = tpu.memref_slice %arg12[%dma_wait3A_592, %dma_wait3A_593] : memref<400x48xf32, #tpu.memory_space<vmem>> -> memref<80x48xf32, #tpu.memory_space<vmem>>
    %dma_wait3A_595 = arith.constant 0 : i32
    %dma_wait3A_596 = tpu.memref_slice %arg8[%dma_wait3A_590, %dma_wait3A_591, %dma_wait3A_595] : memref<25x5x80xi32, #tpu.memory_space<vmem>> -> memref<1x1x80xi32, #tpu.memory_space<vmem>>
    %dma_wait3A_597 = tpu.memref_squeeze %dma_wait3A_596 : memref<1x1x80xi32, #tpu.memory_space<vmem>> -> memref<80xi32, #tpu.memory_space<vmem>>
    %dma_wait3A_598 = arith.constant 0 : i32
    %dma_wait3A_599 = arith.constant 0 : i32
    %dma_wait3A_600 = tpu.memref_slice %arg13[%dma_wait3A_598, %dma_wait3A_599] : memref<10240x48xf32, #tpu.memory_space<vmem_shared>> -> memref<10240x48xf32, #tpu.memory_space<vmem_shared>>
    tpu.wait_indirect_dma semaphore(%arg16 : memref<!tpu.dma_semaphore, #tpu.memory_space<semaphore_mem>>) src(%dma_wait3A_594 : memref<80x48xf32, #tpu.memory_space<vmem>>) dst(%dma_wait3A_600 : memref<10240x48xf32, #tpu.memory_space<vmem_shared>>)
    %dma_wait3A_601 = arith.constant 22 : i32
    %dma_wait3A_602 = arith.constant 2 : i32
    %dma_wait3A_603 = arith.constant 160 : i32
    %dma_wait3A_604 = arith.constant 0 : i32
    %dma_wait3A_605 = tpu.memref_slice %arg12[%dma_wait3A_603, %dma_wait3A_604] : memref<400x48xf32, #tpu.memory_space<vmem>> -> memref<80x48xf32, #tpu.memory_space<vmem>>
    %dma_wait3A_606 = arith.constant 0 : i32
    %dma_wait3A_607 = tpu.memref_slice %arg8[%dma_wait3A_601, %dma_wait3A_602, %dma_wait3A_606] : memref<25x5x80xi32, #tpu.memory_space<vmem>> -> memref<1x1x80xi32, #tpu.memory_space<vmem>>
    %dma_wait3A_608 = tpu.memref_squeeze %dma_wait3A_607 : memref<1x1x80xi32, #tpu.memory_space<vmem>> -> memref<80xi32, #tpu.memory_space<vmem>>
    %dma_wait3A_609 = arith.constant 0 : i32
    %dma_wait3A_610 = arith.constant 0 : i32
    %dma_wait3A_611 = tpu.memref_slice %arg13[%dma_wait3A_609, %dma_wait3A_610] : memref<10240x48xf32, #tpu.memory_space<vmem_shared>> -> memref<10240x48xf32, #tpu.memory_space<vmem_shared>>
    tpu.wait_indirect_dma semaphore(%arg16 : memref<!tpu.dma_semaphore, #tpu.memory_space<semaphore_mem>>) src(%dma_wait3A_605 : memref<80x48xf32, #tpu.memory_space<vmem>>) dst(%dma_wait3A_611 : memref<10240x48xf32, #tpu.memory_space<vmem_shared>>)
    %dma_wait3A_612 = arith.constant 22 : i32
    %dma_wait3A_613 = arith.constant 3 : i32
    %dma_wait3A_614 = arith.constant 240 : i32
    %dma_wait3A_615 = arith.constant 0 : i32
    %dma_wait3A_616 = tpu.memref_slice %arg12[%dma_wait3A_614, %dma_wait3A_615] : memref<400x48xf32, #tpu.memory_space<vmem>> -> memref<80x48xf32, #tpu.memory_space<vmem>>
    %dma_wait3A_617 = arith.constant 0 : i32
    %dma_wait3A_618 = tpu.memref_slice %arg8[%dma_wait3A_612, %dma_wait3A_613, %dma_wait3A_617] : memref<25x5x80xi32, #tpu.memory_space<vmem>> -> memref<1x1x80xi32, #tpu.memory_space<vmem>>
    %dma_wait3A_619 = tpu.memref_squeeze %dma_wait3A_618 : memref<1x1x80xi32, #tpu.memory_space<vmem>> -> memref<80xi32, #tpu.memory_space<vmem>>
    %dma_wait3A_620 = arith.constant 0 : i32
    %dma_wait3A_621 = arith.constant 0 : i32
    %dma_wait3A_622 = tpu.memref_slice %arg13[%dma_wait3A_620, %dma_wait3A_621] : memref<10240x48xf32, #tpu.memory_space<vmem_shared>> -> memref<10240x48xf32, #tpu.memory_space<vmem_shared>>
    tpu.wait_indirect_dma semaphore(%arg16 : memref<!tpu.dma_semaphore, #tpu.memory_space<semaphore_mem>>) src(%dma_wait3A_616 : memref<80x48xf32, #tpu.memory_space<vmem>>) dst(%dma_wait3A_622 : memref<10240x48xf32, #tpu.memory_space<vmem_shared>>)
    %dma_wait3A_623 = arith.constant 22 : i32
    %dma_wait3A_624 = arith.constant 4 : i32
    %dma_wait3A_625 = arith.constant 320 : i32
    %dma_wait3A_626 = arith.constant 0 : i32
    %dma_wait3A_627 = tpu.memref_slice %arg12[%dma_wait3A_625, %dma_wait3A_626] : memref<400x48xf32, #tpu.memory_space<vmem>> -> memref<80x48xf32, #tpu.memory_space<vmem>>
    %dma_wait3A_628 = arith.constant 0 : i32
    %dma_wait3A_629 = tpu.memref_slice %arg8[%dma_wait3A_623, %dma_wait3A_624, %dma_wait3A_628] : memref<25x5x80xi32, #tpu.memory_space<vmem>> -> memref<1x1x80xi32, #tpu.memory_space<vmem>>
    %dma_wait3A_630 = tpu.memref_squeeze %dma_wait3A_629 : memref<1x1x80xi32, #tpu.memory_space<vmem>> -> memref<80xi32, #tpu.memory_space<vmem>>
    %dma_wait3A_631 = arith.constant 0 : i32
    %dma_wait3A_632 = arith.constant 0 : i32
    %dma_wait3A_633 = tpu.memref_slice %arg13[%dma_wait3A_631, %dma_wait3A_632] : memref<10240x48xf32, #tpu.memory_space<vmem_shared>> -> memref<10240x48xf32, #tpu.memory_space<vmem_shared>>
    tpu.wait_indirect_dma semaphore(%arg16 : memref<!tpu.dma_semaphore, #tpu.memory_space<semaphore_mem>>) src(%dma_wait3A_627 : memref<80x48xf32, #tpu.memory_space<vmem>>) dst(%dma_wait3A_633 : memref<10240x48xf32, #tpu.memory_space<vmem_shared>>)
    %parallel_loop3A_634 = arith.constant 0 : i32
    %parallel_loop3A_635 = arith.constant 25 : i32
    %parallel_loop3A_636 = arith.constant 1 : i32
    scf.for %parallel_loop3A_920 = %parallel_loop3A_634 to %parallel_loop3A_635 step %parallel_loop3A_636  : i32 {
      %parallel_loop3A_921 = arith.constant 16 : i32
      %parallel_loop3A_922 = arith.muli %parallel_loop3A_920, %parallel_loop3A_921 : i32
      %parallel_loop3A_923 = vector.broadcast %parallel_loop3A_922 : i32 to vector<16xi32>
      %parallel_loop3A_924 = arith.addi %iota3A, %parallel_loop3A_923 : vector<16xi32>
      %parallel_loop3A_925 = arith.constant 5 : i32
      %parallel_loop3A_926 = arith.divsi %parallel_loop3A_920, %parallel_loop3A_925 : i32
      %parallel_loop3A_927 = arith.constant 0 : i32
      %parallel_loop3A_928 = arith.cmpi sgt, %parallel_loop3A_920, %parallel_loop3A_927 : i32
      %parallel_loop3A_929 = arith.extui %parallel_loop3A_928 : i1 to i32
      %parallel_loop3A_930 = arith.constant 0 : i32
      %parallel_loop3A_931 = arith.cmpi slt, %parallel_loop3A_920, %parallel_loop3A_930 : i32
      %parallel_loop3A_932 = arith.extui %parallel_loop3A_931 : i1 to i32
      %parallel_loop3A_933 = arith.subi %parallel_loop3A_929, %parallel_loop3A_932 : i32
      %parallel_loop3A_934 = arith.constant 0 : i32
      %parallel_loop3A_935 = arith.cmpi sgt, %parallel_loop3A_925, %parallel_loop3A_934 : i32
      %parallel_loop3A_936 = arith.extui %parallel_loop3A_935 : i1 to i32
      %parallel_loop3A_937 = arith.constant 0 : i32
      %parallel_loop3A_938 = arith.cmpi slt, %parallel_loop3A_925, %parallel_loop3A_937 : i32
      %parallel_loop3A_939 = arith.extui %parallel_loop3A_938 : i1 to i32
      %parallel_loop3A_940 = arith.subi %parallel_loop3A_936, %parallel_loop3A_939 : i32
      %parallel_loop3A_941 = arith.cmpi ne, %parallel_loop3A_933, %parallel_loop3A_940 : i32
      %parallel_loop3A_942 = arith.remsi %parallel_loop3A_920, %parallel_loop3A_925 : i32
      %parallel_loop3A_943 = arith.constant 0 : i32
      %parallel_loop3A_944 = arith.cmpi ne, %parallel_loop3A_942, %parallel_loop3A_943 : i32
      %parallel_loop3A_945 = arith.andi %parallel_loop3A_941, %parallel_loop3A_944 : i1
      %parallel_loop3A_946 = arith.constant 1 : i32
      %parallel_loop3A_947 = arith.subi %parallel_loop3A_926, %parallel_loop3A_946 : i32
      %parallel_loop3A_948 = arith.select %parallel_loop3A_945, %parallel_loop3A_947, %parallel_loop3A_926 : i32
      %parallel_loop3A_949 = arith.constant 5 : i32
      %parallel_loop3A_950 = arith.constant 0 : i32
      %parallel_loop3A_951 = arith.cmpi eq, %parallel_loop3A_949, %parallel_loop3A_950 : i32
      %parallel_loop3A_952 = arith.constant 1 : i32
      %parallel_loop3A_953 = arith.select %parallel_loop3A_951, %parallel_loop3A_952, %parallel_loop3A_949 : i32
      %parallel_loop3A_954 = arith.remsi %parallel_loop3A_920, %parallel_loop3A_953 : i32
      %parallel_loop3A_955 = arith.constant 0 : i32
      %parallel_loop3A_956 = arith.cmpi ne, %parallel_loop3A_954, %parallel_loop3A_955 : i32
      %parallel_loop3A_957 = arith.constant 0 : i32
      %parallel_loop3A_958 = arith.cmpi slt, %parallel_loop3A_954, %parallel_loop3A_957 : i32
      %parallel_loop3A_959 = arith.constant 0 : i32
      %parallel_loop3A_960 = arith.cmpi slt, %parallel_loop3A_953, %parallel_loop3A_959 : i32
      %parallel_loop3A_961 = arith.xori %parallel_loop3A_958, %parallel_loop3A_960 : i1
      %parallel_loop3A_962 = arith.andi %parallel_loop3A_961, %parallel_loop3A_956 : i1
      %parallel_loop3A_963 = arith.addi %parallel_loop3A_954, %parallel_loop3A_953 : i32
      %parallel_loop3A_964 = arith.select %parallel_loop3A_962, %parallel_loop3A_963, %parallel_loop3A_954 : i32
      %parallel_loop3A_965 = arith.constant 16 : i32
      %parallel_loop3A_966 = arith.muli %parallel_loop3A_964, %parallel_loop3A_965 : i32
      %parallel_loop3A_967 = arith.constant 23 : i32
      %parallel_loop3A_968 = arith.index_cast %parallel_loop3A_967 : i32 to index
      %parallel_loop3A_969 = arith.index_cast %parallel_loop3A_948 : i32 to index
      %parallel_loop3A_970 = arith.index_cast %parallel_loop3A_966 : i32 to index
      %parallel_loop3A_971 = tpu.vector_load %arg8[%parallel_loop3A_968, %parallel_loop3A_969, %parallel_loop3A_970] {strides = array<i32>} : memref<25x5x80xi32, #tpu.memory_space<vmem>>, vector<16xi32>,
      %parallel_loop3A_972 = tpu.vector_load_idx %arg7[%parallel_loop3A_971] : memref<10000xf32, #tpu.memory_space<vmem>>[vector<16xi32>], vector<16xf32>,
      %parallel_loop3A_973 = tpu.vector_load_idx %arg11[%parallel_loop3A_924, %broadcast_in_dim3A_240] : memref<400x48xf32, #tpu.memory_space<vmem>>[vector<16xi32>, vector<16xi32>], vector<16xf32>,
      %parallel_loop3A_974 = arith.addf %parallel_loop3A_972, %parallel_loop3A_973 : vector<16xf32>
      %parallel_loop3A_975 = arith.constant 0.000000e+00 : f32
      %parallel_loop3A_976 = vector.broadcast %parallel_loop3A_975 : f32 to vector<16xf32>
      %parallel_loop3A_977 = arith.cmpf oge, %parallel_loop3A_974, %parallel_loop3A_976 : vector<16xf32>
      %parallel_loop3A_978 = arith.constant 3.000000e-01 : f32
      %parallel_loop3A_979 = vector.broadcast %parallel_loop3A_978 : f32 to vector<16xf32>
      %parallel_loop3A_980 = arith.mulf %parallel_loop3A_979, %parallel_loop3A_974 : vector<16xf32>
      %parallel_loop3A_981 = arith.select %parallel_loop3A_977, %parallel_loop3A_974, %parallel_loop3A_980 : vector<16xi1>, vector<16xf32>
      %parallel_loop3A_982 = math.exp %parallel_loop3A_981 : vector<16xf32>
      tpu.vector_store_idx %arg12[%parallel_loop3A_924, %broadcast_in_dim3A_238], %parallel_loop3A_982 : memref<400x48xf32, #tpu.memory_space<vmem>>[vector<16xi32>, vector<16xi32>], vector<16xf32>,
      %parallel_loop3A_983 = arith.constant 0 : i32
      %parallel_loop3A_984 = arith.constant 32 : i32
      %parallel_loop3A_985 = arith.constant 1 : i32
      scf.for %parallel_loop3A_986 = %parallel_loop3A_983 to %parallel_loop3A_984 step %parallel_loop3A_985  : i32 {
        %parallel_loop3A_987 = arith.constant 0 : i32
        %parallel_loop3A_988 = vector.broadcast %parallel_loop3A_987 : i32 to vector<16xi32>
        %parallel_loop3A_989 = vector.broadcast %parallel_loop3A_986 : i32 to vector<16xi32>
        %parallel_loop3A_990 = arith.addi %parallel_loop3A_988, %parallel_loop3A_989 : vector<16xi32>
        %parallel_loop3A_991 = tpu.vector_load_idx %arg11[%parallel_loop3A_924, %parallel_loop3A_990] : memref<400x48xf32, #tpu.memory_space<vmem>>[vector<16xi32>, vector<16xi32>], vector<16xf32>,
        %parallel_loop3A_992 = arith.mulf %parallel_loop3A_991, %parallel_loop3A_982 : vector<16xf32>
        tpu.vector_store_idx %arg12[%parallel_loop3A_924, %parallel_loop3A_990], %parallel_loop3A_992 : memref<400x48xf32, #tpu.memory_space<vmem>>[vector<16xi32>, vector<16xi32>], vector<16xf32>,
      } {sc.loop_unroll_factor = 8 : i64, sc.parallel_access}
    } {sc.loop_unroll_factor = 5 : i64, sc.parallel_access}
    %dma_start3A_637 = arith.constant 23 : i32
    %dma_start3A_638 = arith.constant 0 : i32
    %dma_start3A_639 = arith.constant 0 : i32
    %dma_start3A_640 = arith.constant 0 : i32
    %dma_start3A_641 = tpu.memref_slice %arg12[%dma_start3A_639, %dma_start3A_640] : memref<400x48xf32, #tpu.memory_space<vmem>> -> memref<80x48xf32, #tpu.memory_space<vmem>>
    %dma_start3A_642 = arith.constant 0 : i32
    %dma_start3A_643 = tpu.memref_slice %arg8[%dma_start3A_637, %dma_start3A_638, %dma_start3A_642] : memref<25x5x80xi32, #tpu.memory_space<vmem>> -> memref<1x1x80xi32, #tpu.memory_space<vmem>>
    %dma_start3A_644 = tpu.memref_squeeze %dma_start3A_643 : memref<1x1x80xi32, #tpu.memory_space<vmem>> -> memref<80xi32, #tpu.memory_space<vmem>>
    %dma_start3A_645 = arith.constant 0 : i32
    %dma_start3A_646 = arith.constant 0 : i32
    %dma_start3A_647 = tpu.memref_slice %arg13[%dma_start3A_645, %dma_start3A_646] : memref<10240x48xf32, #tpu.memory_space<vmem_shared>> -> memref<10240x48xf32, #tpu.memory_space<vmem_shared>>
    tpu.enqueue_indirect_dma source(%dma_start3A_641 : memref<80x48xf32, #tpu.memory_space<vmem>>) target(%dma_start3A_647 : memref<10240x48xf32, #tpu.memory_space<vmem_shared>>) offsets(%dma_start3A_644 : memref<80xi32, #tpu.memory_space<vmem>>) semaphore(%arg16 : memref<!tpu.dma_semaphore, #tpu.memory_space<semaphore_mem>>) {add = true}
    %dma_start3A_648 = arith.constant 23 : i32
    %dma_start3A_649 = arith.constant 1 : i32
    %dma_start3A_650 = arith.constant 80 : i32
    %dma_start3A_651 = arith.constant 0 : i32
    %dma_start3A_652 = tpu.memref_slice %arg12[%dma_start3A_650, %dma_start3A_651] : memref<400x48xf32, #tpu.memory_space<vmem>> -> memref<80x48xf32, #tpu.memory_space<vmem>>
    %dma_start3A_653 = arith.constant 0 : i32
    %dma_start3A_654 = tpu.memref_slice %arg8[%dma_start3A_648, %dma_start3A_649, %dma_start3A_653] : memref<25x5x80xi32, #tpu.memory_space<vmem>> -> memref<1x1x80xi32, #tpu.memory_space<vmem>>
    %dma_start3A_655 = tpu.memref_squeeze %dma_start3A_654 : memref<1x1x80xi32, #tpu.memory_space<vmem>> -> memref<80xi32, #tpu.memory_space<vmem>>
    %dma_start3A_656 = arith.constant 0 : i32
    %dma_start3A_657 = arith.constant 0 : i32
    %dma_start3A_658 = tpu.memref_slice %arg13[%dma_start3A_656, %dma_start3A_657] : memref<10240x48xf32, #tpu.memory_space<vmem_shared>> -> memref<10240x48xf32, #tpu.memory_space<vmem_shared>>
    tpu.enqueue_indirect_dma source(%dma_start3A_652 : memref<80x48xf32, #tpu.memory_space<vmem>>) target(%dma_start3A_658 : memref<10240x48xf32, #tpu.memory_space<vmem_shared>>) offsets(%dma_start3A_655 : memref<80xi32, #tpu.memory_space<vmem>>) semaphore(%arg16 : memref<!tpu.dma_semaphore, #tpu.memory_space<semaphore_mem>>) {add = true}
    %dma_start3A_659 = arith.constant 23 : i32
    %dma_start3A_660 = arith.constant 2 : i32
    %dma_start3A_661 = arith.constant 160 : i32
    %dma_start3A_662 = arith.constant 0 : i32
    %dma_start3A_663 = tpu.memref_slice %arg12[%dma_start3A_661, %dma_start3A_662] : memref<400x48xf32, #tpu.memory_space<vmem>> -> memref<80x48xf32, #tpu.memory_space<vmem>>
    %dma_start3A_664 = arith.constant 0 : i32
    %dma_start3A_665 = tpu.memref_slice %arg8[%dma_start3A_659, %dma_start3A_660, %dma_start3A_664] : memref<25x5x80xi32, #tpu.memory_space<vmem>> -> memref<1x1x80xi32, #tpu.memory_space<vmem>>
    %dma_start3A_666 = tpu.memref_squeeze %dma_start3A_665 : memref<1x1x80xi32, #tpu.memory_space<vmem>> -> memref<80xi32, #tpu.memory_space<vmem>>
    %dma_start3A_667 = arith.constant 0 : i32
    %dma_start3A_668 = arith.constant 0 : i32
    %dma_start3A_669 = tpu.memref_slice %arg13[%dma_start3A_667, %dma_start3A_668] : memref<10240x48xf32, #tpu.memory_space<vmem_shared>> -> memref<10240x48xf32, #tpu.memory_space<vmem_shared>>
    tpu.enqueue_indirect_dma source(%dma_start3A_663 : memref<80x48xf32, #tpu.memory_space<vmem>>) target(%dma_start3A_669 : memref<10240x48xf32, #tpu.memory_space<vmem_shared>>) offsets(%dma_start3A_666 : memref<80xi32, #tpu.memory_space<vmem>>) semaphore(%arg16 : memref<!tpu.dma_semaphore, #tpu.memory_space<semaphore_mem>>) {add = true}
    %dma_start3A_670 = arith.constant 23 : i32
    %dma_start3A_671 = arith.constant 3 : i32
    %dma_start3A_672 = arith.constant 240 : i32
    %dma_start3A_673 = arith.constant 0 : i32
    %dma_start3A_674 = tpu.memref_slice %arg12[%dma_start3A_672, %dma_start3A_673] : memref<400x48xf32, #tpu.memory_space<vmem>> -> memref<80x48xf32, #tpu.memory_space<vmem>>
    %dma_start3A_675 = arith.constant 0 : i32
    %dma_start3A_676 = tpu.memref_slice %arg8[%dma_start3A_670, %dma_start3A_671, %dma_start3A_675] : memref<25x5x80xi32, #tpu.memory_space<vmem>> -> memref<1x1x80xi32, #tpu.memory_space<vmem>>
    %dma_start3A_677 = tpu.memref_squeeze %dma_start3A_676 : memref<1x1x80xi32, #tpu.memory_space<vmem>> -> memref<80xi32, #tpu.memory_space<vmem>>
    %dma_start3A_678 = arith.constant 0 : i32
    %dma_start3A_679 = arith.constant 0 : i32
    %dma_start3A_680 = tpu.memref_slice %arg13[%dma_start3A_678, %dma_start3A_679] : memref<10240x48xf32, #tpu.memory_space<vmem_shared>> -> memref<10240x48xf32, #tpu.memory_space<vmem_shared>>
    tpu.enqueue_indirect_dma source(%dma_start3A_674 : memref<80x48xf32, #tpu.memory_space<vmem>>) target(%dma_start3A_680 : memref<10240x48xf32, #tpu.memory_space<vmem_shared>>) offsets(%dma_start3A_677 : memref<80xi32, #tpu.memory_space<vmem>>) semaphore(%arg16 : memref<!tpu.dma_semaphore, #tpu.memory_space<semaphore_mem>>) {add = true}
    %dma_start3A_681 = arith.constant 23 : i32
    %dma_start3A_682 = arith.constant 4 : i32
    %dma_start3A_683 = arith.constant 320 : i32
    %dma_start3A_684 = arith.constant 0 : i32
    %dma_start3A_685 = tpu.memref_slice %arg12[%dma_start3A_683, %dma_start3A_684] : memref<400x48xf32, #tpu.memory_space<vmem>> -> memref<80x48xf32, #tpu.memory_space<vmem>>
    %dma_start3A_686 = arith.constant 0 : i32
    %dma_start3A_687 = tpu.memref_slice %arg8[%dma_start3A_681, %dma_start3A_682, %dma_start3A_686] : memref<25x5x80xi32, #tpu.memory_space<vmem>> -> memref<1x1x80xi32, #tpu.memory_space<vmem>>
    %dma_start3A_688 = tpu.memref_squeeze %dma_start3A_687 : memref<1x1x80xi32, #tpu.memory_space<vmem>> -> memref<80xi32, #tpu.memory_space<vmem>>
    %dma_start3A_689 = arith.constant 0 : i32
    %dma_start3A_690 = arith.constant 0 : i32
    %dma_start3A_691 = tpu.memref_slice %arg13[%dma_start3A_689, %dma_start3A_690] : memref<10240x48xf32, #tpu.memory_space<vmem_shared>> -> memref<10240x48xf32, #tpu.memory_space<vmem_shared>>
    tpu.enqueue_indirect_dma source(%dma_start3A_685 : memref<80x48xf32, #tpu.memory_space<vmem>>) target(%dma_start3A_691 : memref<10240x48xf32, #tpu.memory_space<vmem_shared>>) offsets(%dma_start3A_688 : memref<80xi32, #tpu.memory_space<vmem>>) semaphore(%arg16 : memref<!tpu.dma_semaphore, #tpu.memory_space<semaphore_mem>>) {add = true}
    %dma_wait3A_692 = arith.constant 24 : i32
    %dma_wait3A_693 = arith.constant 0 : i32
    %dma_wait3A_694 = arith.constant 0 : i32
    %dma_wait3A_695 = arith.constant 0 : i32
    %dma_wait3A_696 = tpu.memref_slice %arg10[%dma_wait3A_694, %dma_wait3A_695] : memref<400x48xf32, #tpu.memory_space<vmem>> -> memref<80x48xf32, #tpu.memory_space<vmem>>
    %dma_wait3A_697 = arith.constant 0 : i32
    %dma_wait3A_698 = tpu.memref_slice %arg9[%dma_wait3A_692, %dma_wait3A_693, %dma_wait3A_697] : memref<25x5x80xi32, #tpu.memory_space<vmem>> -> memref<1x1x80xi32, #tpu.memory_space<vmem>>
    %dma_wait3A_699 = tpu.memref_squeeze %dma_wait3A_698 : memref<1x1x80xi32, #tpu.memory_space<vmem>> -> memref<80xi32, #tpu.memory_space<vmem>>
    %dma_wait3A_700 = arith.constant 0 : i32
    %dma_wait3A_701 = arith.constant 0 : i32
    %dma_wait3A_702 = tpu.memref_slice %arg3[%dma_wait3A_700, %dma_wait3A_701] : memref<10000x48xf32, #tpu.memory_space<hbm>> -> memref<10000x48xf32, #tpu.memory_space<hbm>>
    tpu.wait_indirect_dma semaphore(%arg14 : memref<!tpu.dma_semaphore, #tpu.memory_space<semaphore_mem>>) src(%dma_wait3A_702 : memref<10000x48xf32, #tpu.memory_space<hbm>>) dst(%dma_wait3A_696 : memref<80x48xf32, #tpu.memory_space<vmem>>)
    %dma_wait3A_703 = arith.constant 24 : i32
    %dma_wait3A_704 = arith.constant 1 : i32
    %dma_wait3A_705 = arith.constant 80 : i32
    %dma_wait3A_706 = arith.constant 0 : i32
    %dma_wait3A_707 = tpu.memref_slice %arg10[%dma_wait3A_705, %dma_wait3A_706] : memref<400x48xf32, #tpu.memory_space<vmem>> -> memref<80x48xf32, #tpu.memory_space<vmem>>
    %dma_wait3A_708 = arith.constant 0 : i32
    %dma_wait3A_709 = tpu.memref_slice %arg9[%dma_wait3A_703, %dma_wait3A_704, %dma_wait3A_708] : memref<25x5x80xi32, #tpu.memory_space<vmem>> -> memref<1x1x80xi32, #tpu.memory_space<vmem>>
    %dma_wait3A_710 = tpu.memref_squeeze %dma_wait3A_709 : memref<1x1x80xi32, #tpu.memory_space<vmem>> -> memref<80xi32, #tpu.memory_space<vmem>>
    %dma_wait3A_711 = arith.constant 0 : i32
    %dma_wait3A_712 = arith.constant 0 : i32
    %dma_wait3A_713 = tpu.memref_slice %arg3[%dma_wait3A_711, %dma_wait3A_712] : memref<10000x48xf32, #tpu.memory_space<hbm>> -> memref<10000x48xf32, #tpu.memory_space<hbm>>
    tpu.wait_indirect_dma semaphore(%arg14 : memref<!tpu.dma_semaphore, #tpu.memory_space<semaphore_mem>>) src(%dma_wait3A_713 : memref<10000x48xf32, #tpu.memory_space<hbm>>) dst(%dma_wait3A_707 : memref<80x48xf32, #tpu.memory_space<vmem>>)
    %dma_wait3A_714 = arith.constant 24 : i32
    %dma_wait3A_715 = arith.constant 2 : i32
    %dma_wait3A_716 = arith.constant 160 : i32
    %dma_wait3A_717 = arith.constant 0 : i32
    %dma_wait3A_718 = tpu.memref_slice %arg10[%dma_wait3A_716, %dma_wait3A_717] : memref<400x48xf32, #tpu.memory_space<vmem>> -> memref<80x48xf32, #tpu.memory_space<vmem>>
    %dma_wait3A_719 = arith.constant 0 : i32
    %dma_wait3A_720 = tpu.memref_slice %arg9[%dma_wait3A_714, %dma_wait3A_715, %dma_wait3A_719] : memref<25x5x80xi32, #tpu.memory_space<vmem>> -> memref<1x1x80xi32, #tpu.memory_space<vmem>>
    %dma_wait3A_721 = tpu.memref_squeeze %dma_wait3A_720 : memref<1x1x80xi32, #tpu.memory_space<vmem>> -> memref<80xi32, #tpu.memory_space<vmem>>
    %dma_wait3A_722 = arith.constant 0 : i32
    %dma_wait3A_723 = arith.constant 0 : i32
    %dma_wait3A_724 = tpu.memref_slice %arg3[%dma_wait3A_722, %dma_wait3A_723] : memref<10000x48xf32, #tpu.memory_space<hbm>> -> memref<10000x48xf32, #tpu.memory_space<hbm>>
    tpu.wait_indirect_dma semaphore(%arg14 : memref<!tpu.dma_semaphore, #tpu.memory_space<semaphore_mem>>) src(%dma_wait3A_724 : memref<10000x48xf32, #tpu.memory_space<hbm>>) dst(%dma_wait3A_718 : memref<80x48xf32, #tpu.memory_space<vmem>>)
    %dma_wait3A_725 = arith.constant 24 : i32
    %dma_wait3A_726 = arith.constant 3 : i32
    %dma_wait3A_727 = arith.constant 240 : i32
    %dma_wait3A_728 = arith.constant 0 : i32
    %dma_wait3A_729 = tpu.memref_slice %arg10[%dma_wait3A_727, %dma_wait3A_728] : memref<400x48xf32, #tpu.memory_space<vmem>> -> memref<80x48xf32, #tpu.memory_space<vmem>>
    %dma_wait3A_730 = arith.constant 0 : i32
    %dma_wait3A_731 = tpu.memref_slice %arg9[%dma_wait3A_725, %dma_wait3A_726, %dma_wait3A_730] : memref<25x5x80xi32, #tpu.memory_space<vmem>> -> memref<1x1x80xi32, #tpu.memory_space<vmem>>
    %dma_wait3A_732 = tpu.memref_squeeze %dma_wait3A_731 : memref<1x1x80xi32, #tpu.memory_space<vmem>> -> memref<80xi32, #tpu.memory_space<vmem>>
    %dma_wait3A_733 = arith.constant 0 : i32
    %dma_wait3A_734 = arith.constant 0 : i32
    %dma_wait3A_735 = tpu.memref_slice %arg3[%dma_wait3A_733, %dma_wait3A_734] : memref<10000x48xf32, #tpu.memory_space<hbm>> -> memref<10000x48xf32, #tpu.memory_space<hbm>>
    tpu.wait_indirect_dma semaphore(%arg14 : memref<!tpu.dma_semaphore, #tpu.memory_space<semaphore_mem>>) src(%dma_wait3A_735 : memref<10000x48xf32, #tpu.memory_space<hbm>>) dst(%dma_wait3A_729 : memref<80x48xf32, #tpu.memory_space<vmem>>)
    %dma_wait3A_736 = arith.constant 24 : i32
    %dma_wait3A_737 = arith.constant 4 : i32
    %dma_wait3A_738 = arith.constant 320 : i32
    %dma_wait3A_739 = arith.constant 0 : i32
    %dma_wait3A_740 = tpu.memref_slice %arg10[%dma_wait3A_738, %dma_wait3A_739] : memref<400x48xf32, #tpu.memory_space<vmem>> -> memref<80x48xf32, #tpu.memory_space<vmem>>
    %dma_wait3A_741 = arith.constant 0 : i32
    %dma_wait3A_742 = tpu.memref_slice %arg9[%dma_wait3A_736, %dma_wait3A_737, %dma_wait3A_741] : memref<25x5x80xi32, #tpu.memory_space<vmem>> -> memref<1x1x80xi32, #tpu.memory_space<vmem>>
    %dma_wait3A_743 = tpu.memref_squeeze %dma_wait3A_742 : memref<1x1x80xi32, #tpu.memory_space<vmem>> -> memref<80xi32, #tpu.memory_space<vmem>>
    %dma_wait3A_744 = arith.constant 0 : i32
    %dma_wait3A_745 = arith.constant 0 : i32
    %dma_wait3A_746 = tpu.memref_slice %arg3[%dma_wait3A_744, %dma_wait3A_745] : memref<10000x48xf32, #tpu.memory_space<hbm>> -> memref<10000x48xf32, #tpu.memory_space<hbm>>
    tpu.wait_indirect_dma semaphore(%arg14 : memref<!tpu.dma_semaphore, #tpu.memory_space<semaphore_mem>>) src(%dma_wait3A_746 : memref<10000x48xf32, #tpu.memory_space<hbm>>) dst(%dma_wait3A_740 : memref<80x48xf32, #tpu.memory_space<vmem>>)
    %dma_wait3A_747 = arith.constant 23 : i32
    %dma_wait3A_748 = arith.constant 0 : i32
    %dma_wait3A_749 = arith.constant 0 : i32
    %dma_wait3A_750 = arith.constant 0 : i32
    %dma_wait3A_751 = tpu.memref_slice %arg12[%dma_wait3A_749, %dma_wait3A_750] : memref<400x48xf32, #tpu.memory_space<vmem>> -> memref<80x48xf32, #tpu.memory_space<vmem>>
    %dma_wait3A_752 = arith.constant 0 : i32
    %dma_wait3A_753 = tpu.memref_slice %arg8[%dma_wait3A_747, %dma_wait3A_748, %dma_wait3A_752] : memref<25x5x80xi32, #tpu.memory_space<vmem>> -> memref<1x1x80xi32, #tpu.memory_space<vmem>>
    %dma_wait3A_754 = tpu.memref_squeeze %dma_wait3A_753 : memref<1x1x80xi32, #tpu.memory_space<vmem>> -> memref<80xi32, #tpu.memory_space<vmem>>
    %dma_wait3A_755 = arith.constant 0 : i32
    %dma_wait3A_756 = arith.constant 0 : i32
    %dma_wait3A_757 = tpu.memref_slice %arg13[%dma_wait3A_755, %dma_wait3A_756] : memref<10240x48xf32, #tpu.memory_space<vmem_shared>> -> memref<10240x48xf32, #tpu.memory_space<vmem_shared>>
    tpu.wait_indirect_dma semaphore(%arg16 : memref<!tpu.dma_semaphore, #tpu.memory_space<semaphore_mem>>) src(%dma_wait3A_751 : memref<80x48xf32, #tpu.memory_space<vmem>>) dst(%dma_wait3A_757 : memref<10240x48xf32, #tpu.memory_space<vmem_shared>>)
    %dma_wait3A_758 = arith.constant 23 : i32
    %dma_wait3A_759 = arith.constant 1 : i32
    %dma_wait3A_760 = arith.constant 80 : i32
    %dma_wait3A_761 = arith.constant 0 : i32
    %dma_wait3A_762 = tpu.memref_slice %arg12[%dma_wait3A_760, %dma_wait3A_761] : memref<400x48xf32, #tpu.memory_space<vmem>> -> memref<80x48xf32, #tpu.memory_space<vmem>>
    %dma_wait3A_763 = arith.constant 0 : i32
    %dma_wait3A_764 = tpu.memref_slice %arg8[%dma_wait3A_758, %dma_wait3A_759, %dma_wait3A_763] : memref<25x5x80xi32, #tpu.memory_space<vmem>> -> memref<1x1x80xi32, #tpu.memory_space<vmem>>
    %dma_wait3A_765 = tpu.memref_squeeze %dma_wait3A_764 : memref<1x1x80xi32, #tpu.memory_space<vmem>> -> memref<80xi32, #tpu.memory_space<vmem>>
    %dma_wait3A_766 = arith.constant 0 : i32
    %dma_wait3A_767 = arith.constant 0 : i32
    %dma_wait3A_768 = tpu.memref_slice %arg13[%dma_wait3A_766, %dma_wait3A_767] : memref<10240x48xf32, #tpu.memory_space<vmem_shared>> -> memref<10240x48xf32, #tpu.memory_space<vmem_shared>>
    tpu.wait_indirect_dma semaphore(%arg16 : memref<!tpu.dma_semaphore, #tpu.memory_space<semaphore_mem>>) src(%dma_wait3A_762 : memref<80x48xf32, #tpu.memory_space<vmem>>) dst(%dma_wait3A_768 : memref<10240x48xf32, #tpu.memory_space<vmem_shared>>)
    %dma_wait3A_769 = arith.constant 23 : i32
    %dma_wait3A_770 = arith.constant 2 : i32
    %dma_wait3A_771 = arith.constant 160 : i32
    %dma_wait3A_772 = arith.constant 0 : i32
    %dma_wait3A_773 = tpu.memref_slice %arg12[%dma_wait3A_771, %dma_wait3A_772] : memref<400x48xf32, #tpu.memory_space<vmem>> -> memref<80x48xf32, #tpu.memory_space<vmem>>
    %dma_wait3A_774 = arith.constant 0 : i32
    %dma_wait3A_775 = tpu.memref_slice %arg8[%dma_wait3A_769, %dma_wait3A_770, %dma_wait3A_774] : memref<25x5x80xi32, #tpu.memory_space<vmem>> -> memref<1x1x80xi32, #tpu.memory_space<vmem>>
    %dma_wait3A_776 = tpu.memref_squeeze %dma_wait3A_775 : memref<1x1x80xi32, #tpu.memory_space<vmem>> -> memref<80xi32, #tpu.memory_space<vmem>>
    %dma_wait3A_777 = arith.constant 0 : i32
    %dma_wait3A_778 = arith.constant 0 : i32
    %dma_wait3A_779 = tpu.memref_slice %arg13[%dma_wait3A_777, %dma_wait3A_778] : memref<10240x48xf32, #tpu.memory_space<vmem_shared>> -> memref<10240x48xf32, #tpu.memory_space<vmem_shared>>
    tpu.wait_indirect_dma semaphore(%arg16 : memref<!tpu.dma_semaphore, #tpu.memory_space<semaphore_mem>>) src(%dma_wait3A_773 : memref<80x48xf32, #tpu.memory_space<vmem>>) dst(%dma_wait3A_779 : memref<10240x48xf32, #tpu.memory_space<vmem_shared>>)
    %dma_wait3A_780 = arith.constant 23 : i32
    %dma_wait3A_781 = arith.constant 3 : i32
    %dma_wait3A_782 = arith.constant 240 : i32
    %dma_wait3A_783 = arith.constant 0 : i32
    %dma_wait3A_784 = tpu.memref_slice %arg12[%dma_wait3A_782, %dma_wait3A_783] : memref<400x48xf32, #tpu.memory_space<vmem>> -> memref<80x48xf32, #tpu.memory_space<vmem>>
    %dma_wait3A_785 = arith.constant 0 : i32
    %dma_wait3A_786 = tpu.memref_slice %arg8[%dma_wait3A_780, %dma_wait3A_781, %dma_wait3A_785] : memref<25x5x80xi32, #tpu.memory_space<vmem>> -> memref<1x1x80xi32, #tpu.memory_space<vmem>>
    %dma_wait3A_787 = tpu.memref_squeeze %dma_wait3A_786 : memref<1x1x80xi32, #tpu.memory_space<vmem>> -> memref<80xi32, #tpu.memory_space<vmem>>
    %dma_wait3A_788 = arith.constant 0 : i32
    %dma_wait3A_789 = arith.constant 0 : i32
    %dma_wait3A_790 = tpu.memref_slice %arg13[%dma_wait3A_788, %dma_wait3A_789] : memref<10240x48xf32, #tpu.memory_space<vmem_shared>> -> memref<10240x48xf32, #tpu.memory_space<vmem_shared>>
    tpu.wait_indirect_dma semaphore(%arg16 : memref<!tpu.dma_semaphore, #tpu.memory_space<semaphore_mem>>) src(%dma_wait3A_784 : memref<80x48xf32, #tpu.memory_space<vmem>>) dst(%dma_wait3A_790 : memref<10240x48xf32, #tpu.memory_space<vmem_shared>>)
    %dma_wait3A_791 = arith.constant 23 : i32
    %dma_wait3A_792 = arith.constant 4 : i32
    %dma_wait3A_793 = arith.constant 320 : i32
    %dma_wait3A_794 = arith.constant 0 : i32
    %dma_wait3A_795 = tpu.memref_slice %arg12[%dma_wait3A_793, %dma_wait3A_794] : memref<400x48xf32, #tpu.memory_space<vmem>> -> memref<80x48xf32, #tpu.memory_space<vmem>>
    %dma_wait3A_796 = arith.constant 0 : i32
    %dma_wait3A_797 = tpu.memref_slice %arg8[%dma_wait3A_791, %dma_wait3A_792, %dma_wait3A_796] : memref<25x5x80xi32, #tpu.memory_space<vmem>> -> memref<1x1x80xi32, #tpu.memory_space<vmem>>
    %dma_wait3A_798 = tpu.memref_squeeze %dma_wait3A_797 : memref<1x1x80xi32, #tpu.memory_space<vmem>> -> memref<80xi32, #tpu.memory_space<vmem>>
    %dma_wait3A_799 = arith.constant 0 : i32
    %dma_wait3A_800 = arith.constant 0 : i32
    %dma_wait3A_801 = tpu.memref_slice %arg13[%dma_wait3A_799, %dma_wait3A_800] : memref<10240x48xf32, #tpu.memory_space<vmem_shared>> -> memref<10240x48xf32, #tpu.memory_space<vmem_shared>>
    tpu.wait_indirect_dma semaphore(%arg16 : memref<!tpu.dma_semaphore, #tpu.memory_space<semaphore_mem>>) src(%dma_wait3A_795 : memref<80x48xf32, #tpu.memory_space<vmem>>) dst(%dma_wait3A_801 : memref<10240x48xf32, #tpu.memory_space<vmem_shared>>)
    %parallel_loop3A_802 = arith.constant 0 : i32
    %parallel_loop3A_803 = arith.constant 25 : i32
    %parallel_loop3A_804 = arith.constant 1 : i32
    scf.for %parallel_loop3A_920 = %parallel_loop3A_802 to %parallel_loop3A_803 step %parallel_loop3A_804  : i32 {
      %parallel_loop3A_921 = arith.constant 16 : i32
      %parallel_loop3A_922 = arith.muli %parallel_loop3A_920, %parallel_loop3A_921 : i32
      %parallel_loop3A_923 = vector.broadcast %parallel_loop3A_922 : i32 to vector<16xi32>
      %parallel_loop3A_924 = arith.addi %iota3A, %parallel_loop3A_923 : vector<16xi32>
      %parallel_loop3A_925 = arith.constant 5 : i32
      %parallel_loop3A_926 = arith.divsi %parallel_loop3A_920, %parallel_loop3A_925 : i32
      %parallel_loop3A_927 = arith.constant 0 : i32
      %parallel_loop3A_928 = arith.cmpi sgt, %parallel_loop3A_920, %parallel_loop3A_927 : i32
      %parallel_loop3A_929 = arith.extui %parallel_loop3A_928 : i1 to i32
      %parallel_loop3A_930 = arith.constant 0 : i32
      %parallel_loop3A_931 = arith.cmpi slt, %parallel_loop3A_920, %parallel_loop3A_930 : i32
      %parallel_loop3A_932 = arith.extui %parallel_loop3A_931 : i1 to i32
      %parallel_loop3A_933 = arith.subi %parallel_loop3A_929, %parallel_loop3A_932 : i32
      %parallel_loop3A_934 = arith.constant 0 : i32
      %parallel_loop3A_935 = arith.cmpi sgt, %parallel_loop3A_925, %parallel_loop3A_934 : i32
      %parallel_loop3A_936 = arith.extui %parallel_loop3A_935 : i1 to i32
      %parallel_loop3A_937 = arith.constant 0 : i32
      %parallel_loop3A_938 = arith.cmpi slt, %parallel_loop3A_925, %parallel_loop3A_937 : i32
      %parallel_loop3A_939 = arith.extui %parallel_loop3A_938 : i1 to i32
      %parallel_loop3A_940 = arith.subi %parallel_loop3A_936, %parallel_loop3A_939 : i32
      %parallel_loop3A_941 = arith.cmpi ne, %parallel_loop3A_933, %parallel_loop3A_940 : i32
      %parallel_loop3A_942 = arith.remsi %parallel_loop3A_920, %parallel_loop3A_925 : i32
      %parallel_loop3A_943 = arith.constant 0 : i32
      %parallel_loop3A_944 = arith.cmpi ne, %parallel_loop3A_942, %parallel_loop3A_943 : i32
      %parallel_loop3A_945 = arith.andi %parallel_loop3A_941, %parallel_loop3A_944 : i1
      %parallel_loop3A_946 = arith.constant 1 : i32
      %parallel_loop3A_947 = arith.subi %parallel_loop3A_926, %parallel_loop3A_946 : i32
      %parallel_loop3A_948 = arith.select %parallel_loop3A_945, %parallel_loop3A_947, %parallel_loop3A_926 : i32
      %parallel_loop3A_949 = arith.constant 5 : i32
      %parallel_loop3A_950 = arith.constant 0 : i32
      %parallel_loop3A_951 = arith.cmpi eq, %parallel_loop3A_949, %parallel_loop3A_950 : i32
      %parallel_loop3A_952 = arith.constant 1 : i32
      %parallel_loop3A_953 = arith.select %parallel_loop3A_951, %parallel_loop3A_952, %parallel_loop3A_949 : i32
      %parallel_loop3A_954 = arith.remsi %parallel_loop3A_920, %parallel_loop3A_953 : i32
      %parallel_loop3A_955 = arith.constant 0 : i32
      %parallel_loop3A_956 = arith.cmpi ne, %parallel_loop3A_954, %parallel_loop3A_955 : i32
      %parallel_loop3A_957 = arith.constant 0 : i32
      %parallel_loop3A_958 = arith.cmpi slt, %parallel_loop3A_954, %parallel_loop3A_957 : i32
      %parallel_loop3A_959 = arith.constant 0 : i32
      %parallel_loop3A_960 = arith.cmpi slt, %parallel_loop3A_953, %parallel_loop3A_959 : i32
      %parallel_loop3A_961 = arith.xori %parallel_loop3A_958, %parallel_loop3A_960 : i1
      %parallel_loop3A_962 = arith.andi %parallel_loop3A_961, %parallel_loop3A_956 : i1
      %parallel_loop3A_963 = arith.addi %parallel_loop3A_954, %parallel_loop3A_953 : i32
      %parallel_loop3A_964 = arith.select %parallel_loop3A_962, %parallel_loop3A_963, %parallel_loop3A_954 : i32
      %parallel_loop3A_965 = arith.constant 16 : i32
      %parallel_loop3A_966 = arith.muli %parallel_loop3A_964, %parallel_loop3A_965 : i32
      %parallel_loop3A_967 = arith.constant 24 : i32
      %parallel_loop3A_968 = arith.index_cast %parallel_loop3A_967 : i32 to index
      %parallel_loop3A_969 = arith.index_cast %parallel_loop3A_948 : i32 to index
      %parallel_loop3A_970 = arith.index_cast %parallel_loop3A_966 : i32 to index
      %parallel_loop3A_971 = tpu.vector_load %arg8[%parallel_loop3A_968, %parallel_loop3A_969, %parallel_loop3A_970] {strides = array<i32>} : memref<25x5x80xi32, #tpu.memory_space<vmem>>, vector<16xi32>,
      %parallel_loop3A_972 = tpu.vector_load_idx %arg7[%parallel_loop3A_971] : memref<10000xf32, #tpu.memory_space<vmem>>[vector<16xi32>], vector<16xf32>,
      %parallel_loop3A_973 = tpu.vector_load_idx %arg10[%parallel_loop3A_924, %broadcast_in_dim3A_240] : memref<400x48xf32, #tpu.memory_space<vmem>>[vector<16xi32>, vector<16xi32>], vector<16xf32>,
      %parallel_loop3A_974 = arith.addf %parallel_loop3A_972, %parallel_loop3A_973 : vector<16xf32>
      %parallel_loop3A_975 = arith.constant 0.000000e+00 : f32
      %parallel_loop3A_976 = vector.broadcast %parallel_loop3A_975 : f32 to vector<16xf32>
      %parallel_loop3A_977 = arith.cmpf oge, %parallel_loop3A_974, %parallel_loop3A_976 : vector<16xf32>
      %parallel_loop3A_978 = arith.constant 3.000000e-01 : f32
      %parallel_loop3A_979 = vector.broadcast %parallel_loop3A_978 : f32 to vector<16xf32>
      %parallel_loop3A_980 = arith.mulf %parallel_loop3A_979, %parallel_loop3A_974 : vector<16xf32>
      %parallel_loop3A_981 = arith.select %parallel_loop3A_977, %parallel_loop3A_974, %parallel_loop3A_980 : vector<16xi1>, vector<16xf32>
      %parallel_loop3A_982 = math.exp %parallel_loop3A_981 : vector<16xf32>
      tpu.vector_store_idx %arg12[%parallel_loop3A_924, %broadcast_in_dim3A_238], %parallel_loop3A_982 : memref<400x48xf32, #tpu.memory_space<vmem>>[vector<16xi32>, vector<16xi32>], vector<16xf32>,
      %parallel_loop3A_983 = arith.constant 0 : i32
      %parallel_loop3A_984 = arith.constant 32 : i32
      %parallel_loop3A_985 = arith.constant 1 : i32
      scf.for %parallel_loop3A_986 = %parallel_loop3A_983 to %parallel_loop3A_984 step %parallel_loop3A_985  : i32 {
        %parallel_loop3A_987 = arith.constant 0 : i32
        %parallel_loop3A_988 = vector.broadcast %parallel_loop3A_987 : i32 to vector<16xi32>
        %parallel_loop3A_989 = vector.broadcast %parallel_loop3A_986 : i32 to vector<16xi32>
        %parallel_loop3A_990 = arith.addi %parallel_loop3A_988, %parallel_loop3A_989 : vector<16xi32>
        %parallel_loop3A_991 = tpu.vector_load_idx %arg10[%parallel_loop3A_924, %parallel_loop3A_990] : memref<400x48xf32, #tpu.memory_space<vmem>>[vector<16xi32>, vector<16xi32>], vector<16xf32>,
        %parallel_loop3A_992 = arith.mulf %parallel_loop3A_991, %parallel_loop3A_982 : vector<16xf32>
        tpu.vector_store_idx %arg12[%parallel_loop3A_924, %parallel_loop3A_990], %parallel_loop3A_992 : memref<400x48xf32, #tpu.memory_space<vmem>>[vector<16xi32>, vector<16xi32>], vector<16xf32>,
      } {sc.loop_unroll_factor = 8 : i64, sc.parallel_access}
    } {sc.loop_unroll_factor = 5 : i64, sc.parallel_access}
    %dma_start3A_805 = arith.constant 24 : i32
    %dma_start3A_806 = arith.constant 0 : i32
    %dma_start3A_807 = arith.constant 0 : i32
    %dma_start3A_808 = arith.constant 0 : i32
    %dma_start3A_809 = tpu.memref_slice %arg12[%dma_start3A_807, %dma_start3A_808] : memref<400x48xf32, #tpu.memory_space<vmem>> -> memref<80x48xf32, #tpu.memory_space<vmem>>
    %dma_start3A_810 = arith.constant 0 : i32
    %dma_start3A_811 = tpu.memref_slice %arg8[%dma_start3A_805, %dma_start3A_806, %dma_start3A_810] : memref<25x5x80xi32, #tpu.memory_space<vmem>> -> memref<1x1x80xi32, #tpu.memory_space<vmem>>
    %dma_start3A_812 = tpu.memref_squeeze %dma_start3A_811 : memref<1x1x80xi32, #tpu.memory_space<vmem>> -> memref<80xi32, #tpu.memory_space<vmem>>
    %dma_start3A_813 = arith.constant 0 : i32
    %dma_start3A_814 = arith.constant 0 : i32
    %dma_start3A_815 = tpu.memref_slice %arg13[%dma_start3A_813, %dma_start3A_814] : memref<10240x48xf32, #tpu.memory_space<vmem_shared>> -> memref<10240x48xf32, #tpu.memory_space<vmem_shared>>
    tpu.enqueue_indirect_dma source(%dma_start3A_809 : memref<80x48xf32, #tpu.memory_space<vmem>>) target(%dma_start3A_815 : memref<10240x48xf32, #tpu.memory_space<vmem_shared>>) offsets(%dma_start3A_812 : memref<80xi32, #tpu.memory_space<vmem>>) semaphore(%arg16 : memref<!tpu.dma_semaphore, #tpu.memory_space<semaphore_mem>>) {add = true}
    %dma_start3A_816 = arith.constant 24 : i32
    %dma_start3A_817 = arith.constant 1 : i32
    %dma_start3A_818 = arith.constant 80 : i32
    %dma_start3A_819 = arith.constant 0 : i32
    %dma_start3A_820 = tpu.memref_slice %arg12[%dma_start3A_818, %dma_start3A_819] : memref<400x48xf32, #tpu.memory_space<vmem>> -> memref<80x48xf32, #tpu.memory_space<vmem>>
    %dma_start3A_821 = arith.constant 0 : i32
    %dma_start3A_822 = tpu.memref_slice %arg8[%dma_start3A_816, %dma_start3A_817, %dma_start3A_821] : memref<25x5x80xi32, #tpu.memory_space<vmem>> -> memref<1x1x80xi32, #tpu.memory_space<vmem>>
    %dma_start3A_823 = tpu.memref_squeeze %dma_start3A_822 : memref<1x1x80xi32, #tpu.memory_space<vmem>> -> memref<80xi32, #tpu.memory_space<vmem>>
    %dma_start3A_824 = arith.constant 0 : i32
    %dma_start3A_825 = arith.constant 0 : i32
    %dma_start3A_826 = tpu.memref_slice %arg13[%dma_start3A_824, %dma_start3A_825] : memref<10240x48xf32, #tpu.memory_space<vmem_shared>> -> memref<10240x48xf32, #tpu.memory_space<vmem_shared>>
    tpu.enqueue_indirect_dma source(%dma_start3A_820 : memref<80x48xf32, #tpu.memory_space<vmem>>) target(%dma_start3A_826 : memref<10240x48xf32, #tpu.memory_space<vmem_shared>>) offsets(%dma_start3A_823 : memref<80xi32, #tpu.memory_space<vmem>>) semaphore(%arg16 : memref<!tpu.dma_semaphore, #tpu.memory_space<semaphore_mem>>) {add = true}
    %dma_start3A_827 = arith.constant 24 : i32
    %dma_start3A_828 = arith.constant 2 : i32
    %dma_start3A_829 = arith.constant 160 : i32
    %dma_start3A_830 = arith.constant 0 : i32
    %dma_start3A_831 = tpu.memref_slice %arg12[%dma_start3A_829, %dma_start3A_830] : memref<400x48xf32, #tpu.memory_space<vmem>> -> memref<80x48xf32, #tpu.memory_space<vmem>>
    %dma_start3A_832 = arith.constant 0 : i32
    %dma_start3A_833 = tpu.memref_slice %arg8[%dma_start3A_827, %dma_start3A_828, %dma_start3A_832] : memref<25x5x80xi32, #tpu.memory_space<vmem>> -> memref<1x1x80xi32, #tpu.memory_space<vmem>>
    %dma_start3A_834 = tpu.memref_squeeze %dma_start3A_833 : memref<1x1x80xi32, #tpu.memory_space<vmem>> -> memref<80xi32, #tpu.memory_space<vmem>>
    %dma_start3A_835 = arith.constant 0 : i32
    %dma_start3A_836 = arith.constant 0 : i32
    %dma_start3A_837 = tpu.memref_slice %arg13[%dma_start3A_835, %dma_start3A_836] : memref<10240x48xf32, #tpu.memory_space<vmem_shared>> -> memref<10240x48xf32, #tpu.memory_space<vmem_shared>>
    tpu.enqueue_indirect_dma source(%dma_start3A_831 : memref<80x48xf32, #tpu.memory_space<vmem>>) target(%dma_start3A_837 : memref<10240x48xf32, #tpu.memory_space<vmem_shared>>) offsets(%dma_start3A_834 : memref<80xi32, #tpu.memory_space<vmem>>) semaphore(%arg16 : memref<!tpu.dma_semaphore, #tpu.memory_space<semaphore_mem>>) {add = true}
    %dma_start3A_838 = arith.constant 24 : i32
    %dma_start3A_839 = arith.constant 3 : i32
    %dma_start3A_840 = arith.constant 240 : i32
    %dma_start3A_841 = arith.constant 0 : i32
    %dma_start3A_842 = tpu.memref_slice %arg12[%dma_start3A_840, %dma_start3A_841] : memref<400x48xf32, #tpu.memory_space<vmem>> -> memref<80x48xf32, #tpu.memory_space<vmem>>
    %dma_start3A_843 = arith.constant 0 : i32
    %dma_start3A_844 = tpu.memref_slice %arg8[%dma_start3A_838, %dma_start3A_839, %dma_start3A_843] : memref<25x5x80xi32, #tpu.memory_space<vmem>> -> memref<1x1x80xi32, #tpu.memory_space<vmem>>
    %dma_start3A_845 = tpu.memref_squeeze %dma_start3A_844 : memref<1x1x80xi32, #tpu.memory_space<vmem>> -> memref<80xi32, #tpu.memory_space<vmem>>
    %dma_start3A_846 = arith.constant 0 : i32
    %dma_start3A_847 = arith.constant 0 : i32
    %dma_start3A_848 = tpu.memref_slice %arg13[%dma_start3A_846, %dma_start3A_847] : memref<10240x48xf32, #tpu.memory_space<vmem_shared>> -> memref<10240x48xf32, #tpu.memory_space<vmem_shared>>
    tpu.enqueue_indirect_dma source(%dma_start3A_842 : memref<80x48xf32, #tpu.memory_space<vmem>>) target(%dma_start3A_848 : memref<10240x48xf32, #tpu.memory_space<vmem_shared>>) offsets(%dma_start3A_845 : memref<80xi32, #tpu.memory_space<vmem>>) semaphore(%arg16 : memref<!tpu.dma_semaphore, #tpu.memory_space<semaphore_mem>>) {add = true}
    %dma_start3A_849 = arith.constant 24 : i32
    %dma_start3A_850 = arith.constant 4 : i32
    %dma_start3A_851 = arith.constant 320 : i32
    %dma_start3A_852 = arith.constant 0 : i32
    %dma_start3A_853 = tpu.memref_slice %arg12[%dma_start3A_851, %dma_start3A_852] : memref<400x48xf32, #tpu.memory_space<vmem>> -> memref<80x48xf32, #tpu.memory_space<vmem>>
    %dma_start3A_854 = arith.constant 0 : i32
    %dma_start3A_855 = tpu.memref_slice %arg8[%dma_start3A_849, %dma_start3A_850, %dma_start3A_854] : memref<25x5x80xi32, #tpu.memory_space<vmem>> -> memref<1x1x80xi32, #tpu.memory_space<vmem>>
    %dma_start3A_856 = tpu.memref_squeeze %dma_start3A_855 : memref<1x1x80xi32, #tpu.memory_space<vmem>> -> memref<80xi32, #tpu.memory_space<vmem>>
    %dma_start3A_857 = arith.constant 0 : i32
    %dma_start3A_858 = arith.constant 0 : i32
    %dma_start3A_859 = tpu.memref_slice %arg13[%dma_start3A_857, %dma_start3A_858] : memref<10240x48xf32, #tpu.memory_space<vmem_shared>> -> memref<10240x48xf32, #tpu.memory_space<vmem_shared>>
    tpu.enqueue_indirect_dma source(%dma_start3A_853 : memref<80x48xf32, #tpu.memory_space<vmem>>) target(%dma_start3A_859 : memref<10240x48xf32, #tpu.memory_space<vmem_shared>>) offsets(%dma_start3A_856 : memref<80xi32, #tpu.memory_space<vmem>>) semaphore(%arg16 : memref<!tpu.dma_semaphore, #tpu.memory_space<semaphore_mem>>) {add = true}
    %dma_wait3A_860 = arith.constant 24 : i32
    %dma_wait3A_861 = arith.constant 0 : i32
    %dma_wait3A_862 = arith.constant 0 : i32
    %dma_wait3A_863 = arith.constant 0 : i32
    %dma_wait3A_864 = tpu.memref_slice %arg12[%dma_wait3A_862, %dma_wait3A_863] : memref<400x48xf32, #tpu.memory_space<vmem>> -> memref<80x48xf32, #tpu.memory_space<vmem>>
    %dma_wait3A_865 = arith.constant 0 : i32
    %dma_wait3A_866 = tpu.memref_slice %arg8[%dma_wait3A_860, %dma_wait3A_861, %dma_wait3A_865] : memref<25x5x80xi32, #tpu.memory_space<vmem>> -> memref<1x1x80xi32, #tpu.memory_space<vmem>>
    %dma_wait3A_867 = tpu.memref_squeeze %dma_wait3A_866 : memref<1x1x80xi32, #tpu.memory_space<vmem>> -> memref<80xi32, #tpu.memory_space<vmem>>
    %dma_wait3A_868 = arith.constant 0 : i32
    %dma_wait3A_869 = arith.constant 0 : i32
    %dma_wait3A_870 = tpu.memref_slice %arg13[%dma_wait3A_868, %dma_wait3A_869] : memref<10240x48xf32, #tpu.memory_space<vmem_shared>> -> memref<10240x48xf32, #tpu.memory_space<vmem_shared>>
    tpu.wait_indirect_dma semaphore(%arg16 : memref<!tpu.dma_semaphore, #tpu.memory_space<semaphore_mem>>) src(%dma_wait3A_864 : memref<80x48xf32, #tpu.memory_space<vmem>>) dst(%dma_wait3A_870 : memref<10240x48xf32, #tpu.memory_space<vmem_shared>>)
    %dma_wait3A_871 = arith.constant 24 : i32
    %dma_wait3A_872 = arith.constant 1 : i32
    %dma_wait3A_873 = arith.constant 80 : i32
    %dma_wait3A_874 = arith.constant 0 : i32
    %dma_wait3A_875 = tpu.memref_slice %arg12[%dma_wait3A_873, %dma_wait3A_874] : memref<400x48xf32, #tpu.memory_space<vmem>> -> memref<80x48xf32, #tpu.memory_space<vmem>>
    %dma_wait3A_876 = arith.constant 0 : i32
    %dma_wait3A_877 = tpu.memref_slice %arg8[%dma_wait3A_871, %dma_wait3A_872, %dma_wait3A_876] : memref<25x5x80xi32, #tpu.memory_space<vmem>> -> memref<1x1x80xi32, #tpu.memory_space<vmem>>
    %dma_wait3A_878 = tpu.memref_squeeze %dma_wait3A_877 : memref<1x1x80xi32, #tpu.memory_space<vmem>> -> memref<80xi32, #tpu.memory_space<vmem>>
    %dma_wait3A_879 = arith.constant 0 : i32
    %dma_wait3A_880 = arith.constant 0 : i32
    %dma_wait3A_881 = tpu.memref_slice %arg13[%dma_wait3A_879, %dma_wait3A_880] : memref<10240x48xf32, #tpu.memory_space<vmem_shared>> -> memref<10240x48xf32, #tpu.memory_space<vmem_shared>>
    tpu.wait_indirect_dma semaphore(%arg16 : memref<!tpu.dma_semaphore, #tpu.memory_space<semaphore_mem>>) src(%dma_wait3A_875 : memref<80x48xf32, #tpu.memory_space<vmem>>) dst(%dma_wait3A_881 : memref<10240x48xf32, #tpu.memory_space<vmem_shared>>)
    %dma_wait3A_882 = arith.constant 24 : i32
    %dma_wait3A_883 = arith.constant 2 : i32
    %dma_wait3A_884 = arith.constant 160 : i32
    %dma_wait3A_885 = arith.constant 0 : i32
    %dma_wait3A_886 = tpu.memref_slice %arg12[%dma_wait3A_884, %dma_wait3A_885] : memref<400x48xf32, #tpu.memory_space<vmem>> -> memref<80x48xf32, #tpu.memory_space<vmem>>
    %dma_wait3A_887 = arith.constant 0 : i32
    %dma_wait3A_888 = tpu.memref_slice %arg8[%dma_wait3A_882, %dma_wait3A_883, %dma_wait3A_887] : memref<25x5x80xi32, #tpu.memory_space<vmem>> -> memref<1x1x80xi32, #tpu.memory_space<vmem>>
    %dma_wait3A_889 = tpu.memref_squeeze %dma_wait3A_888 : memref<1x1x80xi32, #tpu.memory_space<vmem>> -> memref<80xi32, #tpu.memory_space<vmem>>
    %dma_wait3A_890 = arith.constant 0 : i32
    %dma_wait3A_891 = arith.constant 0 : i32
    %dma_wait3A_892 = tpu.memref_slice %arg13[%dma_wait3A_890, %dma_wait3A_891] : memref<10240x48xf32, #tpu.memory_space<vmem_shared>> -> memref<10240x48xf32, #tpu.memory_space<vmem_shared>>
    tpu.wait_indirect_dma semaphore(%arg16 : memref<!tpu.dma_semaphore, #tpu.memory_space<semaphore_mem>>) src(%dma_wait3A_886 : memref<80x48xf32, #tpu.memory_space<vmem>>) dst(%dma_wait3A_892 : memref<10240x48xf32, #tpu.memory_space<vmem_shared>>)
    %dma_wait3A_893 = arith.constant 24 : i32
    %dma_wait3A_894 = arith.constant 3 : i32
    %dma_wait3A_895 = arith.constant 240 : i32
    %dma_wait3A_896 = arith.constant 0 : i32
    %dma_wait3A_897 = tpu.memref_slice %arg12[%dma_wait3A_895, %dma_wait3A_896] : memref<400x48xf32, #tpu.memory_space<vmem>> -> memref<80x48xf32, #tpu.memory_space<vmem>>
    %dma_wait3A_898 = arith.constant 0 : i32
    %dma_wait3A_899 = tpu.memref_slice %arg8[%dma_wait3A_893, %dma_wait3A_894, %dma_wait3A_898] : memref<25x5x80xi32, #tpu.memory_space<vmem>> -> memref<1x1x80xi32, #tpu.memory_space<vmem>>
    %dma_wait3A_900 = tpu.memref_squeeze %dma_wait3A_899 : memref<1x1x80xi32, #tpu.memory_space<vmem>> -> memref<80xi32, #tpu.memory_space<vmem>>
    %dma_wait3A_901 = arith.constant 0 : i32
    %dma_wait3A_902 = arith.constant 0 : i32
    %dma_wait3A_903 = tpu.memref_slice %arg13[%dma_wait3A_901, %dma_wait3A_902] : memref<10240x48xf32, #tpu.memory_space<vmem_shared>> -> memref<10240x48xf32, #tpu.memory_space<vmem_shared>>
    tpu.wait_indirect_dma semaphore(%arg16 : memref<!tpu.dma_semaphore, #tpu.memory_space<semaphore_mem>>) src(%dma_wait3A_897 : memref<80x48xf32, #tpu.memory_space<vmem>>) dst(%dma_wait3A_903 : memref<10240x48xf32, #tpu.memory_space<vmem_shared>>)
    %dma_wait3A_904 = arith.constant 24 : i32
    %dma_wait3A_905 = arith.constant 4 : i32
    %dma_wait3A_906 = arith.constant 320 : i32
    %dma_wait3A_907 = arith.constant 0 : i32
    %dma_wait3A_908 = tpu.memref_slice %arg12[%dma_wait3A_906, %dma_wait3A_907] : memref<400x48xf32, #tpu.memory_space<vmem>> -> memref<80x48xf32, #tpu.memory_space<vmem>>
    %dma_wait3A_909 = arith.constant 0 : i32
    %dma_wait3A_910 = tpu.memref_slice %arg8[%dma_wait3A_904, %dma_wait3A_905, %dma_wait3A_909] : memref<25x5x80xi32, #tpu.memory_space<vmem>> -> memref<1x1x80xi32, #tpu.memory_space<vmem>>
    %dma_wait3A_911 = tpu.memref_squeeze %dma_wait3A_910 : memref<1x1x80xi32, #tpu.memory_space<vmem>> -> memref<80xi32, #tpu.memory_space<vmem>>
    %dma_wait3A_912 = arith.constant 0 : i32
    %dma_wait3A_913 = arith.constant 0 : i32
    %dma_wait3A_914 = tpu.memref_slice %arg13[%dma_wait3A_912, %dma_wait3A_913] : memref<10240x48xf32, #tpu.memory_space<vmem_shared>> -> memref<10240x48xf32, #tpu.memory_space<vmem_shared>>
    tpu.wait_indirect_dma semaphore(%arg16 : memref<!tpu.dma_semaphore, #tpu.memory_space<semaphore_mem>>) src(%dma_wait3A_908 : memref<80x48xf32, #tpu.memory_space<vmem>>) dst(%dma_wait3A_914 : memref<10240x48xf32, #tpu.memory_space<vmem_shared>>)
    %barrier3A_915 = arith.constant 0 : index
    tpu.barrier barrier_id(%barrier3A_915)
    %mul3A_916 = arith.constant 640 : i32
    %mul3A_917 = arith.muli %arg1, %mul3A_916 : i32
    %mul3A_918 = arith.constant 640 : i32
    %mul3A_919 = arith.muli %arg1, %mul3A_918 : i32
    "tpu.region"() ({
      %run_scoped3A = tpu.sem_alloc : memref<!tpu.dma_semaphore, #tpu.memory_space<semaphore_mem>>
      %dma_start3A_920 = arith.constant 0 : i32
      %dma_start3A_921 = tpu.memref_slice %arg6[%arg0, %mul3A_919, %dma_start3A_920] : memref<2x10240x48xf32, #tpu.memory_space<hbm>> -> memref<1x640x48xf32, #tpu.memory_space<hbm>>
      %dma_start3A_922 = tpu.memref_squeeze %dma_start3A_921 : memref<1x640x48xf32, #tpu.memory_space<hbm>> -> memref<640x48xf32, #tpu.memory_space<hbm>>
      %dma_start3A_923 = arith.constant 0 : i32
      %dma_start3A_924 = tpu.memref_slice %arg13[%mul3A_917, %dma_start3A_923] : memref<10240x48xf32, #tpu.memory_space<vmem_shared>> -> memref<640x48xf32, #tpu.memory_space<vmem_shared>>
      tpu.enqueue_dma source(%dma_start3A_924 : memref<640x48xf32, #tpu.memory_space<vmem_shared>>) target(%dma_start3A_922 : memref<640x48xf32, #tpu.memory_space<hbm>>) target_semaphore(%run_scoped3A : memref<!tpu.dma_semaphore, #tpu.memory_space<semaphore_mem>>)
      %dma_wait3A_925 = arith.constant 0 : i32
      %dma_wait3A_926 = tpu.memref_slice %arg6[%arg0, %mul3A_919, %dma_wait3A_925] : memref<2x10240x48xf32, #tpu.memory_space<hbm>> -> memref<1x640x48xf32, #tpu.memory_space<hbm>>
      %dma_wait3A_927 = tpu.memref_squeeze %dma_wait3A_926 : memref<1x640x48xf32, #tpu.memory_space<hbm>> -> memref<640x48xf32, #tpu.memory_space<hbm>>
      %dma_wait3A_928 = arith.constant 0 : i32
      %dma_wait3A_929 = tpu.memref_slice %arg13[%mul3A_917, %dma_wait3A_928] : memref<10240x48xf32, #tpu.memory_space<vmem_shared>> -> memref<640x48xf32, #tpu.memory_space<vmem_shared>>
      tpu.wait_dma2 semaphore(%run_scoped3A : memref<!tpu.dma_semaphore, #tpu.memory_space<semaphore_mem>>) src(%dma_wait3A_929 : memref<640x48xf32, #tpu.memory_space<vmem_shared>>) dst(%dma_wait3A_927 : memref<640x48xf32, #tpu.memory_space<hbm>>)
      tpu.yield
    }) : () -> ()
    return
  }
}

module attributes {stable_mosaic.version = 14 : i64} {
  func.func @_pre_kernel(%arg0: memref<10000x128xf32, #tpu.memory_space<vmem>>, %arg1: memref<10000x128xf32, #tpu.memory_space<vmem>>, %arg2: memref<128x32xf32, #tpu.memory_space<vmem>>, %arg3: memref<32xf32, #tpu.memory_space<vmem>>, %arg4: memref<128x32xf32, #tpu.memory_space<vmem>>, %arg5: memref<32xf32, #tpu.memory_space<vmem>>, %arg6: memref<64x1xf32, #tpu.memory_space<vmem>>, %arg7: memref<1xf32, #tpu.memory_space<vmem>>, %arg8: memref<10000x48xf32, #tpu.memory_space<vmem>>, %arg9: memref<10000x1xf32, #tpu.memory_space<vmem>>) attributes {dimension_semantics = [], scalar_prefetch = 0 : i64, scratch_operands = 0 : i64, tpu.core_type = #tpu.core_type<tc>} {
    %get3A = arith.constant 0 : index
    %get3A_0 = arith.constant 0 : index
    %get3A_1 = vector.load %arg6[%get3A, %get3A_0] : memref<64x1xf32, #tpu.memory_space<vmem>>, vector<64x1xf32>
    %slice3A = vector.extract_strided_slice %get3A_1 {offsets = [0, 0], sizes = [32, 1], strides = [1, 1]} : vector<64x1xf32> to vector<32x1xf32>
    %slice3A_2 = vector.extract_strided_slice %get3A_1 {offsets = [32, 0], sizes = [32, 1], strides = [1, 1]} : vector<64x1xf32> to vector<32x1xf32>
    %get3A_3 = arith.constant 0 : index
    %get3A_4 = arith.constant 0 : index
    %get3A_5 = vector.load %arg0[%get3A_3, %get3A_4] : memref<10000x128xf32, #tpu.memory_space<vmem>>, vector<10000x128xf32>
    %get3A_6 = arith.constant 0 : index
    %get3A_7 = arith.constant 0 : index
    %get3A_8 = vector.load %arg2[%get3A_6, %get3A_7] : memref<128x32xf32, #tpu.memory_space<vmem>>, vector<128x32xf32>
    %dot_general3A = arith.constant dense<0.000000e+00> : vector<10000x32xf32>
    %dot_general3A_9 = tpu.matmul %get3A_5, %get3A_8, %dot_general3A {dimension_numbers = #tpu.dot_dimension_numbers<[1], [0], [0], [1], [0, 0, 1, 1], [], []>, transpose_lhs_hint = false} : vector<10000x128xf32>, vector<128x32xf32>, vector<10000x32xf32> -> vector<10000x32xf32>
    %get3A_10 = arith.constant 0 : index
    %get3A_11 = vector.load %arg3[%get3A_10] : memref<32xf32, #tpu.memory_space<vmem>>, vector<32xf32>
    %broadcast_in_dim3A = vector.shape_cast %get3A_11 : vector<32xf32> to vector<1x32xf32>
    %add3A = vector.broadcast %broadcast_in_dim3A : vector<1x32xf32> to vector<10000x32xf32>
    %add3A_12 = arith.addf %dot_general3A_9, %add3A : vector<10000x32xf32>
    %get3A_13 = arith.constant 0 : index
    %get3A_14 = arith.constant 0 : index
    %get3A_15 = vector.load %arg1[%get3A_13, %get3A_14] : memref<10000x128xf32, #tpu.memory_space<vmem>>, vector<10000x128xf32>
    %get3A_16 = arith.constant 0 : index
    %get3A_17 = arith.constant 0 : index
    %get3A_18 = vector.load %arg4[%get3A_16, %get3A_17] : memref<128x32xf32, #tpu.memory_space<vmem>>, vector<128x32xf32>
    %dot_general3A_19 = arith.constant dense<0.000000e+00> : vector<10000x32xf32>
    %dot_general3A_20 = tpu.matmul %get3A_15, %get3A_18, %dot_general3A_19 {dimension_numbers = #tpu.dot_dimension_numbers<[1], [0], [0], [1], [0, 0, 1, 1], [], []>, transpose_lhs_hint = false} : vector<10000x128xf32>, vector<128x32xf32>, vector<10000x32xf32> -> vector<10000x32xf32>
    %get3A_21 = arith.constant 0 : index
    %get3A_22 = vector.load %arg5[%get3A_21] : memref<32xf32, #tpu.memory_space<vmem>>, vector<32xf32>
    %broadcast_in_dim3A_23 = vector.shape_cast %get3A_22 : vector<32xf32> to vector<1x32xf32>
    %add3A_24 = vector.broadcast %broadcast_in_dim3A_23 : vector<1x32xf32> to vector<10000x32xf32>
    %add3A_25 = arith.addf %dot_general3A_20, %add3A_24 : vector<10000x32xf32>
    %dot_general3A_26 = arith.constant dense<0.000000e+00> : vector<10000x1xf32>
    %dot_general3A_27 = tpu.matmul %add3A_12, %slice3A, %dot_general3A_26 {dimension_numbers = #tpu.dot_dimension_numbers<[1], [0], [0], [1], [0, 0, 1, 1], [], []>, transpose_lhs_hint = false} : vector<10000x32xf32>, vector<32x1xf32>, vector<10000x1xf32> -> vector<10000x1xf32>
    %get3A_28 = arith.constant 0 : index
    %get3A_29 = vector.load %arg7[%get3A_28] : memref<1xf32, #tpu.memory_space<vmem>>, vector<1xf32>
    %broadcast_in_dim3A_30 = vector.shape_cast %get3A_29 : vector<1xf32> to vector<1x1xf32>
    %add3A_31 = vector.broadcast %broadcast_in_dim3A_30 : vector<1x1xf32> to vector<10000x1xf32>
    %add3A_32 = arith.addf %dot_general3A_27, %add3A_31 : vector<10000x1xf32>
    %dot_general3A_33 = arith.constant dense<0.000000e+00> : vector<10000x1xf32>
    %dot_general3A_34 = tpu.matmul %add3A_25, %slice3A_2, %dot_general3A_33 {dimension_numbers = #tpu.dot_dimension_numbers<[1], [0], [0], [1], [0, 0, 1, 1], [], []>, transpose_lhs_hint = false} : vector<10000x32xf32>, vector<32x1xf32>, vector<10000x1xf32> -> vector<10000x1xf32>
    %broadcast_in_dim3A_35 = arith.constant 1.000000e+00 : f32
    %broadcast_in_dim3A_36 = vector.broadcast %broadcast_in_dim3A_35 : f32 to vector<10000x1xf32>
    %broadcast_in_dim3A_37 = arith.constant 0.000000e+00 : f32
    %broadcast_in_dim3A_38 = vector.broadcast %broadcast_in_dim3A_37 : f32 to vector<10000x14xf32>
    %concatenate3A = tpu.concatenate %add3A_25, %broadcast_in_dim3A_36, %dot_general3A_34, %broadcast_in_dim3A_38 in 1 : vector<10000x32xf32>, vector<10000x1xf32>, vector<10000x1xf32>, vector<10000x14xf32> -> vector<10000x48xf32>
    %swap3A = arith.constant 0 : index
    %swap3A_39 = arith.constant 0 : index
    %swap3A_40 = vector.load %arg8[%swap3A, %swap3A_39] : memref<10000x48xf32, #tpu.memory_space<vmem>>, vector<10000x48xf32>
    tpu.vector_store %arg8[%swap3A, %swap3A_39], %concatenate3A {strides = array<i32>} : memref<10000x48xf32, #tpu.memory_space<vmem>>, vector<10000x48xf32>,
    %swap3A_41 = arith.constant 0 : index
    %swap3A_42 = arith.constant 0 : index
    %swap3A_43 = vector.load %arg9[%swap3A_41, %swap3A_42] : memref<10000x1xf32, #tpu.memory_space<vmem>>, vector<10000x1xf32>
    tpu.vector_store %arg9[%swap3A_41, %swap3A_42], %add3A_32 {strides = array<i32>} : memref<10000x1xf32, #tpu.memory_space<vmem>>, vector<10000x1xf32>,
    return
  }
}

module attributes {stable_mosaic.version = 14 : i64} {
  func.func @_post_kernel(%arg0: memref<2x10240x48xf32, #tpu.memory_space<vmem>>, %arg1: memref<10000x32xf32, #tpu.memory_space<vmem>>) attributes {dimension_semantics = [], scalar_prefetch = 0 : i64, scratch_operands = 0 : i64, tpu.core_type = #tpu.core_type<tc>} {
    %get3A = arith.constant 0 : index
    %get3A_0 = arith.constant 0 : index
    %get3A_1 = arith.constant 0 : index
    %get3A_2 = vector.load %arg0[%get3A, %get3A_0, %get3A_1] : memref<2x10240x48xf32, #tpu.memory_space<vmem>>, vector<1x10000x48xf32>
    %get3A_3 = vector.shape_cast %get3A_2 : vector<1x10000x48xf32> to vector<10000x48xf32>
    %get3A_4 = arith.constant 1 : index
    %get3A_5 = arith.constant 0 : index
    %get3A_6 = arith.constant 0 : index
    %get3A_7 = vector.load %arg0[%get3A_4, %get3A_5, %get3A_6] : memref<2x10240x48xf32, #tpu.memory_space<vmem>>, vector<1x10000x48xf32>
    %get3A_8 = vector.shape_cast %get3A_7 : vector<1x10000x48xf32> to vector<10000x48xf32>
    %add3A = arith.addf %get3A_3, %get3A_8 : vector<10000x48xf32>
    %slice3A = vector.extract_strided_slice %add3A {offsets = [0, 32], sizes = [10000, 1], strides = [1, 1]} : vector<10000x48xf32> to vector<10000x1xf32>
    %slice3A_9 = vector.extract_strided_slice %add3A {offsets = [0, 0], sizes = [10000, 32], strides = [1, 1]} : vector<10000x48xf32> to vector<10000x32xf32>
    %gt3A = arith.constant 0.000000e+00 : f32
    %gt3A_10 = vector.broadcast %gt3A : f32 to vector<10000x1xf32>
    %gt3A_11 = arith.cmpf ogt, %slice3A, %gt3A_10 : vector<10000x1xf32>
    %div3A = vector.broadcast %slice3A : vector<10000x1xf32> to vector<10000x32xf32>
    %div3A_12 = arith.divf %slice3A_9, %div3A : vector<10000x32xf32>
    %jit3A = arith.constant 0.000000e+00 : f32
    %broadcast_in_dim3A = vector.shape_cast %gt3A_11 : vector<10000x1xi1> to vector<10000x1xi1>
    %broadcast_in_dim3A_13 = vector.broadcast %broadcast_in_dim3A : vector<10000x1xi1> to vector<10000x32xi1>
    %broadcast_in_dim3A_14 = vector.broadcast %jit3A : f32 to vector<10000x32xf32>
    %select_n3A = arith.select %broadcast_in_dim3A_13, %div3A_12, %broadcast_in_dim3A_14 : vector<10000x32xi1>, vector<10000x32xf32>
    %swap3A = arith.constant 0 : index
    %swap3A_15 = arith.constant 0 : index
    %swap3A_16 = vector.load %arg1[%swap3A, %swap3A_15] : memref<10000x32xf32, #tpu.memory_space<vmem>>, vector<10000x32xf32>
    tpu.vector_store %arg1[%swap3A, %swap3A_15], %select_n3A {strides = array<i32>} : memref<10000x32xf32, #tpu.memory_space<vmem>>, vector<10000x32xf32>,
    return
  }
}

</mosaic_0001>

<sc_bundles>
// kernel: kernel.5.cloned.1.call-start
scs
__scs_entry_jumppad:
0x0: {  	(pc) =	sbr.rel $0x88, $3  }
0x1: {  	(tag) =	ssettag $0x0;
	lr =	simm.s32 $0x1  }
0x2: {  	[smem:$0x3F98] =	sst lr;
	_ =	strace $0xD0000000  }
0x3: {  	_ = 	snop  }
0x4: {  	_ = 	snop  }
0x5: {  	_ = 	snop  }
0x6: {  	_ = 	snop  }
0x7: {  	_ = 	snop  }
__scs_overlays_trampoline_lowered:
0x8: {  	[smem:$0x3FA7] =	sst s0  }
0x9: {  	[smem:$0x3FA8] =	sst s1  }
0xa: {  	[smem:$0x3FA9] =	sst s2  }
0xb: {  	[smem:$0x3FAA] =	sst s3  }
0xc: {  	[smem:$0x3FAB] =	sst s4  }
0xd: {  	[smem:$0x3FAC] =	sst s5  }
0xe: {  	[smem:$0x3FAD] =	sst s6  }
0xf: {  	[smem:$0x3FAE] =	sst s7  }
0x10: {  	[smem:$0x3FAF] =	sst s8  }
0x11: {  	[smem:$0x3FB0] =	sst s9;
	s0 =	simm.s32 @!p0 $0x0  }
0x12: {  	s1 =	sld [smem:$0x3F96];
	s0 =	simm.s32 @p0 $0x1  }
0x13: {  	[smem:$0x3FB1] =	sst s0;
	s0 =	simm.s32 @!p1 $0x0  }
0x14: {  	s2 =	sld [smem:$0x3F95];
	s0 =	simm.s32 @p1 $0x1  }
0x15: {  	[smem:$0x3FB2] =	sst s0;
	s0 =	simm.s32 @!p2 $0x0  }
0x16: {  	s3 =	sld [smem:$0x3FDB];
	s0 =	simm.s32 @p2 $0x1  }
0x17: {  	s4 =	simm.s32 $0x1BF5;
	[smem:$0x3FB4] =	sst s0  }
0x18: {  	s0 =	sld [smem:$0x3F97];
	_ =	swait.ge [sflag:s4], $0x0  }
0x19: {  	s7 =	sld [smem:$0x3F98]  }
0x1a: {  	s8 =	sadd.s32 $0xFFFFE003, lr  }
0x1b: {  	s9 =	sadd.s32 $0xFFFFFEF7, lr;
	s5 =	simm.s32 $0xFFFFFFFF;
	p2 =	slt.u32 s8, $0xFFFFF086  }
0x1c: {  	p1 =	slt.u32 s9, $0xF7A;
	s5 =	simm.s32 @!p2 $0x0  }
0x1d: {  	s5 =	simm.s32 @p1 $0x1;
	p0 =	seq.s32 s7, s2  }
0x1e: {  	s7 =	smul.u32 @!p0 $0xF7A, s2;
	p2 =	seq.s32 @!p0 s5, $0x0  }
0x1f: {  	s9 =	smul.u32 $0xF7A, s1;
	s8 =	simm.s32 @!p0 $0x1BF5;
	p2 =	por !p2, p0  }
0x20: {  	[sflag:s8] =	ssyncset.s32 @!p0 $0xFFFFF086;
	s6 =	sadd.s32 @!p0 s3, s7;
	s7 =	simm.s32 @!p0 $0x108  }
0x21: {  	s3 =	sadd.s32 s3, s9;
	s6 =	sadd.s32 @!p0 $0x88, s6;
	s7 =	simm.s32 @p2 $0x1082  }
0x22: {  	[simem:s7], [sflag:s8] =	dma.local @!p0 [hbm:s6], $0xF7A  }
0x23: {  	s9 =	sor.u32 $0xD0000000, s2;
	s6 =	simm.s32 $0x108;
	_ =	swait.ge @!p0 [sflag:s8], $0x0  }
0x24: {  	s3 =	sadd.s32 $0x88, s3;
	s6 =	simm.s32 @!p1 $0x1082;
	[sflag:s4] =	ssyncset.s32 $0xFFFFF086  }
0x25: {  	[simem:s6], [sflag:s4] =	dma.local [hbm:s3], $0xF7A  }
0x26: {  	[smem:$0x3F98] =	sst s1;
	(tag) =	ssettag s2;
	_ =	strace s9  }
0x27: {  	s1 =	sld [smem:$0x3FA8]  }
0x28: {  	s2 =	sld [smem:$0x3FA9]  }
0x29: {  	s4 =	sld [smem:$0x3FAB]  }
0x2a: {  	p0 =	seq.s32 s5, $0x0;
	s5 =	sld [smem:$0x3FAC]  }
0x2b: {  	s6 =	sld [smem:$0x3FAD]  }
0x2c: {  	s7 =	sld [smem:$0x3FAE]  }
0x2d: {  	s3 =	simm.s32 $0x108;
	s8 =	sld [smem:$0x3FAF]  }
0x2e: {  	s3 =	simm.s32 @!p0 $0x1082;
	s9 =	sld [smem:$0x3FB0]  }
0x2f: {  	lr =	sadd.s32 s0, s3;
	s0 =	sld [smem:$0x3FA7]  }
0x30: {  	s3 =	sld [smem:$0x3FAA]  }
0x31: {  	[smem:$0x3FB3] =	sst s10  }
0x32: {  	s10 =	sld [smem:$0x3FB1];
	_ =	sdelay $0x3  }
0x33: {  	p0 =	seq.s32 s10, $0x1;
	s10 =	sld [smem:$0x3FB3];
	_ =	sdelay $0x3  }
0x34: {  	[smem:$0x3FB3] =	sst s10  }
0x35: {  	s10 =	sld [smem:$0x3FB2];
	_ =	sdelay $0x3  }
0x36: {  	p1 =	seq.s32 s10, $0x1;
	s10 =	sld [smem:$0x3FB3];
	_ =	sdelay $0x3  }
0x37: {  	[smem:$0x3FB3] =	sst s10  }
0x38: {  	s10 =	sld [smem:$0x3FB4]  }
0x39: {  	_ = 	snop;
	(pc) =	sbr.ind lr, $3  }
0x3a: {  	_ = 	snop  }
0x3b: {  	_ = 	snop  }
0x3c: {  	p2 =	seq.s32 s10, $0x1;
	s10 =	sld [smem:$0x3FB3]  }
0x3d: {  	_ =	shalt  }
0x3e: {  	_ =	shalt  }
0x3f: {  	_ =	shalt  }
0x40: {  	_ =	shalt  }
0x41: {  	_ =	shalt  }
0x42: {  	_ =	shalt  }
0x43: {  	_ =	shalt  }
0x44: {  	_ =	shalt  }
0x45: {  	_ =	shalt  }
0x46: {  	_ =	shalt  }
0x47: {  	_ =	shalt  }
0x48: {  	_ =	shalt  }
0x49: {  	_ =	shalt  }
0x4a: {  	_ =	shalt  }
0x4b: {  	_ =	shalt  }
0x4c: {  	_ =	shalt  }
0x4d: {  	_ =	shalt  }
0x4e: {  	_ =	shalt  }
0x4f: {  	_ =	shalt  }
0x50: {  	_ =	shalt  }
0x51: {  	_ =	shalt  }
0x52: {  	_ =	shalt  }
0x53: {  	_ =	shalt  }
0x54: {  	_ =	shalt  }
0x55: {  	_ =	shalt  }
0x56: {  	_ =	shalt  }
0x57: {  	_ =	shalt  }
0x58: {  	_ =	shalt  }
0x59: {  	_ =	shalt  }
0x5a: {  	_ =	shalt  }
0x5b: {  	_ =	shalt  }
0x5c: {  	_ =	shalt  }
0x5d: {  	_ =	shalt  }
0x5e: {  	_ =	shalt  }
0x5f: {  	_ =	shalt  }
0x60: {  	_ =	shalt  }
0x61: {  	_ =	shalt  }
0x62: {  	_ =	shalt  }
0x63: {  	_ =	shalt  }
0x64: {  	_ =	shalt  }
0x65: {  	_ =	shalt  }
0x66: {  	_ =	shalt  }
0x67: {  	_ =	shalt  }
0x68: {  	_ =	shalt  }
0x69: {  	_ =	shalt  }
0x6a: {  	_ =	shalt  }
0x6b: {  	_ =	shalt  }
0x6c: {  	_ =	shalt  }
0x6d: {  	_ =	shalt  }
0x6e: {  	_ =	shalt  }
0x6f: {  	_ =	shalt  }
0x70: {  	_ =	shalt  }
0x71: {  	_ =	shalt  }
0x72: {  	_ =	shalt  }
0x73: {  	_ =	shalt  }
0x74: {  	_ =	shalt  }
0x75: {  	_ =	shalt  }
0x76: {  	_ =	shalt  }
0x77: {  	_ =	shalt  }
0x78: {  	_ =	shalt  }
0x79: {  	_ =	shalt  }
0x7a: {  	_ =	shalt  }
0x7b: {  	_ =	shalt  }
0x7c: {  	_ =	shalt  }
0x7d: {  	_ =	shalt  }
0x7e: {  	_ =	shalt  }
0x7f: {  	_ =	shalt  }
0x80: {  	_ =	shalt  }
0x81: {  	_ =	shalt  }
0x82: {  	_ =	shalt  }
0x83: {  	_ =	shalt  }
0x84: {  	_ =	shalt  }
0x85: {  	_ =	shalt  }
0x86: {  	_ =	shalt  }
0x87: {  	_ =	shalt  }
.Lfunc_end0:
.L_simem_size_0:
called_computation_lowered:
.L_overlay_start_0:
0x88: {  	s2 =	sld [smem:$0x3FD9]  }
0x89: {  	s3 =	sld [smem:$0x3FFE];
	_ =	sdelay $0x1  }
0x8a: {  	s1 =	srdreg.scid  }
0x8b: {  	s0 =	sand.u32 $0x1, s1  }
0x8c: {  	s17 =	sshll.u32 s0, $0xA;
	s2 =	sadd.s32 s3, s2  }
0x8d: {  	s2 =	sadd.s32 s2, s17  }
0x8e: {  	[smem:$0x3FBF] =	sst s2  }
0x8f: {  	_ = 	snop  }
0x90: {  	s2 =	sld [smem:$0x3FD0];
	(tm) =	ssettm $0x1  }
0x91: {  	s18 =	sld [smem:$0x3FFB];
	_ =	sdelay $0x3  }
0x92: {  	_ =	strace s18  }
0x93: {  	s3 =	sld [smem:$0x3FFC];
	_ =	sdelay $0x3  }
0x94: {  	_ =	strace s3  }
0x95: {  	s3 =	sld [smem:$0x3FFD];
	_ =	sdelay $0x3  }
0x96: {  	_ =	strace s3  }
0x97: {  	_ =	strace $0x8FFFFFFF  }
0x98: {  	s19 =	sld [smem:$0x3FDB];
	_ =	sdelay $0x1  }
0x99: {  	s4 =	simm.s32 $_scs_section_size  }
0x9a: {  	s5 =	simm.s32 $_size__tile_overlayer_lowered;
	s6 =	simm.s32 $_tile_overlayer_lowered  }
0x9b: {  	s22 =	simm.s32 $0x1BFF;
	s21 =	sshll.u32 s6, $0x1;
	s3 =	sadd.s32 s4, s19  }
0x9c: {  	s7 =	simm.s32 $0x0;
	s20 =	sshll.u32 s5, $0x1;
	s5 =	sadd.s32 s21, s3  }
0x9d: {  	[timem:s7], [sflag:s22] =	dma.local [hbm:s5], s20  }
0x9e: {  	_ =	swait.ge [sflag:s22], s20  }
0x9f: {  	s4 =	ssub.s32 $0x0, s20;
	[sflag:s22] =	ssyncset.done $0x0  }
0xa0: {  	[sflag:s22] =	ssyncadd.s32 s4;
	_ =	sdelay $0x1  }
0xa1: {  	s23 =	simm.s32 $0x1B8B  }
0xa2: {  	_ =	swait.ge [sflag:s23], $0x1  }
0xa3: {  	[sflag:s23] =	ssyncset.done $0x0  }
0xa4: {  	s25 =	simm.s32 $0x1B8E;
	s24 =	sld [smem:$0x3FFE];
	[sflag:s23] =	ssyncadd.s32 $0xFFFFFFFF  }
0xa5: {  	s26 =	simm.s32 $execute0_lowered;
	[smem:$0x3FD2] =	sst s25  }
0xa6: {  	s5 =	sshll.u32 s26, $0x1;
	_ =	strace $0x80000046;
	[dreg:$0x1] =	wrdreg $0xFFFFFFFF  }
0xa7: {  	s28 =	simm.s32 $_size_execute0_lowered;
	s3 =	sadd.s32 s3, s5;
	[dreg:$0x0] =	wrdreg $0x0  }
0xa8: {  	s5 =	sshll.u32 s28, $0x1;
	[dreg:$0x2] =	wrdreg s3  }
0xa9: {  	[dreg:$0x3] =	wrdreg s5  }
0xaa: {  	[dreg:$0x4] =	wrdreg $0xC0  }
0xab: {  	_ =	task [dreg:s7], $0x5FFFF  }
0xac: {  	[dreg:$0x1] =	wrdreg $0xFFFFFFFF  }
0xad: {  	[dreg:$0x0] =	wrdreg $0x60  }
0xae: {  	[dreg:$0x2] =	wrdreg s24  }
0xaf: {  	[dreg:$0x3] =	wrdreg s2  }
0xb0: {  	[dreg:$0x4] =	wrdreg $0x156300  }
0xb1: {  	[dreg:$0x5] =	wrdreg $0x9  }
0xb2: {  	_ =	task.clear_ibuf [dreg:s7], $0x6FFFF;
	_ =	strace $0x90000046  }
0xb3: {  	s29 =	simm.s32 $0x9;
	_ =	strace $0x80000048  }
0xb4: {  	_ =	swait.ge [sflag:s29], $0x1  }
0xb5: {  	[sflag:s29] =	ssyncadd.s32 $0xFFFFFFFF  }
0xb6: {  	_ =	strace $0x90000048  }
0xb7: {  	_ =	sfence  }
0xb8: {  	s30 =	sld [smem:$0x0];
	_ =	sdelay $0x2  }
0xb9: {  	s31 =	sshll.u32 s1, $0xD;
	s1 =	sshrl.u32 s1, $0x2  }
0xba: {  	s3 =	sand.u32 $0x4000, s31;
	s1 =	sadd.s32 s1, s30  }
0xbb: {  	s0 =	sor.u32 s3, s0;
	s1 =	sshll.u32 s1, $0x11  }
0xbc: {  	s0 =	sor.u32 s1, s0  }
0xbd: {  	s0 =	sadd.s32 $0x8F2B, s0  }
0xbe: {  	[sflag:s0] =	ssyncadd.remote.s32 $0x1  }
0xbf: {  	_ =	sfence.sel $0xFFFF  }
0xc0: {  	[dreg:$0x0] =	wrdreg $0xFFFFFFFF;
	(pc) =	sbr.abs _section_cstart, $3  }
0xc1: {  	[dreg:$0x1] =	wrdreg $0xFFFFFFFF  }
0xc2: {  	_ =	task.clear_ibuf [dreg:s7], $0x2FFFF;
	_ =	strace $0x9FFFFFFF  }
0xc3: {  	(tm) =	ssettm $0x7FFFFFFF  }
tec
execute0_lowered:
.L_overlay_start_1:
0x0: {  	(tag) =	ssettag $0x1  }
0x1: {  	s0 =	rddreg [dreg:$0x0]  }
0x2: {  	s1 =	rddreg [dreg:$0x1]  }
0x3: {  	s2 =	rddreg [dreg:$0x2]  }
0x4: {  	s4 =	srdreg.scid;
	s9 =	stileid.u32  }
0x5: {  	s3 =	simm.s32 $0x0;
	s12 =	simm.s32 $0x2710;
	s13 =	simm.s32 $0x4E20  }
0x6: {  	s28 =	simm.s32 $0x9330;
	s4 =	sand.u32 $0x1, s4;
	s6 =	smul.u32 $0x7800, s9  }
0x7: {  	[smem:$0x7FF] =	sst s3;
	s8 =	sadd.s32 $0x18A00, s0;
	s5 =	smul.u32 $0x78000, s4  }
0x8: {  	s7 =	sshll.u32 s4, $0x4;
	_ =	strace $0x80000047;
	[dreg:$0x4] =	wrdreg s8  }
0x9: {  	s4 =	ssub.s32 $0x2, s4;
	s7 =	sor.u32 s9, s7;
	s9 =	smul.u32 $0x1E000, s9  }
0xa: {  	s10 =	sshrl.u32 s4, $0x1;
	s11 =	sadd.s32 s6, s2;
	s5 =	sadd.s32 s6, s5  }
0xb: {  	s7 =	smul.u32 $0x4E2, s7;
	s4 =	ssub.s32 s4, s10;
	[dreg:$0x7] =	wrdreg s11  }
0xc: {  	s19 =	sshrl.u32 s5, $0x3;
	s5 =	sadd.s32 $0x9E00, s0;
	s31 =	smax.u32 s4, $0x1  }
0xd: {  	s8 =	sadd.s32 s19, s0;
	s0 =	sadd.s32 s0, s7;
	[dreg:$0x10] =	wrdreg s31  }
0xe: {  	s20 =	sshrl.u32 s9, $0x2;
	s1 =	sadd.s32 s1, s7;
	[dreg:$0x5] =	wrdreg s0  }
0xf: {  	[dreg:$0x6] =	wrdreg s1;
	s0 =	sadd.s32 s20, s2;
	s29 =	sadd.s32 $0x19000, s8  }
0x10: {  	s30 =	simm.s32 $0xA230;
	s21 =	sadd.s32 $0xF00, s0;
	[dreg:$0xf] =	wrdreg s29  }
0x11: {  	s18 =	simm.s32 $0x10B30;
	s22 =	sadd.s32 $0x1E00, s0;
	[dreg:$0x8] =	wrdreg s21  }
0x12: {  	s6 =	simm.s32 $0x13830;
	s23 =	sadd.s32 $0x2D00, s0;
	[dreg:$0x9] =	wrdreg s22  }
0x13: {  	s10 =	simm.s32 $0x0;
	s24 =	sadd.s32 $0x3C00, s0;
	[dreg:$0xa] =	wrdreg s23  }
0x14: {  	v0 =	vlaneseq.u32;
	s4 =	simm.s32 $0x12930;
	s25 =	sadd.s32 $0x4B00, s0;
	[dreg:$0xb] =	wrdreg s24  }
0x15: {  	v0 =	vmul.u32 $0x30, v0;
	s9 =	simm.s32 $0x3;
	s26 =	sadd.s32 $0x5A00, s0;
	[dreg:$0xc] =	wrdreg s25  }
0x16: {  	v1 =	vimm.f32 $0.0e+00;
	s19 =	simm.s32 $0x11A30;
	s0 =	sadd.s32 $0x6900, s0;
	[dreg:$0xd] =	wrdreg s26  }
0x17: {  	v2 =	vadd.s32 $0x20, v0;
	v3 =	vadd.s32 $0x21, v0;
	v4 =	vor.u32 $0x1, v0;
	s7 =	simm.s32 $0x14730;
	s20 =	simm.s32 $0x7530;
	[dreg:$0xe] =	wrdreg s0  }
0x18: {  	v5 =	vor.u32 $0x2, v0;
	v6 =	vor.u32 $0x3, v0;
	v7 =	vor.u32 $0x4, v0;
	s21 =	simm.s32 $0x1;
	s22 =	simm.s32 $0x2;
	s23 =	simm.s32 $0x50  }
0x19: {  	v8 =	vor.u32 $0x5, v0;
	v9 =	vor.u32 $0x6, v0;
	v10 =	vor.u32 $0x7, v0;
	s25 =	simm.s32 $0x8430;
	s0 =	simm.s32 $0xB130;
	s26 =	simm.s32 $0xC030  }
.LBB2_1:
0x1a: {  	[dreg:$0x11] =	wrdreg s10  }
0x1b: {  	s1 =	rddreg [dreg:$0x4]  }
0x1c: {  	[tilespmem:s3], [sflag:$0x1] =	stream.linear.gather [hbm4b:s1+s3], $0x2710, $0x38;
	[tilespmem:$0x1CE30] =	vst v63  }
0x1d: {  	s29 =	rddreg [dreg:$0x5]  }
0x1e: {  	[tilespmem:s12], [sflag:$0x1] =	stream.linear.gather [hbm4b:s29+s3], $0x2710, $0x38;
	[tilespmem:$0x1CE30] =	vst v63  }
0x1f: {  	s31 =	rddreg [dreg:$0x6];
	s8 =	simm.s32 $0x0;
	s1 =	simm.s32 $0xC0  }
0x20: {  	[tilespmem:s13], [sflag:$0x1] =	stream.linear.gather [hbm4b:s31+s3], $0x2710, $0x38;
	[tilespmem:$0x1CE30] =	vst v63  }
.LBB2_2:
0x21: {  	p0 =	sne.s32 s1, $0x3B40;
	[tilespmem:s8+$0x7550] =	vst v1;
	s10 =	smov.u32 s1;
	s1 =	sadd.s32 $0xC0, s1  }
.Ltmp0:
0x22: {  	[tilespmem:s8+$0x7530] =	vst v1;
	(pc) =	sbr.rel @p0 .LBB2_2-.Ltmp0, $2  }
0x23: {  	[tilespmem:s8+$0x7540] =	vst v1;
	_ =	sdelay $0x2  }
0x24: {  	s8 =	sshra.s32 s10, $0x2  }
0x25: {  	[tilespmem:s8+$0x7550] =	vst v1  }
0x26: {  	[tilespmem:s8+$0x7530] =	vst v1  }
0x27: {  	[tilespmem:s8+$0x7540] =	vst v1  }
0x28: {  	[spmem:s11] =	stream.linear.scatter [tilespmem:s20], [sflag:$0x2], $0xF00, $0x38;
	[tilespmem:$0x1CE30] =	vst v63  }
0x29: {  	s1 =	rddreg [dreg:$0x8]  }
0x2a: {  	[spmem:s1] =	stream.linear.scatter [tilespmem:s20], [sflag:$0x2], $0xF00, $0x38;
	[tilespmem:$0x1CE30] =	vst v63  }
0x2b: {  	s11 =	rddreg [dreg:$0x9]  }
0x2c: {  	[spmem:s11] =	stream.linear.scatter [tilespmem:s20], [sflag:$0x2], $0xF00, $0x38;
	[tilespmem:$0x1CE30] =	vst v63  }
0x2d: {  	s14 =	rddreg [dreg:$0xa]  }
0x2e: {  	[spmem:s14] =	stream.linear.scatter [tilespmem:s20], [sflag:$0x2], $0xF00, $0x38;
	[tilespmem:$0x1CE30] =	vst v63  }
0x2f: {  	s15 =	rddreg [dreg:$0xb]  }
0x30: {  	[spmem:s15] =	stream.linear.scatter [tilespmem:s20], [sflag:$0x2], $0xF00, $0x38;
	[tilespmem:$0x1CE30] =	vst v63  }
0x31: {  	s16 =	rddreg [dreg:$0xc]  }
0x32: {  	[spmem:s16] =	stream.linear.scatter [tilespmem:s20], [sflag:$0x2], $0xF00, $0x38;
	[tilespmem:$0x1CE30] =	vst v63  }
0x33: {  	s17 =	rddreg [dreg:$0xd]  }
0x34: {  	[spmem:s17] =	stream.linear.scatter [tilespmem:s20], [sflag:$0x2], $0xF00, $0x38;
	[tilespmem:$0x1CE30] =	vst v63  }
0x35: {  	s24 =	rddreg [dreg:$0xe]  }
0x36: {  	[spmem:s24] =	stream.linear.scatter [tilespmem:s20], [sflag:$0x2], $0xF00, $0x38;
	[tilespmem:$0x1CE30] =	vst v63  }
0x37: {  	_ =	swait.ge [sflag:s21], $0x2710  }
0x38: {  	[sflag:s21] =	ssyncset.done $0x0  }
0x39: {  	[sflag:s21] =	ssyncadd.s32 $0xFFFFD8F0  }
0x3a: {  	_ =	swait.ge [sflag:s21], $0x2710  }
0x3b: {  	[sflag:s21] =	ssyncset.done $0x0  }
0x3c: {  	[sflag:s21] =	ssyncadd.s32 $0xFFFFD8F0  }
0x3d: {  	_ =	swait.ge [sflag:s21], $0x2710  }
0x3e: {  	[sflag:s21] =	ssyncset.done $0x0  }
0x3f: {  	[sflag:s21] =	ssyncadd.s32 $0xFFFFD8F0  }
0x40: {  	_ =	swait.ge [sflag:s22], $0xF00  }
0x41: {  	[sflag:s22] =	ssyncset.done $0x0  }
0x42: {  	[sflag:s22] =	ssyncadd.s32 $0xFFFFF100  }
0x43: {  	_ =	swait.ge [sflag:s22], $0xF00  }
0x44: {  	[sflag:s22] =	ssyncset.done $0x0  }
0x45: {  	[sflag:s22] =	ssyncadd.s32 $0xFFFFF100  }
0x46: {  	_ =	swait.ge [sflag:s22], $0xF00  }
0x47: {  	[sflag:s22] =	ssyncset.done $0x0  }
0x48: {  	[sflag:s22] =	ssyncadd.s32 $0xFFFFF100  }
0x49: {  	_ =	swait.ge [sflag:s22], $0xF00  }
0x4a: {  	[sflag:s22] =	ssyncset.done $0x0  }
0x4b: {  	[sflag:s22] =	ssyncadd.s32 $0xFFFFF100  }
0x4c: {  	_ =	swait.ge [sflag:s22], $0xF00  }
0x4d: {  	[sflag:s22] =	ssyncset.done $0x0  }
0x4e: {  	[sflag:s22] =	ssyncadd.s32 $0xFFFFF100  }
0x4f: {  	_ =	swait.ge [sflag:s22], $0xF00  }
0x50: {  	[sflag:s22] =	ssyncset.done $0x0  }
0x51: {  	[sflag:s22] =	ssyncadd.s32 $0xFFFFF100  }
0x52: {  	_ =	swait.ge [sflag:s22], $0xF00  }
0x53: {  	[sflag:s22] =	ssyncset.done $0x0  }
0x54: {  	[sflag:s22] =	ssyncadd.s32 $0xFFFFF100  }
0x55: {  	_ =	swait.ge [sflag:s22], $0xF00  }
0x56: {  	[sflag:s22] =	ssyncset.done $0x0  }
0x57: {  	[sflag:s22] =	ssyncadd.s32 $0xFFFFF100  }
0x58: {  	[bflag:$0x0] =	sbarrier.arrive $0xFFFF  }
0x59: {  	[tilespmem:s20], [sflag:$0x1] =	stream.indirect.gather [hbm4b:s5+s23], $0x30, s13, s23, $0xb8;
	[tilespmem:$0x1CE30] =	vst v63  }
0x5a: {  	s29 =	simm.s32 $0x4E70  }
0x5b: {  	[tilespmem:s25], [sflag:$0x1] =	stream.indirect.gather [hbm4b:s5+s23], $0x30, s29, s23, $0xb8;
	[tilespmem:$0x1CE30] =	vst v63  }
0x5c: {  	s31 =	simm.s32 $0x4EC0  }
0x5d: {  	[tilespmem:s28], [sflag:$0x1] =	stream.indirect.gather [hbm4b:s5+s23], $0x30, s31, s23, $0xb8;
	[tilespmem:$0x1CE30] =	vst v63  }
0x5e: {  	s8 =	simm.s32 $0x4F10  }
0x5f: {  	[tilespmem:s30], [sflag:$0x1] =	stream.indirect.gather [hbm4b:s5+s23], $0x30, s8, s23, $0xb8;
	[tilespmem:$0x1CE30] =	vst v63  }
0x60: {  	s10 =	simm.s32 $0x4F60  }
0x61: {  	[tilespmem:s0], [sflag:$0x1] =	stream.indirect.gather [hbm4b:s5+s23], $0x30, s10, s23, $0xb8;
	[tilespmem:$0x1CE30] =	vst v63  }
0x62: {  	s11 =	simm.s32 $0x4FB0  }
0x63: {  	[tilespmem:s26], [sflag:$0x2] =	stream.indirect.gather [hbm4b:s5+s23], $0x30, s11, s23, $0xb8;
	[tilespmem:$0x1CE30] =	vst v63  }
0x64: {  	s14 =	simm.s32 $0xCF30;
	s13 =	simm.s32 $0x5000  }
0x65: {  	[tilespmem:s14], [sflag:$0x2] =	stream.indirect.gather [hbm4b:s5+s23], $0x30, s13, s23, $0xb8;
	[tilespmem:$0x1CE30] =	vst v63  }
0x66: {  	s15 =	simm.s32 $0x5050;
	s16 =	simm.s32 $0xDE30  }
0x67: {  	[tilespmem:s16], [sflag:$0x2] =	stream.indirect.gather [hbm4b:s5+s23], $0x30, s15, s23, $0xb8;
	[tilespmem:$0x1CE30] =	vst v63  }
0x68: {  	s17 =	simm.s32 $0x50A0;
	s24 =	simm.s32 $0xED30  }
0x69: {  	[tilespmem:s24], [sflag:$0x2] =	stream.indirect.gather [hbm4b:s5+s23], $0x30, s17, s23, $0xb8;
	[tilespmem:$0x1CE30] =	vst v63  }
0x6a: {  	s29 =	simm.s32 $0x50F0;
	s31 =	simm.s32 $0xFC30  }
0x6b: {  	[tilespmem:s31], [sflag:$0x2] =	stream.indirect.gather [hbm4b:s5+s23], $0x30, s29, s23, $0xb8;
	[tilespmem:$0x1CE30] =	vst v63  }
0x6c: {  	_ =	swait.ge [sflag:s21], $0xF00  }
0x6d: {  	[sflag:s21] =	ssyncset.done $0x0  }
0x6e: {  	[sflag:s21] =	ssyncadd.s32 $0xFFFFF100  }
0x6f: {  	_ =	swait.ge [sflag:s21], $0xF00  }
0x70: {  	[sflag:s21] =	ssyncset.done $0x0  }
0x71: {  	[sflag:s21] =	ssyncadd.s32 $0xFFFFF100  }
0x72: {  	_ =	swait.ge [sflag:s21], $0xF00  }
0x73: {  	[sflag:s21] =	ssyncset.done $0x0  }
0x74: {  	[sflag:s21] =	ssyncadd.s32 $0xFFFFF100  }
0x75: {  	_ =	swait.ge [sflag:s21], $0xF00  }
0x76: {  	[sflag:s21] =	ssyncset.done $0x0  }
0x77: {  	[sflag:s21] =	ssyncadd.s32 $0xFFFFF100  }
0x78: {  	_ =	swait.ge [sflag:s21], $0xF00  }
0x79: {  	[sflag:s21] =	ssyncset.done $0x0  }
0x7a: {  	s8 =	simm.s32 $0x0;
	[sflag:s21] =	ssyncadd.s32 $0xFFFFF100  }
.LBB2_4:
0x7b: {  	s1 =	smul.u32 $0xCD, s8;
	_ =	sdelay $0x1  }
0x7c: {  	s1 =	sshrl.u32 s1, $0xA  }
0x7d: {  	s10 =	sshll.u32 s8, $0x4;
	s1 =	sand.u32 $0x3F, s1  }
0x7e: {  	v11 =	vmov s10;
	s1 =	smul.u32 $0x140, s1  }
0x7f: {  	v13 =	vmul.u32 $0x30, v11  }
0x80: {  	s11 =	sshrl.u32 s1, $0x2  }
0x81: {  	v11 =	vbroadcast v13, $0x0;
	v12 =	vld [tilespmem:s11+$0x2710];
	_ =	sdelay $0x1  }
0x82: {  	v14 =	vadd.s32 v3, v11;
	_ =	sdelay $0x4  }
0x83: {  	v14 =	vld.idx.msk [tilespmem:v14+s20+$0x0], $0xffff  }
0x84: {  	v12 =	vld.idx.msk [tilespmem:v12+s3+$0x0], $0xffff;
	_ =	sdelay $0x4  }
0x85: {  	v12 =	vadd.f32 v14, v12;
	_ =	sdelay $0x1  }
0x86: {  	v14 =	vmul.f32 $3.000000120e-01, v12  }
0x87: {  	vm0 =	vge.f32 v12, $0.0e+00  }
0x88: {  	v12 =	vsel vm0, v12, v14  }
0x89: {  	v12 =	vmul.f32 $1.442695020e+00, v12  }
0x8a: {  	s29 =	simm.s32 $0x0  }
0x8b: {  	(erf) = vpow2.f32 v12;
	v12 =	vmov s29  }
0x8c: {  	v12 =	vshrl.u32 v12, $0x3  }
0x8d: {  	v12 =	vshll.u32 v12, $0x3  }
0x8e: {  	v12 =	vadd.s32 v13, v12  }
0x8f: {  	v14 =	vbroadcast v12, $0x0  }
0x90: {  	v11 =	vadd.s32 v2, v11  }
0x91: {  	v16 =	vadd.s32 v6, v14  }
0x92: {  	s31 =	simm.s32 $0x8;
	v23 =	vadd.s32 v0, v14  }
0x93: {  	v15 =	vmov s31;
	v24 =	vadd.s32 v9, v14  }
0x94: {  	v15 =	vshrl.u32 v15, $0x3;
	v38 =	vadd.s32 v7, v14;
	v12 =	vpop (erf)  }
0x95: {  	v25 =	vadd.s32 v10, v14;
	[tilespmem:v11+s18+$0x0] =	vst.idx.msk $0xffff, v12;
	v11 =	vshll.u32 v15, $0x3  }
0x96: {  	v26 =	vadd.s32 v4, v14;
	v15 =	vld.idx.msk [tilespmem:v16+s20+$0x0], $0xffff;
	v11 =	vadd.s32 v13, v11  }
0x97: {  	v28 =	vadd.s32 v5, v14;
	v22 =	vld.idx.msk [tilespmem:v23+s20+$0x0], $0xffff;
	v27 =	vbroadcast v11, $0x0  }
0x98: {  	v21 =	vadd.s32 v8, v14;
	v14 =	vld.idx.msk [tilespmem:v24+s20+$0x0], $0xffff  }
0x99: {  	v33 =	vld.idx.msk [tilespmem:v38+s20+$0x0], $0xffff;
	v18 =	vadd.s32 v0, v27  }
0x9a: {  	v29 =	vld.idx.msk [tilespmem:v25+s20+$0x0], $0xffff;
	v20 =	vadd.s32 v6, v27;
	v11 =	vadd.s32 v7, v27  }
0x9b: {  	v30 =	vld.idx.msk [tilespmem:v26+s20+$0x0], $0xffff;
	v17 =	vadd.s32 v4, v27;
	v19 =	vadd.s32 v9, v27;
	v31 =	vmul.f32 v15, v12  }
0x9c: {  	s1 =	simm.s32 $0x10;
	v32 =	vld.idx.msk [tilespmem:v28+s20+$0x0], $0xffff;
	v34 =	vmul.f32 v22, v12;
	v15 =	vadd.s32 v8, v27;
	v22 =	vadd.s32 v10, v27  }
0x9d: {  	v36 =	vmov s1;
	v35 =	vld.idx.msk [tilespmem:v21+s20+$0x0], $0xffff;
	v14 =	vmul.f32 v14, v12;
	v27 =	vadd.s32 v5, v27;
	[tilespmem:v16+s18+$0x0] =	vst.idx.msk $0xffff, v31  }
0x9e: {  	v39 =	vmul.f32 v33, v12;
	v16 =	vshrl.u32 v36, $0x3;
	[tilespmem:v23+s18+$0x0] =	vst.idx.msk $0xffff, v34;
	v31 =	vld.idx.msk [tilespmem:v18+s20+$0x0], $0xffff  }
0x9f: {  	v23 =	vmul.f32 v29, v12;
	[tilespmem:v24+s18+$0x0] =	vst.idx.msk $0xffff, v14;
	v16 =	vshll.u32 v16, $0x3;
	v37 =	vld.idx.msk [tilespmem:v20+s20+$0x0], $0xffff  }
0xa0: {  	v29 =	vmul.f32 v30, v12;
	[tilespmem:v38+s18+$0x0] =	vst.idx.msk $0xffff, v39;
	v30 =	vld.idx.msk [tilespmem:v11+s20+$0x0], $0xffff;
	v14 =	vadd.s32 v13, v16  }
0xa1: {  	v34 =	vld.idx.msk [tilespmem:v19+s20+$0x0], $0xffff;
	[tilespmem:v25+s18+$0x0] =	vst.idx.msk $0xffff, v23;
	v16 =	vmul.f32 v32, v12;
	v24 =	vbroadcast v14, $0x0  }
0xa2: {  	v36 =	vmul.f32 v35, v12;
	v35 =	vld.idx.msk [tilespmem:v17+s20+$0x0], $0xffff;
	[tilespmem:v26+s18+$0x0] =	vst.idx.msk $0xffff, v29  }
0xa3: {  	v32 =	vld.idx.msk [tilespmem:v22+s20+$0x0], $0xffff;
	[tilespmem:v28+s18+$0x0] =	vst.idx.msk $0xffff, v16;
	v25 =	vadd.s32 v0, v24  }
0xa4: {  	v29 =	vld.idx.msk [tilespmem:v15+s20+$0x0], $0xffff;
	v14 =	vadd.s32 v4, v24;
	v28 =	vadd.s32 v6, v24;
	v16 =	vadd.s32 v7, v24  }
0xa5: {  	v33 =	vld.idx.msk [tilespmem:v27+s20+$0x0], $0xffff;
	v23 =	vadd.s32 v8, v24;
	v26 =	vadd.s32 v9, v24;
	v37 =	vmul.f32 v37, v12  }
.LBB2_5:
0xa6: {  	v38 =	vadd.s32 v10, v24;
	v39 =	vmul.f32 v31, v12;
	v40 =	vmov v27  }
0xa7: {  	s1 =	sadd.s32 $0x8, s1;
	[tilespmem:v21+s18+$0x0] =	vst.idx.msk $0xffff, v36;
	v36 =	vmovc v30;
	v41 =	vmovc v11;
	v11 =	vmov v16;
	v21 =	vmov v15;
	v15 =	vmov v23  }
0xa8: {  	v27 =	vmul.f32 v34, v12;
	v23 =	vmov s1;
	p0 =	slt.u32 s1, $0x18;
	[tilespmem:v20+s18+$0x0] =	vst.idx.msk $0xffff, v37;
	v20 =	vmov v28  }
0xa9: {  	v32 =	vmul.f32 v32, v12;
	v23 =	vshrl.u32 v23, $0x3;
	v31 =	vld.idx.msk [tilespmem:v25+s20+$0x0], $0xffff;
	[tilespmem:v18+s18+$0x0] =	vst.idx.msk $0xffff, v39;
	v18 =	vmov v25  }
0xaa: {  	v25 =	vmul.f32 v35, v12;
	v23 =	vshll.u32 v23, $0x3;
	v37 =	vld.idx.msk [tilespmem:v28+s20+$0x0], $0xffff;
	[tilespmem:v19+s18+$0x0] =	vst.idx.msk $0xffff, v27;
	v19 =	vmov v26  }
0xab: {  	v27 =	vadd.s32 v5, v24;
	v23 =	vadd.s32 v13, v23;
	v30 =	vld.idx.msk [tilespmem:v16+s20+$0x0], $0xffff;
	[tilespmem:v22+s18+$0x0] =	vst.idx.msk $0xffff, v32  }
.Ltmp1:
0xac: {  	v16 =	vmul.f32 v33, v12;
	v22 =	vmov v38;
	v24 =	vbroadcast v23, $0x0;
	v34 =	vld.idx.msk [tilespmem:v26+s20+$0x0], $0xffff;
	[tilespmem:v17+s18+$0x0] =	vst.idx.msk $0xffff, v25;
	(pc) =	sbr.rel @p0 .LBB2_5-.Ltmp1, $4  }
0xad: {  	v17 =	vmov v14;
	v32 =	vld.idx.msk [tilespmem:v38+s20+$0x0], $0xffff;
	v38 =	vmul.f32 v36, v12;
	v36 =	vmul.f32 v29, v12  }
0xae: {  	v25 =	vadd.s32 v0, v24;
	v35 =	vld.idx.msk [tilespmem:v14+s20+$0x0], $0xffff;
	v14 =	vadd.s32 v4, v24;
	[tilespmem:v40+s18+$0x0] =	vst.idx.msk $0xffff, v16  }
0xaf: {  	v28 =	vadd.s32 v6, v24;
	v16 =	vadd.s32 v7, v24;
	v23 =	vadd.s32 v8, v24;
	v29 =	vld.idx.msk [tilespmem:v15+s20+$0x0], $0xffff  }
0xb0: {  	v26 =	vadd.s32 v9, v24;
	v37 =	vmul.f32 v37, v12;
	v33 =	vld.idx.msk [tilespmem:v27+s20+$0x0], $0xffff;
	[tilespmem:v41+s18+$0x0] =	vst.idx.msk $0xffff, v38  }
0xb1: {  	s1 =	sadd.s32 $0x10, s10  }
0xb2: {  	v13 =	vmov s1  }
0xb3: {  	v38 =	vld [tilespmem:s11+$0x2720];
	v13 =	vmul.u32 $0x30, v13;
	_ =	sdelay $0x1  }
0xb4: {  	v39 =	vbroadcast v13, $0x0;
	_ =	sdelay $0x1  }
0xb5: {  	v40 =	vadd.s32 v3, v39;
	_ =	sdelay $0x3  }
0xb6: {  	v38 =	vld.idx.msk [tilespmem:v38+s3+$0x0], $0xffff  }
0xb7: {  	v40 =	vld.idx.msk [tilespmem:v40+s20+$0x0], $0xffff;
	_ =	sdelay $0x4  }
0xb8: {  	v38 =	vadd.f32 v40, v38;
	_ =	sdelay $0x1  }
0xb9: {  	v40 =	vmul.f32 $3.000000120e-01, v38  }
0xba: {  	v31 =	vmul.f32 v31, v12;
	vm0 =	vge.f32 v38, $0.0e+00  }
0xbb: {  	[tilespmem:v21+s18+$0x0] =	vst.idx.msk $0xffff, v36;
	v53 =	vadd.s32 v10, v24;
	v38 =	vsel vm0, v38, v40  }
0xbc: {  	[tilespmem:v20+s18+$0x0] =	vst.idx.msk $0xffff, v37;
	v20 =	vmul.f32 v34, v12;
	v21 =	vmul.f32 $1.442695020e+00, v38  }
0xbd: {  	v54 =	vld.idx.msk [tilespmem:v25+s20+$0x0], $0xffff;
	s29 =	simm.s32 $0x0;
	[tilespmem:v18+s18+$0x0] =	vst.idx.msk $0xffff, v31;
	v18 =	vmul.f32 v32, v12;
	v55 =	vmul.f32 v35, v12  }
0xbe: {  	v31 =	vld.idx.msk [tilespmem:v28+s20+$0x0], $0xffff;
	[tilespmem:v19+s18+$0x0] =	vst.idx.msk $0xffff, v20;
	v19 =	vadd.s32 v5, v24;
	(erf) = vpow2.f32 v21;
	v21 =	vmov s29  }
0xbf: {  	v24 =	vmul.f32 v29, v12;
	[tilespmem:v22+s18+$0x0] =	vst.idx.msk $0xffff, v18;
	v18 =	vld.idx.msk [tilespmem:v26+s20+$0x0], $0xffff;
	v20 =	vshrl.u32 v21, $0x3  }
0xc0: {  	[tilespmem:v17+s18+$0x0] =	vst.idx.msk $0xffff, v55;
	v17 =	vmul.f32 v30, v12;
	v22 =	vld.idx.msk [tilespmem:v53+s20+$0x0], $0xffff;
	v20 =	vshll.u32 v20, $0x3  }
0xc1: {  	[tilespmem:v15+s18+$0x0] =	vst.idx.msk $0xffff, v24;
	v21 =	vmul.f32 v33, v12;
	v20 =	vadd.s32 v13, v20  }
0xc2: {  	[tilespmem:v11+s18+$0x0] =	vst.idx.msk $0xffff, v17;
	v11 =	vmul.f32 v54, v12;
	v20 =	vbroadcast v20, $0x0  }
0xc3: {  	v17 =	vadd.s32 v2, v39;
	v15 =	vld.idx.msk [tilespmem:v19+s20+$0x0], $0xffff;
	[tilespmem:v27+s18+$0x0] =	vst.idx.msk $0xffff, v21;
	v27 =	vmul.f32 v31, v12  }
0xc4: {  	[tilespmem:v25+s18+$0x0] =	vst.idx.msk $0xffff, v11;
	v18 =	vmul.f32 v18, v12;
	v21 =	vld.idx.msk [tilespmem:v14+s20+$0x0], $0xffff;
	v24 =	vadd.s32 v6, v20  }
0xc5: {  	s31 =	simm.s32 $0x8;
	v29 =	vld.idx.msk [tilespmem:v16+s20+$0x0], $0xffff;
	v22 =	vmul.f32 v22, v12;
	[tilespmem:v28+s18+$0x0] =	vst.idx.msk $0xffff, v27;
	v27 =	vadd.s32 v0, v20  }
0xc6: {  	v30 =	vmov s31;
	[tilespmem:v26+s18+$0x0] =	vst.idx.msk $0xffff, v18;
	v28 =	vld.idx.msk [tilespmem:v23+s20+$0x0], $0xffff;
	v26 =	vadd.s32 v10, v20  }
0xc7: {  	v18 =	vshrl.u32 v30, $0x3;
	[tilespmem:v53+s18+$0x0] =	vst.idx.msk $0xffff, v22;
	v25 =	vadd.s32 v9, v20;
	v11 =	vpop (erf)  }
0xc8: {  	v15 =	vmul.f32 v15, v12;
	v56 =	vadd.s32 v4, v20;
	[tilespmem:v17+s18+$0x0] =	vst.idx.msk $0xffff, v11;
	v17 =	vshll.u32 v18, $0x3  }
0xc9: {  	v58 =	vadd.s32 v5, v20;
	v21 =	vmul.f32 v21, v12;
	v18 =	vld.idx.msk [tilespmem:v24+s20+$0x0], $0xffff;
	v17 =	vadd.s32 v13, v17  }
0xca: {  	v57 =	vadd.s32 v7, v20;
	v20 =	vadd.s32 v8, v20;
	v22 =	vld.idx.msk [tilespmem:v27+s20+$0x0], $0xffff;
	v30 =	vbroadcast v17, $0x0  }
0xcb: {  	[tilespmem:v14+s18+$0x0] =	vst.idx.msk $0xffff, v21;
	v14 =	vmul.f32 v29, v12;
	v12 =	vmul.f32 v28, v12;
	v28 =	vld.idx.msk [tilespmem:v26+s20+$0x0], $0xffff  }
0xcc: {  	[tilespmem:v19+s18+$0x0] =	vst.idx.msk $0xffff, v15;
	v29 =	vld.idx.msk [tilespmem:v25+s20+$0x0], $0xffff;
	v17 =	vadd.s32 v0, v30  }
0xcd: {  	s1 =	simm.s32 $0x10;
	[tilespmem:v16+s18+$0x0] =	vst.idx.msk $0xffff, v14;
	v14 =	vld.idx.msk [tilespmem:v56+s20+$0x0], $0xffff;
	v21 =	vadd.s32 v6, v30  }
0xce: {  	v31 =	vmov s1;
	v59 =	vld.idx.msk [tilespmem:v58+s20+$0x0], $0xffff;
	[tilespmem:v23+s18+$0x0] =	vst.idx.msk $0xffff, v12;
	v12 =	vadd.s32 v7, v30;
	v19 =	vadd.s32 v9, v30  }
0xcf: {  	v16 =	vld.idx.msk [tilespmem:v57+s20+$0x0], $0xffff;
	v15 =	vadd.s32 v8, v30;
	v23 =	vmul.f32 v18, v11;
	v18 =	vadd.s32 v4, v30  }
0xd0: {  	v61 =	vld.idx.msk [tilespmem:v20+s20+$0x0], $0xffff;
	v60 =	vmul.f32 v22, v11;
	v22 =	vadd.s32 v10, v30;
	v28 =	vmul.f32 v28, v11  }
0xd1: {  	[tilespmem:v24+s18+$0x0] =	vst.idx.msk $0xffff, v23;
	v23 =	vmul.f32 v29, v11;
	v24 =	vshrl.u32 v31, $0x3;
	v31 =	vld.idx.msk [tilespmem:v17+s20+$0x0], $0xffff  }
0xd2: {  	v14 =	vmul.f32 v14, v11;
	[tilespmem:v27+s18+$0x0] =	vst.idx.msk $0xffff, v60;
	v24 =	vshll.u32 v24, $0x3;
	v62 =	vld.idx.msk [tilespmem:v21+s20+$0x0], $0xffff  }
0xd3: {  	v27 =	vadd.s32 v5, v30;
	v30 =	vld.idx.msk [tilespmem:v12+s20+$0x0], $0xffff;
	[tilespmem:v25+s18+$0x0] =	vst.idx.msk $0xffff, v23;
	v23 =	vadd.s32 v13, v24  }
0xd4: {  	v63 =	vmul.f32 v16, v11;
	[tilespmem:v26+s18+$0x0] =	vst.idx.msk $0xffff, v28;
	v34 =	vld.idx.msk [tilespmem:v19+s20+$0x0], $0xffff;
	v24 =	vbroadcast v23, $0x0  }
0xd5: {  	v36 =	vmul.f32 v61, v11;
	[tilespmem:v56+s18+$0x0] =	vst.idx.msk $0xffff, v14;
	v29 =	vld.idx.msk [tilespmem:v15+s20+$0x0], $0xffff;
	v23 =	vmul.f32 v59, v11  }
0xd6: {  	[tilespmem:v57+s18+$0x0] =	vst.idx.msk $0xffff, v63;
	v32 =	vld.idx.msk [tilespmem:v22+s20+$0x0], $0xffff;
	v25 =	vadd.s32 v0, v24;
	v14 =	vadd.s32 v4, v24  }
0xd7: {  	v35 =	vld.idx.msk [tilespmem:v18+s20+$0x0], $0xffff;
	[tilespmem:v58+s18+$0x0] =	vst.idx.msk $0xffff, v23;
	v28 =	vadd.s32 v6, v24;
	v16 =	vadd.s32 v7, v24  }
0xd8: {  	v23 =	vadd.s32 v8, v24;
	v26 =	vadd.s32 v9, v24;
	v33 =	vld.idx.msk [tilespmem:v27+s20+$0x0], $0xffff;
	v37 =	vmul.f32 v62, v11  }
.LBB2_7:
0xd9: {  	v38 =	vadd.s32 v10, v24;
	v39 =	vmul.f32 v31, v11;
	v40 =	vmov v27  }
0xda: {  	s1 =	sadd.s32 $0x8, s1;
	[tilespmem:v20+s18+$0x0] =	vst.idx.msk $0xffff, v36;
	v36 =	vmovc v30;
	v41 =	vmovc v12;
	v12 =	vmov v16;
	v20 =	vmov v15;
	v15 =	vmov v23  }
0xdb: {  	v27 =	vmul.f32 v34, v11;
	v23 =	vmov s1;
	p0 =	slt.u32 s1, $0x18;
	[tilespmem:v21+s18+$0x0] =	vst.idx.msk $0xffff, v37;
	v21 =	vmov v28  }
0xdc: {  	v32 =	vmul.f32 v32, v11;
	v23 =	vshrl.u32 v23, $0x3;
	v31 =	vld.idx.msk [tilespmem:v25+s20+$0x0], $0xffff;
	[tilespmem:v17+s18+$0x0] =	vst.idx.msk $0xffff, v39;
	v17 =	vmov v25  }
0xdd: {  	v25 =	vmul.f32 v35, v11;
	v23 =	vshll.u32 v23, $0x3;
	v37 =	vld.idx.msk [tilespmem:v28+s20+$0x0], $0xffff;
	[tilespmem:v19+s18+$0x0] =	vst.idx.msk $0xffff, v27;
	v19 =	vmov v26  }
0xde: {  	v27 =	vadd.s32 v5, v24;
	v23 =	vadd.s32 v13, v23;
	v30 =	vld.idx.msk [tilespmem:v16+s20+$0x0], $0xffff;
	[tilespmem:v22+s18+$0x0] =	vst.idx.msk $0xffff, v32  }
.Ltmp2:
0xdf: {  	v16 =	vmul.f32 v33, v11;
	v22 =	vmov v38;
	v24 =	vbroadcast v23, $0x0;
	v34 =	vld.idx.msk [tilespmem:v26+s20+$0x0], $0xffff;
	[tilespmem:v18+s18+$0x0] =	vst.idx.msk $0xffff, v25;
	(pc) =	sbr.rel @p0 .LBB2_7-.Ltmp2, $4  }
0xe0: {  	v18 =	vmov v14;
	v32 =	vld.idx.msk [tilespmem:v38+s20+$0x0], $0xffff;
	v38 =	vmul.f32 v36, v11;
	v36 =	vmul.f32 v29, v11  }
0xe1: {  	v25 =	vadd.s32 v0, v24;
	v35 =	vld.idx.msk [tilespmem:v14+s20+$0x0], $0xffff;
	v14 =	vadd.s32 v4, v24;
	[tilespmem:v40+s18+$0x0] =	vst.idx.msk $0xffff, v16  }
0xe2: {  	v28 =	vadd.s32 v6, v24;
	v16 =	vadd.s32 v7, v24;
	v23 =	vadd.s32 v8, v24;
	v29 =	vld.idx.msk [tilespmem:v15+s20+$0x0], $0xffff  }
0xe3: {  	v26 =	vadd.s32 v9, v24;
	v37 =	vmul.f32 v37, v11;
	v33 =	vld.idx.msk [tilespmem:v27+s20+$0x0], $0xffff;
	[tilespmem:v41+s18+$0x0] =	vst.idx.msk $0xffff, v38  }
0xe4: {  	s1 =	sadd.s32 $0x20, s10  }
0xe5: {  	v13 =	vmov s1  }
0xe6: {  	v38 =	vld [tilespmem:s11+$0x2730];
	v13 =	vmul.u32 $0x30, v13;
	_ =	sdelay $0x1  }
0xe7: {  	v39 =	vbroadcast v13, $0x0;
	_ =	sdelay $0x1  }
0xe8: {  	v40 =	vadd.s32 v3, v39;
	_ =	sdelay $0x3  }
0xe9: {  	v38 =	vld.idx.msk [tilespmem:v38+s3+$0x0], $0xffff  }
0xea: {  	v40 =	vld.idx.msk [tilespmem:v40+s20+$0x0], $0xffff;
	_ =	sdelay $0x4  }
0xeb: {  	v38 =	vadd.f32 v40, v38;
	_ =	sdelay $0x1  }
0xec: {  	v40 =	vmul.f32 $3.000000120e-01, v38  }
0xed: {  	vm0 =	vge.f32 v38, $0.0e+00  }
0xee: {  	v31 =	vmul.f32 v31, v11;
	[tilespmem:v20+s18+$0x0] =	vst.idx.msk $0xffff, v36;
	v38 =	vsel vm0, v38, v40  }
0xef: {  	[tilespmem:v21+s18+$0x0] =	vst.idx.msk $0xffff, v37;
	v21 =	vmul.f32 v34, v11;
	v20 =	vmul.f32 $1.442695020e+00, v38  }
0xf0: {  	v53 =	vadd.s32 v10, v24;
	v54 =	vld.idx.msk [tilespmem:v25+s20+$0x0], $0xffff;
	s29 =	simm.s32 $0x0;
	[tilespmem:v17+s18+$0x0] =	vst.idx.msk $0xffff, v31;
	v17 =	vmul.f32 v32, v11  }
0xf1: {  	v31 =	vld.idx.msk [tilespmem:v28+s20+$0x0], $0xffff;
	v55 =	vmul.f32 v35, v11;
	[tilespmem:v19+s18+$0x0] =	vst.idx.msk $0xffff, v21;
	(erf) = vpow2.f32 v20;
	v20 =	vmov s29  }
0xf2: {  	v19 =	vadd.s32 v5, v24;
	[tilespmem:v22+s18+$0x0] =	vst.idx.msk $0xffff, v17;
	v21 =	vmul.f32 v33, v11;
	v20 =	vshrl.u32 v20, $0x3  }
0xf3: {  	v17 =	vld.idx.msk [tilespmem:v26+s20+$0x0], $0xffff;
	[tilespmem:v18+s18+$0x0] =	vst.idx.msk $0xffff, v55;
	v18 =	vmul.f32 v30, v11;
	v20 =	vshll.u32 v20, $0x3  }
0xf4: {  	[tilespmem:v27+s18+$0x0] =	vst.idx.msk $0xffff, v21;
	v20 =	vadd.s32 v13, v20  }
0xf5: {  	v24 =	vmul.f32 v29, v11;
	v22 =	vld.idx.msk [tilespmem:v53+s20+$0x0], $0xffff;
	[tilespmem:v12+s18+$0x0] =	vst.idx.msk $0xffff, v18;
	v20 =	vbroadcast v20, $0x0  }
0xf6: {  	v21 =	vld.idx.msk [tilespmem:v14+s20+$0x0], $0xffff;
	v18 =	vadd.s32 v2, v39;
	v12 =	vmul.f32 v54, v11;
	v27 =	vmul.f32 v31, v11  }
0xf7: {  	v29 =	vld.idx.msk [tilespmem:v16+s20+$0x0], $0xffff;
	[tilespmem:v15+s18+$0x0] =	vst.idx.msk $0xffff, v24;
	v24 =	vadd.s32 v6, v20  }
0xf8: {  	s31 =	simm.s32 $0x8;
	v15 =	vld.idx.msk [tilespmem:v19+s20+$0x0], $0xffff;
	[tilespmem:v28+s18+$0x0] =	vst.idx.msk $0xffff, v27;
	v17 =	vmul.f32 v17, v11;
	v27 =	vadd.s32 v0, v20  }
0xf9: {  	v30 =	vmov s31;
	[tilespmem:v25+s18+$0x0] =	vst.idx.msk $0xffff, v12;
	v28 =	vld.idx.msk [tilespmem:v23+s20+$0x0], $0xffff;
	v25 =	vadd.s32 v9, v20  }
0xfa: {  	v22 =	vmul.f32 v22, v11;
	[tilespmem:v26+s18+$0x0] =	vst.idx.msk $0xffff, v17;
	v17 =	vshrl.u32 v30, $0x3;
	v26 =	vadd.s32 v10, v20;
	v12 =	vpop (erf)  }
0xfb: {  	v21 =	vmul.f32 v21, v11;
	v17 =	vshll.u32 v17, $0x3;
	v56 =	vadd.s32 v4, v20;
	[tilespmem:v18+s18+$0x0] =	vst.idx.msk $0xffff, v12  }
0xfc: {  	[tilespmem:v53+s18+$0x0] =	vst.idx.msk $0xffff, v22;
	v17 =	vadd.s32 v13, v17;
	v57 =	vadd.s32 v7, v20;
	v18 =	vld.idx.msk [tilespmem:v24+s20+$0x0], $0xffff  }
0xfd: {  	v15 =	vmul.f32 v15, v11;
	v30 =	vbroadcast v17, $0x0;
	v58 =	vadd.s32 v5, v20;
	v22 =	vld.idx.msk [tilespmem:v27+s20+$0x0], $0xffff  }
0xfe: {  	[tilespmem:v14+s18+$0x0] =	vst.idx.msk $0xffff, v21;
	v14 =	vmul.f32 v29, v11;
	v20 =	vadd.s32 v8, v20;
	v29 =	vld.idx.msk [tilespmem:v25+s20+$0x0], $0xffff  }
0xff: {  	v11 =	vmul.f32 v28, v11;
	[tilespmem:v19+s18+$0x0] =	vst.idx.msk $0xffff, v15;
	v21 =	vadd.s32 v6, v30;
	v28 =	vld.idx.msk [tilespmem:v26+s20+$0x0], $0xffff  }
0x100: {  	[tilespmem:v16+s18+$0x0] =	vst.idx.msk $0xffff, v14;
	v19 =	vadd.s32 v9, v30;
	v14 =	vld.idx.msk [tilespmem:v56+s20+$0x0], $0xffff  }
0x101: {  	v16 =	vld.idx.msk [tilespmem:v57+s20+$0x0], $0xffff  }
0x102: {  	v59 =	vld.idx.msk [tilespmem:v58+s20+$0x0], $0xffff  }
0x103: {  	s1 =	simm.s32 $0x10;
	v17 =	vadd.s32 v0, v30;
	v61 =	vld.idx.msk [tilespmem:v20+s20+$0x0], $0xffff  }
0x104: {  	v31 =	vmov s1;
	[tilespmem:v23+s18+$0x0] =	vst.idx.msk $0xffff, v11;
	v11 =	vadd.s32 v7, v30;
	v62 =	vld.idx.msk [tilespmem:v21+s20+$0x0], $0xffff;
	v23 =	vmul.f32 v18, v12  }
0x105: {  	v15 =	vadd.s32 v8, v30;
	v34 =	vld.idx.msk [tilespmem:v19+s20+$0x0], $0xffff;
	v18 =	vadd.s32 v4, v30;
	v60 =	vmul.f32 v22, v12  }
0x106: {  	v22 =	vadd.s32 v10, v30;
	[tilespmem:v24+s18+$0x0] =	vst.idx.msk $0xffff, v23;
	v23 =	vmul.f32 v29, v12;
	v24 =	vshrl.u32 v31, $0x3  }
0x107: {  	v28 =	vmul.f32 v28, v12;
	v14 =	vmul.f32 v14, v12;
	[tilespmem:v27+s18+$0x0] =	vst.idx.msk $0xffff, v60;
	v24 =	vshll.u32 v24, $0x3  }
0x108: {  	v31 =	vld.idx.msk [tilespmem:v17+s20+$0x0], $0xffff;
	v27 =	vadd.s32 v5, v30;
	[tilespmem:v25+s18+$0x0] =	vst.idx.msk $0xffff, v23;
	v23 =	vadd.s32 v13, v24  }
0x109: {  	v63 =	vmul.f32 v16, v12;
	v30 =	vld.idx.msk [tilespmem:v11+s20+$0x0], $0xffff;
	[tilespmem:v26+s18+$0x0] =	vst.idx.msk $0xffff, v28;
	v24 =	vbroadcast v23, $0x0  }
0x10a: {  	v36 =	vmul.f32 v61, v12;
	[tilespmem:v56+s18+$0x0] =	vst.idx.msk $0xffff, v14;
	v29 =	vld.idx.msk [tilespmem:v15+s20+$0x0], $0xffff;
	v23 =	vmul.f32 v59, v12  }
0x10b: {  	v37 =	vmul.f32 v62, v12;
	[tilespmem:v57+s18+$0x0] =	vst.idx.msk $0xffff, v63;
	v32 =	vld.idx.msk [tilespmem:v22+s20+$0x0], $0xffff;
	v25 =	vadd.s32 v0, v24  }
0x10c: {  	v35 =	vld.idx.msk [tilespmem:v18+s20+$0x0], $0xffff;
	v14 =	vadd.s32 v4, v24;
	[tilespmem:v58+s18+$0x0] =	vst.idx.msk $0xffff, v23;
	v28 =	vadd.s32 v6, v24  }
0x10d: {  	v16 =	vadd.s32 v7, v24;
	v23 =	vadd.s32 v8, v24;
	v26 =	vadd.s32 v9, v24;
	v33 =	vld.idx.msk [tilespmem:v27+s20+$0x0], $0xffff  }
.LBB2_9:
0x10e: {  	v38 =	vadd.s32 v10, v24;
	v39 =	vmul.f32 v31, v12;
	v40 =	vmov v27  }
0x10f: {  	s1 =	sadd.s32 $0x8, s1;
	[tilespmem:v20+s18+$0x0] =	vst.idx.msk $0xffff, v36;
	v36 =	vmovc v30;
	v41 =	vmovc v11;
	v11 =	vmov v16;
	v20 =	vmov v15;
	v15 =	vmov v23  }
0x110: {  	v27 =	vmul.f32 v34, v12;
	v23 =	vmov s1;
	p0 =	slt.u32 s1, $0x18;
	[tilespmem:v21+s18+$0x0] =	vst.idx.msk $0xffff, v37;
	v21 =	vmov v28  }
0x111: {  	v32 =	vmul.f32 v32, v12;
	v23 =	vshrl.u32 v23, $0x3;
	v31 =	vld.idx.msk [tilespmem:v25+s20+$0x0], $0xffff;
	[tilespmem:v17+s18+$0x0] =	vst.idx.msk $0xffff, v39;
	v17 =	vmov v25  }
0x112: {  	v25 =	vmul.f32 v35, v12;
	v23 =	vshll.u32 v23, $0x3;
	v37 =	vld.idx.msk [tilespmem:v28+s20+$0x0], $0xffff;
	[tilespmem:v19+s18+$0x0] =	vst.idx.msk $0xffff, v27;
	v19 =	vmov v26  }
0x113: {  	v27 =	vadd.s32 v5, v24;
	v23 =	vadd.s32 v13, v23;
	v30 =	vld.idx.msk [tilespmem:v16+s20+$0x0], $0xffff;
	[tilespmem:v22+s18+$0x0] =	vst.idx.msk $0xffff, v32  }
.Ltmp3:
0x114: {  	v16 =	vmul.f32 v33, v12;
	v22 =	vmov v38;
	v24 =	vbroadcast v23, $0x0;
	v34 =	vld.idx.msk [tilespmem:v26+s20+$0x0], $0xffff;
	[tilespmem:v18+s18+$0x0] =	vst.idx.msk $0xffff, v25;
	(pc) =	sbr.rel @p0 .LBB2_9-.Ltmp3, $4  }
0x115: {  	v18 =	vmov v14;
	v32 =	vld.idx.msk [tilespmem:v38+s20+$0x0], $0xffff;
	v38 =	vmul.f32 v36, v12;
	v36 =	vmul.f32 v29, v12  }
0x116: {  	v25 =	vadd.s32 v0, v24;
	v35 =	vld.idx.msk [tilespmem:v14+s20+$0x0], $0xffff;
	v14 =	vadd.s32 v4, v24;
	[tilespmem:v40+s18+$0x0] =	vst.idx.msk $0xffff, v16  }
0x117: {  	v28 =	vadd.s32 v6, v24;
	v16 =	vadd.s32 v7, v24;
	v23 =	vadd.s32 v8, v24;
	v29 =	vld.idx.msk [tilespmem:v15+s20+$0x0], $0xffff  }
0x118: {  	v26 =	vadd.s32 v9, v24;
	v37 =	vmul.f32 v37, v12;
	v33 =	vld.idx.msk [tilespmem:v27+s20+$0x0], $0xffff;
	[tilespmem:v41+s18+$0x0] =	vst.idx.msk $0xffff, v38  }
0x119: {  	s1 =	sadd.s32 $0x30, s10  }
0x11a: {  	v13 =	vmov s1  }
0x11b: {  	v38 =	vld [tilespmem:s11+$0x2740];
	v13 =	vmul.u32 $0x30, v13;
	_ =	sdelay $0x1  }
0x11c: {  	v39 =	vbroadcast v13, $0x0;
	_ =	sdelay $0x1  }
0x11d: {  	v40 =	vadd.s32 v3, v39;
	_ =	sdelay $0x3  }
0x11e: {  	v38 =	vld.idx.msk [tilespmem:v38+s3+$0x0], $0xffff  }
0x11f: {  	v40 =	vld.idx.msk [tilespmem:v40+s20+$0x0], $0xffff;
	_ =	sdelay $0x4  }
0x120: {  	v38 =	vadd.f32 v40, v38;
	_ =	sdelay $0x1  }
0x121: {  	v40 =	vmul.f32 $3.000000120e-01, v38  }
0x122: {  	v31 =	vmul.f32 v31, v12;
	vm0 =	vge.f32 v38, $0.0e+00  }
0x123: {  	[tilespmem:v20+s18+$0x0] =	vst.idx.msk $0xffff, v36;
	v54 =	vadd.s32 v10, v24;
	v38 =	vsel vm0, v38, v40  }
0x124: {  	[tilespmem:v21+s18+$0x0] =	vst.idx.msk $0xffff, v37;
	v21 =	vmul.f32 v34, v12;
	v20 =	vmul.f32 $1.442695020e+00, v38  }
0x125: {  	v55 =	vld.idx.msk [tilespmem:v25+s20+$0x0], $0xffff;
	s29 =	simm.s32 $0x0;
	[tilespmem:v17+s18+$0x0] =	vst.idx.msk $0xffff, v31;
	v17 =	vmul.f32 v32, v12;
	v56 =	vmul.f32 v35, v12  }
0x126: {  	v31 =	vld.idx.msk [tilespmem:v28+s20+$0x0], $0xffff;
	[tilespmem:v19+s18+$0x0] =	vst.idx.msk $0xffff, v21;
	v19 =	vadd.s32 v5, v24;
	(erf) = vpow2.f32 v20;
	v20 =	vmov s29  }
0x127: {  	[tilespmem:v22+s18+$0x0] =	vst.idx.msk $0xffff, v17;
	v17 =	vld.idx.msk [tilespmem:v26+s20+$0x0], $0xffff;
	v21 =	vmul.f32 v33, v12;
	v20 =	vshrl.u32 v20, $0x3  }
0x128: {  	[tilespmem:v18+s18+$0x0] =	vst.idx.msk $0xffff, v56;
	v18 =	vmul.f32 v30, v12;
	v22 =	vld.idx.msk [tilespmem:v54+s20+$0x0], $0xffff;
	v20 =	vshll.u32 v20, $0x3  }
0x129: {  	v24 =	vmul.f32 v29, v12;
	[tilespmem:v27+s18+$0x0] =	vst.idx.msk $0xffff, v21;
	v20 =	vadd.s32 v13, v20  }
0x12a: {  	v21 =	vld.idx.msk [tilespmem:v14+s20+$0x0], $0xffff;
	[tilespmem:v11+s18+$0x0] =	vst.idx.msk $0xffff, v18;
	v11 =	vmul.f32 v55, v12;
	v20 =	vbroadcast v20, $0x0  }
0x12b: {  	[tilespmem:v15+s18+$0x0] =	vst.idx.msk $0xffff, v24;
	v18 =	vadd.s32 v2, v39;
	v27 =	vmul.f32 v31, v12;
	v24 =	vld.idx.msk [tilespmem:v19+s20+$0x0], $0xffff  }
0x12c: {  	v29 =	vld.idx.msk [tilespmem:v16+s20+$0x0], $0xffff;
	[tilespmem:v25+s18+$0x0] =	vst.idx.msk $0xffff, v11;
	v17 =	vmul.f32 v17, v12;
	v15 =	vadd.s32 v6, v20  }
0x12d: {  	[tilespmem:v28+s18+$0x0] =	vst.idx.msk $0xffff, v27;
	v28 =	vld.idx.msk [tilespmem:v23+s20+$0x0], $0xffff;
	v22 =	vmul.f32 v22, v12;
	v27 =	vadd.s32 v0, v20  }
0x12e: {  	s31 =	simm.s32 $0x8;
	[tilespmem:v26+s18+$0x0] =	vst.idx.msk $0xffff, v17;
	v25 =	vadd.s32 v9, v20  }
0x12f: {  	v30 =	vmov s31;
	v21 =	vmul.f32 v21, v12;
	[tilespmem:v54+s18+$0x0] =	vst.idx.msk $0xffff, v22;
	v57 =	vadd.s32 v7, v20;
	v11 =	vpop (erf)  }
0x130: {  	v26 =	vshrl.u32 v30, $0x3;
	v22 =	vmul.f32 v24, v12;
	v17 =	vadd.s32 v10, v20;
	[tilespmem:v18+s18+$0x0] =	vst.idx.msk $0xffff, v11  }
0x131: {  	[tilespmem:v14+s18+$0x0] =	vst.idx.msk $0xffff, v21;
	v30 =	vadd.s32 v4, v20;
	v18 =	vshll.u32 v26, $0x3;
	v26 =	vld.idx.msk [tilespmem:v15+s20+$0x0], $0xffff  }
0x132: {  	v14 =	vmul.f32 v29, v12;
	v12 =	vmul.f32 v28, v12;
	v18 =	vadd.s32 v13, v18;
	v24 =	vld.idx.msk [tilespmem:v27+s20+$0x0], $0xffff  }
0x133: {  	v58 =	vadd.s32 v5, v20;
	v29 =	vld.idx.msk [tilespmem:v25+s20+$0x0], $0xffff;
	v31 =	vbroadcast v18, $0x0  }
0x134: {  	[tilespmem:v23+s18+$0x0] =	vst.idx.msk $0xffff, v12;
	v21 =	vadd.s32 v8, v20;
	v12 =	vld.idx.msk [tilespmem:v57+s20+$0x0], $0xffff  }
0x135: {  	[tilespmem:v19+s18+$0x0] =	vst.idx.msk $0xffff, v22;
	v28 =	vld.idx.msk [tilespmem:v17+s20+$0x0], $0xffff;
	v18 =	vadd.s32 v0, v31  }
0x136: {  	[tilespmem:v16+s18+$0x0] =	vst.idx.msk $0xffff, v14;
	v59 =	vld.idx.msk [tilespmem:v30+s20+$0x0], $0xffff;
	v22 =	vadd.s32 v6, v31;
	v14 =	vadd.s32 v7, v31  }
0x137: {  	v19 =	vadd.s32 v4, v31;
	v20 =	vadd.s32 v9, v31;
	v26 =	vmul.f32 v26, v11  }
0x138: {  	s1 =	simm.s32 $0x10;
	v60 =	vld.idx.msk [tilespmem:v58+s20+$0x0], $0xffff;
	v16 =	vadd.s32 v8, v31;
	v23 =	vadd.s32 v10, v31;
	v24 =	vmul.f32 v24, v11  }
0x139: {  	v62 =	vmov s1;
	v61 =	vld.idx.msk [tilespmem:v21+s20+$0x0], $0xffff;
	v12 =	vmul.f32 v12, v11;
	[tilespmem:v15+s18+$0x0] =	vst.idx.msk $0xffff, v26;
	v15 =	vmul.f32 v29, v11  }
0x13a: {  	v26 =	vshrl.u32 v62, $0x3;
	[tilespmem:v27+s18+$0x0] =	vst.idx.msk $0xffff, v24;
	v24 =	vmul.f32 v28, v11;
	v32 =	vld.idx.msk [tilespmem:v18+s20+$0x0], $0xffff  }
0x13b: {  	v27 =	vmul.f32 v59, v11;
	[tilespmem:v57+s18+$0x0] =	vst.idx.msk $0xffff, v12;
	v26 =	vshll.u32 v26, $0x3;
	v63 =	vld.idx.msk [tilespmem:v22+s20+$0x0], $0xffff  }
0x13c: {  	v28 =	vadd.s32 v5, v31;
	v31 =	vld.idx.msk [tilespmem:v14+s20+$0x0], $0xffff;
	[tilespmem:v25+s18+$0x0] =	vst.idx.msk $0xffff, v15;
	v15 =	vadd.s32 v13, v26  }
0x13d: {  	v35 =	vld.idx.msk [tilespmem:v20+s20+$0x0], $0xffff;
	[tilespmem:v17+s18+$0x0] =	vst.idx.msk $0xffff, v24;
	v17 =	vmul.f32 v60, v11;
	v25 =	vbroadcast v15, $0x0  }
0x13e: {  	v33 =	vld.idx.msk [tilespmem:v23+s20+$0x0], $0xffff;
	[tilespmem:v30+s18+$0x0] =	vst.idx.msk $0xffff, v27  }
0x13f: {  	v37 =	vmul.f32 v61, v11;
	v36 =	vld.idx.msk [tilespmem:v19+s20+$0x0], $0xffff;
	[tilespmem:v58+s18+$0x0] =	vst.idx.msk $0xffff, v17;
	v26 =	vadd.s32 v0, v25  }
0x140: {  	v30 =	vld.idx.msk [tilespmem:v16+s20+$0x0], $0xffff;
	v15 =	vadd.s32 v4, v25;
	v29 =	vadd.s32 v6, v25;
	v17 =	vadd.s32 v7, v25  }
0x141: {  	v24 =	vadd.s32 v8, v25;
	v27 =	vadd.s32 v9, v25;
	v34 =	vld.idx.msk [tilespmem:v28+s20+$0x0], $0xffff;
	v38 =	vmul.f32 v63, v11  }
.LBB2_11:
0x142: {  	v12 =	vadd.s32 v10, v25;
	v39 =	vmul.f32 v32, v11;
	v40 =	vmov v28  }
0x143: {  	s1 =	sadd.s32 $0x8, s1;
	[tilespmem:v21+s18+$0x0] =	vst.idx.msk $0xffff, v37;
	v37 =	vmovc v31;
	v41 =	vmovc v14;
	v14 =	vmov v17;
	v21 =	vmov v16;
	v16 =	vmov v24  }
0x144: {  	v28 =	vmul.f32 v35, v11;
	v24 =	vmov s1;
	p0 =	slt.u32 s1, $0x18;
	[tilespmem:v22+s18+$0x0] =	vst.idx.msk $0xffff, v38;
	v22 =	vmov v29  }
0x145: {  	v33 =	vmul.f32 v33, v11;
	v24 =	vshrl.u32 v24, $0x3;
	v32 =	vld.idx.msk [tilespmem:v26+s20+$0x0], $0xffff;
	[tilespmem:v18+s18+$0x0] =	vst.idx.msk $0xffff, v39;
	v18 =	vmov v26  }
0x146: {  	v26 =	vmul.f32 v36, v11;
	v24 =	vshll.u32 v24, $0x3;
	v38 =	vld.idx.msk [tilespmem:v29+s20+$0x0], $0xffff;
	[tilespmem:v20+s18+$0x0] =	vst.idx.msk $0xffff, v28;
	v20 =	vmov v27  }
0x147: {  	v28 =	vadd.s32 v5, v25;
	v24 =	vadd.s32 v13, v24;
	v31 =	vld.idx.msk [tilespmem:v17+s20+$0x0], $0xffff;
	[tilespmem:v23+s18+$0x0] =	vst.idx.msk $0xffff, v33  }
.Ltmp4:
0x148: {  	v17 =	vmul.f32 v34, v11;
	v23 =	vmov v12;
	v25 =	vbroadcast v24, $0x0;
	v35 =	vld.idx.msk [tilespmem:v27+s20+$0x0], $0xffff;
	[tilespmem:v19+s18+$0x0] =	vst.idx.msk $0xffff, v26;
	(pc) =	sbr.rel @p0 .LBB2_11-.Ltmp4, $4  }
0x149: {  	v19 =	vmov v15;
	v33 =	vld.idx.msk [tilespmem:v12+s20+$0x0], $0xffff;
	v12 =	vmul.f32 v37, v11;
	v37 =	vmul.f32 v30, v11  }
0x14a: {  	v26 =	vadd.s32 v0, v25;
	v36 =	vld.idx.msk [tilespmem:v15+s20+$0x0], $0xffff;
	v15 =	vadd.s32 v4, v25;
	[tilespmem:v40+s18+$0x0] =	vst.idx.msk $0xffff, v17  }
0x14b: {  	v29 =	vadd.s32 v6, v25;
	v17 =	vadd.s32 v7, v25;
	v24 =	vadd.s32 v8, v25;
	v30 =	vld.idx.msk [tilespmem:v16+s20+$0x0], $0xffff  }
0x14c: {  	v27 =	vadd.s32 v9, v25;
	v38 =	vmul.f32 v38, v11;
	v34 =	vld.idx.msk [tilespmem:v28+s20+$0x0], $0xffff;
	[tilespmem:v41+s18+$0x0] =	vst.idx.msk $0xffff, v12  }
0x14d: {  	s1 =	sadd.s32 $0x40, s10  }
0x14e: {  	v12 =	vmov s1  }
0x14f: {  	v13 =	vld [tilespmem:s11+$0x2750];
	v12 =	vmul.u32 $0x30, v12;
	_ =	sdelay $0x1  }
0x150: {  	v39 =	vbroadcast v12, $0x0;
	_ =	sdelay $0x1  }
0x151: {  	v40 =	vadd.s32 v3, v39;
	_ =	sdelay $0x3  }
0x152: {  	v13 =	vld.idx.msk [tilespmem:v13+s3+$0x0], $0xffff  }
0x153: {  	v40 =	vld.idx.msk [tilespmem:v40+s20+$0x0], $0xffff;
	_ =	sdelay $0x4  }
0x154: {  	v13 =	vadd.f32 v40, v13;
	_ =	sdelay $0x1  }
0x155: {  	v40 =	vmul.f32 $3.000000120e-01, v13  }
0x156: {  	v32 =	vmul.f32 v32, v11;
	vm0 =	vge.f32 v13, $0.0e+00  }
0x157: {  	[tilespmem:v21+s18+$0x0] =	vst.idx.msk $0xffff, v37;
	v21 =	vadd.s32 v10, v25;
	v13 =	vsel vm0, v13, v40  }
0x158: {  	[tilespmem:v22+s18+$0x0] =	vst.idx.msk $0xffff, v38;
	v22 =	vmul.f32 v35, v11;
	v13 =	vmul.f32 $1.442695020e+00, v13  }
0x159: {  	s29 =	simm.s32 $0x0;
	v54 =	vld.idx.msk [tilespmem:v29+s20+$0x0], $0xffff;
	[tilespmem:v18+s18+$0x0] =	vst.idx.msk $0xffff, v32;
	v18 =	vmul.f32 v33, v11;
	v55 =	vmul.f32 v36, v11  }
0x15a: {  	v53 =	vld.idx.msk [tilespmem:v26+s20+$0x0], $0xffff;
	[tilespmem:v20+s18+$0x0] =	vst.idx.msk $0xffff, v22;
	v20 =	vadd.s32 v5, v25;
	(erf) = vpow2.f32 v13;
	v13 =	vmov s29  }
0x15b: {  	v25 =	vmul.f32 v30, v11;
	[tilespmem:v23+s18+$0x0] =	vst.idx.msk $0xffff, v18;
	v18 =	vld.idx.msk [tilespmem:v27+s20+$0x0], $0xffff;
	v13 =	vshrl.u32 v13, $0x3  }
0x15c: {  	v22 =	vmul.f32 v34, v11;
	[tilespmem:v19+s18+$0x0] =	vst.idx.msk $0xffff, v55;
	v23 =	vld.idx.msk [tilespmem:v21+s20+$0x0], $0xffff;
	v13 =	vshll.u32 v13, $0x3  }
0x15d: {  	v19 =	vmul.f32 v31, v11;
	[tilespmem:v16+s18+$0x0] =	vst.idx.msk $0xffff, v25;
	v13 =	vadd.s32 v12, v13  }
0x15e: {  	[tilespmem:v28+s18+$0x0] =	vst.idx.msk $0xffff, v22;
	v22 =	vbroadcast v13, $0x0;
	v13 =	vmul.f32 v54, v11  }
0x15f: {  	v30 =	vmul.f32 v53, v11;
	v28 =	vld.idx.msk [tilespmem:v15+s20+$0x0], $0xffff;
	[tilespmem:v14+s18+$0x0] =	vst.idx.msk $0xffff, v19  }
0x160: {  	v14 =	vadd.s32 v2, v39;
	v16 =	vld.idx.msk [tilespmem:v20+s20+$0x0], $0xffff;
	[tilespmem:v29+s18+$0x0] =	vst.idx.msk $0xffff, v13;
	v13 =	vmul.f32 v18, v11  }
0x161: {  	v23 =	vmul.f32 v23, v11;
	v25 =	vadd.s32 v6, v22  }
0x162: {  	s31 =	simm.s32 $0x8;
	v19 =	vld.idx.msk [tilespmem:v17+s20+$0x0], $0xffff;
	[tilespmem:v26+s18+$0x0] =	vst.idx.msk $0xffff, v30;
	v29 =	vadd.s32 v0, v22  }
0x163: {  	v30 =	vmov s31;
	[tilespmem:v21+s18+$0x0] =	vst.idx.msk $0xffff, v23;
	v18 =	vld.idx.msk [tilespmem:v24+s20+$0x0], $0xffff;
	v26 =	vadd.s32 v9, v22  }
0x164: {  	v28 =	vmul.f32 v28, v11;
	v31 =	vadd.s32 v10, v22;
	[tilespmem:v27+s18+$0x0] =	vst.idx.msk $0xffff, v13;
	v27 =	vshrl.u32 v30, $0x3;
	v13 =	vpop (erf)  }
0x165: {  	v23 =	vmul.f32 v16, v11;
	v30 =	vadd.s32 v4, v22;
	[tilespmem:v14+s18+$0x0] =	vst.idx.msk $0xffff, v13;
	v14 =	vshll.u32 v27, $0x3  }
0x166: {  	[tilespmem:v15+s18+$0x0] =	vst.idx.msk $0xffff, v28;
	v57 =	vadd.s32 v5, v22;
	v21 =	vld.idx.msk [tilespmem:v25+s20+$0x0], $0xffff;
	v14 =	vadd.s32 v12, v14  }
0x167: {  	v56 =	vadd.s32 v7, v22;
	v27 =	vld.idx.msk [tilespmem:v29+s20+$0x0], $0xffff;
	v58 =	vbroadcast v14, $0x0;
	v14 =	vmul.f32 v19, v11  }
0x168: {  	[tilespmem:v20+s18+$0x0] =	vst.idx.msk $0xffff, v23;
	v16 =	vadd.s32 v8, v22;
	v22 =	vld.idx.msk [tilespmem:v26+s20+$0x0], $0xffff;
	v11 =	vmul.f32 v18, v11  }
0x169: {  	v20 =	vld.idx.msk [tilespmem:v31+s20+$0x0], $0xffff;
	v15 =	vadd.s32 v0, v58;
	[tilespmem:v17+s18+$0x0] =	vst.idx.msk $0xffff, v14  }
0x16a: {  	v23 =	vld.idx.msk [tilespmem:v30+s20+$0x0], $0xffff;
	v19 =	vadd.s32 v6, v58;
	[tilespmem:v24+s18+$0x0] =	vst.idx.msk $0xffff, v11  }
0x16b: {  	v59 =	vld.idx.msk [tilespmem:v57+s20+$0x0], $0xffff;
	v11 =	vadd.s32 v7, v58;
	v18 =	vadd.s32 v4, v58;
	v17 =	vadd.s32 v9, v58  }
0x16c: {  	s1 =	simm.s32 $0x10;
	v24 =	vld.idx.msk [tilespmem:v56+s20+$0x0], $0xffff;
	v14 =	vadd.s32 v8, v58;
	v28 =	vmul.f32 v21, v13;
	v60 =	vmul.f32 v27, v13  }
0x16d: {  	v61 =	vld.idx.msk [tilespmem:v16+s20+$0x0], $0xffff;
	v21 =	vadd.s32 v10, v58;
	v27 =	vmov s1;
	v22 =	vmul.f32 v22, v13  }
0x16e: {  	v20 =	vmul.f32 v20, v13;
	[tilespmem:v25+s18+$0x0] =	vst.idx.msk $0xffff, v28;
	v25 =	vshrl.u32 v27, $0x3;
	v27 =	vld.idx.msk [tilespmem:v15+s20+$0x0], $0xffff  }
0x16f: {  	[tilespmem:v29+s18+$0x0] =	vst.idx.msk $0xffff, v60;
	v29 =	vmul.f32 v23, v13;
	v25 =	vshll.u32 v25, $0x3;
	v62 =	vld.idx.msk [tilespmem:v19+s20+$0x0], $0xffff  }
0x170: {  	[tilespmem:v26+s18+$0x0] =	vst.idx.msk $0xffff, v22;
	v26 =	vadd.s32 v5, v58;
	v28 =	vld.idx.msk [tilespmem:v11+s20+$0x0], $0xffff;
	v22 =	vadd.s32 v12, v25  }
0x171: {  	[tilespmem:v31+s18+$0x0] =	vst.idx.msk $0xffff, v20;
	v32 =	vld.idx.msk [tilespmem:v17+s20+$0x0], $0xffff;
	v63 =	vmul.f32 v24, v13;
	v23 =	vbroadcast v22, $0x0  }
0x172: {  	v36 =	vmul.f32 v61, v13;
	v34 =	vld.idx.msk [tilespmem:v18+s20+$0x0], $0xffff;
	[tilespmem:v30+s18+$0x0] =	vst.idx.msk $0xffff, v29;
	v22 =	vmul.f32 v59, v13  }
0x173: {  	v29 =	vld.idx.msk [tilespmem:v14+s20+$0x0], $0xffff;
	[tilespmem:v56+s18+$0x0] =	vst.idx.msk $0xffff, v63;
	v24 =	vadd.s32 v0, v23;
	v20 =	vadd.s32 v4, v23  }
0x174: {  	v33 =	vld.idx.msk [tilespmem:v21+s20+$0x0], $0xffff;
	[tilespmem:v57+s18+$0x0] =	vst.idx.msk $0xffff, v22;
	v30 =	vadd.s32 v6, v23;
	v22 =	vadd.s32 v7, v23  }
0x175: {  	v31 =	vadd.s32 v8, v23;
	v25 =	vadd.s32 v9, v23;
	v35 =	vld.idx.msk [tilespmem:v26+s20+$0x0], $0xffff;
	v37 =	vmul.f32 v62, v13  }
.LBB2_13:
0x176: {  	v38 =	vadd.s32 v10, v23;
	v39 =	vmul.f32 v27, v13;
	v40 =	vmov v26  }
0x177: {  	s1 =	sadd.s32 $0x8, s1;
	[tilespmem:v16+s18+$0x0] =	vst.idx.msk $0xffff, v36;
	v36 =	vmovc v28;
	v41 =	vmovc v11;
	v11 =	vmov v22;
	v16 =	vmov v14;
	v14 =	vmov v31  }
0x178: {  	v28 =	vmul.f32 v32, v13;
	v26 =	vmov s1;
	p0 =	slt.u32 s1, $0x18;
	[tilespmem:v19+s18+$0x0] =	vst.idx.msk $0xffff, v37;
	v19 =	vmov v30  }
0x179: {  	v31 =	vmul.f32 v33, v13;
	v26 =	vshrl.u32 v26, $0x3;
	v27 =	vld.idx.msk [tilespmem:v24+s20+$0x0], $0xffff;
	[tilespmem:v15+s18+$0x0] =	vst.idx.msk $0xffff, v39;
	v15 =	vmov v24  }
0x17a: {  	v24 =	vshll.u32 v26, $0x3;
	v37 =	vld.idx.msk [tilespmem:v30+s20+$0x0], $0xffff;
	v30 =	vmul.f32 v34, v13;
	[tilespmem:v17+s18+$0x0] =	vst.idx.msk $0xffff, v28;
	v17 =	vmov v25  }
0x17b: {  	v26 =	vadd.s32 v5, v23;
	v24 =	vadd.s32 v12, v24;
	v28 =	vld.idx.msk [tilespmem:v22+s20+$0x0], $0xffff;
	[tilespmem:v21+s18+$0x0] =	vst.idx.msk $0xffff, v31  }
.Ltmp5:
0x17c: {  	v22 =	vmul.f32 v35, v13;
	v21 =	vmov v38;
	v23 =	vbroadcast v24, $0x0;
	v32 =	vld.idx.msk [tilespmem:v25+s20+$0x0], $0xffff;
	[tilespmem:v18+s18+$0x0] =	vst.idx.msk $0xffff, v30;
	(pc) =	sbr.rel @p0 .LBB2_13-.Ltmp5, $4  }
0x17d: {  	v18 =	vmov v20;
	v33 =	vld.idx.msk [tilespmem:v38+s20+$0x0], $0xffff;
	v38 =	vmul.f32 v36, v13;
	v36 =	vmul.f32 v29, v13  }
0x17e: {  	v24 =	vadd.s32 v0, v23;
	v34 =	vld.idx.msk [tilespmem:v20+s20+$0x0], $0xffff;
	v20 =	vadd.s32 v4, v23;
	[tilespmem:v40+s18+$0x0] =	vst.idx.msk $0xffff, v22  }
0x17f: {  	v30 =	vadd.s32 v6, v23;
	v22 =	vadd.s32 v7, v23;
	v31 =	vadd.s32 v8, v23;
	v29 =	vld.idx.msk [tilespmem:v14+s20+$0x0], $0xffff  }
0x180: {  	v25 =	vadd.s32 v9, v23;
	v37 =	vmul.f32 v37, v13;
	v35 =	vld.idx.msk [tilespmem:v26+s20+$0x0], $0xffff;
	[tilespmem:v41+s18+$0x0] =	vst.idx.msk $0xffff, v38  }
0x181: {  	_ =	sdelay $0x3  }
0x182: {  	v27 =	vmul.f32 v27, v13;
	[tilespmem:v16+s18+$0x0] =	vst.idx.msk $0xffff, v36  }
0x183: {  	v46 =	vmul.f32 v32, v13;
	[tilespmem:v19+s18+$0x0] =	vst.idx.msk $0xffff, v37  }
0x184: {  	v48 =	vld.idx.msk [tilespmem:v30+s20+$0x0], $0xffff;
	v55 =	vmul.f32 v28, v13;
	[tilespmem:v15+s18+$0x0] =	vst.idx.msk $0xffff, v27  }
0x185: {  	v12 =	vadd.s32 v10, v23;
	v50 =	vld.idx.msk [tilespmem:v24+s20+$0x0], $0xffff;
	v47 =	vmul.f32 v33, v13;
	[tilespmem:v17+s18+$0x0] =	vst.idx.msk $0xffff, v46  }
0x186: {  	v49 =	vadd.s32 v5, v23;
	v52 =	vld.idx.msk [tilespmem:v25+s20+$0x0], $0xffff;
	v51 =	vmul.f32 v34, v13;
	[tilespmem:v11+s18+$0x0] =	vst.idx.msk $0xffff, v55  }
0x187: {  	v57 =	vld.idx.msk [tilespmem:v20+s20+$0x0], $0xffff;
	[tilespmem:v21+s18+$0x0] =	vst.idx.msk $0xffff, v47;
	v56 =	vmul.f32 v29, v13  }
0x188: {  	v60 =	vld.idx.msk [tilespmem:v31+s20+$0x0], $0xffff;
	v53 =	vmul.f32 v35, v13;
	[tilespmem:v18+s18+$0x0] =	vst.idx.msk $0xffff, v51  }
0x189: {  	v11 =	vld.idx.msk [tilespmem:v22+s20+$0x0], $0xffff;
	v19 =	vmul.f32 v48, v13;
	[tilespmem:v14+s18+$0x0] =	vst.idx.msk $0xffff, v56  }
0x18a: {  	v54 =	vld.idx.msk [tilespmem:v12+s20+$0x0], $0xffff;
	v59 =	vmul.f32 v50, v13;
	[tilespmem:v26+s18+$0x0] =	vst.idx.msk $0xffff, v53  }
0x18b: {  	v58 =	vld.idx.msk [tilespmem:v49+s20+$0x0], $0xffff;
	v15 =	vmul.f32 v52, v13;
	[tilespmem:v30+s18+$0x0] =	vst.idx.msk $0xffff, v19  }
0x18c: {  	v61 =	vmul.f32 v57, v13;
	[tilespmem:v24+s18+$0x0] =	vst.idx.msk $0xffff, v59  }
0x18d: {  	p0 =	slt.u32 s8, $0x14;
	v63 =	vmul.f32 v60, v13;
	[tilespmem:v25+s18+$0x0] =	vst.idx.msk $0xffff, v15  }
.Ltmp6:
0x18e: {  	[tilespmem:v20+s18+$0x0] =	vst.idx.msk $0xffff, v61;
	v11 =	vmul.f32 v11, v13;
	(pc) =	sbr.rel @p0 .LBB2_4-.Ltmp6, $4  }
0x18f: {  	[tilespmem:v31+s18+$0x0] =	vst.idx.msk $0xffff, v63;
	v17 =	vmul.f32 v54, v13  }
0x190: {  	[tilespmem:v22+s18+$0x0] =	vst.idx.msk $0xffff, v11;
	v62 =	vmul.f32 v58, v13  }
0x191: {  	s1 =	sadd.s32 $0x5, s8;
	[tilespmem:v12+s18+$0x0] =	vst.idx.msk $0xffff, v17  }
0x192: {  	s8 =	smov.u32 s1;
	[tilespmem:v49+s18+$0x0] =	vst.idx.msk $0xffff, v62  }
0x193: {  	[spmem:s2] =	stream.indirect.scatter.add.f32 [tilespmem:s18], [sflag:$0x3], $0x30, s12, s23, $0xb8;
	[tilespmem:$0x1CE30] =	vst v63  }
0x194: {  	s1 =	simm.s32 $0x2760  }
0x195: {  	[spmem:s2] =	stream.indirect.scatter.add.f32 [tilespmem:s19], [sflag:$0x3], $0x30, s1, s23, $0xb8;
	[tilespmem:$0x1CE30] =	vst v63  }
0x196: {  	s24 =	simm.s32 $0x27B0  }
0x197: {  	[spmem:s2] =	stream.indirect.scatter.add.f32 [tilespmem:s4], [sflag:$0x3], $0x30, s24, s23, $0xb8;
	[tilespmem:$0x1CE30] =	vst v63  }
0x198: {  	s29 =	simm.s32 $0x2800  }
0x199: {  	[spmem:s2] =	stream.indirect.scatter.add.f32 [tilespmem:s6], [sflag:$0x3], $0x30, s29, s23, $0xb8;
	[tilespmem:$0x1CE30] =	vst v63  }
0x19a: {  	s31 =	simm.s32 $0x2850;
	s12 =	simm.s32 $0x0  }
0x19b: {  	[spmem:s2] =	stream.indirect.scatter.add.f32 [tilespmem:s7], [sflag:$0x3], $0x30, s31, s23, $0xb8;
	[tilespmem:$0x1CE30] =	vst v63  }
.LBB2_16:
0x19c: {  	s17 =	smul.u32 $0x320, s12;
	_ =	sdelay $0x1  }
0x19d: {  	s1 =	sadd.s32 $0x5140, s17  }
0x19e: {  	[tilespmem:s20], [sflag:$0x1] =	stream.indirect.gather [hbm4b:s5+s23], $0x30, s1, s23, $0xb8;
	[tilespmem:$0x1CE30] =	vst v63  }
0x19f: {  	s14 =	sadd.s32 $0x5190, s17  }
0x1a0: {  	[tilespmem:s25], [sflag:$0x1] =	stream.indirect.gather [hbm4b:s5+s23], $0x30, s14, s23, $0xb8;
	[tilespmem:$0x1CE30] =	vst v63  }
0x1a1: {  	s15 =	sadd.s32 $0x51E0, s17  }
0x1a2: {  	[tilespmem:s28], [sflag:$0x1] =	stream.indirect.gather [hbm4b:s5+s23], $0x30, s15, s23, $0xb8;
	[tilespmem:$0x1CE30] =	vst v63  }
0x1a3: {  	s16 =	sadd.s32 $0x5230, s17  }
0x1a4: {  	[tilespmem:s30], [sflag:$0x1] =	stream.indirect.gather [hbm4b:s5+s23], $0x30, s16, s23, $0xb8;
	[tilespmem:$0x1CE30] =	vst v63  }
0x1a5: {  	s24 =	sadd.s32 $0x5280, s17  }
0x1a6: {  	[tilespmem:s0], [sflag:$0x1] =	stream.indirect.gather [hbm4b:s5+s23], $0x30, s24, s23, $0xb8;
	[tilespmem:$0x1CE30] =	vst v63  }
0x1a7: {  	_ =	swait.ge [sflag:s22], $0xF00  }
0x1a8: {  	[sflag:s22] =	ssyncset.done $0x0  }
0x1a9: {  	[sflag:s22] =	ssyncadd.s32 $0xFFFFF100  }
0x1aa: {  	_ =	swait.ge [sflag:s22], $0xF00  }
0x1ab: {  	[sflag:s22] =	ssyncset.done $0x0  }
0x1ac: {  	[sflag:s22] =	ssyncadd.s32 $0xFFFFF100  }
0x1ad: {  	_ =	swait.ge [sflag:s22], $0xF00  }
0x1ae: {  	[sflag:s22] =	ssyncset.done $0x0  }
0x1af: {  	[sflag:s22] =	ssyncadd.s32 $0xFFFFF100  }
0x1b0: {  	_ =	swait.ge [sflag:s22], $0xF00  }
0x1b1: {  	[sflag:s22] =	ssyncset.done $0x0  }
0x1b2: {  	[sflag:s22] =	ssyncadd.s32 $0xFFFFF100  }
0x1b3: {  	_ =	swait.ge [sflag:s22], $0xF00  }
0x1b4: {  	[sflag:s22] =	ssyncset.done $0x0  }
0x1b5: {  	[sflag:s22] =	ssyncadd.s32 $0xFFFFF100  }
0x1b6: {  	_ =	swait.ge [sflag:s9], $0xF00  }
0x1b7: {  	[sflag:s9] =	ssyncset.done $0x0  }
0x1b8: {  	[sflag:s9] =	ssyncadd.s32 $0xFFFFF100  }
0x1b9: {  	_ =	swait.ge [sflag:s9], $0xF00  }
0x1ba: {  	[sflag:s9] =	ssyncset.done $0x0  }
0x1bb: {  	[sflag:s9] =	ssyncadd.s32 $0xFFFFF100  }
0x1bc: {  	_ =	swait.ge [sflag:s9], $0xF00  }
0x1bd: {  	[sflag:s9] =	ssyncset.done $0x0  }
0x1be: {  	[sflag:s9] =	ssyncadd.s32 $0xFFFFF100  }
0x1bf: {  	_ =	swait.ge [sflag:s9], $0xF00  }
0x1c0: {  	s29 =	smul.u32 $0xC80, s12;
	[sflag:s9] =	ssyncset.done $0x0  }
0x1c1: {  	s31 =	simm.s32 $0x0;
	s10 =	sadd.s32 $0x320, s17;
	[sflag:s9] =	ssyncadd.s32 $0xFFFFF100  }
0x1c2: {  	s13 =	sadd.s32 $0x370, s17;
	s8 =	sshra.s32 s29, $0x2;
	_ =	swait.ge [sflag:s9], $0xF00  }
0x1c3: {  	s11 =	sadd.s32 $0x28A0, s8;
	s14 =	sadd.s32 $0x3C0, s17;
	[sflag:s9] =	ssyncset.done $0x0  }
0x1c4: {  	v11 =	vmov s11;
	s15 =	sadd.s32 $0x410, s17;
	s16 =	sadd.s32 $0x460, s17;
	[sflag:s9] =	ssyncadd.s32 $0xFFFFF100  }
.LBB2_17:
0x1c5: {  	s1 =	smul.u32 $0xCD, s31;
	_ =	sdelay $0x1  }
0x1c6: {  	s1 =	sshrl.u32 s1, $0xA  }
0x1c7: {  	s29 =	sshll.u32 s31, $0x4;
	s1 =	sand.u32 $0x3F, s1  }
0x1c8: {  	v12 =	vmov s29;
	s1 =	smul.u32 $0x140, s1  }
0x1c9: {  	v14 =	vmul.u32 $0x30, v12  }
0x1ca: {  	s24 =	sshrl.u32 s1, $0x2  }
0x1cb: {  	v12 =	vbroadcast v14, $0x0;
	v13 =	vld.idx.msk [tilespmem:v11+s24+$0x0 ss:$0x1], $0xffff;
	_ =	sdelay $0x1  }
0x1cc: {  	v15 =	vadd.s32 v3, v12;
	_ =	sdelay $0x4  }
0x1cd: {  	v15 =	vld.idx.msk [tilespmem:v15+s26+$0x0], $0xffff  }
0x1ce: {  	v13 =	vld.idx.msk [tilespmem:v13+s3+$0x0], $0xffff;
	_ =	sdelay $0x4  }
0x1cf: {  	v13 =	vadd.f32 v15, v13;
	_ =	sdelay $0x1  }
0x1d0: {  	v15 =	vmul.f32 $3.000000120e-01, v13  }
0x1d1: {  	vm0 =	vge.f32 v13, $0.0e+00  }
0x1d2: {  	v13 =	vsel vm0, v13, v15  }
0x1d3: {  	v13 =	vmul.f32 $1.442695020e+00, v13  }
0x1d4: {  	s1 =	simm.s32 $0x0  }
0x1d5: {  	(erf) = vpow2.f32 v13;
	v13 =	vmov s1  }
0x1d6: {  	v13 =	vshrl.u32 v13, $0x3  }
0x1d7: {  	v13 =	vshll.u32 v13, $0x3  }
0x1d8: {  	v13 =	vadd.s32 v14, v13  }
0x1d9: {  	v15 =	vbroadcast v13, $0x0  }
0x1da: {  	v12 =	vadd.s32 v2, v12  }
0x1db: {  	v17 =	vadd.s32 v6, v15  }
0x1dc: {  	s1 =	simm.s32 $0x8;
	v24 =	vadd.s32 v0, v15  }
0x1dd: {  	v16 =	vmov s1;
	v25 =	vadd.s32 v9, v15  }
0x1de: {  	v16 =	vshrl.u32 v16, $0x3;
	v39 =	vadd.s32 v7, v15;
	v13 =	vpop (erf)  }
0x1df: {  	v26 =	vadd.s32 v10, v15;
	[tilespmem:v12+s18+$0x0] =	vst.idx.msk $0xffff, v13;
	v12 =	vshll.u32 v16, $0x3  }
0x1e0: {  	v27 =	vadd.s32 v4, v15;
	v16 =	vld.idx.msk [tilespmem:v17+s26+$0x0], $0xffff;
	v12 =	vadd.s32 v14, v12  }
0x1e1: {  	v29 =	vadd.s32 v5, v15;
	v23 =	vld.idx.msk [tilespmem:v24+s26+$0x0], $0xffff;
	v28 =	vbroadcast v12, $0x0  }
0x1e2: {  	v22 =	vadd.s32 v8, v15;
	v15 =	vld.idx.msk [tilespmem:v25+s26+$0x0], $0xffff  }
0x1e3: {  	v35 =	vld.idx.msk [tilespmem:v39+s26+$0x0], $0xffff;
	v19 =	vadd.s32 v0, v28  }
0x1e4: {  	v30 =	vld.idx.msk [tilespmem:v26+s26+$0x0], $0xffff;
	v21 =	vadd.s32 v6, v28;
	v12 =	vadd.s32 v7, v28  }
0x1e5: {  	v31 =	vld.idx.msk [tilespmem:v27+s26+$0x0], $0xffff;
	v18 =	vadd.s32 v4, v28;
	v20 =	vadd.s32 v9, v28;
	v32 =	vmul.f32 v16, v13  }
0x1e6: {  	s1 =	simm.s32 $0x10;
	v33 =	vld.idx.msk [tilespmem:v29+s26+$0x0], $0xffff;
	v34 =	vmul.f32 v23, v13;
	v16 =	vadd.s32 v8, v28;
	v23 =	vadd.s32 v10, v28  }
0x1e7: {  	v37 =	vmov s1;
	v36 =	vld.idx.msk [tilespmem:v22+s26+$0x0], $0xffff;
	v15 =	vmul.f32 v15, v13;
	v28 =	vadd.s32 v5, v28;
	[tilespmem:v17+s18+$0x0] =	vst.idx.msk $0xffff, v32  }
0x1e8: {  	v40 =	vmul.f32 v35, v13;
	v17 =	vshrl.u32 v37, $0x3;
	[tilespmem:v24+s18+$0x0] =	vst.idx.msk $0xffff, v34;
	v32 =	vld.idx.msk [tilespmem:v19+s26+$0x0], $0xffff  }
0x1e9: {  	v24 =	vmul.f32 v30, v13;
	[tilespmem:v25+s18+$0x0] =	vst.idx.msk $0xffff, v15;
	v17 =	vshll.u32 v17, $0x3;
	v38 =	vld.idx.msk [tilespmem:v21+s26+$0x0], $0xffff  }
0x1ea: {  	v30 =	vmul.f32 v31, v13;
	[tilespmem:v39+s18+$0x0] =	vst.idx.msk $0xffff, v40;
	v31 =	vld.idx.msk [tilespmem:v12+s26+$0x0], $0xffff;
	v15 =	vadd.s32 v14, v17  }
0x1eb: {  	v34 =	vld.idx.msk [tilespmem:v20+s26+$0x0], $0xffff;
	[tilespmem:v26+s18+$0x0] =	vst.idx.msk $0xffff, v24;
	v17 =	vmul.f32 v33, v13;
	v25 =	vbroadcast v15, $0x0  }
0x1ec: {  	v35 =	vld.idx.msk [tilespmem:v18+s26+$0x0], $0xffff;
	[tilespmem:v27+s18+$0x0] =	vst.idx.msk $0xffff, v30  }
0x1ed: {  	v37 =	vmul.f32 v36, v13;
	v33 =	vld.idx.msk [tilespmem:v23+s26+$0x0], $0xffff;
	[tilespmem:v29+s18+$0x0] =	vst.idx.msk $0xffff, v17;
	v26 =	vadd.s32 v0, v25  }
0x1ee: {  	v30 =	vld.idx.msk [tilespmem:v16+s26+$0x0], $0xffff;
	v15 =	vadd.s32 v4, v25;
	v29 =	vadd.s32 v6, v25;
	v17 =	vadd.s32 v7, v25  }
0x1ef: {  	s24 =	sadd.s32 s24, s11;
	v36 =	vld.idx.msk [tilespmem:v28+s26+$0x0], $0xffff;
	v24 =	vadd.s32 v8, v25;
	v27 =	vadd.s32 v9, v25;
	v38 =	vmul.f32 v38, v13  }
.LBB2_18:
0x1f0: {  	v39 =	vadd.s32 v10, v25;
	v40 =	vmul.f32 v32, v13;
	v41 =	vmov v28  }
0x1f1: {  	s1 =	sadd.s32 $0x8, s1;
	[tilespmem:v22+s18+$0x0] =	vst.idx.msk $0xffff, v37;
	v37 =	vmovc v31;
	v42 =	vmovc v12;
	v12 =	vmov v17;
	v22 =	vmov v16;
	v16 =	vmov v24  }
0x1f2: {  	v28 =	vmul.f32 v34, v13;
	v24 =	vmov s1;
	p0 =	slt.u32 s1, $0x18;
	[tilespmem:v21+s18+$0x0] =	vst.idx.msk $0xffff, v38;
	v21 =	vmov v29  }
0x1f3: {  	v33 =	vmul.f32 v33, v13;
	v24 =	vshrl.u32 v24, $0x3;
	v32 =	vld.idx.msk [tilespmem:v26+s26+$0x0], $0xffff;
	[tilespmem:v19+s18+$0x0] =	vst.idx.msk $0xffff, v40;
	v19 =	vmov v26  }
0x1f4: {  	v26 =	vmul.f32 v35, v13;
	v24 =	vshll.u32 v24, $0x3;
	v38 =	vld.idx.msk [tilespmem:v29+s26+$0x0], $0xffff;
	[tilespmem:v20+s18+$0x0] =	vst.idx.msk $0xffff, v28;
	v20 =	vmov v27  }
0x1f5: {  	v28 =	vadd.s32 v5, v25;
	v24 =	vadd.s32 v14, v24;
	v31 =	vld.idx.msk [tilespmem:v17+s26+$0x0], $0xffff;
	[tilespmem:v23+s18+$0x0] =	vst.idx.msk $0xffff, v33  }
.Ltmp7:
0x1f6: {  	v17 =	vmul.f32 v36, v13;
	v23 =	vmov v39;
	v25 =	vbroadcast v24, $0x0;
	v34 =	vld.idx.msk [tilespmem:v27+s26+$0x0], $0xffff;
	[tilespmem:v18+s18+$0x0] =	vst.idx.msk $0xffff, v26;
	(pc) =	sbr.rel @p0 .LBB2_18-.Ltmp7, $4  }
0x1f7: {  	v18 =	vmov v15;
	v33 =	vld.idx.msk [tilespmem:v39+s26+$0x0], $0xffff;
	v39 =	vmul.f32 v37, v13;
	v37 =	vmul.f32 v30, v13  }
0x1f8: {  	v26 =	vadd.s32 v0, v25;
	v35 =	vld.idx.msk [tilespmem:v15+s26+$0x0], $0xffff;
	v15 =	vadd.s32 v4, v25;
	[tilespmem:v41+s18+$0x0] =	vst.idx.msk $0xffff, v17  }
0x1f9: {  	v29 =	vadd.s32 v6, v25;
	v17 =	vadd.s32 v7, v25;
	v24 =	vadd.s32 v8, v25;
	v30 =	vld.idx.msk [tilespmem:v16+s26+$0x0], $0xffff  }
0x1fa: {  	v27 =	vadd.s32 v9, v25;
	v38 =	vmul.f32 v38, v13;
	v36 =	vld.idx.msk [tilespmem:v28+s26+$0x0], $0xffff;
	[tilespmem:v42+s18+$0x0] =	vst.idx.msk $0xffff, v39  }
0x1fb: {  	s1 =	sadd.s32 $0x10, s29  }
0x1fc: {  	v14 =	vmov s1  }
0x1fd: {  	v39 =	vld [tilespmem:s24+$0x10];
	v14 =	vmul.u32 $0x30, v14;
	_ =	sdelay $0x1  }
0x1fe: {  	v40 =	vbroadcast v14, $0x0;
	_ =	sdelay $0x1  }
0x1ff: {  	v41 =	vadd.s32 v3, v40;
	_ =	sdelay $0x3  }
0x200: {  	v39 =	vld.idx.msk [tilespmem:v39+s3+$0x0], $0xffff  }
0x201: {  	v41 =	vld.idx.msk [tilespmem:v41+s26+$0x0], $0xffff;
	_ =	sdelay $0x4  }
0x202: {  	v39 =	vadd.f32 v41, v39;
	_ =	sdelay $0x1  }
0x203: {  	v41 =	vmul.f32 $3.000000120e-01, v39  }
0x204: {  	v32 =	vmul.f32 v32, v13;
	vm0 =	vge.f32 v39, $0.0e+00  }
0x205: {  	[tilespmem:v22+s18+$0x0] =	vst.idx.msk $0xffff, v37;
	v51 =	vadd.s32 v10, v25;
	v39 =	vsel vm0, v39, v41  }
0x206: {  	[tilespmem:v21+s18+$0x0] =	vst.idx.msk $0xffff, v38;
	v21 =	vmul.f32 v34, v13;
	v22 =	vmul.f32 $1.442695020e+00, v39  }
0x207: {  	v52 =	vld.idx.msk [tilespmem:v26+s26+$0x0], $0xffff;
	s1 =	simm.s32 $0x0;
	[tilespmem:v19+s18+$0x0] =	vst.idx.msk $0xffff, v32;
	v19 =	vmul.f32 v33, v13;
	v54 =	vmul.f32 v35, v13  }
0x208: {  	v53 =	vld.idx.msk [tilespmem:v29+s26+$0x0], $0xffff;
	[tilespmem:v20+s18+$0x0] =	vst.idx.msk $0xffff, v21;
	v20 =	vadd.s32 v5, v25;
	(erf) = vpow2.f32 v22;
	v22 =	vmov s1  }
0x209: {  	v25 =	vmul.f32 v30, v13;
	[tilespmem:v23+s18+$0x0] =	vst.idx.msk $0xffff, v19;
	v19 =	vld.idx.msk [tilespmem:v27+s26+$0x0], $0xffff;
	v21 =	vshrl.u32 v22, $0x3  }
0x20a: {  	[tilespmem:v18+s18+$0x0] =	vst.idx.msk $0xffff, v54;
	v18 =	vmul.f32 v31, v13;
	v23 =	vld.idx.msk [tilespmem:v51+s26+$0x0], $0xffff;
	v21 =	vshll.u32 v21, $0x3  }
0x20b: {  	[tilespmem:v16+s18+$0x0] =	vst.idx.msk $0xffff, v25;
	v22 =	vmul.f32 v36, v13;
	v21 =	vadd.s32 v14, v21  }
0x20c: {  	[tilespmem:v12+s18+$0x0] =	vst.idx.msk $0xffff, v18;
	v12 =	vmul.f32 v52, v13;
	v21 =	vbroadcast v21, $0x0  }
0x20d: {  	v18 =	vadd.s32 v2, v40;
	v16 =	vld.idx.msk [tilespmem:v20+s26+$0x0], $0xffff;
	[tilespmem:v28+s18+$0x0] =	vst.idx.msk $0xffff, v22;
	v28 =	vmul.f32 v53, v13  }
0x20e: {  	[tilespmem:v26+s18+$0x0] =	vst.idx.msk $0xffff, v12;
	v19 =	vmul.f32 v19, v13;
	v22 =	vld.idx.msk [tilespmem:v15+s26+$0x0], $0xffff;
	v25 =	vadd.s32 v6, v21  }
0x20f: {  	v30 =	vld.idx.msk [tilespmem:v17+s26+$0x0], $0xffff;
	v23 =	vmul.f32 v23, v13;
	s1 =	simm.s32 $0x8;
	[tilespmem:v29+s18+$0x0] =	vst.idx.msk $0xffff, v28;
	v28 =	vadd.s32 v0, v21  }
0x210: {  	[tilespmem:v27+s18+$0x0] =	vst.idx.msk $0xffff, v19;
	v31 =	vmov s1;
	v29 =	vld.idx.msk [tilespmem:v24+s26+$0x0], $0xffff;
	v27 =	vadd.s32 v10, v21  }
0x211: {  	[tilespmem:v51+s18+$0x0] =	vst.idx.msk $0xffff, v23;
	v19 =	vshrl.u32 v31, $0x3;
	v26 =	vadd.s32 v9, v21;
	v12 =	vpop (erf)  }
0x212: {  	v16 =	vmul.f32 v16, v13;
	v55 =	vadd.s32 v4, v21;
	[tilespmem:v18+s18+$0x0] =	vst.idx.msk $0xffff, v12;
	v18 =	vshll.u32 v19, $0x3  }
0x213: {  	v57 =	vadd.s32 v5, v21;
	v22 =	vmul.f32 v22, v13;
	v19 =	vld.idx.msk [tilespmem:v25+s26+$0x0], $0xffff;
	v18 =	vadd.s32 v14, v18  }
0x214: {  	v56 =	vadd.s32 v7, v21;
	v21 =	vadd.s32 v8, v21;
	v23 =	vld.idx.msk [tilespmem:v28+s26+$0x0], $0xffff;
	v31 =	vbroadcast v18, $0x0  }
0x215: {  	[tilespmem:v15+s18+$0x0] =	vst.idx.msk $0xffff, v22;
	v15 =	vmul.f32 v30, v13;
	v13 =	vmul.f32 v29, v13;
	v29 =	vld.idx.msk [tilespmem:v27+s26+$0x0], $0xffff  }
0x216: {  	[tilespmem:v20+s18+$0x0] =	vst.idx.msk $0xffff, v16;
	v30 =	vld.idx.msk [tilespmem:v26+s26+$0x0], $0xffff;
	v18 =	vadd.s32 v0, v31  }
0x217: {  	s1 =	simm.s32 $0x10;
	[tilespmem:v17+s18+$0x0] =	vst.idx.msk $0xffff, v15;
	v15 =	vld.idx.msk [tilespmem:v55+s26+$0x0], $0xffff;
	v22 =	vadd.s32 v6, v31  }
0x218: {  	v61 =	vmov s1;
	v58 =	vld.idx.msk [tilespmem:v57+s26+$0x0], $0xffff;
	[tilespmem:v24+s18+$0x0] =	vst.idx.msk $0xffff, v13;
	v13 =	vadd.s32 v7, v31;
	v20 =	vadd.s32 v9, v31  }
0x219: {  	v17 =	vld.idx.msk [tilespmem:v56+s26+$0x0], $0xffff;
	v16 =	vadd.s32 v8, v31;
	v24 =	vmul.f32 v19, v12;
	v19 =	vadd.s32 v4, v31  }
0x21a: {  	v60 =	vld.idx.msk [tilespmem:v21+s26+$0x0], $0xffff;
	v59 =	vmul.f32 v23, v12;
	v23 =	vadd.s32 v10, v31;
	v29 =	vmul.f32 v29, v12  }
0x21b: {  	[tilespmem:v25+s18+$0x0] =	vst.idx.msk $0xffff, v24;
	v24 =	vmul.f32 v30, v12;
	v25 =	vshrl.u32 v61, $0x3;
	v32 =	vld.idx.msk [tilespmem:v18+s26+$0x0], $0xffff  }
0x21c: {  	v15 =	vmul.f32 v15, v12;
	[tilespmem:v28+s18+$0x0] =	vst.idx.msk $0xffff, v59;
	v25 =	vshll.u32 v25, $0x3;
	v62 =	vld.idx.msk [tilespmem:v22+s26+$0x0], $0xffff  }
0x21d: {  	v28 =	vadd.s32 v5, v31;
	v31 =	vld.idx.msk [tilespmem:v13+s26+$0x0], $0xffff;
	[tilespmem:v26+s18+$0x0] =	vst.idx.msk $0xffff, v24;
	v24 =	vadd.s32 v14, v25  }
0x21e: {  	v63 =	vmul.f32 v17, v12;
	[tilespmem:v27+s18+$0x0] =	vst.idx.msk $0xffff, v29;
	v35 =	vld.idx.msk [tilespmem:v20+s26+$0x0], $0xffff;
	v25 =	vbroadcast v24, $0x0  }
0x21f: {  	v37 =	vmul.f32 v60, v12;
	[tilespmem:v55+s18+$0x0] =	vst.idx.msk $0xffff, v15;
	v30 =	vld.idx.msk [tilespmem:v16+s26+$0x0], $0xffff;
	v24 =	vmul.f32 v58, v12  }
0x220: {  	[tilespmem:v56+s18+$0x0] =	vst.idx.msk $0xffff, v63;
	v33 =	vld.idx.msk [tilespmem:v23+s26+$0x0], $0xffff;
	v26 =	vadd.s32 v0, v25;
	v15 =	vadd.s32 v4, v25  }
0x221: {  	v36 =	vld.idx.msk [tilespmem:v19+s26+$0x0], $0xffff;
	[tilespmem:v57+s18+$0x0] =	vst.idx.msk $0xffff, v24;
	v29 =	vadd.s32 v6, v25;
	v17 =	vadd.s32 v7, v25  }
0x222: {  	v24 =	vadd.s32 v8, v25;
	v27 =	vadd.s32 v9, v25;
	v34 =	vld.idx.msk [tilespmem:v28+s26+$0x0], $0xffff;
	v38 =	vmul.f32 v62, v12  }
.LBB2_20:
0x223: {  	v39 =	vadd.s32 v10, v25;
	v40 =	vmul.f32 v32, v12;
	v41 =	vmov v28  }
0x224: {  	s1 =	sadd.s32 $0x8, s1;
	[tilespmem:v21+s18+$0x0] =	vst.idx.msk $0xffff, v37;
	v37 =	vmovc v31;
	v42 =	vmovc v13;
	v13 =	vmov v17;
	v21 =	vmov v16;
	v16 =	vmov v24  }
0x225: {  	v28 =	vmul.f32 v35, v12;
	v24 =	vmov s1;
	p0 =	slt.u32 s1, $0x18;
	[tilespmem:v22+s18+$0x0] =	vst.idx.msk $0xffff, v38;
	v22 =	vmov v29  }
0x226: {  	v33 =	vmul.f32 v33, v12;
	v24 =	vshrl.u32 v24, $0x3;
	v32 =	vld.idx.msk [tilespmem:v26+s26+$0x0], $0xffff;
	[tilespmem:v18+s18+$0x0] =	vst.idx.msk $0xffff, v40;
	v18 =	vmov v26  }
0x227: {  	v26 =	vmul.f32 v36, v12;
	v24 =	vshll.u32 v24, $0x3;
	v38 =	vld.idx.msk [tilespmem:v29+s26+$0x0], $0xffff;
	[tilespmem:v20+s18+$0x0] =	vst.idx.msk $0xffff, v28;
	v20 =	vmov v27  }
0x228: {  	v28 =	vadd.s32 v5, v25;
	v24 =	vadd.s32 v14, v24;
	v31 =	vld.idx.msk [tilespmem:v17+s26+$0x0], $0xffff;
	[tilespmem:v23+s18+$0x0] =	vst.idx.msk $0xffff, v33  }
.Ltmp8:
0x229: {  	v17 =	vmul.f32 v34, v12;
	v23 =	vmov v39;
	v25 =	vbroadcast v24, $0x0;
	v35 =	vld.idx.msk [tilespmem:v27+s26+$0x0], $0xffff;
	[tilespmem:v19+s18+$0x0] =	vst.idx.msk $0xffff, v26;
	(pc) =	sbr.rel @p0 .LBB2_20-.Ltmp8, $4  }
0x22a: {  	v19 =	vmov v15;
	v33 =	vld.idx.msk [tilespmem:v39+s26+$0x0], $0xffff;
	v39 =	vmul.f32 v37, v12;
	v37 =	vmul.f32 v30, v12  }
0x22b: {  	v26 =	vadd.s32 v0, v25;
	v36 =	vld.idx.msk [tilespmem:v15+s26+$0x0], $0xffff;
	v15 =	vadd.s32 v4, v25;
	[tilespmem:v41+s18+$0x0] =	vst.idx.msk $0xffff, v17  }
0x22c: {  	v29 =	vadd.s32 v6, v25;
	v17 =	vadd.s32 v7, v25;
	v24 =	vadd.s32 v8, v25;
	v30 =	vld.idx.msk [tilespmem:v16+s26+$0x0], $0xffff  }
0x22d: {  	v27 =	vadd.s32 v9, v25;
	v38 =	vmul.f32 v38, v12;
	v34 =	vld.idx.msk [tilespmem:v28+s26+$0x0], $0xffff;
	[tilespmem:v42+s18+$0x0] =	vst.idx.msk $0xffff, v39  }
0x22e: {  	s1 =	sadd.s32 $0x20, s29  }
0x22f: {  	v14 =	vmov s1  }
0x230: {  	v39 =	vld [tilespmem:s24+$0x20];
	v14 =	vmul.u32 $0x30, v14;
	_ =	sdelay $0x1  }
0x231: {  	v40 =	vbroadcast v14, $0x0;
	_ =	sdelay $0x1  }
0x232: {  	v41 =	vadd.s32 v3, v40;
	_ =	sdelay $0x3  }
0x233: {  	v39 =	vld.idx.msk [tilespmem:v39+s3+$0x0], $0xffff  }
0x234: {  	v41 =	vld.idx.msk [tilespmem:v41+s26+$0x0], $0xffff;
	_ =	sdelay $0x4  }
0x235: {  	v39 =	vadd.f32 v41, v39;
	_ =	sdelay $0x1  }
0x236: {  	v41 =	vmul.f32 $3.000000120e-01, v39  }
0x237: {  	vm0 =	vge.f32 v39, $0.0e+00  }
0x238: {  	v32 =	vmul.f32 v32, v12;
	[tilespmem:v21+s18+$0x0] =	vst.idx.msk $0xffff, v37;
	v39 =	vsel vm0, v39, v41  }
0x239: {  	v51 =	vadd.s32 v10, v25;
	[tilespmem:v22+s18+$0x0] =	vst.idx.msk $0xffff, v38;
	v21 =	vmul.f32 $1.442695020e+00, v39  }
0x23a: {  	v53 =	vld.idx.msk [tilespmem:v29+s26+$0x0], $0xffff;
	v22 =	vmul.f32 v35, v12;
	s1 =	simm.s32 $0x0;
	[tilespmem:v18+s18+$0x0] =	vst.idx.msk $0xffff, v32;
	v18 =	vmul.f32 v33, v12  }
0x23b: {  	v52 =	vld.idx.msk [tilespmem:v26+s26+$0x0], $0xffff;
	v54 =	vmul.f32 v36, v12;
	(erf) = vpow2.f32 v21;
	v21 =	vmov s1  }
0x23c: {  	[tilespmem:v20+s18+$0x0] =	vst.idx.msk $0xffff, v22;
	v20 =	vadd.s32 v5, v25;
	v25 =	vmul.f32 v30, v12;
	v21 =	vshrl.u32 v21, $0x3  }
0x23d: {  	[tilespmem:v23+s18+$0x0] =	vst.idx.msk $0xffff, v18;
	v18 =	vld.idx.msk [tilespmem:v27+s26+$0x0], $0xffff;
	v22 =	vmul.f32 v34, v12;
	v21 =	vshll.u32 v21, $0x3  }
0x23e: {  	[tilespmem:v19+s18+$0x0] =	vst.idx.msk $0xffff, v54;
	v19 =	vmul.f32 v31, v12;
	v21 =	vadd.s32 v14, v21  }
0x23f: {  	[tilespmem:v28+s18+$0x0] =	vst.idx.msk $0xffff, v22;
	v28 =	vmul.f32 v53, v12;
	v21 =	vbroadcast v21, $0x0  }
0x240: {  	v23 =	vld.idx.msk [tilespmem:v51+s26+$0x0], $0xffff;
	[tilespmem:v13+s18+$0x0] =	vst.idx.msk $0xffff, v19;
	v19 =	vadd.s32 v2, v40;
	v13 =	vmul.f32 v52, v12  }
0x241: {  	[tilespmem:v16+s18+$0x0] =	vst.idx.msk $0xffff, v25;
	v22 =	vld.idx.msk [tilespmem:v15+s26+$0x0], $0xffff;
	v25 =	vadd.s32 v6, v21  }
0x242: {  	v30 =	vld.idx.msk [tilespmem:v17+s26+$0x0], $0xffff;
	[tilespmem:v29+s18+$0x0] =	vst.idx.msk $0xffff, v28;
	v18 =	vmul.f32 v18, v12;
	s1 =	simm.s32 $0x8;
	v28 =	vadd.s32 v0, v21  }
0x243: {  	v16 =	vld.idx.msk [tilespmem:v20+s26+$0x0], $0xffff;
	[tilespmem:v26+s18+$0x0] =	vst.idx.msk $0xffff, v13;
	v31 =	vmov s1;
	v26 =	vadd.s32 v9, v21  }
0x244: {  	v29 =	vld.idx.msk [tilespmem:v24+s26+$0x0], $0xffff;
	[tilespmem:v27+s18+$0x0] =	vst.idx.msk $0xffff, v18;
	v18 =	vshrl.u32 v31, $0x3;
	v27 =	vadd.s32 v10, v21;
	v13 =	vpop (erf)  }
0x245: {  	v23 =	vmul.f32 v23, v12;
	v18 =	vshll.u32 v18, $0x3;
	v55 =	vadd.s32 v4, v21;
	[tilespmem:v19+s18+$0x0] =	vst.idx.msk $0xffff, v13  }
0x246: {  	v22 =	vmul.f32 v22, v12;
	v18 =	vadd.s32 v14, v18;
	v56 =	vadd.s32 v7, v21;
	v19 =	vld.idx.msk [tilespmem:v25+s26+$0x0], $0xffff  }
0x247: {  	[tilespmem:v51+s18+$0x0] =	vst.idx.msk $0xffff, v23;
	v31 =	vbroadcast v18, $0x0;
	v57 =	vadd.s32 v5, v21;
	v23 =	vld.idx.msk [tilespmem:v28+s26+$0x0], $0xffff  }
0x248: {  	[tilespmem:v15+s18+$0x0] =	vst.idx.msk $0xffff, v22;
	v15 =	vmul.f32 v30, v12;
	v21 =	vadd.s32 v8, v21;
	v30 =	vld.idx.msk [tilespmem:v26+s26+$0x0], $0xffff  }
0x249: {  	v16 =	vmul.f32 v16, v12;
	v12 =	vmul.f32 v29, v12;
	v18 =	vadd.s32 v0, v31;
	v29 =	vld.idx.msk [tilespmem:v27+s26+$0x0], $0xffff  }
0x24a: {  	[tilespmem:v17+s18+$0x0] =	vst.idx.msk $0xffff, v15;
	v22 =	vadd.s32 v6, v31;
	v15 =	vld.idx.msk [tilespmem:v55+s26+$0x0], $0xffff  }
0x24b: {  	v17 =	vld.idx.msk [tilespmem:v56+s26+$0x0], $0xffff  }
0x24c: {  	v58 =	vld.idx.msk [tilespmem:v57+s26+$0x0], $0xffff  }
0x24d: {  	[tilespmem:v20+s18+$0x0] =	vst.idx.msk $0xffff, v16;
	s1 =	simm.s32 $0x10;
	v20 =	vadd.s32 v9, v31;
	v60 =	vld.idx.msk [tilespmem:v21+s26+$0x0], $0xffff  }
0x24e: {  	[tilespmem:v24+s18+$0x0] =	vst.idx.msk $0xffff, v12;
	v61 =	vmov s1;
	v12 =	vadd.s32 v7, v31;
	v32 =	vld.idx.msk [tilespmem:v18+s26+$0x0], $0xffff;
	v24 =	vmul.f32 v19, v13  }
0x24f: {  	v16 =	vadd.s32 v8, v31;
	v62 =	vld.idx.msk [tilespmem:v22+s26+$0x0], $0xffff;
	v19 =	vadd.s32 v4, v31;
	v59 =	vmul.f32 v23, v13  }
0x250: {  	v23 =	vadd.s32 v10, v31;
	[tilespmem:v25+s18+$0x0] =	vst.idx.msk $0xffff, v24;
	v24 =	vmul.f32 v30, v13;
	v25 =	vshrl.u32 v61, $0x3  }
0x251: {  	v29 =	vmul.f32 v29, v13;
	v15 =	vmul.f32 v15, v13;
	[tilespmem:v28+s18+$0x0] =	vst.idx.msk $0xffff, v59;
	v25 =	vshll.u32 v25, $0x3  }
0x252: {  	v35 =	vld.idx.msk [tilespmem:v20+s26+$0x0], $0xffff;
	v28 =	vadd.s32 v5, v31;
	[tilespmem:v26+s18+$0x0] =	vst.idx.msk $0xffff, v24;
	v24 =	vadd.s32 v14, v25  }
0x253: {  	v63 =	vmul.f32 v17, v13;
	v31 =	vld.idx.msk [tilespmem:v12+s26+$0x0], $0xffff;
	[tilespmem:v27+s18+$0x0] =	vst.idx.msk $0xffff, v29;
	v25 =	vbroadcast v24, $0x0  }
0x254: {  	v37 =	vmul.f32 v60, v13;
	[tilespmem:v55+s18+$0x0] =	vst.idx.msk $0xffff, v15;
	v30 =	vld.idx.msk [tilespmem:v16+s26+$0x0], $0xffff;
	v24 =	vmul.f32 v58, v13  }
0x255: {  	v38 =	vmul.f32 v62, v13;
	[tilespmem:v56+s18+$0x0] =	vst.idx.msk $0xffff, v63;
	v33 =	vld.idx.msk [tilespmem:v23+s26+$0x0], $0xffff;
	v26 =	vadd.s32 v0, v25  }
0x256: {  	v36 =	vld.idx.msk [tilespmem:v19+s26+$0x0], $0xffff;
	v15 =	vadd.s32 v4, v25;
	[tilespmem:v57+s18+$0x0] =	vst.idx.msk $0xffff, v24;
	v29 =	vadd.s32 v6, v25  }
0x257: {  	v17 =	vadd.s32 v7, v25;
	v24 =	vadd.s32 v8, v25;
	v27 =	vadd.s32 v9, v25;
	v34 =	vld.idx.msk [tilespmem:v28+s26+$0x0], $0xffff  }
.LBB2_22:
0x258: {  	v39 =	vadd.s32 v10, v25;
	v40 =	vmul.f32 v32, v13;
	v41 =	vmov v28  }
0x259: {  	s1 =	sadd.s32 $0x8, s1;
	[tilespmem:v21+s18+$0x0] =	vst.idx.msk $0xffff, v37;
	v37 =	vmovc v31;
	v42 =	vmovc v12;
	v12 =	vmov v17;
	v21 =	vmov v16;
	v16 =	vmov v24  }
0x25a: {  	v28 =	vmul.f32 v35, v13;
	v24 =	vmov s1;
	p0 =	slt.u32 s1, $0x18;
	[tilespmem:v22+s18+$0x0] =	vst.idx.msk $0xffff, v38;
	v22 =	vmov v29  }
0x25b: {  	v33 =	vmul.f32 v33, v13;
	v24 =	vshrl.u32 v24, $0x3;
	v32 =	vld.idx.msk [tilespmem:v26+s26+$0x0], $0xffff;
	[tilespmem:v18+s18+$0x0] =	vst.idx.msk $0xffff, v40;
	v18 =	vmov v26  }
0x25c: {  	v26 =	vmul.f32 v36, v13;
	v24 =	vshll.u32 v24, $0x3;
	v38 =	vld.idx.msk [tilespmem:v29+s26+$0x0], $0xffff;
	[tilespmem:v20+s18+$0x0] =	vst.idx.msk $0xffff, v28;
	v20 =	vmov v27  }
0x25d: {  	v28 =	vadd.s32 v5, v25;
	v24 =	vadd.s32 v14, v24;
	v31 =	vld.idx.msk [tilespmem:v17+s26+$0x0], $0xffff;
	[tilespmem:v23+s18+$0x0] =	vst.idx.msk $0xffff, v33  }
.Ltmp9:
0x25e: {  	v17 =	vmul.f32 v34, v13;
	v23 =	vmov v39;
	v25 =	vbroadcast v24, $0x0;
	v35 =	vld.idx.msk [tilespmem:v27+s26+$0x0], $0xffff;
	[tilespmem:v19+s18+$0x0] =	vst.idx.msk $0xffff, v26;
	(pc) =	sbr.rel @p0 .LBB2_22-.Ltmp9, $4  }
0x25f: {  	v19 =	vmov v15;
	v33 =	vld.idx.msk [tilespmem:v39+s26+$0x0], $0xffff;
	v39 =	vmul.f32 v37, v13;
	v37 =	vmul.f32 v30, v13  }
0x260: {  	v26 =	vadd.s32 v0, v25;
	v36 =	vld.idx.msk [tilespmem:v15+s26+$0x0], $0xffff;
	v15 =	vadd.s32 v4, v25;
	[tilespmem:v41+s18+$0x0] =	vst.idx.msk $0xffff, v17  }
0x261: {  	v29 =	vadd.s32 v6, v25;
	v17 =	vadd.s32 v7, v25;
	v24 =	vadd.s32 v8, v25;
	v30 =	vld.idx.msk [tilespmem:v16+s26+$0x0], $0xffff  }
0x262: {  	v27 =	vadd.s32 v9, v25;
	v38 =	vmul.f32 v38, v13;
	v34 =	vld.idx.msk [tilespmem:v28+s26+$0x0], $0xffff;
	[tilespmem:v42+s18+$0x0] =	vst.idx.msk $0xffff, v39  }
0x263: {  	s1 =	sadd.s32 $0x30, s29  }
0x264: {  	v14 =	vmov s1  }
0x265: {  	v39 =	vld [tilespmem:s24+$0x30];
	v14 =	vmul.u32 $0x30, v14;
	_ =	sdelay $0x1  }
0x266: {  	v40 =	vbroadcast v14, $0x0;
	_ =	sdelay $0x1  }
0x267: {  	v41 =	vadd.s32 v3, v40;
	_ =	sdelay $0x3  }
0x268: {  	v39 =	vld.idx.msk [tilespmem:v39+s3+$0x0], $0xffff  }
0x269: {  	v41 =	vld.idx.msk [tilespmem:v41+s26+$0x0], $0xffff;
	_ =	sdelay $0x4  }
0x26a: {  	v39 =	vadd.f32 v41, v39;
	_ =	sdelay $0x1  }
0x26b: {  	v41 =	vmul.f32 $3.000000120e-01, v39  }
0x26c: {  	v32 =	vmul.f32 v32, v13;
	vm0 =	vge.f32 v39, $0.0e+00  }
0x26d: {  	[tilespmem:v21+s18+$0x0] =	vst.idx.msk $0xffff, v37;
	v52 =	vadd.s32 v10, v25;
	v39 =	vsel vm0, v39, v41  }
0x26e: {  	[tilespmem:v22+s18+$0x0] =	vst.idx.msk $0xffff, v38;
	v22 =	vmul.f32 v35, v13;
	v21 =	vmul.f32 $1.442695020e+00, v39  }
0x26f: {  	v54 =	vld.idx.msk [tilespmem:v29+s26+$0x0], $0xffff;
	s1 =	simm.s32 $0x0;
	[tilespmem:v18+s18+$0x0] =	vst.idx.msk $0xffff, v32;
	v18 =	vmul.f32 v33, v13;
	v55 =	vmul.f32 v36, v13  }
0x270: {  	v53 =	vld.idx.msk [tilespmem:v26+s26+$0x0], $0xffff;
	[tilespmem:v20+s18+$0x0] =	vst.idx.msk $0xffff, v22;
	v20 =	vadd.s32 v5, v25;
	(erf) = vpow2.f32 v21;
	v21 =	vmov s1  }
0x271: {  	v25 =	vmul.f32 v30, v13;
	[tilespmem:v23+s18+$0x0] =	vst.idx.msk $0xffff, v18;
	v18 =	vld.idx.msk [tilespmem:v27+s26+$0x0], $0xffff;
	v21 =	vshrl.u32 v21, $0x3  }
0x272: {  	v22 =	vmul.f32 v34, v13;
	[tilespmem:v19+s18+$0x0] =	vst.idx.msk $0xffff, v55;
	v23 =	vld.idx.msk [tilespmem:v52+s26+$0x0], $0xffff;
	v21 =	vshll.u32 v21, $0x3  }
0x273: {  	v19 =	vmul.f32 v31, v13;
	[tilespmem:v16+s18+$0x0] =	vst.idx.msk $0xffff, v25;
	v21 =	vadd.s32 v14, v21  }
0x274: {  	[tilespmem:v28+s18+$0x0] =	vst.idx.msk $0xffff, v22;
	v22 =	vld.idx.msk [tilespmem:v15+s26+$0x0], $0xffff;
	v28 =	vmul.f32 v54, v13;
	v21 =	vbroadcast v21, $0x0  }
0x275: {  	[tilespmem:v12+s18+$0x0] =	vst.idx.msk $0xffff, v19;
	v19 =	vadd.s32 v2, v40;
	v12 =	vmul.f32 v53, v13;
	v25 =	vld.idx.msk [tilespmem:v20+s26+$0x0], $0xffff  }
0x276: {  	v30 =	vld.idx.msk [tilespmem:v17+s26+$0x0], $0xffff;
	[tilespmem:v29+s18+$0x0] =	vst.idx.msk $0xffff, v28;
	v18 =	vmul.f32 v18, v13;
	v16 =	vadd.s32 v6, v21  }
0x277: {  	v29 =	vld.idx.msk [tilespmem:v24+s26+$0x0], $0xffff;
	[tilespmem:v26+s18+$0x0] =	vst.idx.msk $0xffff, v12;
	v23 =	vmul.f32 v23, v13;
	v28 =	vadd.s32 v0, v21  }
0x278: {  	[tilespmem:v27+s18+$0x0] =	vst.idx.msk $0xffff, v18;
	s1 =	simm.s32 $0x8;
	v26 =	vadd.s32 v9, v21  }
0x279: {  	v22 =	vmul.f32 v22, v13;
	[tilespmem:v52+s18+$0x0] =	vst.idx.msk $0xffff, v23;
	v31 =	vmov s1;
	v56 =	vadd.s32 v7, v21;
	v12 =	vpop (erf)  }
0x27a: {  	v23 =	vmul.f32 v25, v13;
	v27 =	vshrl.u32 v31, $0x3;
	v18 =	vadd.s32 v10, v21;
	[tilespmem:v19+s18+$0x0] =	vst.idx.msk $0xffff, v12  }
0x27b: {  	[tilespmem:v15+s18+$0x0] =	vst.idx.msk $0xffff, v22;
	v31 =	vadd.s32 v4, v21;
	v19 =	vshll.u32 v27, $0x3;
	v27 =	vld.idx.msk [tilespmem:v16+s26+$0x0], $0xffff  }
0x27c: {  	v15 =	vmul.f32 v30, v13;
	v13 =	vmul.f32 v29, v13;
	v19 =	vadd.s32 v14, v19;
	v25 =	vld.idx.msk [tilespmem:v28+s26+$0x0], $0xffff  }
0x27d: {  	v57 =	vadd.s32 v5, v21;
	v30 =	vld.idx.msk [tilespmem:v26+s26+$0x0], $0xffff;
	v58 =	vbroadcast v19, $0x0  }
0x27e: {  	[tilespmem:v24+s18+$0x0] =	vst.idx.msk $0xffff, v13;
	v22 =	vadd.s32 v8, v21;
	v13 =	vld.idx.msk [tilespmem:v56+s26+$0x0], $0xffff  }
0x27f: {  	[tilespmem:v20+s18+$0x0] =	vst.idx.msk $0xffff, v23;
	v29 =	vld.idx.msk [tilespmem:v18+s26+$0x0], $0xffff;
	v19 =	vadd.s32 v0, v58  }
0x280: {  	[tilespmem:v17+s18+$0x0] =	vst.idx.msk $0xffff, v15;
	v59 =	vld.idx.msk [tilespmem:v31+s26+$0x0], $0xffff;
	v23 =	vadd.s32 v6, v58;
	v15 =	vadd.s32 v7, v58  }
0x281: {  	v20 =	vadd.s32 v4, v58;
	v21 =	vadd.s32 v9, v58;
	v27 =	vmul.f32 v27, v12  }
0x282: {  	s1 =	simm.s32 $0x10;
	v60 =	vld.idx.msk [tilespmem:v57+s26+$0x0], $0xffff;
	v17 =	vadd.s32 v8, v58;
	v24 =	vadd.s32 v10, v58;
	v25 =	vmul.f32 v25, v12  }
0x283: {  	v62 =	vmov s1;
	v61 =	vld.idx.msk [tilespmem:v22+s26+$0x0], $0xffff;
	v13 =	vmul.f32 v13, v12;
	[tilespmem:v16+s18+$0x0] =	vst.idx.msk $0xffff, v27;
	v16 =	vmul.f32 v30, v12  }
0x284: {  	v27 =	vshrl.u32 v62, $0x3;
	[tilespmem:v28+s18+$0x0] =	vst.idx.msk $0xffff, v25;
	v25 =	vmul.f32 v29, v12;
	v33 =	vld.idx.msk [tilespmem:v19+s26+$0x0], $0xffff  }
0x285: {  	v28 =	vmul.f32 v59, v12;
	[tilespmem:v56+s18+$0x0] =	vst.idx.msk $0xffff, v13;
	v27 =	vshll.u32 v27, $0x3;
	v63 =	vld.idx.msk [tilespmem:v23+s26+$0x0], $0xffff  }
0x286: {  	v29 =	vadd.s32 v5, v58;
	v32 =	vld.idx.msk [tilespmem:v15+s26+$0x0], $0xffff;
	[tilespmem:v26+s18+$0x0] =	vst.idx.msk $0xffff, v16;
	v16 =	vadd.s32 v14, v27  }
0x287: {  	v36 =	vld.idx.msk [tilespmem:v21+s26+$0x0], $0xffff;
	[tilespmem:v18+s18+$0x0] =	vst.idx.msk $0xffff, v25;
	v18 =	vmul.f32 v60, v12;
	v26 =	vbroadcast v16, $0x0  }
0x288: {  	v34 =	vld.idx.msk [tilespmem:v24+s26+$0x0], $0xffff;
	[tilespmem:v31+s18+$0x0] =	vst.idx.msk $0xffff, v28  }
0x289: {  	v38 =	vmul.f32 v61, v12;
	v37 =	vld.idx.msk [tilespmem:v20+s26+$0x0], $0xffff;
	[tilespmem:v57+s18+$0x0] =	vst.idx.msk $0xffff, v18;
	v27 =	vadd.s32 v0, v26  }
0x28a: {  	v31 =	vld.idx.msk [tilespmem:v17+s26+$0x0], $0xffff;
	v16 =	vadd.s32 v4, v26;
	v30 =	vadd.s32 v6, v26;
	v18 =	vadd.s32 v7, v26  }
0x28b: {  	v25 =	vadd.s32 v8, v26;
	v28 =	vadd.s32 v9, v26;
	v35 =	vld.idx.msk [tilespmem:v29+s26+$0x0], $0xffff;
	v39 =	vmul.f32 v63, v12  }
.LBB2_24:
0x28c: {  	v13 =	vadd.s32 v10, v26;
	v40 =	vmul.f32 v33, v12;
	v41 =	vmov v29  }
0x28d: {  	s1 =	sadd.s32 $0x8, s1;
	[tilespmem:v22+s18+$0x0] =	vst.idx.msk $0xffff, v38;
	v38 =	vmovc v32;
	v42 =	vmovc v15;
	v15 =	vmov v18;
	v22 =	vmov v17;
	v17 =	vmov v25  }
0x28e: {  	v29 =	vmul.f32 v36, v12;
	v25 =	vmov s1;
	p0 =	slt.u32 s1, $0x18;
	[tilespmem:v23+s18+$0x0] =	vst.idx.msk $0xffff, v39;
	v23 =	vmov v30  }
0x28f: {  	v34 =	vmul.f32 v34, v12;
	v25 =	vshrl.u32 v25, $0x3;
	v33 =	vld.idx.msk [tilespmem:v27+s26+$0x0], $0xffff;
	[tilespmem:v19+s18+$0x0] =	vst.idx.msk $0xffff, v40;
	v19 =	vmov v27  }
0x290: {  	v27 =	vmul.f32 v37, v12;
	v25 =	vshll.u32 v25, $0x3;
	v39 =	vld.idx.msk [tilespmem:v30+s26+$0x0], $0xffff;
	[tilespmem:v21+s18+$0x0] =	vst.idx.msk $0xffff, v29;
	v21 =	vmov v28  }
0x291: {  	v29 =	vadd.s32 v5, v26;
	v25 =	vadd.s32 v14, v25;
	v32 =	vld.idx.msk [tilespmem:v18+s26+$0x0], $0xffff;
	[tilespmem:v24+s18+$0x0] =	vst.idx.msk $0xffff, v34  }
.Ltmp10:
0x292: {  	v18 =	vmul.f32 v35, v12;
	v24 =	vmov v13;
	v26 =	vbroadcast v25, $0x0;
	v36 =	vld.idx.msk [tilespmem:v28+s26+$0x0], $0xffff;
	[tilespmem:v20+s18+$0x0] =	vst.idx.msk $0xffff, v27;
	(pc) =	sbr.rel @p0 .LBB2_24-.Ltmp10, $4  }
0x293: {  	v20 =	vmov v16;
	v34 =	vld.idx.msk [tilespmem:v13+s26+$0x0], $0xffff;
	v13 =	vmul.f32 v38, v12;
	v38 =	vmul.f32 v31, v12  }
0x294: {  	v27 =	vadd.s32 v0, v26;
	v37 =	vld.idx.msk [tilespmem:v16+s26+$0x0], $0xffff;
	v16 =	vadd.s32 v4, v26;
	[tilespmem:v41+s18+$0x0] =	vst.idx.msk $0xffff, v18  }
0x295: {  	v30 =	vadd.s32 v6, v26;
	v18 =	vadd.s32 v7, v26;
	v25 =	vadd.s32 v8, v26;
	v31 =	vld.idx.msk [tilespmem:v17+s26+$0x0], $0xffff  }
0x296: {  	v28 =	vadd.s32 v9, v26;
	v39 =	vmul.f32 v39, v12;
	v35 =	vld.idx.msk [tilespmem:v29+s26+$0x0], $0xffff;
	[tilespmem:v42+s18+$0x0] =	vst.idx.msk $0xffff, v13  }
0x297: {  	s1 =	sadd.s32 $0x40, s29  }
0x298: {  	v13 =	vmov s1  }
0x299: {  	v14 =	vld [tilespmem:s24+$0x40];
	v13 =	vmul.u32 $0x30, v13;
	_ =	sdelay $0x1  }
0x29a: {  	v40 =	vbroadcast v13, $0x0;
	_ =	sdelay $0x1  }
0x29b: {  	v41 =	vadd.s32 v3, v40;
	_ =	sdelay $0x3  }
0x29c: {  	v14 =	vld.idx.msk [tilespmem:v14+s3+$0x0], $0xffff  }
0x29d: {  	v41 =	vld.idx.msk [tilespmem:v41+s26+$0x0], $0xffff;
	_ =	sdelay $0x4  }
0x29e: {  	v14 =	vadd.f32 v41, v14;
	_ =	sdelay $0x1  }
0x29f: {  	v41 =	vmul.f32 $3.000000120e-01, v14  }
0x2a0: {  	v33 =	vmul.f32 v33, v12;
	vm0 =	vge.f32 v14, $0.0e+00  }
0x2a1: {  	[tilespmem:v22+s18+$0x0] =	vst.idx.msk $0xffff, v38;
	v22 =	vadd.s32 v10, v26;
	v14 =	vsel vm0, v14, v41  }
0x2a2: {  	[tilespmem:v23+s18+$0x0] =	vst.idx.msk $0xffff, v39;
	v23 =	vmul.f32 v36, v12;
	v14 =	vmul.f32 $1.442695020e+00, v14  }
0x2a3: {  	s24 =	simm.s32 $0x0;
	v53 =	vld.idx.msk [tilespmem:v30+s26+$0x0], $0xffff;
	[tilespmem:v19+s18+$0x0] =	vst.idx.msk $0xffff, v33;
	v19 =	vmul.f32 v34, v12;
	v54 =	vmul.f32 v37, v12  }
0x2a4: {  	v52 =	vld.idx.msk [tilespmem:v27+s26+$0x0], $0xffff;
	[tilespmem:v21+s18+$0x0] =	vst.idx.msk $0xffff, v23;
	v21 =	vadd.s32 v5, v26;
	(erf) = vpow2.f32 v14;
	v14 =	vmov s24  }
0x2a5: {  	v26 =	vmul.f32 v31, v12;
	[tilespmem:v24+s18+$0x0] =	vst.idx.msk $0xffff, v19;
	v19 =	vld.idx.msk [tilespmem:v28+s26+$0x0], $0xffff;
	v14 =	vshrl.u32 v14, $0x3  }
0x2a6: {  	v23 =	vmul.f32 v35, v12;
	[tilespmem:v20+s18+$0x0] =	vst.idx.msk $0xffff, v54;
	v24 =	vld.idx.msk [tilespmem:v22+s26+$0x0], $0xffff;
	v14 =	vshll.u32 v14, $0x3  }
0x2a7: {  	v20 =	vmul.f32 v32, v12;
	[tilespmem:v17+s18+$0x0] =	vst.idx.msk $0xffff, v26;
	v14 =	vadd.s32 v13, v14  }
0x2a8: {  	[tilespmem:v29+s18+$0x0] =	vst.idx.msk $0xffff, v23;
	v23 =	vbroadcast v14, $0x0;
	v14 =	vmul.f32 v53, v12  }
0x2a9: {  	v31 =	vmul.f32 v52, v12;
	v29 =	vld.idx.msk [tilespmem:v16+s26+$0x0], $0xffff;
	[tilespmem:v15+s18+$0x0] =	vst.idx.msk $0xffff, v20  }
0x2aa: {  	v15 =	vadd.s32 v2, v40;
	v17 =	vld.idx.msk [tilespmem:v21+s26+$0x0], $0xffff;
	[tilespmem:v30+s18+$0x0] =	vst.idx.msk $0xffff, v14;
	v14 =	vmul.f32 v19, v12  }
0x2ab: {  	v24 =	vmul.f32 v24, v12;
	v26 =	vadd.s32 v6, v23  }
0x2ac: {  	s29 =	simm.s32 $0x8;
	v20 =	vld.idx.msk [tilespmem:v18+s26+$0x0], $0xffff;
	[tilespmem:v27+s18+$0x0] =	vst.idx.msk $0xffff, v31;
	v30 =	vadd.s32 v0, v23  }
0x2ad: {  	v31 =	vmov s29;
	[tilespmem:v22+s18+$0x0] =	vst.idx.msk $0xffff, v24;
	v19 =	vld.idx.msk [tilespmem:v25+s26+$0x0], $0xffff;
	v27 =	vadd.s32 v9, v23  }
0x2ae: {  	v29 =	vmul.f32 v29, v12;
	v55 =	vadd.s32 v10, v23;
	[tilespmem:v28+s18+$0x0] =	vst.idx.msk $0xffff, v14;
	v28 =	vshrl.u32 v31, $0x3;
	v14 =	vpop (erf)  }
0x2af: {  	v24 =	vmul.f32 v17, v12;
	v31 =	vadd.s32 v4, v23;
	[tilespmem:v15+s18+$0x0] =	vst.idx.msk $0xffff, v14;
	v15 =	vshll.u32 v28, $0x3  }
0x2b0: {  	[tilespmem:v16+s18+$0x0] =	vst.idx.msk $0xffff, v29;
	v57 =	vadd.s32 v5, v23;
	v22 =	vld.idx.msk [tilespmem:v26+s26+$0x0], $0xffff;
	v15 =	vadd.s32 v13, v15  }
0x2b1: {  	v56 =	vadd.s32 v7, v23;
	v28 =	vld.idx.msk [tilespmem:v30+s26+$0x0], $0xffff;
	v58 =	vbroadcast v15, $0x0;
	v15 =	vmul.f32 v20, v12  }
0x2b2: {  	[tilespmem:v21+s18+$0x0] =	vst.idx.msk $0xffff, v24;
	v17 =	vadd.s32 v8, v23;
	v23 =	vld.idx.msk [tilespmem:v27+s26+$0x0], $0xffff;
	v12 =	vmul.f32 v19, v12  }
0x2b3: {  	v21 =	vld.idx.msk [tilespmem:v55+s26+$0x0], $0xffff;
	v16 =	vadd.s32 v0, v58;
	[tilespmem:v18+s18+$0x0] =	vst.idx.msk $0xffff, v15  }
0x2b4: {  	v24 =	vld.idx.msk [tilespmem:v31+s26+$0x0], $0xffff;
	v20 =	vadd.s32 v6, v58;
	[tilespmem:v25+s18+$0x0] =	vst.idx.msk $0xffff, v12  }
0x2b5: {  	v59 =	vld.idx.msk [tilespmem:v57+s26+$0x0], $0xffff;
	v12 =	vadd.s32 v7, v58;
	v19 =	vadd.s32 v4, v58;
	v18 =	vadd.s32 v9, v58  }
0x2b6: {  	s1 =	simm.s32 $0x10;
	v25 =	vld.idx.msk [tilespmem:v56+s26+$0x0], $0xffff;
	v15 =	vadd.s32 v8, v58;
	v29 =	vmul.f32 v22, v14;
	v60 =	vmul.f32 v28, v14  }
0x2b7: {  	v61 =	vld.idx.msk [tilespmem:v17+s26+$0x0], $0xffff;
	v22 =	vadd.s32 v10, v58;
	v28 =	vmov s1;
	v23 =	vmul.f32 v23, v14  }
0x2b8: {  	v21 =	vmul.f32 v21, v14;
	[tilespmem:v26+s18+$0x0] =	vst.idx.msk $0xffff, v29;
	v26 =	vshrl.u32 v28, $0x3;
	v28 =	vld.idx.msk [tilespmem:v16+s26+$0x0], $0xffff  }
0x2b9: {  	[tilespmem:v30+s18+$0x0] =	vst.idx.msk $0xffff, v60;
	v30 =	vmul.f32 v24, v14;
	v26 =	vshll.u32 v26, $0x3;
	v62 =	vld.idx.msk [tilespmem:v20+s26+$0x0], $0xffff  }
0x2ba: {  	[tilespmem:v27+s18+$0x0] =	vst.idx.msk $0xffff, v23;
	v27 =	vadd.s32 v5, v58;
	v29 =	vld.idx.msk [tilespmem:v12+s26+$0x0], $0xffff;
	v23 =	vadd.s32 v13, v26  }
0x2bb: {  	[tilespmem:v55+s18+$0x0] =	vst.idx.msk $0xffff, v21;
	v33 =	vld.idx.msk [tilespmem:v18+s26+$0x0], $0xffff;
	v63 =	vmul.f32 v25, v14;
	v24 =	vbroadcast v23, $0x0  }
0x2bc: {  	v37 =	vmul.f32 v61, v14;
	v35 =	vld.idx.msk [tilespmem:v19+s26+$0x0], $0xffff;
	[tilespmem:v31+s18+$0x0] =	vst.idx.msk $0xffff, v30;
	v23 =	vmul.f32 v59, v14  }
0x2bd: {  	v30 =	vld.idx.msk [tilespmem:v15+s26+$0x0], $0xffff;
	[tilespmem:v56+s18+$0x0] =	vst.idx.msk $0xffff, v63;
	v25 =	vadd.s32 v0, v24;
	v21 =	vadd.s32 v4, v24  }
0x2be: {  	v34 =	vld.idx.msk [tilespmem:v22+s26+$0x0], $0xffff;
	[tilespmem:v57+s18+$0x0] =	vst.idx.msk $0xffff, v23;
	v31 =	vadd.s32 v6, v24;
	v23 =	vadd.s32 v7, v24  }
0x2bf: {  	v32 =	vadd.s32 v8, v24;
	v26 =	vadd.s32 v9, v24;
	v36 =	vld.idx.msk [tilespmem:v27+s26+$0x0], $0xffff;
	v38 =	vmul.f32 v62, v14  }
.LBB2_26:
0x2c0: {  	v39 =	vadd.s32 v10, v24;
	v40 =	vmul.f32 v28, v14;
	v41 =	vmov v27  }
0x2c1: {  	s1 =	sadd.s32 $0x8, s1;
	[tilespmem:v17+s18+$0x0] =	vst.idx.msk $0xffff, v37;
	v37 =	vmovc v29;
	v42 =	vmovc v12;
	v12 =	vmov v23;
	v17 =	vmov v15;
	v15 =	vmov v32  }
0x2c2: {  	v29 =	vmul.f32 v33, v14;
	v27 =	vmov s1;
	p0 =	slt.u32 s1, $0x18;
	[tilespmem:v20+s18+$0x0] =	vst.idx.msk $0xffff, v38;
	v20 =	vmov v31  }
0x2c3: {  	v32 =	vmul.f32 v34, v14;
	v27 =	vshrl.u32 v27, $0x3;
	v28 =	vld.idx.msk [tilespmem:v25+s26+$0x0], $0xffff;
	[tilespmem:v16+s18+$0x0] =	vst.idx.msk $0xffff, v40;
	v16 =	vmov v25  }
0x2c4: {  	v25 =	vshll.u32 v27, $0x3;
	v38 =	vld.idx.msk [tilespmem:v31+s26+$0x0], $0xffff;
	v31 =	vmul.f32 v35, v14;
	[tilespmem:v18+s18+$0x0] =	vst.idx.msk $0xffff, v29;
	v18 =	vmov v26  }
0x2c5: {  	v27 =	vadd.s32 v5, v24;
	v25 =	vadd.s32 v13, v25;
	v29 =	vld.idx.msk [tilespmem:v23+s26+$0x0], $0xffff;
	[tilespmem:v22+s18+$0x0] =	vst.idx.msk $0xffff, v32  }
.Ltmp11:
0x2c6: {  	v23 =	vmul.f32 v36, v14;
	v22 =	vmov v39;
	v24 =	vbroadcast v25, $0x0;
	v33 =	vld.idx.msk [tilespmem:v26+s26+$0x0], $0xffff;
	[tilespmem:v19+s18+$0x0] =	vst.idx.msk $0xffff, v31;
	(pc) =	sbr.rel @p0 .LBB2_26-.Ltmp11, $4  }
0x2c7: {  	v19 =	vmov v21;
	v34 =	vld.idx.msk [tilespmem:v39+s26+$0x0], $0xffff;
	v39 =	vmul.f32 v37, v14;
	v37 =	vmul.f32 v30, v14  }
0x2c8: {  	v25 =	vadd.s32 v0, v24;
	v35 =	vld.idx.msk [tilespmem:v21+s26+$0x0], $0xffff;
	v21 =	vadd.s32 v4, v24;
	[tilespmem:v41+s18+$0x0] =	vst.idx.msk $0xffff, v23  }
0x2c9: {  	v31 =	vadd.s32 v6, v24;
	v23 =	vadd.s32 v7, v24;
	v32 =	vadd.s32 v8, v24;
	v30 =	vld.idx.msk [tilespmem:v15+s26+$0x0], $0xffff  }
0x2ca: {  	v26 =	vadd.s32 v9, v24;
	v38 =	vmul.f32 v38, v14;
	v36 =	vld.idx.msk [tilespmem:v27+s26+$0x0], $0xffff;
	[tilespmem:v42+s18+$0x0] =	vst.idx.msk $0xffff, v39  }
0x2cb: {  	_ =	sdelay $0x3  }
0x2cc: {  	v28 =	vmul.f32 v28, v14;
	[tilespmem:v17+s18+$0x0] =	vst.idx.msk $0xffff, v37  }
0x2cd: {  	v45 =	vmul.f32 v33, v14;
	[tilespmem:v20+s18+$0x0] =	vst.idx.msk $0xffff, v38  }
0x2ce: {  	v47 =	vld.idx.msk [tilespmem:v31+s26+$0x0], $0xffff;
	v54 =	vmul.f32 v29, v14;
	[tilespmem:v16+s18+$0x0] =	vst.idx.msk $0xffff, v28  }
0x2cf: {  	v13 =	vadd.s32 v10, v24;
	v49 =	vld.idx.msk [tilespmem:v25+s26+$0x0], $0xffff;
	v46 =	vmul.f32 v34, v14;
	[tilespmem:v18+s18+$0x0] =	vst.idx.msk $0xffff, v45  }
0x2d0: {  	v48 =	vadd.s32 v5, v24;
	v51 =	vld.idx.msk [tilespmem:v26+s26+$0x0], $0xffff;
	v50 =	vmul.f32 v35, v14;
	[tilespmem:v12+s18+$0x0] =	vst.idx.msk $0xffff, v54  }
0x2d1: {  	v56 =	vld.idx.msk [tilespmem:v21+s26+$0x0], $0xffff;
	[tilespmem:v22+s18+$0x0] =	vst.idx.msk $0xffff, v46;
	v55 =	vmul.f32 v30, v14  }
0x2d2: {  	v58 =	vld.idx.msk [tilespmem:v23+s26+$0x0], $0xffff;
	v52 =	vmul.f32 v36, v14;
	[tilespmem:v19+s18+$0x0] =	vst.idx.msk $0xffff, v50  }
0x2d3: {  	v60 =	vld.idx.msk [tilespmem:v32+s26+$0x0], $0xffff;
	v20 =	vmul.f32 v47, v14;
	[tilespmem:v15+s18+$0x0] =	vst.idx.msk $0xffff, v55  }
0x2d4: {  	v53 =	vld.idx.msk [tilespmem:v13+s26+$0x0], $0xffff;
	v59 =	vmul.f32 v49, v14;
	[tilespmem:v27+s18+$0x0] =	vst.idx.msk $0xffff, v52  }
0x2d5: {  	v57 =	vld.idx.msk [tilespmem:v48+s26+$0x0], $0xffff;
	v16 =	vmul.f32 v51, v14;
	[tilespmem:v31+s18+$0x0] =	vst.idx.msk $0xffff, v20  }
0x2d6: {  	v61 =	vmul.f32 v56, v14;
	[tilespmem:v25+s18+$0x0] =	vst.idx.msk $0xffff, v59  }
0x2d7: {  	p0 =	slt.u32 s31, $0x14;
	v12 =	vmul.f32 v58, v14;
	[tilespmem:v26+s18+$0x0] =	vst.idx.msk $0xffff, v16  }
.Ltmp12:
0x2d8: {  	v63 =	vmul.f32 v60, v14;
	[tilespmem:v21+s18+$0x0] =	vst.idx.msk $0xffff, v61;
	(pc) =	sbr.rel @p0 .LBB2_17-.Ltmp12, $4  }
0x2d9: {  	[tilespmem:v23+s18+$0x0] =	vst.idx.msk $0xffff, v12;
	v18 =	vmul.f32 v53, v14  }
0x2da: {  	[tilespmem:v32+s18+$0x0] =	vst.idx.msk $0xffff, v63;
	v62 =	vmul.f32 v57, v14  }
0x2db: {  	s1 =	sadd.s32 $0x5, s31;
	[tilespmem:v13+s18+$0x0] =	vst.idx.msk $0xffff, v18  }
0x2dc: {  	s31 =	smov.u32 s1;
	[tilespmem:v48+s18+$0x0] =	vst.idx.msk $0xffff, v62  }
0x2dd: {  	[spmem:s2] =	stream.indirect.scatter.add.f32 [tilespmem:s18], [sflag:$0x3], $0x30, s11, s23, $0xb8;
	[tilespmem:$0x1CE30] =	vst v63  }
0x2de: {  	s1 =	sadd.s32 $0x28F0, s8  }
0x2df: {  	[spmem:s2] =	stream.indirect.scatter.add.f32 [tilespmem:s19], [sflag:$0x3], $0x30, s1, s23, $0xb8;
	[tilespmem:$0x1CE30] =	vst v63  }
0x2e0: {  	s24 =	sadd.s32 $0x2940, s8  }
0x2e1: {  	[spmem:s2] =	stream.indirect.scatter.add.f32 [tilespmem:s4], [sflag:$0x3], $0x30, s24, s23, $0xb8;
	[tilespmem:$0x1CE30] =	vst v63  }
0x2e2: {  	s29 =	sadd.s32 $0x2990, s8  }
0x2e3: {  	[spmem:s2] =	stream.indirect.scatter.add.f32 [tilespmem:s6], [sflag:$0x3], $0x30, s29, s23, $0xb8;
	[tilespmem:$0x1CE30] =	vst v63  }
0x2e4: {  	s31 =	sadd.s32 $0x29E0, s8  }
0x2e5: {  	[spmem:s2] =	stream.indirect.scatter.add.f32 [tilespmem:s7], [sflag:$0x3], $0x30, s31, s23, $0xb8;
	[tilespmem:$0x1CE30] =	vst v63  }
0x2e6: {  	s8 =	sadd.s32 $0x52D0, s17  }
0x2e7: {  	[tilespmem:s26], [sflag:$0x2] =	stream.indirect.gather [hbm4b:s5+s23], $0x30, s8, s23, $0xb8;
	[tilespmem:$0x1CE30] =	vst v63  }
0x2e8: {  	s11 =	sadd.s32 $0x5320, s17;
	s24 =	simm.s32 $0xCF30  }
0x2e9: {  	[tilespmem:s24], [sflag:$0x2] =	stream.indirect.gather [hbm4b:s5+s23], $0x30, s11, s23, $0xb8;
	[tilespmem:$0x1CE30] =	vst v63  }
0x2ea: {  	s29 =	sadd.s32 $0x5370, s17;
	s31 =	simm.s32 $0xDE30  }
0x2eb: {  	[tilespmem:s31], [sflag:$0x2] =	stream.indirect.gather [hbm4b:s5+s23], $0x30, s29, s23, $0xb8;
	[tilespmem:$0x1CE30] =	vst v63  }
0x2ec: {  	s11 =	sadd.s32 $0x53C0, s17;
	s24 =	simm.s32 $0xED30  }
0x2ed: {  	[tilespmem:s24], [sflag:$0x2] =	stream.indirect.gather [hbm4b:s5+s23], $0x30, s11, s23, $0xb8;
	[tilespmem:$0x1CE30] =	vst v63  }
0x2ee: {  	s29 =	sadd.s32 $0x5410, s17;
	s31 =	simm.s32 $0xFC30  }
0x2ef: {  	[tilespmem:s31], [sflag:$0x2] =	stream.indirect.gather [hbm4b:s5+s23], $0x30, s29, s23, $0xb8;
	[tilespmem:$0x1CE30] =	vst v63  }
0x2f0: {  	_ =	swait.ge [sflag:s21], $0xF00  }
0x2f1: {  	[sflag:s21] =	ssyncset.done $0x0  }
0x2f2: {  	[sflag:s21] =	ssyncadd.s32 $0xFFFFF100  }
0x2f3: {  	_ =	swait.ge [sflag:s21], $0xF00  }
0x2f4: {  	[sflag:s21] =	ssyncset.done $0x0  }
0x2f5: {  	[sflag:s21] =	ssyncadd.s32 $0xFFFFF100  }
0x2f6: {  	_ =	swait.ge [sflag:s21], $0xF00  }
0x2f7: {  	[sflag:s21] =	ssyncset.done $0x0  }
0x2f8: {  	[sflag:s21] =	ssyncadd.s32 $0xFFFFF100  }
0x2f9: {  	_ =	swait.ge [sflag:s21], $0xF00  }
0x2fa: {  	[sflag:s21] =	ssyncset.done $0x0  }
0x2fb: {  	[sflag:s21] =	ssyncadd.s32 $0xFFFFF100  }
0x2fc: {  	_ =	swait.ge [sflag:s21], $0xF00  }
0x2fd: {  	[sflag:s21] =	ssyncset.done $0x0  }
0x2fe: {  	[sflag:s21] =	ssyncadd.s32 $0xFFFFF100  }
0x2ff: {  	_ =	swait.ge [sflag:s9], $0xF00  }
0x300: {  	[sflag:s9] =	ssyncset.done $0x0  }
0x301: {  	[sflag:s9] =	ssyncadd.s32 $0xFFFFF100  }
0x302: {  	_ =	swait.ge [sflag:s9], $0xF00  }
0x303: {  	[sflag:s9] =	ssyncset.done $0x0  }
0x304: {  	[sflag:s9] =	ssyncadd.s32 $0xFFFFF100  }
0x305: {  	_ =	swait.ge [sflag:s9], $0xF00  }
0x306: {  	[sflag:s9] =	ssyncset.done $0x0  }
0x307: {  	[sflag:s9] =	ssyncadd.s32 $0xFFFFF100  }
0x308: {  	_ =	swait.ge [sflag:s9], $0xF00  }
0x309: {  	[sflag:s9] =	ssyncset.done $0x0  }
0x30a: {  	[sflag:s9] =	ssyncadd.s32 $0xFFFFF100  }
0x30b: {  	_ =	swait.ge [sflag:s9], $0xF00  }
0x30c: {  	s8 =	sadd.s32 $0x2710, s10;
	[sflag:s9] =	ssyncset.done $0x0  }
0x30d: {  	s10 =	simm.s32 $0x0;
	v11 =	vmov s8;
	[sflag:s9] =	ssyncadd.s32 $0xFFFFF100  }
.LBB2_29:
0x30e: {  	s1 =	smul.u32 $0xCD, s10;
	_ =	sdelay $0x1  }
0x30f: {  	s1 =	sshrl.u32 s1, $0xA  }
0x310: {  	s11 =	sshll.u32 s10, $0x4;
	s1 =	sand.u32 $0x3F, s1  }
0x311: {  	v12 =	vmov s11;
	s1 =	smul.u32 $0x140, s1  }
0x312: {  	v14 =	vmul.u32 $0x30, v12  }
0x313: {  	s17 =	sshrl.u32 s1, $0x2  }
0x314: {  	v12 =	vbroadcast v14, $0x0;
	v13 =	vld.idx.msk [tilespmem:v11+s17+$0x0 ss:$0x1], $0xffff;
	_ =	sdelay $0x1  }
0x315: {  	v15 =	vadd.s32 v3, v12;
	_ =	sdelay $0x4  }
0x316: {  	v15 =	vld.idx.msk [tilespmem:v15+s20+$0x0], $0xffff  }
0x317: {  	v13 =	vld.idx.msk [tilespmem:v13+s3+$0x0], $0xffff;
	_ =	sdelay $0x4  }
0x318: {  	v13 =	vadd.f32 v15, v13;
	_ =	sdelay $0x1  }
0x319: {  	v15 =	vmul.f32 $3.000000120e-01, v13  }
0x31a: {  	vm0 =	vge.f32 v13, $0.0e+00  }
0x31b: {  	v13 =	vsel vm0, v13, v15  }
0x31c: {  	v13 =	vmul.f32 $1.442695020e+00, v13  }
0x31d: {  	s29 =	simm.s32 $0x0  }
0x31e: {  	(erf) = vpow2.f32 v13;
	v13 =	vmov s29  }
0x31f: {  	v13 =	vshrl.u32 v13, $0x3  }
0x320: {  	v13 =	vshll.u32 v13, $0x3  }
0x321: {  	v13 =	vadd.s32 v14, v13  }
0x322: {  	v15 =	vbroadcast v13, $0x0  }
0x323: {  	v12 =	vadd.s32 v2, v12  }
0x324: {  	v17 =	vadd.s32 v6, v15  }
0x325: {  	s31 =	simm.s32 $0x8;
	v24 =	vadd.s32 v0, v15  }
0x326: {  	v16 =	vmov s31;
	v25 =	vadd.s32 v9, v15  }
0x327: {  	v16 =	vshrl.u32 v16, $0x3;
	v39 =	vadd.s32 v7, v15;
	v13 =	vpop (erf)  }
0x328: {  	v26 =	vadd.s32 v10, v15;
	[tilespmem:v12+s18+$0x0] =	vst.idx.msk $0xffff, v13;
	v12 =	vshll.u32 v16, $0x3  }
0x329: {  	v27 =	vadd.s32 v4, v15;
	v16 =	vld.idx.msk [tilespmem:v17+s20+$0x0], $0xffff;
	v12 =	vadd.s32 v14, v12  }
0x32a: {  	v29 =	vadd.s32 v5, v15;
	v23 =	vld.idx.msk [tilespmem:v24+s20+$0x0], $0xffff;
	v28 =	vbroadcast v12, $0x0  }
0x32b: {  	v22 =	vadd.s32 v8, v15;
	v15 =	vld.idx.msk [tilespmem:v25+s20+$0x0], $0xffff  }
0x32c: {  	v35 =	vld.idx.msk [tilespmem:v39+s20+$0x0], $0xffff;
	v19 =	vadd.s32 v0, v28  }
0x32d: {  	v30 =	vld.idx.msk [tilespmem:v26+s20+$0x0], $0xffff;
	v21 =	vadd.s32 v6, v28;
	v12 =	vadd.s32 v7, v28  }
0x32e: {  	v31 =	vld.idx.msk [tilespmem:v27+s20+$0x0], $0xffff;
	v18 =	vadd.s32 v4, v28;
	v20 =	vadd.s32 v9, v28;
	v32 =	vmul.f32 v16, v13  }
0x32f: {  	s1 =	simm.s32 $0x10;
	v33 =	vld.idx.msk [tilespmem:v29+s20+$0x0], $0xffff;
	v34 =	vmul.f32 v23, v13;
	v16 =	vadd.s32 v8, v28;
	v23 =	vadd.s32 v10, v28  }
0x330: {  	v37 =	vmov s1;
	v36 =	vld.idx.msk [tilespmem:v22+s20+$0x0], $0xffff;
	v15 =	vmul.f32 v15, v13;
	v28 =	vadd.s32 v5, v28;
	[tilespmem:v17+s18+$0x0] =	vst.idx.msk $0xffff, v32  }
0x331: {  	v40 =	vmul.f32 v35, v13;
	v17 =	vshrl.u32 v37, $0x3;
	[tilespmem:v24+s18+$0x0] =	vst.idx.msk $0xffff, v34;
	v32 =	vld.idx.msk [tilespmem:v19+s20+$0x0], $0xffff  }
0x332: {  	v24 =	vmul.f32 v30, v13;
	[tilespmem:v25+s18+$0x0] =	vst.idx.msk $0xffff, v15;
	v17 =	vshll.u32 v17, $0x3;
	v38 =	vld.idx.msk [tilespmem:v21+s20+$0x0], $0xffff  }
0x333: {  	v30 =	vmul.f32 v31, v13;
	[tilespmem:v39+s18+$0x0] =	vst.idx.msk $0xffff, v40;
	v31 =	vld.idx.msk [tilespmem:v12+s20+$0x0], $0xffff;
	v15 =	vadd.s32 v14, v17  }
0x334: {  	v34 =	vld.idx.msk [tilespmem:v20+s20+$0x0], $0xffff;
	[tilespmem:v26+s18+$0x0] =	vst.idx.msk $0xffff, v24;
	v17 =	vmul.f32 v33, v13;
	v25 =	vbroadcast v15, $0x0  }
0x335: {  	v35 =	vld.idx.msk [tilespmem:v18+s20+$0x0], $0xffff;
	[tilespmem:v27+s18+$0x0] =	vst.idx.msk $0xffff, v30  }
0x336: {  	v37 =	vmul.f32 v36, v13;
	v33 =	vld.idx.msk [tilespmem:v23+s20+$0x0], $0xffff;
	[tilespmem:v29+s18+$0x0] =	vst.idx.msk $0xffff, v17;
	v26 =	vadd.s32 v0, v25  }
0x337: {  	v30 =	vld.idx.msk [tilespmem:v16+s20+$0x0], $0xffff;
	v15 =	vadd.s32 v4, v25;
	v29 =	vadd.s32 v6, v25;
	v17 =	vadd.s32 v7, v25  }
0x338: {  	s17 =	sadd.s32 s17, s8;
	v36 =	vld.idx.msk [tilespmem:v28+s20+$0x0], $0xffff;
	v24 =	vadd.s32 v8, v25;
	v27 =	vadd.s32 v9, v25;
	v38 =	vmul.f32 v38, v13  }
.LBB2_30:
0x339: {  	v39 =	vadd.s32 v10, v25;
	v40 =	vmul.f32 v32, v13;
	v41 =	vmov v28  }
0x33a: {  	s1 =	sadd.s32 $0x8, s1;
	[tilespmem:v22+s18+$0x0] =	vst.idx.msk $0xffff, v37;
	v37 =	vmovc v31;
	v42 =	vmovc v12;
	v12 =	vmov v17;
	v22 =	vmov v16;
	v16 =	vmov v24  }
0x33b: {  	v28 =	vmul.f32 v34, v13;
	v24 =	vmov s1;
	p0 =	slt.u32 s1, $0x18;
	[tilespmem:v21+s18+$0x0] =	vst.idx.msk $0xffff, v38;
	v21 =	vmov v29  }
0x33c: {  	v33 =	vmul.f32 v33, v13;
	v24 =	vshrl.u32 v24, $0x3;
	v32 =	vld.idx.msk [tilespmem:v26+s20+$0x0], $0xffff;
	[tilespmem:v19+s18+$0x0] =	vst.idx.msk $0xffff, v40;
	v19 =	vmov v26  }
0x33d: {  	v26 =	vmul.f32 v35, v13;
	v24 =	vshll.u32 v24, $0x3;
	v38 =	vld.idx.msk [tilespmem:v29+s20+$0x0], $0xffff;
	[tilespmem:v20+s18+$0x0] =	vst.idx.msk $0xffff, v28;
	v20 =	vmov v27  }
0x33e: {  	v28 =	vadd.s32 v5, v25;
	v24 =	vadd.s32 v14, v24;
	v31 =	vld.idx.msk [tilespmem:v17+s20+$0x0], $0xffff;
	[tilespmem:v23+s18+$0x0] =	vst.idx.msk $0xffff, v33  }
.Ltmp13:
0x33f: {  	v17 =	vmul.f32 v36, v13;
	v23 =	vmov v39;
	v25 =	vbroadcast v24, $0x0;
	v34 =	vld.idx.msk [tilespmem:v27+s20+$0x0], $0xffff;
	[tilespmem:v18+s18+$0x0] =	vst.idx.msk $0xffff, v26;
	(pc) =	sbr.rel @p0 .LBB2_30-.Ltmp13, $4  }
0x340: {  	v18 =	vmov v15;
	v33 =	vld.idx.msk [tilespmem:v39+s20+$0x0], $0xffff;
	v39 =	vmul.f32 v37, v13;
	v37 =	vmul.f32 v30, v13  }
0x341: {  	v26 =	vadd.s32 v0, v25;
	v35 =	vld.idx.msk [tilespmem:v15+s20+$0x0], $0xffff;
	v15 =	vadd.s32 v4, v25;
	[tilespmem:v41+s18+$0x0] =	vst.idx.msk $0xffff, v17  }
0x342: {  	v29 =	vadd.s32 v6, v25;
	v17 =	vadd.s32 v7, v25;
	v24 =	vadd.s32 v8, v25;
	v30 =	vld.idx.msk [tilespmem:v16+s20+$0x0], $0xffff  }
0x343: {  	v27 =	vadd.s32 v9, v25;
	v38 =	vmul.f32 v38, v13;
	v36 =	vld.idx.msk [tilespmem:v28+s20+$0x0], $0xffff;
	[tilespmem:v42+s18+$0x0] =	vst.idx.msk $0xffff, v39  }
0x344: {  	s1 =	sadd.s32 $0x10, s11  }
0x345: {  	v14 =	vmov s1  }
0x346: {  	v39 =	vld [tilespmem:s17+$0x10];
	v14 =	vmul.u32 $0x30, v14;
	_ =	sdelay $0x1  }
0x347: {  	v40 =	vbroadcast v14, $0x0;
	_ =	sdelay $0x1  }
0x348: {  	v41 =	vadd.s32 v3, v40;
	_ =	sdelay $0x3  }
0x349: {  	v39 =	vld.idx.msk [tilespmem:v39+s3+$0x0], $0xffff  }
0x34a: {  	v41 =	vld.idx.msk [tilespmem:v41+s20+$0x0], $0xffff;
	_ =	sdelay $0x4  }
0x34b: {  	v39 =	vadd.f32 v41, v39;
	_ =	sdelay $0x1  }
0x34c: {  	v41 =	vmul.f32 $3.000000120e-01, v39  }
0x34d: {  	v32 =	vmul.f32 v32, v13;
	vm0 =	vge.f32 v39, $0.0e+00  }
0x34e: {  	[tilespmem:v22+s18+$0x0] =	vst.idx.msk $0xffff, v37;
	v51 =	vadd.s32 v10, v25;
	v39 =	vsel vm0, v39, v41  }
0x34f: {  	[tilespmem:v21+s18+$0x0] =	vst.idx.msk $0xffff, v38;
	v21 =	vmul.f32 v34, v13;
	v22 =	vmul.f32 $1.442695020e+00, v39  }
0x350: {  	v52 =	vld.idx.msk [tilespmem:v26+s20+$0x0], $0xffff;
	s29 =	simm.s32 $0x0;
	[tilespmem:v19+s18+$0x0] =	vst.idx.msk $0xffff, v32;
	v19 =	vmul.f32 v33, v13;
	v54 =	vmul.f32 v35, v13  }
0x351: {  	v53 =	vld.idx.msk [tilespmem:v29+s20+$0x0], $0xffff;
	[tilespmem:v20+s18+$0x0] =	vst.idx.msk $0xffff, v21;
	v20 =	vadd.s32 v5, v25;
	(erf) = vpow2.f32 v22;
	v22 =	vmov s29  }
0x352: {  	v25 =	vmul.f32 v30, v13;
	[tilespmem:v23+s18+$0x0] =	vst.idx.msk $0xffff, v19;
	v19 =	vld.idx.msk [tilespmem:v27+s20+$0x0], $0xffff;
	v21 =	vshrl.u32 v22, $0x3  }
0x353: {  	[tilespmem:v18+s18+$0x0] =	vst.idx.msk $0xffff, v54;
	v18 =	vmul.f32 v31, v13;
	v23 =	vld.idx.msk [tilespmem:v51+s20+$0x0], $0xffff;
	v21 =	vshll.u32 v21, $0x3  }
0x354: {  	[tilespmem:v16+s18+$0x0] =	vst.idx.msk $0xffff, v25;
	v22 =	vmul.f32 v36, v13;
	v21 =	vadd.s32 v14, v21  }
0x355: {  	[tilespmem:v12+s18+$0x0] =	vst.idx.msk $0xffff, v18;
	v12 =	vmul.f32 v52, v13;
	v21 =	vbroadcast v21, $0x0  }
0x356: {  	v18 =	vadd.s32 v2, v40;
	v16 =	vld.idx.msk [tilespmem:v20+s20+$0x0], $0xffff;
	[tilespmem:v28+s18+$0x0] =	vst.idx.msk $0xffff, v22;
	v28 =	vmul.f32 v53, v13  }
0x357: {  	[tilespmem:v26+s18+$0x0] =	vst.idx.msk $0xffff, v12;
	v19 =	vmul.f32 v19, v13;
	v22 =	vld.idx.msk [tilespmem:v15+s20+$0x0], $0xffff;
	v25 =	vadd.s32 v6, v21  }
0x358: {  	s31 =	simm.s32 $0x8;
	v30 =	vld.idx.msk [tilespmem:v17+s20+$0x0], $0xffff;
	v23 =	vmul.f32 v23, v13;
	[tilespmem:v29+s18+$0x0] =	vst.idx.msk $0xffff, v28;
	v28 =	vadd.s32 v0, v21  }
0x359: {  	v31 =	vmov s31;
	[tilespmem:v27+s18+$0x0] =	vst.idx.msk $0xffff, v19;
	v29 =	vld.idx.msk [tilespmem:v24+s20+$0x0], $0xffff;
	v27 =	vadd.s32 v10, v21  }
0x35a: {  	v19 =	vshrl.u32 v31, $0x3;
	[tilespmem:v51+s18+$0x0] =	vst.idx.msk $0xffff, v23;
	v26 =	vadd.s32 v9, v21;
	v12 =	vpop (erf)  }
0x35b: {  	v16 =	vmul.f32 v16, v13;
	v55 =	vadd.s32 v4, v21;
	[tilespmem:v18+s18+$0x0] =	vst.idx.msk $0xffff, v12;
	v18 =	vshll.u32 v19, $0x3  }
0x35c: {  	v57 =	vadd.s32 v5, v21;
	v22 =	vmul.f32 v22, v13;
	v19 =	vld.idx.msk [tilespmem:v25+s20+$0x0], $0xffff;
	v18 =	vadd.s32 v14, v18  }
0x35d: {  	v56 =	vadd.s32 v7, v21;
	v21 =	vadd.s32 v8, v21;
	v23 =	vld.idx.msk [tilespmem:v28+s20+$0x0], $0xffff;
	v31 =	vbroadcast v18, $0x0  }
0x35e: {  	[tilespmem:v15+s18+$0x0] =	vst.idx.msk $0xffff, v22;
	v15 =	vmul.f32 v30, v13;
	v13 =	vmul.f32 v29, v13;
	v29 =	vld.idx.msk [tilespmem:v27+s20+$0x0], $0xffff  }
0x35f: {  	[tilespmem:v20+s18+$0x0] =	vst.idx.msk $0xffff, v16;
	v30 =	vld.idx.msk [tilespmem:v26+s20+$0x0], $0xffff;
	v18 =	vadd.s32 v0, v31  }
0x360: {  	s1 =	simm.s32 $0x10;
	[tilespmem:v17+s18+$0x0] =	vst.idx.msk $0xffff, v15;
	v15 =	vld.idx.msk [tilespmem:v55+s20+$0x0], $0xffff;
	v22 =	vadd.s32 v6, v31  }
0x361: {  	v61 =	vmov s1;
	v58 =	vld.idx.msk [tilespmem:v57+s20+$0x0], $0xffff;
	[tilespmem:v24+s18+$0x0] =	vst.idx.msk $0xffff, v13;
	v13 =	vadd.s32 v7, v31;
	v20 =	vadd.s32 v9, v31  }
0x362: {  	v17 =	vld.idx.msk [tilespmem:v56+s20+$0x0], $0xffff;
	v16 =	vadd.s32 v8, v31;
	v24 =	vmul.f32 v19, v12;
	v19 =	vadd.s32 v4, v31  }
0x363: {  	v60 =	vld.idx.msk [tilespmem:v21+s20+$0x0], $0xffff;
	v59 =	vmul.f32 v23, v12;
	v23 =	vadd.s32 v10, v31;
	v29 =	vmul.f32 v29, v12  }
0x364: {  	[tilespmem:v25+s18+$0x0] =	vst.idx.msk $0xffff, v24;
	v24 =	vmul.f32 v30, v12;
	v25 =	vshrl.u32 v61, $0x3;
	v32 =	vld.idx.msk [tilespmem:v18+s20+$0x0], $0xffff  }
0x365: {  	v15 =	vmul.f32 v15, v12;
	[tilespmem:v28+s18+$0x0] =	vst.idx.msk $0xffff, v59;
	v25 =	vshll.u32 v25, $0x3;
	v62 =	vld.idx.msk [tilespmem:v22+s20+$0x0], $0xffff  }
0x366: {  	v28 =	vadd.s32 v5, v31;
	v31 =	vld.idx.msk [tilespmem:v13+s20+$0x0], $0xffff;
	[tilespmem:v26+s18+$0x0] =	vst.idx.msk $0xffff, v24;
	v24 =	vadd.s32 v14, v25  }
0x367: {  	v63 =	vmul.f32 v17, v12;
	[tilespmem:v27+s18+$0x0] =	vst.idx.msk $0xffff, v29;
	v35 =	vld.idx.msk [tilespmem:v20+s20+$0x0], $0xffff;
	v25 =	vbroadcast v24, $0x0  }
0x368: {  	v37 =	vmul.f32 v60, v12;
	[tilespmem:v55+s18+$0x0] =	vst.idx.msk $0xffff, v15;
	v30 =	vld.idx.msk [tilespmem:v16+s20+$0x0], $0xffff;
	v24 =	vmul.f32 v58, v12  }
0x369: {  	[tilespmem:v56+s18+$0x0] =	vst.idx.msk $0xffff, v63;
	v33 =	vld.idx.msk [tilespmem:v23+s20+$0x0], $0xffff;
	v26 =	vadd.s32 v0, v25;
	v15 =	vadd.s32 v4, v25  }
0x36a: {  	v36 =	vld.idx.msk [tilespmem:v19+s20+$0x0], $0xffff;
	[tilespmem:v57+s18+$0x0] =	vst.idx.msk $0xffff, v24;
	v29 =	vadd.s32 v6, v25;
	v17 =	vadd.s32 v7, v25  }
0x36b: {  	v24 =	vadd.s32 v8, v25;
	v27 =	vadd.s32 v9, v25;
	v34 =	vld.idx.msk [tilespmem:v28+s20+$0x0], $0xffff;
	v38 =	vmul.f32 v62, v12  }
.LBB2_32:
0x36c: {  	v39 =	vadd.s32 v10, v25;
	v40 =	vmul.f32 v32, v12;
	v41 =	vmov v28  }
0x36d: {  	s1 =	sadd.s32 $0x8, s1;
	[tilespmem:v21+s18+$0x0] =	vst.idx.msk $0xffff, v37;
	v37 =	vmovc v31;
	v42 =	vmovc v13;
	v13 =	vmov v17;
	v21 =	vmov v16;
	v16 =	vmov v24  }
0x36e: {  	v28 =	vmul.f32 v35, v12;
	v24 =	vmov s1;
	p0 =	slt.u32 s1, $0x18;
	[tilespmem:v22+s18+$0x0] =	vst.idx.msk $0xffff, v38;
	v22 =	vmov v29  }
0x36f: {  	v33 =	vmul.f32 v33, v12;
	v24 =	vshrl.u32 v24, $0x3;
	v32 =	vld.idx.msk [tilespmem:v26+s20+$0x0], $0xffff;
	[tilespmem:v18+s18+$0x0] =	vst.idx.msk $0xffff, v40;
	v18 =	vmov v26  }
0x370: {  	v26 =	vmul.f32 v36, v12;
	v24 =	vshll.u32 v24, $0x3;
	v38 =	vld.idx.msk [tilespmem:v29+s20+$0x0], $0xffff;
	[tilespmem:v20+s18+$0x0] =	vst.idx.msk $0xffff, v28;
	v20 =	vmov v27  }
0x371: {  	v28 =	vadd.s32 v5, v25;
	v24 =	vadd.s32 v14, v24;
	v31 =	vld.idx.msk [tilespmem:v17+s20+$0x0], $0xffff;
	[tilespmem:v23+s18+$0x0] =	vst.idx.msk $0xffff, v33  }
.Ltmp14:
0x372: {  	v17 =	vmul.f32 v34, v12;
	v23 =	vmov v39;
	v25 =	vbroadcast v24, $0x0;
	v35 =	vld.idx.msk [tilespmem:v27+s20+$0x0], $0xffff;
	[tilespmem:v19+s18+$0x0] =	vst.idx.msk $0xffff, v26;
	(pc) =	sbr.rel @p0 .LBB2_32-.Ltmp14, $4  }
0x373: {  	v19 =	vmov v15;
	v33 =	vld.idx.msk [tilespmem:v39+s20+$0x0], $0xffff;
	v39 =	vmul.f32 v37, v12;
	v37 =	vmul.f32 v30, v12  }
0x374: {  	v26 =	vadd.s32 v0, v25;
	v36 =	vld.idx.msk [tilespmem:v15+s20+$0x0], $0xffff;
	v15 =	vadd.s32 v4, v25;
	[tilespmem:v41+s18+$0x0] =	vst.idx.msk $0xffff, v17  }
0x375: {  	v29 =	vadd.s32 v6, v25;
	v17 =	vadd.s32 v7, v25;
	v24 =	vadd.s32 v8, v25;
	v30 =	vld.idx.msk [tilespmem:v16+s20+$0x0], $0xffff  }
0x376: {  	v27 =	vadd.s32 v9, v25;
	v38 =	vmul.f32 v38, v12;
	v34 =	vld.idx.msk [tilespmem:v28+s20+$0x0], $0xffff;
	[tilespmem:v42+s18+$0x0] =	vst.idx.msk $0xffff, v39  }
0x377: {  	s1 =	sadd.s32 $0x20, s11  }
0x378: {  	v14 =	vmov s1  }
0x379: {  	v39 =	vld [tilespmem:s17+$0x20];
	v14 =	vmul.u32 $0x30, v14;
	_ =	sdelay $0x1  }
0x37a: {  	v40 =	vbroadcast v14, $0x0;
	_ =	sdelay $0x1  }
0x37b: {  	v41 =	vadd.s32 v3, v40;
	_ =	sdelay $0x3  }
0x37c: {  	v39 =	vld.idx.msk [tilespmem:v39+s3+$0x0], $0xffff  }
0x37d: {  	v41 =	vld.idx.msk [tilespmem:v41+s20+$0x0], $0xffff;
	_ =	sdelay $0x4  }
0x37e: {  	v39 =	vadd.f32 v41, v39;
	_ =	sdelay $0x1  }
0x37f: {  	v41 =	vmul.f32 $3.000000120e-01, v39  }
0x380: {  	vm0 =	vge.f32 v39, $0.0e+00  }
0x381: {  	v32 =	vmul.f32 v32, v12;
	[tilespmem:v21+s18+$0x0] =	vst.idx.msk $0xffff, v37;
	v39 =	vsel vm0, v39, v41  }
0x382: {  	v51 =	vadd.s32 v10, v25;
	[tilespmem:v22+s18+$0x0] =	vst.idx.msk $0xffff, v38;
	v21 =	vmul.f32 $1.442695020e+00, v39  }
0x383: {  	s29 =	simm.s32 $0x0;
	v53 =	vld.idx.msk [tilespmem:v29+s20+$0x0], $0xffff;
	v22 =	vmul.f32 v35, v12;
	[tilespmem:v18+s18+$0x0] =	vst.idx.msk $0xffff, v32;
	v18 =	vmul.f32 v33, v12  }
0x384: {  	v52 =	vld.idx.msk [tilespmem:v26+s20+$0x0], $0xffff;
	v54 =	vmul.f32 v36, v12;
	(erf) = vpow2.f32 v21;
	v21 =	vmov s29  }
0x385: {  	[tilespmem:v20+s18+$0x0] =	vst.idx.msk $0xffff, v22;
	v20 =	vadd.s32 v5, v25;
	v25 =	vmul.f32 v30, v12;
	v21 =	vshrl.u32 v21, $0x3  }
0x386: {  	[tilespmem:v23+s18+$0x0] =	vst.idx.msk $0xffff, v18;
	v18 =	vld.idx.msk [tilespmem:v27+s20+$0x0], $0xffff;
	v22 =	vmul.f32 v34, v12;
	v21 =	vshll.u32 v21, $0x3  }
0x387: {  	[tilespmem:v19+s18+$0x0] =	vst.idx.msk $0xffff, v54;
	v19 =	vmul.f32 v31, v12;
	v21 =	vadd.s32 v14, v21  }
0x388: {  	[tilespmem:v28+s18+$0x0] =	vst.idx.msk $0xffff, v22;
	v28 =	vmul.f32 v53, v12;
	v21 =	vbroadcast v21, $0x0  }
0x389: {  	v23 =	vld.idx.msk [tilespmem:v51+s20+$0x0], $0xffff;
	[tilespmem:v13+s18+$0x0] =	vst.idx.msk $0xffff, v19;
	v19 =	vadd.s32 v2, v40;
	v13 =	vmul.f32 v52, v12  }
0x38a: {  	[tilespmem:v16+s18+$0x0] =	vst.idx.msk $0xffff, v25;
	v22 =	vld.idx.msk [tilespmem:v15+s20+$0x0], $0xffff;
	v25 =	vadd.s32 v6, v21  }
0x38b: {  	s31 =	simm.s32 $0x8;
	v30 =	vld.idx.msk [tilespmem:v17+s20+$0x0], $0xffff;
	[tilespmem:v29+s18+$0x0] =	vst.idx.msk $0xffff, v28;
	v18 =	vmul.f32 v18, v12;
	v28 =	vadd.s32 v0, v21  }
0x38c: {  	v31 =	vmov s31;
	v16 =	vld.idx.msk [tilespmem:v20+s20+$0x0], $0xffff;
	[tilespmem:v26+s18+$0x0] =	vst.idx.msk $0xffff, v13;
	v26 =	vadd.s32 v9, v21  }
0x38d: {  	v29 =	vld.idx.msk [tilespmem:v24+s20+$0x0], $0xffff;
	[tilespmem:v27+s18+$0x0] =	vst.idx.msk $0xffff, v18;
	v18 =	vshrl.u32 v31, $0x3;
	v27 =	vadd.s32 v10, v21;
	v13 =	vpop (erf)  }
0x38e: {  	v23 =	vmul.f32 v23, v12;
	v18 =	vshll.u32 v18, $0x3;
	v55 =	vadd.s32 v4, v21;
	[tilespmem:v19+s18+$0x0] =	vst.idx.msk $0xffff, v13  }
0x38f: {  	v22 =	vmul.f32 v22, v12;
	v18 =	vadd.s32 v14, v18;
	v56 =	vadd.s32 v7, v21;
	v19 =	vld.idx.msk [tilespmem:v25+s20+$0x0], $0xffff  }
0x390: {  	[tilespmem:v51+s18+$0x0] =	vst.idx.msk $0xffff, v23;
	v31 =	vbroadcast v18, $0x0;
	v57 =	vadd.s32 v5, v21;
	v23 =	vld.idx.msk [tilespmem:v28+s20+$0x0], $0xffff  }
0x391: {  	[tilespmem:v15+s18+$0x0] =	vst.idx.msk $0xffff, v22;
	v15 =	vmul.f32 v30, v12;
	v21 =	vadd.s32 v8, v21;
	v30 =	vld.idx.msk [tilespmem:v26+s20+$0x0], $0xffff  }
0x392: {  	v16 =	vmul.f32 v16, v12;
	v12 =	vmul.f32 v29, v12;
	v18 =	vadd.s32 v0, v31;
	v29 =	vld.idx.msk [tilespmem:v27+s20+$0x0], $0xffff  }
0x393: {  	[tilespmem:v17+s18+$0x0] =	vst.idx.msk $0xffff, v15;
	v22 =	vadd.s32 v6, v31;
	v15 =	vld.idx.msk [tilespmem:v55+s20+$0x0], $0xffff  }
0x394: {  	v17 =	vld.idx.msk [tilespmem:v56+s20+$0x0], $0xffff  }
0x395: {  	v58 =	vld.idx.msk [tilespmem:v57+s20+$0x0], $0xffff  }
0x396: {  	s1 =	simm.s32 $0x10;
	[tilespmem:v20+s18+$0x0] =	vst.idx.msk $0xffff, v16;
	v20 =	vadd.s32 v9, v31;
	v60 =	vld.idx.msk [tilespmem:v21+s20+$0x0], $0xffff  }
0x397: {  	v61 =	vmov s1;
	[tilespmem:v24+s18+$0x0] =	vst.idx.msk $0xffff, v12;
	v12 =	vadd.s32 v7, v31;
	v32 =	vld.idx.msk [tilespmem:v18+s20+$0x0], $0xffff;
	v24 =	vmul.f32 v19, v13  }
0x398: {  	v16 =	vadd.s32 v8, v31;
	v62 =	vld.idx.msk [tilespmem:v22+s20+$0x0], $0xffff;
	v19 =	vadd.s32 v4, v31;
	v59 =	vmul.f32 v23, v13  }
0x399: {  	v23 =	vadd.s32 v10, v31;
	[tilespmem:v25+s18+$0x0] =	vst.idx.msk $0xffff, v24;
	v24 =	vmul.f32 v30, v13;
	v25 =	vshrl.u32 v61, $0x3  }
0x39a: {  	v29 =	vmul.f32 v29, v13;
	v15 =	vmul.f32 v15, v13;
	[tilespmem:v28+s18+$0x0] =	vst.idx.msk $0xffff, v59;
	v25 =	vshll.u32 v25, $0x3  }
0x39b: {  	v35 =	vld.idx.msk [tilespmem:v20+s20+$0x0], $0xffff;
	v28 =	vadd.s32 v5, v31;
	[tilespmem:v26+s18+$0x0] =	vst.idx.msk $0xffff, v24;
	v24 =	vadd.s32 v14, v25  }
0x39c: {  	v63 =	vmul.f32 v17, v13;
	v31 =	vld.idx.msk [tilespmem:v12+s20+$0x0], $0xffff;
	[tilespmem:v27+s18+$0x0] =	vst.idx.msk $0xffff, v29;
	v25 =	vbroadcast v24, $0x0  }
0x39d: {  	v37 =	vmul.f32 v60, v13;
	[tilespmem:v55+s18+$0x0] =	vst.idx.msk $0xffff, v15;
	v30 =	vld.idx.msk [tilespmem:v16+s20+$0x0], $0xffff;
	v24 =	vmul.f32 v58, v13  }
0x39e: {  	v38 =	vmul.f32 v62, v13;
	[tilespmem:v56+s18+$0x0] =	vst.idx.msk $0xffff, v63;
	v33 =	vld.idx.msk [tilespmem:v23+s20+$0x0], $0xffff;
	v26 =	vadd.s32 v0, v25  }
0x39f: {  	v36 =	vld.idx.msk [tilespmem:v19+s20+$0x0], $0xffff;
	v15 =	vadd.s32 v4, v25;
	[tilespmem:v57+s18+$0x0] =	vst.idx.msk $0xffff, v24;
	v29 =	vadd.s32 v6, v25  }
0x3a0: {  	v17 =	vadd.s32 v7, v25;
	v24 =	vadd.s32 v8, v25;
	v27 =	vadd.s32 v9, v25;
	v34 =	vld.idx.msk [tilespmem:v28+s20+$0x0], $0xffff  }
.LBB2_34:
0x3a1: {  	v39 =	vadd.s32 v10, v25;
	v40 =	vmul.f32 v32, v13;
	v41 =	vmov v28  }
0x3a2: {  	s1 =	sadd.s32 $0x8, s1;
	[tilespmem:v21+s18+$0x0] =	vst.idx.msk $0xffff, v37;
	v37 =	vmovc v31;
	v42 =	vmovc v12;
	v12 =	vmov v17;
	v21 =	vmov v16;
	v16 =	vmov v24  }
0x3a3: {  	v28 =	vmul.f32 v35, v13;
	v24 =	vmov s1;
	p0 =	slt.u32 s1, $0x18;
	[tilespmem:v22+s18+$0x0] =	vst.idx.msk $0xffff, v38;
	v22 =	vmov v29  }
0x3a4: {  	v33 =	vmul.f32 v33, v13;
	v24 =	vshrl.u32 v24, $0x3;
	v32 =	vld.idx.msk [tilespmem:v26+s20+$0x0], $0xffff;
	[tilespmem:v18+s18+$0x0] =	vst.idx.msk $0xffff, v40;
	v18 =	vmov v26  }
0x3a5: {  	v26 =	vmul.f32 v36, v13;
	v24 =	vshll.u32 v24, $0x3;
	v38 =	vld.idx.msk [tilespmem:v29+s20+$0x0], $0xffff;
	[tilespmem:v20+s18+$0x0] =	vst.idx.msk $0xffff, v28;
	v20 =	vmov v27  }
0x3a6: {  	v28 =	vadd.s32 v5, v25;
	v24 =	vadd.s32 v14, v24;
	v31 =	vld.idx.msk [tilespmem:v17+s20+$0x0], $0xffff;
	[tilespmem:v23+s18+$0x0] =	vst.idx.msk $0xffff, v33  }
.Ltmp15:
0x3a7: {  	v17 =	vmul.f32 v34, v13;
	v23 =	vmov v39;
	v25 =	vbroadcast v24, $0x0;
	v35 =	vld.idx.msk [tilespmem:v27+s20+$0x0], $0xffff;
	[tilespmem:v19+s18+$0x0] =	vst.idx.msk $0xffff, v26;
	(pc) =	sbr.rel @p0 .LBB2_34-.Ltmp15, $4  }
0x3a8: {  	v19 =	vmov v15;
	v33 =	vld.idx.msk [tilespmem:v39+s20+$0x0], $0xffff;
	v39 =	vmul.f32 v37, v13;
	v37 =	vmul.f32 v30, v13  }
0x3a9: {  	v26 =	vadd.s32 v0, v25;
	v36 =	vld.idx.msk [tilespmem:v15+s20+$0x0], $0xffff;
	v15 =	vadd.s32 v4, v25;
	[tilespmem:v41+s18+$0x0] =	vst.idx.msk $0xffff, v17  }
0x3aa: {  	v29 =	vadd.s32 v6, v25;
	v17 =	vadd.s32 v7, v25;
	v24 =	vadd.s32 v8, v25;
	v30 =	vld.idx.msk [tilespmem:v16+s20+$0x0], $0xffff  }
0x3ab: {  	v27 =	vadd.s32 v9, v25;
	v38 =	vmul.f32 v38, v13;
	v34 =	vld.idx.msk [tilespmem:v28+s20+$0x0], $0xffff;
	[tilespmem:v42+s18+$0x0] =	vst.idx.msk $0xffff, v39  }
0x3ac: {  	s1 =	sadd.s32 $0x30, s11  }
0x3ad: {  	v14 =	vmov s1  }
0x3ae: {  	v39 =	vld [tilespmem:s17+$0x30];
	v14 =	vmul.u32 $0x30, v14;
	_ =	sdelay $0x1  }
0x3af: {  	v40 =	vbroadcast v14, $0x0;
	_ =	sdelay $0x1  }
0x3b0: {  	v41 =	vadd.s32 v3, v40;
	_ =	sdelay $0x3  }
0x3b1: {  	v39 =	vld.idx.msk [tilespmem:v39+s3+$0x0], $0xffff  }
0x3b2: {  	v41 =	vld.idx.msk [tilespmem:v41+s20+$0x0], $0xffff;
	_ =	sdelay $0x4  }
0x3b3: {  	v39 =	vadd.f32 v41, v39;
	_ =	sdelay $0x1  }
0x3b4: {  	v41 =	vmul.f32 $3.000000120e-01, v39  }
0x3b5: {  	v32 =	vmul.f32 v32, v13;
	vm0 =	vge.f32 v39, $0.0e+00  }
0x3b6: {  	[tilespmem:v21+s18+$0x0] =	vst.idx.msk $0xffff, v37;
	v52 =	vadd.s32 v10, v25;
	v39 =	vsel vm0, v39, v41  }
0x3b7: {  	[tilespmem:v22+s18+$0x0] =	vst.idx.msk $0xffff, v38;
	v22 =	vmul.f32 v35, v13;
	v21 =	vmul.f32 $1.442695020e+00, v39  }
0x3b8: {  	s29 =	simm.s32 $0x0;
	v54 =	vld.idx.msk [tilespmem:v29+s20+$0x0], $0xffff;
	[tilespmem:v18+s18+$0x0] =	vst.idx.msk $0xffff, v32;
	v18 =	vmul.f32 v33, v13;
	v55 =	vmul.f32 v36, v13  }
0x3b9: {  	v53 =	vld.idx.msk [tilespmem:v26+s20+$0x0], $0xffff;
	[tilespmem:v20+s18+$0x0] =	vst.idx.msk $0xffff, v22;
	v20 =	vadd.s32 v5, v25;
	(erf) = vpow2.f32 v21;
	v21 =	vmov s29  }
0x3ba: {  	v25 =	vmul.f32 v30, v13;
	[tilespmem:v23+s18+$0x0] =	vst.idx.msk $0xffff, v18;
	v18 =	vld.idx.msk [tilespmem:v27+s20+$0x0], $0xffff;
	v21 =	vshrl.u32 v21, $0x3  }
0x3bb: {  	v22 =	vmul.f32 v34, v13;
	[tilespmem:v19+s18+$0x0] =	vst.idx.msk $0xffff, v55;
	v23 =	vld.idx.msk [tilespmem:v52+s20+$0x0], $0xffff;
	v21 =	vshll.u32 v21, $0x3  }
0x3bc: {  	v19 =	vmul.f32 v31, v13;
	[tilespmem:v16+s18+$0x0] =	vst.idx.msk $0xffff, v25;
	v21 =	vadd.s32 v14, v21  }
0x3bd: {  	[tilespmem:v28+s18+$0x0] =	vst.idx.msk $0xffff, v22;
	v22 =	vld.idx.msk [tilespmem:v15+s20+$0x0], $0xffff;
	v28 =	vmul.f32 v54, v13;
	v21 =	vbroadcast v21, $0x0  }
0x3be: {  	[tilespmem:v12+s18+$0x0] =	vst.idx.msk $0xffff, v19;
	v19 =	vadd.s32 v2, v40;
	v12 =	vmul.f32 v53, v13;
	v25 =	vld.idx.msk [tilespmem:v20+s20+$0x0], $0xffff  }
0x3bf: {  	v30 =	vld.idx.msk [tilespmem:v17+s20+$0x0], $0xffff;
	[tilespmem:v29+s18+$0x0] =	vst.idx.msk $0xffff, v28;
	v18 =	vmul.f32 v18, v13;
	v16 =	vadd.s32 v6, v21  }
0x3c0: {  	v29 =	vld.idx.msk [tilespmem:v24+s20+$0x0], $0xffff;
	[tilespmem:v26+s18+$0x0] =	vst.idx.msk $0xffff, v12;
	v23 =	vmul.f32 v23, v13;
	v28 =	vadd.s32 v0, v21  }
0x3c1: {  	s31 =	simm.s32 $0x8;
	[tilespmem:v27+s18+$0x0] =	vst.idx.msk $0xffff, v18;
	v26 =	vadd.s32 v9, v21  }
0x3c2: {  	v31 =	vmov s31;
	v22 =	vmul.f32 v22, v13;
	[tilespmem:v52+s18+$0x0] =	vst.idx.msk $0xffff, v23;
	v56 =	vadd.s32 v7, v21;
	v12 =	vpop (erf)  }
0x3c3: {  	v27 =	vshrl.u32 v31, $0x3;
	v23 =	vmul.f32 v25, v13;
	v18 =	vadd.s32 v10, v21;
	[tilespmem:v19+s18+$0x0] =	vst.idx.msk $0xffff, v12  }
0x3c4: {  	[tilespmem:v15+s18+$0x0] =	vst.idx.msk $0xffff, v22;
	v31 =	vadd.s32 v4, v21;
	v19 =	vshll.u32 v27, $0x3;
	v27 =	vld.idx.msk [tilespmem:v16+s20+$0x0], $0xffff  }
0x3c5: {  	v15 =	vmul.f32 v30, v13;
	v13 =	vmul.f32 v29, v13;
	v19 =	vadd.s32 v14, v19;
	v25 =	vld.idx.msk [tilespmem:v28+s20+$0x0], $0xffff  }
0x3c6: {  	v57 =	vadd.s32 v5, v21;
	v30 =	vld.idx.msk [tilespmem:v26+s20+$0x0], $0xffff;
	v58 =	vbroadcast v19, $0x0  }
0x3c7: {  	[tilespmem:v24+s18+$0x0] =	vst.idx.msk $0xffff, v13;
	v22 =	vadd.s32 v8, v21;
	v13 =	vld.idx.msk [tilespmem:v56+s20+$0x0], $0xffff  }
0x3c8: {  	[tilespmem:v20+s18+$0x0] =	vst.idx.msk $0xffff, v23;
	v29 =	vld.idx.msk [tilespmem:v18+s20+$0x0], $0xffff;
	v19 =	vadd.s32 v0, v58  }
0x3c9: {  	[tilespmem:v17+s18+$0x0] =	vst.idx.msk $0xffff, v15;
	v59 =	vld.idx.msk [tilespmem:v31+s20+$0x0], $0xffff;
	v23 =	vadd.s32 v6, v58;
	v15 =	vadd.s32 v7, v58  }
0x3ca: {  	v20 =	vadd.s32 v4, v58;
	v21 =	vadd.s32 v9, v58;
	v27 =	vmul.f32 v27, v12  }
0x3cb: {  	s1 =	simm.s32 $0x10;
	v60 =	vld.idx.msk [tilespmem:v57+s20+$0x0], $0xffff;
	v17 =	vadd.s32 v8, v58;
	v24 =	vadd.s32 v10, v58;
	v25 =	vmul.f32 v25, v12  }
0x3cc: {  	v62 =	vmov s1;
	v61 =	vld.idx.msk [tilespmem:v22+s20+$0x0], $0xffff;
	v13 =	vmul.f32 v13, v12;
	[tilespmem:v16+s18+$0x0] =	vst.idx.msk $0xffff, v27;
	v16 =	vmul.f32 v30, v12  }
0x3cd: {  	v27 =	vshrl.u32 v62, $0x3;
	[tilespmem:v28+s18+$0x0] =	vst.idx.msk $0xffff, v25;
	v25 =	vmul.f32 v29, v12;
	v33 =	vld.idx.msk [tilespmem:v19+s20+$0x0], $0xffff  }
0x3ce: {  	v28 =	vmul.f32 v59, v12;
	[tilespmem:v56+s18+$0x0] =	vst.idx.msk $0xffff, v13;
	v27 =	vshll.u32 v27, $0x3;
	v63 =	vld.idx.msk [tilespmem:v23+s20+$0x0], $0xffff  }
0x3cf: {  	v29 =	vadd.s32 v5, v58;
	v32 =	vld.idx.msk [tilespmem:v15+s20+$0x0], $0xffff;
	[tilespmem:v26+s18+$0x0] =	vst.idx.msk $0xffff, v16;
	v16 =	vadd.s32 v14, v27  }
0x3d0: {  	v36 =	vld.idx.msk [tilespmem:v21+s20+$0x0], $0xffff;
	[tilespmem:v18+s18+$0x0] =	vst.idx.msk $0xffff, v25;
	v18 =	vmul.f32 v60, v12;
	v26 =	vbroadcast v16, $0x0  }
0x3d1: {  	v34 =	vld.idx.msk [tilespmem:v24+s20+$0x0], $0xffff;
	[tilespmem:v31+s18+$0x0] =	vst.idx.msk $0xffff, v28  }
0x3d2: {  	v38 =	vmul.f32 v61, v12;
	v37 =	vld.idx.msk [tilespmem:v20+s20+$0x0], $0xffff;
	[tilespmem:v57+s18+$0x0] =	vst.idx.msk $0xffff, v18;
	v27 =	vadd.s32 v0, v26  }
0x3d3: {  	v31 =	vld.idx.msk [tilespmem:v17+s20+$0x0], $0xffff;
	v16 =	vadd.s32 v4, v26;
	v30 =	vadd.s32 v6, v26;
	v18 =	vadd.s32 v7, v26  }
0x3d4: {  	v25 =	vadd.s32 v8, v26;
	v28 =	vadd.s32 v9, v26;
	v35 =	vld.idx.msk [tilespmem:v29+s20+$0x0], $0xffff;
	v39 =	vmul.f32 v63, v12  }
.LBB2_36:
0x3d5: {  	v13 =	vadd.s32 v10, v26;
	v40 =	vmul.f32 v33, v12;
	v41 =	vmov v29  }
0x3d6: {  	s1 =	sadd.s32 $0x8, s1;
	[tilespmem:v22+s18+$0x0] =	vst.idx.msk $0xffff, v38;
	v38 =	vmovc v32;
	v42 =	vmovc v15;
	v15 =	vmov v18;
	v22 =	vmov v17;
	v17 =	vmov v25  }
0x3d7: {  	v29 =	vmul.f32 v36, v12;
	v25 =	vmov s1;
	p0 =	slt.u32 s1, $0x18;
	[tilespmem:v23+s18+$0x0] =	vst.idx.msk $0xffff, v39;
	v23 =	vmov v30  }
0x3d8: {  	v34 =	vmul.f32 v34, v12;
	v25 =	vshrl.u32 v25, $0x3;
	v33 =	vld.idx.msk [tilespmem:v27+s20+$0x0], $0xffff;
	[tilespmem:v19+s18+$0x0] =	vst.idx.msk $0xffff, v40;
	v19 =	vmov v27  }
0x3d9: {  	v27 =	vmul.f32 v37, v12;
	v25 =	vshll.u32 v25, $0x3;
	v39 =	vld.idx.msk [tilespmem:v30+s20+$0x0], $0xffff;
	[tilespmem:v21+s18+$0x0] =	vst.idx.msk $0xffff, v29;
	v21 =	vmov v28  }
0x3da: {  	v29 =	vadd.s32 v5, v26;
	v25 =	vadd.s32 v14, v25;
	v32 =	vld.idx.msk [tilespmem:v18+s20+$0x0], $0xffff;
	[tilespmem:v24+s18+$0x0] =	vst.idx.msk $0xffff, v34  }
.Ltmp16:
0x3db: {  	v18 =	vmul.f32 v35, v12;
	v24 =	vmov v13;
	v26 =	vbroadcast v25, $0x0;
	v36 =	vld.idx.msk [tilespmem:v28+s20+$0x0], $0xffff;
	[tilespmem:v20+s18+$0x0] =	vst.idx.msk $0xffff, v27;
	(pc) =	sbr.rel @p0 .LBB2_36-.Ltmp16, $4  }
0x3dc: {  	v20 =	vmov v16;
	v34 =	vld.idx.msk [tilespmem:v13+s20+$0x0], $0xffff;
	v13 =	vmul.f32 v38, v12;
	v38 =	vmul.f32 v31, v12  }
0x3dd: {  	v27 =	vadd.s32 v0, v26;
	v37 =	vld.idx.msk [tilespmem:v16+s20+$0x0], $0xffff;
	v16 =	vadd.s32 v4, v26;
	[tilespmem:v41+s18+$0x0] =	vst.idx.msk $0xffff, v18  }
0x3de: {  	v30 =	vadd.s32 v6, v26;
	v18 =	vadd.s32 v7, v26;
	v25 =	vadd.s32 v8, v26;
	v31 =	vld.idx.msk [tilespmem:v17+s20+$0x0], $0xffff  }
0x3df: {  	v28 =	vadd.s32 v9, v26;
	v39 =	vmul.f32 v39, v12;
	v35 =	vld.idx.msk [tilespmem:v29+s20+$0x0], $0xffff;
	[tilespmem:v42+s18+$0x0] =	vst.idx.msk $0xffff, v13  }
0x3e0: {  	s1 =	sadd.s32 $0x40, s11  }
0x3e1: {  	v13 =	vmov s1  }
0x3e2: {  	v14 =	vld [tilespmem:s17+$0x40];
	v13 =	vmul.u32 $0x30, v13;
	_ =	sdelay $0x1  }
0x3e3: {  	v40 =	vbroadcast v13, $0x0;
	_ =	sdelay $0x1  }
0x3e4: {  	v41 =	vadd.s32 v3, v40;
	_ =	sdelay $0x3  }
0x3e5: {  	v14 =	vld.idx.msk [tilespmem:v14+s3+$0x0], $0xffff  }
0x3e6: {  	v41 =	vld.idx.msk [tilespmem:v41+s20+$0x0], $0xffff;
	_ =	sdelay $0x4  }
0x3e7: {  	v14 =	vadd.f32 v41, v14;
	_ =	sdelay $0x1  }
0x3e8: {  	v41 =	vmul.f32 $3.000000120e-01, v14  }
0x3e9: {  	v33 =	vmul.f32 v33, v12;
	vm0 =	vge.f32 v14, $0.0e+00  }
0x3ea: {  	[tilespmem:v22+s18+$0x0] =	vst.idx.msk $0xffff, v38;
	v22 =	vadd.s32 v10, v26;
	v14 =	vsel vm0, v14, v41  }
0x3eb: {  	[tilespmem:v23+s18+$0x0] =	vst.idx.msk $0xffff, v39;
	v23 =	vmul.f32 v36, v12;
	v14 =	vmul.f32 $1.442695020e+00, v14  }
0x3ec: {  	s29 =	simm.s32 $0x0;
	v53 =	vld.idx.msk [tilespmem:v30+s20+$0x0], $0xffff;
	[tilespmem:v19+s18+$0x0] =	vst.idx.msk $0xffff, v33;
	v19 =	vmul.f32 v34, v12;
	v54 =	vmul.f32 v37, v12  }
0x3ed: {  	v52 =	vld.idx.msk [tilespmem:v27+s20+$0x0], $0xffff;
	[tilespmem:v21+s18+$0x0] =	vst.idx.msk $0xffff, v23;
	v21 =	vadd.s32 v5, v26;
	(erf) = vpow2.f32 v14;
	v14 =	vmov s29  }
0x3ee: {  	v26 =	vmul.f32 v31, v12;
	[tilespmem:v24+s18+$0x0] =	vst.idx.msk $0xffff, v19;
	v19 =	vld.idx.msk [tilespmem:v28+s20+$0x0], $0xffff;
	v14 =	vshrl.u32 v14, $0x3  }
0x3ef: {  	v23 =	vmul.f32 v35, v12;
	[tilespmem:v20+s18+$0x0] =	vst.idx.msk $0xffff, v54;
	v24 =	vld.idx.msk [tilespmem:v22+s20+$0x0], $0xffff;
	v14 =	vshll.u32 v14, $0x3  }
0x3f0: {  	v20 =	vmul.f32 v32, v12;
	[tilespmem:v17+s18+$0x0] =	vst.idx.msk $0xffff, v26;
	v14 =	vadd.s32 v13, v14  }
0x3f1: {  	[tilespmem:v29+s18+$0x0] =	vst.idx.msk $0xffff, v23;
	v23 =	vbroadcast v14, $0x0;
	v14 =	vmul.f32 v53, v12  }
0x3f2: {  	v31 =	vmul.f32 v52, v12;
	v29 =	vld.idx.msk [tilespmem:v16+s20+$0x0], $0xffff;
	[tilespmem:v15+s18+$0x0] =	vst.idx.msk $0xffff, v20  }
0x3f3: {  	v15 =	vadd.s32 v2, v40;
	v17 =	vld.idx.msk [tilespmem:v21+s20+$0x0], $0xffff;
	[tilespmem:v30+s18+$0x0] =	vst.idx.msk $0xffff, v14;
	v14 =	vmul.f32 v19, v12  }
0x3f4: {  	v24 =	vmul.f32 v24, v12;
	v26 =	vadd.s32 v6, v23  }
0x3f5: {  	s31 =	simm.s32 $0x8;
	v20 =	vld.idx.msk [tilespmem:v18+s20+$0x0], $0xffff;
	[tilespmem:v27+s18+$0x0] =	vst.idx.msk $0xffff, v31;
	v30 =	vadd.s32 v0, v23  }
0x3f6: {  	v31 =	vmov s31;
	[tilespmem:v22+s18+$0x0] =	vst.idx.msk $0xffff, v24;
	v19 =	vld.idx.msk [tilespmem:v25+s20+$0x0], $0xffff;
	v27 =	vadd.s32 v9, v23  }
0x3f7: {  	v29 =	vmul.f32 v29, v12;
	v55 =	vadd.s32 v10, v23;
	[tilespmem:v28+s18+$0x0] =	vst.idx.msk $0xffff, v14;
	v28 =	vshrl.u32 v31, $0x3;
	v14 =	vpop (erf)  }
0x3f8: {  	v24 =	vmul.f32 v17, v12;
	v31 =	vadd.s32 v4, v23;
	[tilespmem:v15+s18+$0x0] =	vst.idx.msk $0xffff, v14;
	v15 =	vshll.u32 v28, $0x3  }
0x3f9: {  	[tilespmem:v16+s18+$0x0] =	vst.idx.msk $0xffff, v29;
	v57 =	vadd.s32 v5, v23;
	v22 =	vld.idx.msk [tilespmem:v26+s20+$0x0], $0xffff;
	v15 =	vadd.s32 v13, v15  }
0x3fa: {  	v56 =	vadd.s32 v7, v23;
	v28 =	vld.idx.msk [tilespmem:v30+s20+$0x0], $0xffff;
	v58 =	vbroadcast v15, $0x0;
	v15 =	vmul.f32 v20, v12  }
0x3fb: {  	[tilespmem:v21+s18+$0x0] =	vst.idx.msk $0xffff, v24;
	v17 =	vadd.s32 v8, v23;
	v23 =	vld.idx.msk [tilespmem:v27+s20+$0x0], $0xffff;
	v12 =	vmul.f32 v19, v12  }
0x3fc: {  	v21 =	vld.idx.msk [tilespmem:v55+s20+$0x0], $0xffff;
	v16 =	vadd.s32 v0, v58;
	[tilespmem:v18+s18+$0x0] =	vst.idx.msk $0xffff, v15  }
0x3fd: {  	v24 =	vld.idx.msk [tilespmem:v31+s20+$0x0], $0xffff;
	v20 =	vadd.s32 v6, v58;
	[tilespmem:v25+s18+$0x0] =	vst.idx.msk $0xffff, v12  }
0x3fe: {  	v59 =	vld.idx.msk [tilespmem:v57+s20+$0x0], $0xffff;
	v12 =	vadd.s32 v7, v58;
	v19 =	vadd.s32 v4, v58;
	v18 =	vadd.s32 v9, v58  }
0x3ff: {  	s1 =	simm.s32 $0x10;
	v25 =	vld.idx.msk [tilespmem:v56+s20+$0x0], $0xffff;
	v15 =	vadd.s32 v8, v58;
	v29 =	vmul.f32 v22, v14;
	v60 =	vmul.f32 v28, v14  }
0x400: {  	v61 =	vld.idx.msk [tilespmem:v17+s20+$0x0], $0xffff;
	v22 =	vadd.s32 v10, v58;
	v28 =	vmov s1;
	v23 =	vmul.f32 v23, v14  }
0x401: {  	v21 =	vmul.f32 v21, v14;
	[tilespmem:v26+s18+$0x0] =	vst.idx.msk $0xffff, v29;
	v26 =	vshrl.u32 v28, $0x3;
	v28 =	vld.idx.msk [tilespmem:v16+s20+$0x0], $0xffff  }
0x402: {  	[tilespmem:v30+s18+$0x0] =	vst.idx.msk $0xffff, v60;
	v30 =	vmul.f32 v24, v14;
	v26 =	vshll.u32 v26, $0x3;
	v62 =	vld.idx.msk [tilespmem:v20+s20+$0x0], $0xffff  }
0x403: {  	[tilespmem:v27+s18+$0x0] =	vst.idx.msk $0xffff, v23;
	v27 =	vadd.s32 v5, v58;
	v29 =	vld.idx.msk [tilespmem:v12+s20+$0x0], $0xffff;
	v23 =	vadd.s32 v13, v26  }
0x404: {  	[tilespmem:v55+s18+$0x0] =	vst.idx.msk $0xffff, v21;
	v33 =	vld.idx.msk [tilespmem:v18+s20+$0x0], $0xffff;
	v63 =	vmul.f32 v25, v14;
	v24 =	vbroadcast v23, $0x0  }
0x405: {  	v37 =	vmul.f32 v61, v14;
	v35 =	vld.idx.msk [tilespmem:v19+s20+$0x0], $0xffff;
	[tilespmem:v31+s18+$0x0] =	vst.idx.msk $0xffff, v30;
	v23 =	vmul.f32 v59, v14  }
0x406: {  	v30 =	vld.idx.msk [tilespmem:v15+s20+$0x0], $0xffff;
	[tilespmem:v56+s18+$0x0] =	vst.idx.msk $0xffff, v63;
	v25 =	vadd.s32 v0, v24;
	v21 =	vadd.s32 v4, v24  }
0x407: {  	v34 =	vld.idx.msk [tilespmem:v22+s20+$0x0], $0xffff;
	[tilespmem:v57+s18+$0x0] =	vst.idx.msk $0xffff, v23;
	v31 =	vadd.s32 v6, v24;
	v23 =	vadd.s32 v7, v24  }
0x408: {  	v32 =	vadd.s32 v8, v24;
	v26 =	vadd.s32 v9, v24;
	v36 =	vld.idx.msk [tilespmem:v27+s20+$0x0], $0xffff;
	v38 =	vmul.f32 v62, v14  }
.LBB2_38:
0x409: {  	v39 =	vadd.s32 v10, v24;
	v40 =	vmul.f32 v28, v14;
	v41 =	vmov v27  }
0x40a: {  	s1 =	sadd.s32 $0x8, s1;
	[tilespmem:v17+s18+$0x0] =	vst.idx.msk $0xffff, v37;
	v37 =	vmovc v29;
	v42 =	vmovc v12;
	v12 =	vmov v23;
	v17 =	vmov v15;
	v15 =	vmov v32  }
0x40b: {  	v29 =	vmul.f32 v33, v14;
	v27 =	vmov s1;
	p0 =	slt.u32 s1, $0x18;
	[tilespmem:v20+s18+$0x0] =	vst.idx.msk $0xffff, v38;
	v20 =	vmov v31  }
0x40c: {  	v32 =	vmul.f32 v34, v14;
	v27 =	vshrl.u32 v27, $0x3;
	v28 =	vld.idx.msk [tilespmem:v25+s20+$0x0], $0xffff;
	[tilespmem:v16+s18+$0x0] =	vst.idx.msk $0xffff, v40;
	v16 =	vmov v25  }
0x40d: {  	v25 =	vshll.u32 v27, $0x3;
	v38 =	vld.idx.msk [tilespmem:v31+s20+$0x0], $0xffff;
	v31 =	vmul.f32 v35, v14;
	[tilespmem:v18+s18+$0x0] =	vst.idx.msk $0xffff, v29;
	v18 =	vmov v26  }
0x40e: {  	v27 =	vadd.s32 v5, v24;
	v25 =	vadd.s32 v13, v25;
	v29 =	vld.idx.msk [tilespmem:v23+s20+$0x0], $0xffff;
	[tilespmem:v22+s18+$0x0] =	vst.idx.msk $0xffff, v32  }
.Ltmp17:
0x40f: {  	v23 =	vmul.f32 v36, v14;
	v22 =	vmov v39;
	v24 =	vbroadcast v25, $0x0;
	v33 =	vld.idx.msk [tilespmem:v26+s20+$0x0], $0xffff;
	[tilespmem:v19+s18+$0x0] =	vst.idx.msk $0xffff, v31;
	(pc) =	sbr.rel @p0 .LBB2_38-.Ltmp17, $4  }
0x410: {  	v19 =	vmov v21;
	v34 =	vld.idx.msk [tilespmem:v39+s20+$0x0], $0xffff;
	v39 =	vmul.f32 v37, v14;
	v37 =	vmul.f32 v30, v14  }
0x411: {  	v25 =	vadd.s32 v0, v24;
	v35 =	vld.idx.msk [tilespmem:v21+s20+$0x0], $0xffff;
	v21 =	vadd.s32 v4, v24;
	[tilespmem:v41+s18+$0x0] =	vst.idx.msk $0xffff, v23  }
0x412: {  	v31 =	vadd.s32 v6, v24;
	v23 =	vadd.s32 v7, v24;
	v32 =	vadd.s32 v8, v24;
	v30 =	vld.idx.msk [tilespmem:v15+s20+$0x0], $0xffff  }
0x413: {  	v26 =	vadd.s32 v9, v24;
	v38 =	vmul.f32 v38, v14;
	v36 =	vld.idx.msk [tilespmem:v27+s20+$0x0], $0xffff;
	[tilespmem:v42+s18+$0x0] =	vst.idx.msk $0xffff, v39  }
0x414: {  	_ =	sdelay $0x3  }
0x415: {  	v28 =	vmul.f32 v28, v14;
	[tilespmem:v17+s18+$0x0] =	vst.idx.msk $0xffff, v37  }
0x416: {  	v45 =	vmul.f32 v33, v14;
	[tilespmem:v20+s18+$0x0] =	vst.idx.msk $0xffff, v38  }
0x417: {  	v47 =	vld.idx.msk [tilespmem:v31+s20+$0x0], $0xffff;
	v54 =	vmul.f32 v29, v14;
	[tilespmem:v16+s18+$0x0] =	vst.idx.msk $0xffff, v28  }
0x418: {  	v13 =	vadd.s32 v10, v24;
	v49 =	vld.idx.msk [tilespmem:v25+s20+$0x0], $0xffff;
	v46 =	vmul.f32 v34, v14;
	[tilespmem:v18+s18+$0x0] =	vst.idx.msk $0xffff, v45  }
0x419: {  	v48 =	vadd.s32 v5, v24;
	v51 =	vld.idx.msk [tilespmem:v26+s20+$0x0], $0xffff;
	v50 =	vmul.f32 v35, v14;
	[tilespmem:v12+s18+$0x0] =	vst.idx.msk $0xffff, v54  }
0x41a: {  	v56 =	vld.idx.msk [tilespmem:v21+s20+$0x0], $0xffff;
	[tilespmem:v22+s18+$0x0] =	vst.idx.msk $0xffff, v46;
	v55 =	vmul.f32 v30, v14  }
0x41b: {  	v58 =	vld.idx.msk [tilespmem:v23+s20+$0x0], $0xffff;
	v52 =	vmul.f32 v36, v14;
	[tilespmem:v19+s18+$0x0] =	vst.idx.msk $0xffff, v50  }
0x41c: {  	v60 =	vld.idx.msk [tilespmem:v32+s20+$0x0], $0xffff;
	v20 =	vmul.f32 v47, v14;
	[tilespmem:v15+s18+$0x0] =	vst.idx.msk $0xffff, v55  }
0x41d: {  	v53 =	vld.idx.msk [tilespmem:v13+s20+$0x0], $0xffff;
	v59 =	vmul.f32 v49, v14;
	[tilespmem:v27+s18+$0x0] =	vst.idx.msk $0xffff, v52  }
0x41e: {  	v57 =	vld.idx.msk [tilespmem:v48+s20+$0x0], $0xffff;
	v16 =	vmul.f32 v51, v14;
	[tilespmem:v31+s18+$0x0] =	vst.idx.msk $0xffff, v20  }
0x41f: {  	v61 =	vmul.f32 v56, v14;
	[tilespmem:v25+s18+$0x0] =	vst.idx.msk $0xffff, v59  }
0x420: {  	p0 =	slt.u32 s10, $0x14;
	v12 =	vmul.f32 v58, v14;
	[tilespmem:v26+s18+$0x0] =	vst.idx.msk $0xffff, v16  }
.Ltmp18:
0x421: {  	v63 =	vmul.f32 v60, v14;
	[tilespmem:v21+s18+$0x0] =	vst.idx.msk $0xffff, v61;
	(pc) =	sbr.rel @p0 .LBB2_29-.Ltmp18, $4  }
0x422: {  	[tilespmem:v23+s18+$0x0] =	vst.idx.msk $0xffff, v12;
	v18 =	vmul.f32 v53, v14  }
0x423: {  	[tilespmem:v32+s18+$0x0] =	vst.idx.msk $0xffff, v63;
	v62 =	vmul.f32 v57, v14  }
0x424: {  	s1 =	sadd.s32 $0x5, s10;
	[tilespmem:v13+s18+$0x0] =	vst.idx.msk $0xffff, v18  }
0x425: {  	s10 =	smov.u32 s1;
	[tilespmem:v48+s18+$0x0] =	vst.idx.msk $0xffff, v62  }
0x426: {  	[spmem:s2] =	stream.indirect.scatter.add.f32 [tilespmem:s18], [sflag:$0x3], $0x30, s8, s23, $0xb8;
	[tilespmem:$0x1CE30] =	vst v63  }
0x427: {  	s1 =	sadd.s32 $0x2710, s13;
	s12 =	sadd.s32 $0x1, s12  }
0x428: {  	[spmem:s2] =	stream.indirect.scatter.add.f32 [tilespmem:s19], [sflag:$0x3], $0x30, s1, s23, $0xb8;
	[tilespmem:$0x1CE30] =	vst v63  }
0x429: {  	s24 =	sadd.s32 $0x2710, s14;
	p0 =	sne.s32 s12, $0xB  }
0x42a: {  	[spmem:s2] =	stream.indirect.scatter.add.f32 [tilespmem:s4], [sflag:$0x3], $0x30, s24, s23, $0xb8;
	[tilespmem:$0x1CE30] =	vst v63  }
.Ltmp19:
0x42b: {  	_ = 	snop;
	(pc) =	sbr.rel @p0 .LBB2_16-.Ltmp19, $4  }
0x42c: {  	s29 =	sadd.s32 $0x2710, s15  }
0x42d: {  	[spmem:s2] =	stream.indirect.scatter.add.f32 [tilespmem:s6], [sflag:$0x3], $0x30, s29, s23, $0xb8;
	[tilespmem:$0x1CE30] =	vst v63  }
0x42e: {  	s31 =	sadd.s32 $0x2710, s16  }
0x42f: {  	[spmem:s2] =	stream.indirect.scatter.add.f32 [tilespmem:s7], [sflag:$0x3], $0x30, s31, s23, $0xb8;
	[tilespmem:$0x1CE30] =	vst v63  }
0x430: {  	s1 =	simm.s32 $0x73A0  }
0x431: {  	[tilespmem:s20], [sflag:$0x1] =	stream.indirect.gather [hbm4b:s5+s23], $0x30, s1, s23, $0xb8;
	[tilespmem:$0x1CE30] =	vst v63  }
0x432: {  	s17 =	simm.s32 $0x73F0  }
0x433: {  	[tilespmem:s25], [sflag:$0x1] =	stream.indirect.gather [hbm4b:s5+s23], $0x30, s17, s23, $0xb8;
	[tilespmem:$0x1CE30] =	vst v63  }
0x434: {  	s24 =	simm.s32 $0x7440  }
0x435: {  	[tilespmem:s28], [sflag:$0x1] =	stream.indirect.gather [hbm4b:s5+s23], $0x30, s24, s23, $0xb8;
	[tilespmem:$0x1CE30] =	vst v63  }
0x436: {  	s29 =	simm.s32 $0x7490  }
0x437: {  	[tilespmem:s30], [sflag:$0x1] =	stream.indirect.gather [hbm4b:s5+s23], $0x30, s29, s23, $0xb8;
	[tilespmem:$0x1CE30] =	vst v63  }
0x438: {  	s31 =	simm.s32 $0x74E0  }
0x439: {  	[tilespmem:s0], [sflag:$0x1] =	stream.indirect.gather [hbm4b:s5+s23], $0x30, s31, s23, $0xb8;
	[tilespmem:$0x1CE30] =	vst v63  }
0x43a: {  	_ =	swait.ge [sflag:s22], $0xF00  }
0x43b: {  	[sflag:s22] =	ssyncset.done $0x0  }
0x43c: {  	[sflag:s22] =	ssyncadd.s32 $0xFFFFF100  }
0x43d: {  	_ =	swait.ge [sflag:s22], $0xF00  }
0x43e: {  	[sflag:s22] =	ssyncset.done $0x0  }
0x43f: {  	[sflag:s22] =	ssyncadd.s32 $0xFFFFF100  }
0x440: {  	_ =	swait.ge [sflag:s22], $0xF00  }
0x441: {  	[sflag:s22] =	ssyncset.done $0x0  }
0x442: {  	[sflag:s22] =	ssyncadd.s32 $0xFFFFF100  }
0x443: {  	_ =	swait.ge [sflag:s22], $0xF00  }
0x444: {  	[sflag:s22] =	ssyncset.done $0x0  }
0x445: {  	[sflag:s22] =	ssyncadd.s32 $0xFFFFF100  }
0x446: {  	_ =	swait.ge [sflag:s22], $0xF00  }
0x447: {  	[sflag:s22] =	ssyncset.done $0x0  }
0x448: {  	[sflag:s22] =	ssyncadd.s32 $0xFFFFF100  }
0x449: {  	_ =	swait.ge [sflag:s9], $0xF00  }
0x44a: {  	[sflag:s9] =	ssyncset.done $0x0  }
0x44b: {  	[sflag:s9] =	ssyncadd.s32 $0xFFFFF100  }
0x44c: {  	_ =	swait.ge [sflag:s9], $0xF00  }
0x44d: {  	[sflag:s9] =	ssyncset.done $0x0  }
0x44e: {  	[sflag:s9] =	ssyncadd.s32 $0xFFFFF100  }
0x44f: {  	_ =	swait.ge [sflag:s9], $0xF00  }
0x450: {  	[sflag:s9] =	ssyncset.done $0x0  }
0x451: {  	[sflag:s9] =	ssyncadd.s32 $0xFFFFF100  }
0x452: {  	_ =	swait.ge [sflag:s9], $0xF00  }
0x453: {  	[sflag:s9] =	ssyncset.done $0x0  }
0x454: {  	[sflag:s9] =	ssyncadd.s32 $0xFFFFF100  }
0x455: {  	_ =	swait.ge [sflag:s9], $0xF00  }
0x456: {  	[sflag:s9] =	ssyncset.done $0x0  }
0x457: {  	s8 =	simm.s32 $0x0;
	s12 =	simm.s32 $0x2710;
	[sflag:s9] =	ssyncadd.s32 $0xFFFFF100  }
.LBB2_42:
0x458: {  	s1 =	smul.u32 $0xCD, s8;
	_ =	sdelay $0x1  }
0x459: {  	s1 =	sshrl.u32 s1, $0xA  }
0x45a: {  	s10 =	sshll.u32 s8, $0x4;
	s1 =	sand.u32 $0x3F, s1  }
0x45b: {  	v11 =	vmov s10;
	s1 =	smul.u32 $0x140, s1  }
0x45c: {  	v13 =	vmul.u32 $0x30, v11  }
0x45d: {  	s11 =	sshrl.u32 s1, $0x2  }
0x45e: {  	v11 =	vbroadcast v13, $0x0;
	v12 =	vld [tilespmem:s11+$0x4B00];
	_ =	sdelay $0x1  }
0x45f: {  	v14 =	vadd.s32 v3, v11;
	_ =	sdelay $0x4  }
0x460: {  	v14 =	vld.idx.msk [tilespmem:v14+s26+$0x0], $0xffff  }
0x461: {  	v12 =	vld.idx.msk [tilespmem:v12+s3+$0x0], $0xffff;
	_ =	sdelay $0x4  }
0x462: {  	v12 =	vadd.f32 v14, v12;
	_ =	sdelay $0x1  }
0x463: {  	v14 =	vmul.f32 $3.000000120e-01, v12  }
0x464: {  	vm0 =	vge.f32 v12, $0.0e+00  }
0x465: {  	v12 =	vsel vm0, v12, v14  }
0x466: {  	v12 =	vmul.f32 $1.442695020e+00, v12  }
0x467: {  	s29 =	simm.s32 $0x0  }
0x468: {  	(erf) = vpow2.f32 v12;
	v12 =	vmov s29  }
0x469: {  	v12 =	vshrl.u32 v12, $0x3  }
0x46a: {  	v12 =	vshll.u32 v12, $0x3  }
0x46b: {  	v12 =	vadd.s32 v13, v12  }
0x46c: {  	v14 =	vbroadcast v12, $0x0  }
0x46d: {  	v11 =	vadd.s32 v2, v11  }
0x46e: {  	v16 =	vadd.s32 v6, v14  }
0x46f: {  	s31 =	simm.s32 $0x8;
	v23 =	vadd.s32 v0, v14  }
0x470: {  	v15 =	vmov s31;
	v24 =	vadd.s32 v9, v14  }
0x471: {  	v15 =	vshrl.u32 v15, $0x3;
	v38 =	vadd.s32 v7, v14;
	v12 =	vpop (erf)  }
0x472: {  	v25 =	vadd.s32 v10, v14;
	[tilespmem:v11+s18+$0x0] =	vst.idx.msk $0xffff, v12;
	v11 =	vshll.u32 v15, $0x3  }
0x473: {  	v26 =	vadd.s32 v4, v14;
	v15 =	vld.idx.msk [tilespmem:v16+s26+$0x0], $0xffff;
	v11 =	vadd.s32 v13, v11  }
0x474: {  	v28 =	vadd.s32 v5, v14;
	v22 =	vld.idx.msk [tilespmem:v23+s26+$0x0], $0xffff;
	v27 =	vbroadcast v11, $0x0  }
0x475: {  	v21 =	vadd.s32 v8, v14;
	v14 =	vld.idx.msk [tilespmem:v24+s26+$0x0], $0xffff  }
0x476: {  	v33 =	vld.idx.msk [tilespmem:v38+s26+$0x0], $0xffff;
	v18 =	vadd.s32 v0, v27  }
0x477: {  	v29 =	vld.idx.msk [tilespmem:v25+s26+$0x0], $0xffff;
	v20 =	vadd.s32 v6, v27;
	v11 =	vadd.s32 v7, v27  }
0x478: {  	v30 =	vld.idx.msk [tilespmem:v26+s26+$0x0], $0xffff;
	v17 =	vadd.s32 v4, v27;
	v19 =	vadd.s32 v9, v27;
	v31 =	vmul.f32 v15, v12  }
0x479: {  	s1 =	simm.s32 $0x10;
	v32 =	vld.idx.msk [tilespmem:v28+s26+$0x0], $0xffff;
	v34 =	vmul.f32 v22, v12;
	v15 =	vadd.s32 v8, v27;
	v22 =	vadd.s32 v10, v27  }
0x47a: {  	v36 =	vmov s1;
	v35 =	vld.idx.msk [tilespmem:v21+s26+$0x0], $0xffff;
	v14 =	vmul.f32 v14, v12;
	v27 =	vadd.s32 v5, v27;
	[tilespmem:v16+s18+$0x0] =	vst.idx.msk $0xffff, v31  }
0x47b: {  	v39 =	vmul.f32 v33, v12;
	v16 =	vshrl.u32 v36, $0x3;
	[tilespmem:v23+s18+$0x0] =	vst.idx.msk $0xffff, v34;
	v31 =	vld.idx.msk [tilespmem:v18+s26+$0x0], $0xffff  }
0x47c: {  	v23 =	vmul.f32 v29, v12;
	[tilespmem:v24+s18+$0x0] =	vst.idx.msk $0xffff, v14;
	v16 =	vshll.u32 v16, $0x3;
	v37 =	vld.idx.msk [tilespmem:v20+s26+$0x0], $0xffff  }
0x47d: {  	v29 =	vmul.f32 v30, v12;
	[tilespmem:v38+s18+$0x0] =	vst.idx.msk $0xffff, v39;
	v30 =	vld.idx.msk [tilespmem:v11+s26+$0x0], $0xffff;
	v14 =	vadd.s32 v13, v16  }
0x47e: {  	v34 =	vld.idx.msk [tilespmem:v19+s26+$0x0], $0xffff;
	[tilespmem:v25+s18+$0x0] =	vst.idx.msk $0xffff, v23;
	v16 =	vmul.f32 v32, v12;
	v24 =	vbroadcast v14, $0x0  }
0x47f: {  	v36 =	vmul.f32 v35, v12;
	v35 =	vld.idx.msk [tilespmem:v17+s26+$0x0], $0xffff;
	[tilespmem:v26+s18+$0x0] =	vst.idx.msk $0xffff, v29  }
0x480: {  	v32 =	vld.idx.msk [tilespmem:v22+s26+$0x0], $0xffff;
	[tilespmem:v28+s18+$0x0] =	vst.idx.msk $0xffff, v16;
	v25 =	vadd.s32 v0, v24  }
0x481: {  	v29 =	vld.idx.msk [tilespmem:v15+s26+$0x0], $0xffff;
	v14 =	vadd.s32 v4, v24;
	v28 =	vadd.s32 v6, v24;
	v16 =	vadd.s32 v7, v24  }
0x482: {  	v33 =	vld.idx.msk [tilespmem:v27+s26+$0x0], $0xffff;
	v23 =	vadd.s32 v8, v24;
	v26 =	vadd.s32 v9, v24;
	v37 =	vmul.f32 v37, v12  }
.LBB2_43:
0x483: {  	v38 =	vadd.s32 v10, v24;
	v39 =	vmul.f32 v31, v12;
	v40 =	vmov v27  }
0x484: {  	s1 =	sadd.s32 $0x8, s1;
	[tilespmem:v21+s18+$0x0] =	vst.idx.msk $0xffff, v36;
	v36 =	vmovc v30;
	v41 =	vmovc v11;
	v11 =	vmov v16;
	v21 =	vmov v15;
	v15 =	vmov v23  }
0x485: {  	v27 =	vmul.f32 v34, v12;
	v23 =	vmov s1;
	p0 =	slt.u32 s1, $0x18;
	[tilespmem:v20+s18+$0x0] =	vst.idx.msk $0xffff, v37;
	v20 =	vmov v28  }
0x486: {  	v32 =	vmul.f32 v32, v12;
	v23 =	vshrl.u32 v23, $0x3;
	v31 =	vld.idx.msk [tilespmem:v25+s26+$0x0], $0xffff;
	[tilespmem:v18+s18+$0x0] =	vst.idx.msk $0xffff, v39;
	v18 =	vmov v25  }
0x487: {  	v25 =	vmul.f32 v35, v12;
	v23 =	vshll.u32 v23, $0x3;
	v37 =	vld.idx.msk [tilespmem:v28+s26+$0x0], $0xffff;
	[tilespmem:v19+s18+$0x0] =	vst.idx.msk $0xffff, v27;
	v19 =	vmov v26  }
0x488: {  	v27 =	vadd.s32 v5, v24;
	v23 =	vadd.s32 v13, v23;
	v30 =	vld.idx.msk [tilespmem:v16+s26+$0x0], $0xffff;
	[tilespmem:v22+s18+$0x0] =	vst.idx.msk $0xffff, v32  }
.Ltmp20:
0x489: {  	v16 =	vmul.f32 v33, v12;
	v22 =	vmov v38;
	v24 =	vbroadcast v23, $0x0;
	v34 =	vld.idx.msk [tilespmem:v26+s26+$0x0], $0xffff;
	[tilespmem:v17+s18+$0x0] =	vst.idx.msk $0xffff, v25;
	(pc) =	sbr.rel @p0 .LBB2_43-.Ltmp20, $4  }
0x48a: {  	v17 =	vmov v14;
	v32 =	vld.idx.msk [tilespmem:v38+s26+$0x0], $0xffff;
	v38 =	vmul.f32 v36, v12;
	v36 =	vmul.f32 v29, v12  }
0x48b: {  	v25 =	vadd.s32 v0, v24;
	v35 =	vld.idx.msk [tilespmem:v14+s26+$0x0], $0xffff;
	v14 =	vadd.s32 v4, v24;
	[tilespmem:v40+s18+$0x0] =	vst.idx.msk $0xffff, v16  }
0x48c: {  	v28 =	vadd.s32 v6, v24;
	v16 =	vadd.s32 v7, v24;
	v23 =	vadd.s32 v8, v24;
	v29 =	vld.idx.msk [tilespmem:v15+s26+$0x0], $0xffff  }
0x48d: {  	v26 =	vadd.s32 v9, v24;
	v37 =	vmul.f32 v37, v12;
	v33 =	vld.idx.msk [tilespmem:v27+s26+$0x0], $0xffff;
	[tilespmem:v41+s18+$0x0] =	vst.idx.msk $0xffff, v38  }
0x48e: {  	s1 =	sadd.s32 $0x10, s10  }
0x48f: {  	v13 =	vmov s1  }
0x490: {  	v38 =	vld [tilespmem:s11+$0x4B10];
	v13 =	vmul.u32 $0x30, v13;
	_ =	sdelay $0x1  }
0x491: {  	v39 =	vbroadcast v13, $0x0;
	_ =	sdelay $0x1  }
0x492: {  	v40 =	vadd.s32 v3, v39;
	_ =	sdelay $0x3  }
0x493: {  	v38 =	vld.idx.msk [tilespmem:v38+s3+$0x0], $0xffff  }
0x494: {  	v40 =	vld.idx.msk [tilespmem:v40+s26+$0x0], $0xffff;
	_ =	sdelay $0x4  }
0x495: {  	v38 =	vadd.f32 v40, v38;
	_ =	sdelay $0x1  }
0x496: {  	v40 =	vmul.f32 $3.000000120e-01, v38  }
0x497: {  	v31 =	vmul.f32 v31, v12;
	vm0 =	vge.f32 v38, $0.0e+00  }
0x498: {  	[tilespmem:v21+s18+$0x0] =	vst.idx.msk $0xffff, v36;
	v53 =	vadd.s32 v10, v24;
	v38 =	vsel vm0, v38, v40  }
0x499: {  	[tilespmem:v20+s18+$0x0] =	vst.idx.msk $0xffff, v37;
	v20 =	vmul.f32 v34, v12;
	v21 =	vmul.f32 $1.442695020e+00, v38  }
0x49a: {  	v54 =	vld.idx.msk [tilespmem:v25+s26+$0x0], $0xffff;
	s29 =	simm.s32 $0x0;
	[tilespmem:v18+s18+$0x0] =	vst.idx.msk $0xffff, v31;
	v18 =	vmul.f32 v32, v12;
	v55 =	vmul.f32 v35, v12  }
0x49b: {  	v31 =	vld.idx.msk [tilespmem:v28+s26+$0x0], $0xffff;
	[tilespmem:v19+s18+$0x0] =	vst.idx.msk $0xffff, v20;
	v19 =	vadd.s32 v5, v24;
	(erf) = vpow2.f32 v21;
	v21 =	vmov s29  }
0x49c: {  	v24 =	vmul.f32 v29, v12;
	[tilespmem:v22+s18+$0x0] =	vst.idx.msk $0xffff, v18;
	v18 =	vld.idx.msk [tilespmem:v26+s26+$0x0], $0xffff;
	v20 =	vshrl.u32 v21, $0x3  }
0x49d: {  	[tilespmem:v17+s18+$0x0] =	vst.idx.msk $0xffff, v55;
	v17 =	vmul.f32 v30, v12;
	v22 =	vld.idx.msk [tilespmem:v53+s26+$0x0], $0xffff;
	v20 =	vshll.u32 v20, $0x3  }
0x49e: {  	[tilespmem:v15+s18+$0x0] =	vst.idx.msk $0xffff, v24;
	v21 =	vmul.f32 v33, v12;
	v20 =	vadd.s32 v13, v20  }
0x49f: {  	[tilespmem:v11+s18+$0x0] =	vst.idx.msk $0xffff, v17;
	v11 =	vmul.f32 v54, v12;
	v20 =	vbroadcast v20, $0x0  }
0x4a0: {  	v17 =	vadd.s32 v2, v39;
	v15 =	vld.idx.msk [tilespmem:v19+s26+$0x0], $0xffff;
	[tilespmem:v27+s18+$0x0] =	vst.idx.msk $0xffff, v21;
	v27 =	vmul.f32 v31, v12  }
0x4a1: {  	[tilespmem:v25+s18+$0x0] =	vst.idx.msk $0xffff, v11;
	v18 =	vmul.f32 v18, v12;
	v21 =	vld.idx.msk [tilespmem:v14+s26+$0x0], $0xffff;
	v24 =	vadd.s32 v6, v20  }
0x4a2: {  	s31 =	simm.s32 $0x8;
	v29 =	vld.idx.msk [tilespmem:v16+s26+$0x0], $0xffff;
	v22 =	vmul.f32 v22, v12;
	[tilespmem:v28+s18+$0x0] =	vst.idx.msk $0xffff, v27;
	v27 =	vadd.s32 v0, v20  }
0x4a3: {  	v30 =	vmov s31;
	[tilespmem:v26+s18+$0x0] =	vst.idx.msk $0xffff, v18;
	v28 =	vld.idx.msk [tilespmem:v23+s26+$0x0], $0xffff;
	v26 =	vadd.s32 v10, v20  }
0x4a4: {  	v18 =	vshrl.u32 v30, $0x3;
	[tilespmem:v53+s18+$0x0] =	vst.idx.msk $0xffff, v22;
	v25 =	vadd.s32 v9, v20;
	v11 =	vpop (erf)  }
0x4a5: {  	v15 =	vmul.f32 v15, v12;
	v56 =	vadd.s32 v4, v20;
	[tilespmem:v17+s18+$0x0] =	vst.idx.msk $0xffff, v11;
	v17 =	vshll.u32 v18, $0x3  }
0x4a6: {  	v58 =	vadd.s32 v5, v20;
	v21 =	vmul.f32 v21, v12;
	v18 =	vld.idx.msk [tilespmem:v24+s26+$0x0], $0xffff;
	v17 =	vadd.s32 v13, v17  }
0x4a7: {  	v57 =	vadd.s32 v7, v20;
	v20 =	vadd.s32 v8, v20;
	v22 =	vld.idx.msk [tilespmem:v27+s26+$0x0], $0xffff;
	v30 =	vbroadcast v17, $0x0  }
0x4a8: {  	[tilespmem:v14+s18+$0x0] =	vst.idx.msk $0xffff, v21;
	v14 =	vmul.f32 v29, v12;
	v12 =	vmul.f32 v28, v12;
	v28 =	vld.idx.msk [tilespmem:v26+s26+$0x0], $0xffff  }
0x4a9: {  	[tilespmem:v19+s18+$0x0] =	vst.idx.msk $0xffff, v15;
	v29 =	vld.idx.msk [tilespmem:v25+s26+$0x0], $0xffff;
	v17 =	vadd.s32 v0, v30  }
0x4aa: {  	s1 =	simm.s32 $0x10;
	[tilespmem:v16+s18+$0x0] =	vst.idx.msk $0xffff, v14;
	v14 =	vld.idx.msk [tilespmem:v56+s26+$0x0], $0xffff;
	v21 =	vadd.s32 v6, v30  }
0x4ab: {  	v31 =	vmov s1;
	v59 =	vld.idx.msk [tilespmem:v58+s26+$0x0], $0xffff;
	[tilespmem:v23+s18+$0x0] =	vst.idx.msk $0xffff, v12;
	v12 =	vadd.s32 v7, v30;
	v19 =	vadd.s32 v9, v30  }
0x4ac: {  	v16 =	vld.idx.msk [tilespmem:v57+s26+$0x0], $0xffff;
	v15 =	vadd.s32 v8, v30;
	v23 =	vmul.f32 v18, v11;
	v18 =	vadd.s32 v4, v30  }
0x4ad: {  	v61 =	vld.idx.msk [tilespmem:v20+s26+$0x0], $0xffff;
	v60 =	vmul.f32 v22, v11;
	v22 =	vadd.s32 v10, v30;
	v28 =	vmul.f32 v28, v11  }
0x4ae: {  	[tilespmem:v24+s18+$0x0] =	vst.idx.msk $0xffff, v23;
	v23 =	vmul.f32 v29, v11;
	v24 =	vshrl.u32 v31, $0x3;
	v31 =	vld.idx.msk [tilespmem:v17+s26+$0x0], $0xffff  }
0x4af: {  	v14 =	vmul.f32 v14, v11;
	[tilespmem:v27+s18+$0x0] =	vst.idx.msk $0xffff, v60;
	v24 =	vshll.u32 v24, $0x3;
	v62 =	vld.idx.msk [tilespmem:v21+s26+$0x0], $0xffff  }
0x4b0: {  	v27 =	vadd.s32 v5, v30;
	v30 =	vld.idx.msk [tilespmem:v12+s26+$0x0], $0xffff;
	[tilespmem:v25+s18+$0x0] =	vst.idx.msk $0xffff, v23;
	v23 =	vadd.s32 v13, v24  }
0x4b1: {  	v63 =	vmul.f32 v16, v11;
	[tilespmem:v26+s18+$0x0] =	vst.idx.msk $0xffff, v28;
	v34 =	vld.idx.msk [tilespmem:v19+s26+$0x0], $0xffff;
	v24 =	vbroadcast v23, $0x0  }
0x4b2: {  	v36 =	vmul.f32 v61, v11;
	[tilespmem:v56+s18+$0x0] =	vst.idx.msk $0xffff, v14;
	v29 =	vld.idx.msk [tilespmem:v15+s26+$0x0], $0xffff;
	v23 =	vmul.f32 v59, v11  }
0x4b3: {  	[tilespmem:v57+s18+$0x0] =	vst.idx.msk $0xffff, v63;
	v32 =	vld.idx.msk [tilespmem:v22+s26+$0x0], $0xffff;
	v25 =	vadd.s32 v0, v24;
	v14 =	vadd.s32 v4, v24  }
0x4b4: {  	v35 =	vld.idx.msk [tilespmem:v18+s26+$0x0], $0xffff;
	[tilespmem:v58+s18+$0x0] =	vst.idx.msk $0xffff, v23;
	v28 =	vadd.s32 v6, v24;
	v16 =	vadd.s32 v7, v24  }
0x4b5: {  	v23 =	vadd.s32 v8, v24;
	v26 =	vadd.s32 v9, v24;
	v33 =	vld.idx.msk [tilespmem:v27+s26+$0x0], $0xffff;
	v37 =	vmul.f32 v62, v11  }
.LBB2_45:
0x4b6: {  	v38 =	vadd.s32 v10, v24;
	v39 =	vmul.f32 v31, v11;
	v40 =	vmov v27  }
0x4b7: {  	s1 =	sadd.s32 $0x8, s1;
	[tilespmem:v20+s18+$0x0] =	vst.idx.msk $0xffff, v36;
	v36 =	vmovc v30;
	v41 =	vmovc v12;
	v12 =	vmov v16;
	v20 =	vmov v15;
	v15 =	vmov v23  }
0x4b8: {  	v27 =	vmul.f32 v34, v11;
	v23 =	vmov s1;
	p0 =	slt.u32 s1, $0x18;
	[tilespmem:v21+s18+$0x0] =	vst.idx.msk $0xffff, v37;
	v21 =	vmov v28  }
0x4b9: {  	v32 =	vmul.f32 v32, v11;
	v23 =	vshrl.u32 v23, $0x3;
	v31 =	vld.idx.msk [tilespmem:v25+s26+$0x0], $0xffff;
	[tilespmem:v17+s18+$0x0] =	vst.idx.msk $0xffff, v39;
	v17 =	vmov v25  }
0x4ba: {  	v25 =	vmul.f32 v35, v11;
	v23 =	vshll.u32 v23, $0x3;
	v37 =	vld.idx.msk [tilespmem:v28+s26+$0x0], $0xffff;
	[tilespmem:v19+s18+$0x0] =	vst.idx.msk $0xffff, v27;
	v19 =	vmov v26  }
0x4bb: {  	v27 =	vadd.s32 v5, v24;
	v23 =	vadd.s32 v13, v23;
	v30 =	vld.idx.msk [tilespmem:v16+s26+$0x0], $0xffff;
	[tilespmem:v22+s18+$0x0] =	vst.idx.msk $0xffff, v32  }
.Ltmp21:
0x4bc: {  	v16 =	vmul.f32 v33, v11;
	v22 =	vmov v38;
	v24 =	vbroadcast v23, $0x0;
	v34 =	vld.idx.msk [tilespmem:v26+s26+$0x0], $0xffff;
	[tilespmem:v18+s18+$0x0] =	vst.idx.msk $0xffff, v25;
	(pc) =	sbr.rel @p0 .LBB2_45-.Ltmp21, $4  }
0x4bd: {  	v18 =	vmov v14;
	v32 =	vld.idx.msk [tilespmem:v38+s26+$0x0], $0xffff;
	v38 =	vmul.f32 v36, v11;
	v36 =	vmul.f32 v29, v11  }
0x4be: {  	v25 =	vadd.s32 v0, v24;
	v35 =	vld.idx.msk [tilespmem:v14+s26+$0x0], $0xffff;
	v14 =	vadd.s32 v4, v24;
	[tilespmem:v40+s18+$0x0] =	vst.idx.msk $0xffff, v16  }
0x4bf: {  	v28 =	vadd.s32 v6, v24;
	v16 =	vadd.s32 v7, v24;
	v23 =	vadd.s32 v8, v24;
	v29 =	vld.idx.msk [tilespmem:v15+s26+$0x0], $0xffff  }
0x4c0: {  	v26 =	vadd.s32 v9, v24;
	v37 =	vmul.f32 v37, v11;
	v33 =	vld.idx.msk [tilespmem:v27+s26+$0x0], $0xffff;
	[tilespmem:v41+s18+$0x0] =	vst.idx.msk $0xffff, v38  }
0x4c1: {  	s1 =	sadd.s32 $0x20, s10  }
0x4c2: {  	v13 =	vmov s1  }
0x4c3: {  	v38 =	vld [tilespmem:s11+$0x4B20];
	v13 =	vmul.u32 $0x30, v13;
	_ =	sdelay $0x1  }
0x4c4: {  	v39 =	vbroadcast v13, $0x0;
	_ =	sdelay $0x1  }
0x4c5: {  	v40 =	vadd.s32 v3, v39;
	_ =	sdelay $0x3  }
0x4c6: {  	v38 =	vld.idx.msk [tilespmem:v38+s3+$0x0], $0xffff  }
0x4c7: {  	v40 =	vld.idx.msk [tilespmem:v40+s26+$0x0], $0xffff;
	_ =	sdelay $0x4  }
0x4c8: {  	v38 =	vadd.f32 v40, v38;
	_ =	sdelay $0x1  }
0x4c9: {  	v40 =	vmul.f32 $3.000000120e-01, v38  }
0x4ca: {  	vm0 =	vge.f32 v38, $0.0e+00  }
0x4cb: {  	v31 =	vmul.f32 v31, v11;
	[tilespmem:v20+s18+$0x0] =	vst.idx.msk $0xffff, v36;
	v38 =	vsel vm0, v38, v40  }
0x4cc: {  	[tilespmem:v21+s18+$0x0] =	vst.idx.msk $0xffff, v37;
	v21 =	vmul.f32 v34, v11;
	v20 =	vmul.f32 $1.442695020e+00, v38  }
0x4cd: {  	v53 =	vadd.s32 v10, v24;
	v54 =	vld.idx.msk [tilespmem:v25+s26+$0x0], $0xffff;
	s29 =	simm.s32 $0x0;
	[tilespmem:v17+s18+$0x0] =	vst.idx.msk $0xffff, v31;
	v17 =	vmul.f32 v32, v11  }
0x4ce: {  	v31 =	vld.idx.msk [tilespmem:v28+s26+$0x0], $0xffff;
	v55 =	vmul.f32 v35, v11;
	[tilespmem:v19+s18+$0x0] =	vst.idx.msk $0xffff, v21;
	(erf) = vpow2.f32 v20;
	v20 =	vmov s29  }
0x4cf: {  	v19 =	vadd.s32 v5, v24;
	[tilespmem:v22+s18+$0x0] =	vst.idx.msk $0xffff, v17;
	v21 =	vmul.f32 v33, v11;
	v20 =	vshrl.u32 v20, $0x3  }
0x4d0: {  	v17 =	vld.idx.msk [tilespmem:v26+s26+$0x0], $0xffff;
	[tilespmem:v18+s18+$0x0] =	vst.idx.msk $0xffff, v55;
	v18 =	vmul.f32 v30, v11;
	v20 =	vshll.u32 v20, $0x3  }
0x4d1: {  	[tilespmem:v27+s18+$0x0] =	vst.idx.msk $0xffff, v21;
	v20 =	vadd.s32 v13, v20  }
0x4d2: {  	v24 =	vmul.f32 v29, v11;
	v22 =	vld.idx.msk [tilespmem:v53+s26+$0x0], $0xffff;
	[tilespmem:v12+s18+$0x0] =	vst.idx.msk $0xffff, v18;
	v20 =	vbroadcast v20, $0x0  }
0x4d3: {  	v21 =	vld.idx.msk [tilespmem:v14+s26+$0x0], $0xffff;
	v18 =	vadd.s32 v2, v39;
	v12 =	vmul.f32 v54, v11;
	v27 =	vmul.f32 v31, v11  }
0x4d4: {  	v29 =	vld.idx.msk [tilespmem:v16+s26+$0x0], $0xffff;
	[tilespmem:v15+s18+$0x0] =	vst.idx.msk $0xffff, v24;
	v24 =	vadd.s32 v6, v20  }
0x4d5: {  	s31 =	simm.s32 $0x8;
	v15 =	vld.idx.msk [tilespmem:v19+s26+$0x0], $0xffff;
	[tilespmem:v28+s18+$0x0] =	vst.idx.msk $0xffff, v27;
	v17 =	vmul.f32 v17, v11;
	v27 =	vadd.s32 v0, v20  }
0x4d6: {  	v30 =	vmov s31;
	[tilespmem:v25+s18+$0x0] =	vst.idx.msk $0xffff, v12;
	v28 =	vld.idx.msk [tilespmem:v23+s26+$0x0], $0xffff;
	v25 =	vadd.s32 v9, v20  }
0x4d7: {  	v22 =	vmul.f32 v22, v11;
	[tilespmem:v26+s18+$0x0] =	vst.idx.msk $0xffff, v17;
	v17 =	vshrl.u32 v30, $0x3;
	v26 =	vadd.s32 v10, v20;
	v12 =	vpop (erf)  }
0x4d8: {  	v21 =	vmul.f32 v21, v11;
	v17 =	vshll.u32 v17, $0x3;
	v56 =	vadd.s32 v4, v20;
	[tilespmem:v18+s18+$0x0] =	vst.idx.msk $0xffff, v12  }
0x4d9: {  	[tilespmem:v53+s18+$0x0] =	vst.idx.msk $0xffff, v22;
	v17 =	vadd.s32 v13, v17;
	v57 =	vadd.s32 v7, v20;
	v18 =	vld.idx.msk [tilespmem:v24+s26+$0x0], $0xffff  }
0x4da: {  	v15 =	vmul.f32 v15, v11;
	v30 =	vbroadcast v17, $0x0;
	v58 =	vadd.s32 v5, v20;
	v22 =	vld.idx.msk [tilespmem:v27+s26+$0x0], $0xffff  }
0x4db: {  	[tilespmem:v14+s18+$0x0] =	vst.idx.msk $0xffff, v21;
	v14 =	vmul.f32 v29, v11;
	v20 =	vadd.s32 v8, v20;
	v29 =	vld.idx.msk [tilespmem:v25+s26+$0x0], $0xffff  }
0x4dc: {  	v11 =	vmul.f32 v28, v11;
	[tilespmem:v19+s18+$0x0] =	vst.idx.msk $0xffff, v15;
	v21 =	vadd.s32 v6, v30;
	v28 =	vld.idx.msk [tilespmem:v26+s26+$0x0], $0xffff  }
0x4dd: {  	[tilespmem:v16+s18+$0x0] =	vst.idx.msk $0xffff, v14;
	v19 =	vadd.s32 v9, v30;
	v14 =	vld.idx.msk [tilespmem:v56+s26+$0x0], $0xffff  }
0x4de: {  	v16 =	vld.idx.msk [tilespmem:v57+s26+$0x0], $0xffff  }
0x4df: {  	v59 =	vld.idx.msk [tilespmem:v58+s26+$0x0], $0xffff  }
0x4e0: {  	s1 =	simm.s32 $0x10;
	v17 =	vadd.s32 v0, v30;
	v61 =	vld.idx.msk [tilespmem:v20+s26+$0x0], $0xffff  }
0x4e1: {  	v31 =	vmov s1;
	[tilespmem:v23+s18+$0x0] =	vst.idx.msk $0xffff, v11;
	v11 =	vadd.s32 v7, v30;
	v62 =	vld.idx.msk [tilespmem:v21+s26+$0x0], $0xffff;
	v23 =	vmul.f32 v18, v12  }
0x4e2: {  	v15 =	vadd.s32 v8, v30;
	v34 =	vld.idx.msk [tilespmem:v19+s26+$0x0], $0xffff;
	v18 =	vadd.s32 v4, v30;
	v60 =	vmul.f32 v22, v12  }
0x4e3: {  	v22 =	vadd.s32 v10, v30;
	[tilespmem:v24+s18+$0x0] =	vst.idx.msk $0xffff, v23;
	v23 =	vmul.f32 v29, v12;
	v24 =	vshrl.u32 v31, $0x3  }
0x4e4: {  	v28 =	vmul.f32 v28, v12;
	v14 =	vmul.f32 v14, v12;
	[tilespmem:v27+s18+$0x0] =	vst.idx.msk $0xffff, v60;
	v24 =	vshll.u32 v24, $0x3  }
0x4e5: {  	v31 =	vld.idx.msk [tilespmem:v17+s26+$0x0], $0xffff;
	v27 =	vadd.s32 v5, v30;
	[tilespmem:v25+s18+$0x0] =	vst.idx.msk $0xffff, v23;
	v23 =	vadd.s32 v13, v24  }
0x4e6: {  	v63 =	vmul.f32 v16, v12;
	v30 =	vld.idx.msk [tilespmem:v11+s26+$0x0], $0xffff;
	[tilespmem:v26+s18+$0x0] =	vst.idx.msk $0xffff, v28;
	v24 =	vbroadcast v23, $0x0  }
0x4e7: {  	v36 =	vmul.f32 v61, v12;
	[tilespmem:v56+s18+$0x0] =	vst.idx.msk $0xffff, v14;
	v29 =	vld.idx.msk [tilespmem:v15+s26+$0x0], $0xffff;
	v23 =	vmul.f32 v59, v12  }
0x4e8: {  	v37 =	vmul.f32 v62, v12;
	[tilespmem:v57+s18+$0x0] =	vst.idx.msk $0xffff, v63;
	v32 =	vld.idx.msk [tilespmem:v22+s26+$0x0], $0xffff;
	v25 =	vadd.s32 v0, v24  }
0x4e9: {  	v35 =	vld.idx.msk [tilespmem:v18+s26+$0x0], $0xffff;
	v14 =	vadd.s32 v4, v24;
	[tilespmem:v58+s18+$0x0] =	vst.idx.msk $0xffff, v23;
	v28 =	vadd.s32 v6, v24  }
0x4ea: {  	v16 =	vadd.s32 v7, v24;
	v23 =	vadd.s32 v8, v24;
	v26 =	vadd.s32 v9, v24;
	v33 =	vld.idx.msk [tilespmem:v27+s26+$0x0], $0xffff  }
.LBB2_47:
0x4eb: {  	v38 =	vadd.s32 v10, v24;
	v39 =	vmul.f32 v31, v12;
	v40 =	vmov v27  }
0x4ec: {  	s1 =	sadd.s32 $0x8, s1;
	[tilespmem:v20+s18+$0x0] =	vst.idx.msk $0xffff, v36;
	v36 =	vmovc v30;
	v41 =	vmovc v11;
	v11 =	vmov v16;
	v20 =	vmov v15;
	v15 =	vmov v23  }
0x4ed: {  	v27 =	vmul.f32 v34, v12;
	v23 =	vmov s1;
	p0 =	slt.u32 s1, $0x18;
	[tilespmem:v21+s18+$0x0] =	vst.idx.msk $0xffff, v37;
	v21 =	vmov v28  }
0x4ee: {  	v32 =	vmul.f32 v32, v12;
	v23 =	vshrl.u32 v23, $0x3;
	v31 =	vld.idx.msk [tilespmem:v25+s26+$0x0], $0xffff;
	[tilespmem:v17+s18+$0x0] =	vst.idx.msk $0xffff, v39;
	v17 =	vmov v25  }
0x4ef: {  	v25 =	vmul.f32 v35, v12;
	v23 =	vshll.u32 v23, $0x3;
	v37 =	vld.idx.msk [tilespmem:v28+s26+$0x0], $0xffff;
	[tilespmem:v19+s18+$0x0] =	vst.idx.msk $0xffff, v27;
	v19 =	vmov v26  }
0x4f0: {  	v27 =	vadd.s32 v5, v24;
	v23 =	vadd.s32 v13, v23;
	v30 =	vld.idx.msk [tilespmem:v16+s26+$0x0], $0xffff;
	[tilespmem:v22+s18+$0x0] =	vst.idx.msk $0xffff, v32  }
.Ltmp22:
0x4f1: {  	v16 =	vmul.f32 v33, v12;
	v22 =	vmov v38;
	v24 =	vbroadcast v23, $0x0;
	v34 =	vld.idx.msk [tilespmem:v26+s26+$0x0], $0xffff;
	[tilespmem:v18+s18+$0x0] =	vst.idx.msk $0xffff, v25;
	(pc) =	sbr.rel @p0 .LBB2_47-.Ltmp22, $4  }
0x4f2: {  	v18 =	vmov v14;
	v32 =	vld.idx.msk [tilespmem:v38+s26+$0x0], $0xffff;
	v38 =	vmul.f32 v36, v12;
	v36 =	vmul.f32 v29, v12  }
0x4f3: {  	v25 =	vadd.s32 v0, v24;
	v35 =	vld.idx.msk [tilespmem:v14+s26+$0x0], $0xffff;
	v14 =	vadd.s32 v4, v24;
	[tilespmem:v40+s18+$0x0] =	vst.idx.msk $0xffff, v16  }
0x4f4: {  	v28 =	vadd.s32 v6, v24;
	v16 =	vadd.s32 v7, v24;
	v23 =	vadd.s32 v8, v24;
	v29 =	vld.idx.msk [tilespmem:v15+s26+$0x0], $0xffff  }
0x4f5: {  	v26 =	vadd.s32 v9, v24;
	v37 =	vmul.f32 v37, v12;
	v33 =	vld.idx.msk [tilespmem:v27+s26+$0x0], $0xffff;
	[tilespmem:v41+s18+$0x0] =	vst.idx.msk $0xffff, v38  }
0x4f6: {  	s1 =	sadd.s32 $0x30, s10  }
0x4f7: {  	v13 =	vmov s1  }
0x4f8: {  	v38 =	vld [tilespmem:s11+$0x4B30];
	v13 =	vmul.u32 $0x30, v13;
	_ =	sdelay $0x1  }
0x4f9: {  	v39 =	vbroadcast v13, $0x0;
	_ =	sdelay $0x1  }
0x4fa: {  	v40 =	vadd.s32 v3, v39;
	_ =	sdelay $0x3  }
0x4fb: {  	v38 =	vld.idx.msk [tilespmem:v38+s3+$0x0], $0xffff  }
0x4fc: {  	v40 =	vld.idx.msk [tilespmem:v40+s26+$0x0], $0xffff;
	_ =	sdelay $0x4  }
0x4fd: {  	v38 =	vadd.f32 v40, v38;
	_ =	sdelay $0x1  }
0x4fe: {  	v40 =	vmul.f32 $3.000000120e-01, v38  }
0x4ff: {  	v31 =	vmul.f32 v31, v12;
	vm0 =	vge.f32 v38, $0.0e+00  }
0x500: {  	[tilespmem:v20+s18+$0x0] =	vst.idx.msk $0xffff, v36;
	v54 =	vadd.s32 v10, v24;
	v38 =	vsel vm0, v38, v40  }
0x501: {  	[tilespmem:v21+s18+$0x0] =	vst.idx.msk $0xffff, v37;
	v21 =	vmul.f32 v34, v12;
	v20 =	vmul.f32 $1.442695020e+00, v38  }
0x502: {  	v55 =	vld.idx.msk [tilespmem:v25+s26+$0x0], $0xffff;
	s29 =	simm.s32 $0x0;
	[tilespmem:v17+s18+$0x0] =	vst.idx.msk $0xffff, v31;
	v17 =	vmul.f32 v32, v12;
	v56 =	vmul.f32 v35, v12  }
0x503: {  	v31 =	vld.idx.msk [tilespmem:v28+s26+$0x0], $0xffff;
	[tilespmem:v19+s18+$0x0] =	vst.idx.msk $0xffff, v21;
	v19 =	vadd.s32 v5, v24;
	(erf) = vpow2.f32 v20;
	v20 =	vmov s29  }
0x504: {  	[tilespmem:v22+s18+$0x0] =	vst.idx.msk $0xffff, v17;
	v17 =	vld.idx.msk [tilespmem:v26+s26+$0x0], $0xffff;
	v21 =	vmul.f32 v33, v12;
	v20 =	vshrl.u32 v20, $0x3  }
0x505: {  	[tilespmem:v18+s18+$0x0] =	vst.idx.msk $0xffff, v56;
	v18 =	vmul.f32 v30, v12;
	v22 =	vld.idx.msk [tilespmem:v54+s26+$0x0], $0xffff;
	v20 =	vshll.u32 v20, $0x3  }
0x506: {  	v24 =	vmul.f32 v29, v12;
	[tilespmem:v27+s18+$0x0] =	vst.idx.msk $0xffff, v21;
	v20 =	vadd.s32 v13, v20  }
0x507: {  	v21 =	vld.idx.msk [tilespmem:v14+s26+$0x0], $0xffff;
	[tilespmem:v11+s18+$0x0] =	vst.idx.msk $0xffff, v18;
	v11 =	vmul.f32 v55, v12;
	v20 =	vbroadcast v20, $0x0  }
0x508: {  	[tilespmem:v15+s18+$0x0] =	vst.idx.msk $0xffff, v24;
	v18 =	vadd.s32 v2, v39;
	v27 =	vmul.f32 v31, v12;
	v24 =	vld.idx.msk [tilespmem:v19+s26+$0x0], $0xffff  }
0x509: {  	v29 =	vld.idx.msk [tilespmem:v16+s26+$0x0], $0xffff;
	[tilespmem:v25+s18+$0x0] =	vst.idx.msk $0xffff, v11;
	v17 =	vmul.f32 v17, v12;
	v15 =	vadd.s32 v6, v20  }
0x50a: {  	[tilespmem:v28+s18+$0x0] =	vst.idx.msk $0xffff, v27;
	v28 =	vld.idx.msk [tilespmem:v23+s26+$0x0], $0xffff;
	v22 =	vmul.f32 v22, v12;
	v27 =	vadd.s32 v0, v20  }
0x50b: {  	s31 =	simm.s32 $0x8;
	[tilespmem:v26+s18+$0x0] =	vst.idx.msk $0xffff, v17;
	v25 =	vadd.s32 v9, v20  }
0x50c: {  	v30 =	vmov s31;
	v21 =	vmul.f32 v21, v12;
	[tilespmem:v54+s18+$0x0] =	vst.idx.msk $0xffff, v22;
	v57 =	vadd.s32 v7, v20;
	v11 =	vpop (erf)  }
0x50d: {  	v26 =	vshrl.u32 v30, $0x3;
	v22 =	vmul.f32 v24, v12;
	v17 =	vadd.s32 v10, v20;
	[tilespmem:v18+s18+$0x0] =	vst.idx.msk $0xffff, v11  }
0x50e: {  	[tilespmem:v14+s18+$0x0] =	vst.idx.msk $0xffff, v21;
	v30 =	vadd.s32 v4, v20;
	v18 =	vshll.u32 v26, $0x3;
	v26 =	vld.idx.msk [tilespmem:v15+s26+$0x0], $0xffff  }
0x50f: {  	v14 =	vmul.f32 v29, v12;
	v12 =	vmul.f32 v28, v12;
	v18 =	vadd.s32 v13, v18;
	v24 =	vld.idx.msk [tilespmem:v27+s26+$0x0], $0xffff  }
0x510: {  	v58 =	vadd.s32 v5, v20;
	v29 =	vld.idx.msk [tilespmem:v25+s26+$0x0], $0xffff;
	v31 =	vbroadcast v18, $0x0  }
0x511: {  	[tilespmem:v23+s18+$0x0] =	vst.idx.msk $0xffff, v12;
	v21 =	vadd.s32 v8, v20;
	v12 =	vld.idx.msk [tilespmem:v57+s26+$0x0], $0xffff  }
0x512: {  	[tilespmem:v19+s18+$0x0] =	vst.idx.msk $0xffff, v22;
	v28 =	vld.idx.msk [tilespmem:v17+s26+$0x0], $0xffff;
	v18 =	vadd.s32 v0, v31  }
0x513: {  	[tilespmem:v16+s18+$0x0] =	vst.idx.msk $0xffff, v14;
	v59 =	vld.idx.msk [tilespmem:v30+s26+$0x0], $0xffff;
	v22 =	vadd.s32 v6, v31;
	v14 =	vadd.s32 v7, v31  }
0x514: {  	v19 =	vadd.s32 v4, v31;
	v20 =	vadd.s32 v9, v31;
	v26 =	vmul.f32 v26, v11  }
0x515: {  	s1 =	simm.s32 $0x10;
	v60 =	vld.idx.msk [tilespmem:v58+s26+$0x0], $0xffff;
	v16 =	vadd.s32 v8, v31;
	v23 =	vadd.s32 v10, v31;
	v24 =	vmul.f32 v24, v11  }
0x516: {  	v62 =	vmov s1;
	v61 =	vld.idx.msk [tilespmem:v21+s26+$0x0], $0xffff;
	v12 =	vmul.f32 v12, v11;
	[tilespmem:v15+s18+$0x0] =	vst.idx.msk $0xffff, v26;
	v15 =	vmul.f32 v29, v11  }
0x517: {  	v26 =	vshrl.u32 v62, $0x3;
	[tilespmem:v27+s18+$0x0] =	vst.idx.msk $0xffff, v24;
	v24 =	vmul.f32 v28, v11;
	v32 =	vld.idx.msk [tilespmem:v18+s26+$0x0], $0xffff  }
0x518: {  	v27 =	vmul.f32 v59, v11;
	[tilespmem:v57+s18+$0x0] =	vst.idx.msk $0xffff, v12;
	v26 =	vshll.u32 v26, $0x3;
	v63 =	vld.idx.msk [tilespmem:v22+s26+$0x0], $0xffff  }
0x519: {  	v28 =	vadd.s32 v5, v31;
	v31 =	vld.idx.msk [tilespmem:v14+s26+$0x0], $0xffff;
	[tilespmem:v25+s18+$0x0] =	vst.idx.msk $0xffff, v15;
	v15 =	vadd.s32 v13, v26  }
0x51a: {  	v35 =	vld.idx.msk [tilespmem:v20+s26+$0x0], $0xffff;
	[tilespmem:v17+s18+$0x0] =	vst.idx.msk $0xffff, v24;
	v17 =	vmul.f32 v60, v11;
	v25 =	vbroadcast v15, $0x0  }
0x51b: {  	v33 =	vld.idx.msk [tilespmem:v23+s26+$0x0], $0xffff;
	[tilespmem:v30+s18+$0x0] =	vst.idx.msk $0xffff, v27  }
0x51c: {  	v37 =	vmul.f32 v61, v11;
	v36 =	vld.idx.msk [tilespmem:v19+s26+$0x0], $0xffff;
	[tilespmem:v58+s18+$0x0] =	vst.idx.msk $0xffff, v17;
	v26 =	vadd.s32 v0, v25  }
0x51d: {  	v30 =	vld.idx.msk [tilespmem:v16+s26+$0x0], $0xffff;
	v15 =	vadd.s32 v4, v25;
	v29 =	vadd.s32 v6, v25;
	v17 =	vadd.s32 v7, v25  }
0x51e: {  	v24 =	vadd.s32 v8, v25;
	v27 =	vadd.s32 v9, v25;
	v34 =	vld.idx.msk [tilespmem:v28+s26+$0x0], $0xffff;
	v38 =	vmul.f32 v63, v11  }
.LBB2_49:
0x51f: {  	v12 =	vadd.s32 v10, v25;
	v39 =	vmul.f32 v32, v11;
	v40 =	vmov v28  }
0x520: {  	s1 =	sadd.s32 $0x8, s1;
	[tilespmem:v21+s18+$0x0] =	vst.idx.msk $0xffff, v37;
	v37 =	vmovc v31;
	v41 =	vmovc v14;
	v14 =	vmov v17;
	v21 =	vmov v16;
	v16 =	vmov v24  }
0x521: {  	v28 =	vmul.f32 v35, v11;
	v24 =	vmov s1;
	p0 =	slt.u32 s1, $0x18;
	[tilespmem:v22+s18+$0x0] =	vst.idx.msk $0xffff, v38;
	v22 =	vmov v29  }
0x522: {  	v33 =	vmul.f32 v33, v11;
	v24 =	vshrl.u32 v24, $0x3;
	v32 =	vld.idx.msk [tilespmem:v26+s26+$0x0], $0xffff;
	[tilespmem:v18+s18+$0x0] =	vst.idx.msk $0xffff, v39;
	v18 =	vmov v26  }
0x523: {  	v26 =	vmul.f32 v36, v11;
	v24 =	vshll.u32 v24, $0x3;
	v38 =	vld.idx.msk [tilespmem:v29+s26+$0x0], $0xffff;
	[tilespmem:v20+s18+$0x0] =	vst.idx.msk $0xffff, v28;
	v20 =	vmov v27  }
0x524: {  	v28 =	vadd.s32 v5, v25;
	v24 =	vadd.s32 v13, v24;
	v31 =	vld.idx.msk [tilespmem:v17+s26+$0x0], $0xffff;
	[tilespmem:v23+s18+$0x0] =	vst.idx.msk $0xffff, v33  }
.Ltmp23:
0x525: {  	v17 =	vmul.f32 v34, v11;
	v23 =	vmov v12;
	v25 =	vbroadcast v24, $0x0;
	v35 =	vld.idx.msk [tilespmem:v27+s26+$0x0], $0xffff;
	[tilespmem:v19+s18+$0x0] =	vst.idx.msk $0xffff, v26;
	(pc) =	sbr.rel @p0 .LBB2_49-.Ltmp23, $4  }
0x526: {  	v19 =	vmov v15;
	v33 =	vld.idx.msk [tilespmem:v12+s26+$0x0], $0xffff;
	v12 =	vmul.f32 v37, v11;
	v37 =	vmul.f32 v30, v11  }
0x527: {  	v26 =	vadd.s32 v0, v25;
	v36 =	vld.idx.msk [tilespmem:v15+s26+$0x0], $0xffff;
	v15 =	vadd.s32 v4, v25;
	[tilespmem:v40+s18+$0x0] =	vst.idx.msk $0xffff, v17  }
0x528: {  	v29 =	vadd.s32 v6, v25;
	v17 =	vadd.s32 v7, v25;
	v24 =	vadd.s32 v8, v25;
	v30 =	vld.idx.msk [tilespmem:v16+s26+$0x0], $0xffff  }
0x529: {  	v27 =	vadd.s32 v9, v25;
	v38 =	vmul.f32 v38, v11;
	v34 =	vld.idx.msk [tilespmem:v28+s26+$0x0], $0xffff;
	[tilespmem:v41+s18+$0x0] =	vst.idx.msk $0xffff, v12  }
0x52a: {  	s1 =	sadd.s32 $0x40, s10  }
0x52b: {  	v12 =	vmov s1  }
0x52c: {  	v13 =	vld [tilespmem:s11+$0x4B40];
	v12 =	vmul.u32 $0x30, v12;
	_ =	sdelay $0x1  }
0x52d: {  	v39 =	vbroadcast v12, $0x0;
	_ =	sdelay $0x1  }
0x52e: {  	v40 =	vadd.s32 v3, v39;
	_ =	sdelay $0x3  }
0x52f: {  	v13 =	vld.idx.msk [tilespmem:v13+s3+$0x0], $0xffff  }
0x530: {  	v40 =	vld.idx.msk [tilespmem:v40+s26+$0x0], $0xffff;
	_ =	sdelay $0x4  }
0x531: {  	v13 =	vadd.f32 v40, v13;
	_ =	sdelay $0x1  }
0x532: {  	v40 =	vmul.f32 $3.000000120e-01, v13  }
0x533: {  	v32 =	vmul.f32 v32, v11;
	vm0 =	vge.f32 v13, $0.0e+00  }
0x534: {  	[tilespmem:v21+s18+$0x0] =	vst.idx.msk $0xffff, v37;
	v21 =	vadd.s32 v10, v25;
	v13 =	vsel vm0, v13, v40  }
0x535: {  	[tilespmem:v22+s18+$0x0] =	vst.idx.msk $0xffff, v38;
	v22 =	vmul.f32 v35, v11;
	v13 =	vmul.f32 $1.442695020e+00, v13  }
0x536: {  	s29 =	simm.s32 $0x0;
	v54 =	vld.idx.msk [tilespmem:v29+s26+$0x0], $0xffff;
	[tilespmem:v18+s18+$0x0] =	vst.idx.msk $0xffff, v32;
	v18 =	vmul.f32 v33, v11;
	v55 =	vmul.f32 v36, v11  }
0x537: {  	v53 =	vld.idx.msk [tilespmem:v26+s26+$0x0], $0xffff;
	[tilespmem:v20+s18+$0x0] =	vst.idx.msk $0xffff, v22;
	v20 =	vadd.s32 v5, v25;
	(erf) = vpow2.f32 v13;
	v13 =	vmov s29  }
0x538: {  	v25 =	vmul.f32 v30, v11;
	[tilespmem:v23+s18+$0x0] =	vst.idx.msk $0xffff, v18;
	v18 =	vld.idx.msk [tilespmem:v27+s26+$0x0], $0xffff;
	v13 =	vshrl.u32 v13, $0x3  }
0x539: {  	v22 =	vmul.f32 v34, v11;
	[tilespmem:v19+s18+$0x0] =	vst.idx.msk $0xffff, v55;
	v23 =	vld.idx.msk [tilespmem:v21+s26+$0x0], $0xffff;
	v13 =	vshll.u32 v13, $0x3  }
0x53a: {  	v19 =	vmul.f32 v31, v11;
	[tilespmem:v16+s18+$0x0] =	vst.idx.msk $0xffff, v25;
	v13 =	vadd.s32 v12, v13  }
0x53b: {  	[tilespmem:v28+s18+$0x0] =	vst.idx.msk $0xffff, v22;
	v22 =	vbroadcast v13, $0x0;
	v13 =	vmul.f32 v54, v11  }
0x53c: {  	v30 =	vmul.f32 v53, v11;
	v28 =	vld.idx.msk [tilespmem:v15+s26+$0x0], $0xffff;
	[tilespmem:v14+s18+$0x0] =	vst.idx.msk $0xffff, v19  }
0x53d: {  	v14 =	vadd.s32 v2, v39;
	v16 =	vld.idx.msk [tilespmem:v20+s26+$0x0], $0xffff;
	[tilespmem:v29+s18+$0x0] =	vst.idx.msk $0xffff, v13;
	v13 =	vmul.f32 v18, v11  }
0x53e: {  	v23 =	vmul.f32 v23, v11;
	v25 =	vadd.s32 v6, v22  }
0x53f: {  	s31 =	simm.s32 $0x8;
	v19 =	vld.idx.msk [tilespmem:v17+s26+$0x0], $0xffff;
	[tilespmem:v26+s18+$0x0] =	vst.idx.msk $0xffff, v30;
	v29 =	vadd.s32 v0, v22  }
0x540: {  	v30 =	vmov s31;
	[tilespmem:v21+s18+$0x0] =	vst.idx.msk $0xffff, v23;
	v18 =	vld.idx.msk [tilespmem:v24+s26+$0x0], $0xffff;
	v26 =	vadd.s32 v9, v22  }
0x541: {  	v28 =	vmul.f32 v28, v11;
	v31 =	vadd.s32 v10, v22;
	[tilespmem:v27+s18+$0x0] =	vst.idx.msk $0xffff, v13;
	v27 =	vshrl.u32 v30, $0x3;
	v13 =	vpop (erf)  }
0x542: {  	v23 =	vmul.f32 v16, v11;
	v30 =	vadd.s32 v4, v22;
	[tilespmem:v14+s18+$0x0] =	vst.idx.msk $0xffff, v13;
	v14 =	vshll.u32 v27, $0x3  }
0x543: {  	[tilespmem:v15+s18+$0x0] =	vst.idx.msk $0xffff, v28;
	v57 =	vadd.s32 v5, v22;
	v21 =	vld.idx.msk [tilespmem:v25+s26+$0x0], $0xffff;
	v14 =	vadd.s32 v12, v14  }
0x544: {  	v56 =	vadd.s32 v7, v22;
	v27 =	vld.idx.msk [tilespmem:v29+s26+$0x0], $0xffff;
	v58 =	vbroadcast v14, $0x0;
	v14 =	vmul.f32 v19, v11  }
0x545: {  	[tilespmem:v20+s18+$0x0] =	vst.idx.msk $0xffff, v23;
	v16 =	vadd.s32 v8, v22;
	v22 =	vld.idx.msk [tilespmem:v26+s26+$0x0], $0xffff;
	v11 =	vmul.f32 v18, v11  }
0x546: {  	v20 =	vld.idx.msk [tilespmem:v31+s26+$0x0], $0xffff;
	v15 =	vadd.s32 v0, v58;
	[tilespmem:v17+s18+$0x0] =	vst.idx.msk $0xffff, v14  }
0x547: {  	v23 =	vld.idx.msk [tilespmem:v30+s26+$0x0], $0xffff;
	v19 =	vadd.s32 v6, v58;
	[tilespmem:v24+s18+$0x0] =	vst.idx.msk $0xffff, v11  }
0x548: {  	v59 =	vld.idx.msk [tilespmem:v57+s26+$0x0], $0xffff;
	v11 =	vadd.s32 v7, v58;
	v18 =	vadd.s32 v4, v58;
	v17 =	vadd.s32 v9, v58  }
0x549: {  	s1 =	simm.s32 $0x10;
	v24 =	vld.idx.msk [tilespmem:v56+s26+$0x0], $0xffff;
	v14 =	vadd.s32 v8, v58;
	v28 =	vmul.f32 v21, v13;
	v60 =	vmul.f32 v27, v13  }
0x54a: {  	v61 =	vld.idx.msk [tilespmem:v16+s26+$0x0], $0xffff;
	v21 =	vadd.s32 v10, v58;
	v27 =	vmov s1;
	v22 =	vmul.f32 v22, v13  }
0x54b: {  	v20 =	vmul.f32 v20, v13;
	[tilespmem:v25+s18+$0x0] =	vst.idx.msk $0xffff, v28;
	v25 =	vshrl.u32 v27, $0x3;
	v27 =	vld.idx.msk [tilespmem:v15+s26+$0x0], $0xffff  }
0x54c: {  	[tilespmem:v29+s18+$0x0] =	vst.idx.msk $0xffff, v60;
	v29 =	vmul.f32 v23, v13;
	v25 =	vshll.u32 v25, $0x3;
	v62 =	vld.idx.msk [tilespmem:v19+s26+$0x0], $0xffff  }
0x54d: {  	[tilespmem:v26+s18+$0x0] =	vst.idx.msk $0xffff, v22;
	v26 =	vadd.s32 v5, v58;
	v28 =	vld.idx.msk [tilespmem:v11+s26+$0x0], $0xffff;
	v22 =	vadd.s32 v12, v25  }
0x54e: {  	[tilespmem:v31+s18+$0x0] =	vst.idx.msk $0xffff, v20;
	v32 =	vld.idx.msk [tilespmem:v17+s26+$0x0], $0xffff;
	v63 =	vmul.f32 v24, v13;
	v23 =	vbroadcast v22, $0x0  }
0x54f: {  	v36 =	vmul.f32 v61, v13;
	v34 =	vld.idx.msk [tilespmem:v18+s26+$0x0], $0xffff;
	[tilespmem:v30+s18+$0x0] =	vst.idx.msk $0xffff, v29;
	v22 =	vmul.f32 v59, v13  }
0x550: {  	v29 =	vld.idx.msk [tilespmem:v14+s26+$0x0], $0xffff;
	[tilespmem:v56+s18+$0x0] =	vst.idx.msk $0xffff, v63;
	v24 =	vadd.s32 v0, v23;
	v20 =	vadd.s32 v4, v23  }
0x551: {  	v33 =	vld.idx.msk [tilespmem:v21+s26+$0x0], $0xffff;
	[tilespmem:v57+s18+$0x0] =	vst.idx.msk $0xffff, v22;
	v30 =	vadd.s32 v6, v23;
	v22 =	vadd.s32 v7, v23  }
0x552: {  	v31 =	vadd.s32 v8, v23;
	v25 =	vadd.s32 v9, v23;
	v35 =	vld.idx.msk [tilespmem:v26+s26+$0x0], $0xffff;
	v37 =	vmul.f32 v62, v13  }
.LBB2_51:
0x553: {  	v38 =	vadd.s32 v10, v23;
	v39 =	vmul.f32 v27, v13;
	v40 =	vmov v26  }
0x554: {  	s1 =	sadd.s32 $0x8, s1;
	[tilespmem:v16+s18+$0x0] =	vst.idx.msk $0xffff, v36;
	v36 =	vmovc v28;
	v41 =	vmovc v11;
	v11 =	vmov v22;
	v16 =	vmov v14;
	v14 =	vmov v31  }
0x555: {  	v28 =	vmul.f32 v32, v13;
	v26 =	vmov s1;
	p0 =	slt.u32 s1, $0x18;
	[tilespmem:v19+s18+$0x0] =	vst.idx.msk $0xffff, v37;
	v19 =	vmov v30  }
0x556: {  	v31 =	vmul.f32 v33, v13;
	v26 =	vshrl.u32 v26, $0x3;
	v27 =	vld.idx.msk [tilespmem:v24+s26+$0x0], $0xffff;
	[tilespmem:v15+s18+$0x0] =	vst.idx.msk $0xffff, v39;
	v15 =	vmov v24  }
0x557: {  	v24 =	vshll.u32 v26, $0x3;
	v37 =	vld.idx.msk [tilespmem:v30+s26+$0x0], $0xffff;
	v30 =	vmul.f32 v34, v13;
	[tilespmem:v17+s18+$0x0] =	vst.idx.msk $0xffff, v28;
	v17 =	vmov v25  }
0x558: {  	v26 =	vadd.s32 v5, v23;
	v24 =	vadd.s32 v12, v24;
	v28 =	vld.idx.msk [tilespmem:v22+s26+$0x0], $0xffff;
	[tilespmem:v21+s18+$0x0] =	vst.idx.msk $0xffff, v31  }
.Ltmp24:
0x559: {  	v22 =	vmul.f32 v35, v13;
	v21 =	vmov v38;
	v23 =	vbroadcast v24, $0x0;
	v32 =	vld.idx.msk [tilespmem:v25+s26+$0x0], $0xffff;
	[tilespmem:v18+s18+$0x0] =	vst.idx.msk $0xffff, v30;
	(pc) =	sbr.rel @p0 .LBB2_51-.Ltmp24, $4  }
0x55a: {  	v18 =	vmov v20;
	v33 =	vld.idx.msk [tilespmem:v38+s26+$0x0], $0xffff;
	v38 =	vmul.f32 v36, v13;
	v36 =	vmul.f32 v29, v13  }
0x55b: {  	v24 =	vadd.s32 v0, v23;
	v34 =	vld.idx.msk [tilespmem:v20+s26+$0x0], $0xffff;
	v20 =	vadd.s32 v4, v23;
	[tilespmem:v40+s18+$0x0] =	vst.idx.msk $0xffff, v22  }
0x55c: {  	v30 =	vadd.s32 v6, v23;
	v22 =	vadd.s32 v7, v23;
	v31 =	vadd.s32 v8, v23;
	v29 =	vld.idx.msk [tilespmem:v14+s26+$0x0], $0xffff  }
0x55d: {  	v25 =	vadd.s32 v9, v23;
	v37 =	vmul.f32 v37, v13;
	v35 =	vld.idx.msk [tilespmem:v26+s26+$0x0], $0xffff;
	[tilespmem:v41+s18+$0x0] =	vst.idx.msk $0xffff, v38  }
0x55e: {  	_ =	sdelay $0x3  }
0x55f: {  	v27 =	vmul.f32 v27, v13;
	[tilespmem:v16+s18+$0x0] =	vst.idx.msk $0xffff, v36  }
0x560: {  	v46 =	vmul.f32 v32, v13;
	[tilespmem:v19+s18+$0x0] =	vst.idx.msk $0xffff, v37  }
0x561: {  	v48 =	vld.idx.msk [tilespmem:v30+s26+$0x0], $0xffff;
	v55 =	vmul.f32 v28, v13;
	[tilespmem:v15+s18+$0x0] =	vst.idx.msk $0xffff, v27  }
0x562: {  	v12 =	vadd.s32 v10, v23;
	v50 =	vld.idx.msk [tilespmem:v24+s26+$0x0], $0xffff;
	v47 =	vmul.f32 v33, v13;
	[tilespmem:v17+s18+$0x0] =	vst.idx.msk $0xffff, v46  }
0x563: {  	v49 =	vadd.s32 v5, v23;
	v52 =	vld.idx.msk [tilespmem:v25+s26+$0x0], $0xffff;
	v51 =	vmul.f32 v34, v13;
	[tilespmem:v11+s18+$0x0] =	vst.idx.msk $0xffff, v55  }
0x564: {  	v57 =	vld.idx.msk [tilespmem:v20+s26+$0x0], $0xffff;
	[tilespmem:v21+s18+$0x0] =	vst.idx.msk $0xffff, v47;
	v56 =	vmul.f32 v29, v13  }
0x565: {  	v60 =	vld.idx.msk [tilespmem:v31+s26+$0x0], $0xffff;
	v53 =	vmul.f32 v35, v13;
	[tilespmem:v18+s18+$0x0] =	vst.idx.msk $0xffff, v51  }
0x566: {  	v11 =	vld.idx.msk [tilespmem:v22+s26+$0x0], $0xffff;
	v19 =	vmul.f32 v48, v13;
	[tilespmem:v14+s18+$0x0] =	vst.idx.msk $0xffff, v56  }
0x567: {  	v54 =	vld.idx.msk [tilespmem:v12+s26+$0x0], $0xffff;
	v59 =	vmul.f32 v50, v13;
	[tilespmem:v26+s18+$0x0] =	vst.idx.msk $0xffff, v53  }
0x568: {  	v58 =	vld.idx.msk [tilespmem:v49+s26+$0x0], $0xffff;
	v15 =	vmul.f32 v52, v13;
	[tilespmem:v30+s18+$0x0] =	vst.idx.msk $0xffff, v19  }
0x569: {  	v61 =	vmul.f32 v57, v13;
	[tilespmem:v24+s18+$0x0] =	vst.idx.msk $0xffff, v59  }
0x56a: {  	p0 =	slt.u32 s8, $0x14;
	v63 =	vmul.f32 v60, v13;
	[tilespmem:v25+s18+$0x0] =	vst.idx.msk $0xffff, v15  }
.Ltmp25:
0x56b: {  	[tilespmem:v20+s18+$0x0] =	vst.idx.msk $0xffff, v61;
	v11 =	vmul.f32 v11, v13;
	(pc) =	sbr.rel @p0 .LBB2_42-.Ltmp25, $4  }
0x56c: {  	[tilespmem:v31+s18+$0x0] =	vst.idx.msk $0xffff, v63;
	v17 =	vmul.f32 v54, v13  }
0x56d: {  	[tilespmem:v22+s18+$0x0] =	vst.idx.msk $0xffff, v11;
	v62 =	vmul.f32 v58, v13  }
0x56e: {  	s1 =	sadd.s32 $0x5, s8;
	[tilespmem:v12+s18+$0x0] =	vst.idx.msk $0xffff, v17  }
0x56f: {  	s8 =	smov.u32 s1;
	[tilespmem:v49+s18+$0x0] =	vst.idx.msk $0xffff, v62  }
0x570: {  	s1 =	simm.s32 $0x4B00  }
0x571: {  	[spmem:s2] =	stream.indirect.scatter.add.f32 [tilespmem:s18], [sflag:$0x3], $0x30, s1, s23, $0xb8;
	[tilespmem:$0x1CE30] =	vst v63  }
0x572: {  	s17 =	simm.s32 $0x4B50  }
0x573: {  	[spmem:s2] =	stream.indirect.scatter.add.f32 [tilespmem:s19], [sflag:$0x3], $0x30, s17, s23, $0xb8;
	[tilespmem:$0x1CE30] =	vst v63  }
0x574: {  	s24 =	simm.s32 $0x4BA0  }
0x575: {  	[spmem:s2] =	stream.indirect.scatter.add.f32 [tilespmem:s4], [sflag:$0x3], $0x30, s24, s23, $0xb8;
	[tilespmem:$0x1CE30] =	vst v63  }
0x576: {  	s29 =	simm.s32 $0x4BF0  }
0x577: {  	[spmem:s2] =	stream.indirect.scatter.add.f32 [tilespmem:s6], [sflag:$0x3], $0x30, s29, s23, $0xb8;
	[tilespmem:$0x1CE30] =	vst v63  }
0x578: {  	s31 =	simm.s32 $0x4C40  }
0x579: {  	[spmem:s2] =	stream.indirect.scatter.add.f32 [tilespmem:s7], [sflag:$0x3], $0x30, s31, s23, $0xb8;
	[tilespmem:$0x1CE30] =	vst v63  }
0x57a: {  	_ =	swait.ge [sflag:s21], $0xF00  }
0x57b: {  	[sflag:s21] =	ssyncset.done $0x0  }
0x57c: {  	[sflag:s21] =	ssyncadd.s32 $0xFFFFF100  }
0x57d: {  	_ =	swait.ge [sflag:s21], $0xF00  }
0x57e: {  	[sflag:s21] =	ssyncset.done $0x0  }
0x57f: {  	[sflag:s21] =	ssyncadd.s32 $0xFFFFF100  }
0x580: {  	_ =	swait.ge [sflag:s21], $0xF00  }
0x581: {  	[sflag:s21] =	ssyncset.done $0x0  }
0x582: {  	[sflag:s21] =	ssyncadd.s32 $0xFFFFF100  }
0x583: {  	_ =	swait.ge [sflag:s21], $0xF00  }
0x584: {  	[sflag:s21] =	ssyncset.done $0x0  }
0x585: {  	[sflag:s21] =	ssyncadd.s32 $0xFFFFF100  }
0x586: {  	_ =	swait.ge [sflag:s21], $0xF00  }
0x587: {  	[sflag:s21] =	ssyncset.done $0x0  }
0x588: {  	[sflag:s21] =	ssyncadd.s32 $0xFFFFF100  }
0x589: {  	_ =	swait.ge [sflag:s9], $0xF00  }
0x58a: {  	[sflag:s9] =	ssyncset.done $0x0  }
0x58b: {  	[sflag:s9] =	ssyncadd.s32 $0xFFFFF100  }
0x58c: {  	_ =	swait.ge [sflag:s9], $0xF00  }
0x58d: {  	[sflag:s9] =	ssyncset.done $0x0  }
0x58e: {  	[sflag:s9] =	ssyncadd.s32 $0xFFFFF100  }
0x58f: {  	_ =	swait.ge [sflag:s9], $0xF00  }
0x590: {  	[sflag:s9] =	ssyncset.done $0x0  }
0x591: {  	[sflag:s9] =	ssyncadd.s32 $0xFFFFF100  }
0x592: {  	_ =	swait.ge [sflag:s9], $0xF00  }
0x593: {  	[sflag:s9] =	ssyncset.done $0x0  }
0x594: {  	[sflag:s9] =	ssyncadd.s32 $0xFFFFF100  }
0x595: {  	_ =	swait.ge [sflag:s9], $0xF00  }
0x596: {  	[sflag:s9] =	ssyncset.done $0x0  }
0x597: {  	s8 =	simm.s32 $0x0;
	s13 =	simm.s32 $0x4E20;
	[sflag:s9] =	ssyncadd.s32 $0xFFFFF100  }
.LBB2_54:
0x598: {  	s1 =	smul.u32 $0xCD, s8;
	_ =	sdelay $0x1  }
0x599: {  	s1 =	sshrl.u32 s1, $0xA  }
0x59a: {  	s10 =	sshll.u32 s8, $0x4;
	s1 =	sand.u32 $0x3F, s1  }
0x59b: {  	v11 =	vmov s10;
	s1 =	smul.u32 $0x140, s1  }
0x59c: {  	v13 =	vmul.u32 $0x30, v11  }
0x59d: {  	s11 =	sshrl.u32 s1, $0x2  }
0x59e: {  	v11 =	vbroadcast v13, $0x0;
	v12 =	vld [tilespmem:s11+$0x4C90];
	_ =	sdelay $0x1  }
0x59f: {  	v14 =	vadd.s32 v3, v11;
	_ =	sdelay $0x4  }
0x5a0: {  	v14 =	vld.idx.msk [tilespmem:v14+s20+$0x0], $0xffff  }
0x5a1: {  	v12 =	vld.idx.msk [tilespmem:v12+s3+$0x0], $0xffff;
	_ =	sdelay $0x4  }
0x5a2: {  	v12 =	vadd.f32 v14, v12;
	_ =	sdelay $0x1  }
0x5a3: {  	v14 =	vmul.f32 $3.000000120e-01, v12  }
0x5a4: {  	vm0 =	vge.f32 v12, $0.0e+00  }
0x5a5: {  	v12 =	vsel vm0, v12, v14  }
0x5a6: {  	v12 =	vmul.f32 $1.442695020e+00, v12  }
0x5a7: {  	s29 =	simm.s32 $0x0  }
0x5a8: {  	(erf) = vpow2.f32 v12;
	v12 =	vmov s29  }
0x5a9: {  	v12 =	vshrl.u32 v12, $0x3  }
0x5aa: {  	v12 =	vshll.u32 v12, $0x3  }
0x5ab: {  	v12 =	vadd.s32 v13, v12  }
0x5ac: {  	v14 =	vbroadcast v12, $0x0  }
0x5ad: {  	v11 =	vadd.s32 v2, v11  }
0x5ae: {  	v16 =	vadd.s32 v6, v14  }
0x5af: {  	s31 =	simm.s32 $0x8;
	v23 =	vadd.s32 v0, v14  }
0x5b0: {  	v15 =	vmov s31;
	v24 =	vadd.s32 v9, v14  }
0x5b1: {  	v15 =	vshrl.u32 v15, $0x3;
	v38 =	vadd.s32 v7, v14;
	v12 =	vpop (erf)  }
0x5b2: {  	v25 =	vadd.s32 v10, v14;
	[tilespmem:v11+s18+$0x0] =	vst.idx.msk $0xffff, v12;
	v11 =	vshll.u32 v15, $0x3  }
0x5b3: {  	v26 =	vadd.s32 v4, v14;
	v15 =	vld.idx.msk [tilespmem:v16+s20+$0x0], $0xffff;
	v11 =	vadd.s32 v13, v11  }
0x5b4: {  	v28 =	vadd.s32 v5, v14;
	v22 =	vld.idx.msk [tilespmem:v23+s20+$0x0], $0xffff;
	v27 =	vbroadcast v11, $0x0  }
0x5b5: {  	v21 =	vadd.s32 v8, v14;
	v14 =	vld.idx.msk [tilespmem:v24+s20+$0x0], $0xffff  }
0x5b6: {  	v33 =	vld.idx.msk [tilespmem:v38+s20+$0x0], $0xffff;
	v18 =	vadd.s32 v0, v27  }
0x5b7: {  	v29 =	vld.idx.msk [tilespmem:v25+s20+$0x0], $0xffff;
	v20 =	vadd.s32 v6, v27;
	v11 =	vadd.s32 v7, v27  }
0x5b8: {  	v30 =	vld.idx.msk [tilespmem:v26+s20+$0x0], $0xffff;
	v17 =	vadd.s32 v4, v27;
	v19 =	vadd.s32 v9, v27;
	v31 =	vmul.f32 v15, v12  }
0x5b9: {  	s1 =	simm.s32 $0x10;
	v32 =	vld.idx.msk [tilespmem:v28+s20+$0x0], $0xffff;
	v34 =	vmul.f32 v22, v12;
	v15 =	vadd.s32 v8, v27;
	v22 =	vadd.s32 v10, v27  }
0x5ba: {  	v36 =	vmov s1;
	v35 =	vld.idx.msk [tilespmem:v21+s20+$0x0], $0xffff;
	v14 =	vmul.f32 v14, v12;
	v27 =	vadd.s32 v5, v27;
	[tilespmem:v16+s18+$0x0] =	vst.idx.msk $0xffff, v31  }
0x5bb: {  	v39 =	vmul.f32 v33, v12;
	v16 =	vshrl.u32 v36, $0x3;
	[tilespmem:v23+s18+$0x0] =	vst.idx.msk $0xffff, v34;
	v31 =	vld.idx.msk [tilespmem:v18+s20+$0x0], $0xffff  }
0x5bc: {  	v23 =	vmul.f32 v29, v12;
	[tilespmem:v24+s18+$0x0] =	vst.idx.msk $0xffff, v14;
	v16 =	vshll.u32 v16, $0x3;
	v37 =	vld.idx.msk [tilespmem:v20+s20+$0x0], $0xffff  }
0x5bd: {  	v29 =	vmul.f32 v30, v12;
	[tilespmem:v38+s18+$0x0] =	vst.idx.msk $0xffff, v39;
	v30 =	vld.idx.msk [tilespmem:v11+s20+$0x0], $0xffff;
	v14 =	vadd.s32 v13, v16  }
0x5be: {  	v34 =	vld.idx.msk [tilespmem:v19+s20+$0x0], $0xffff;
	[tilespmem:v25+s18+$0x0] =	vst.idx.msk $0xffff, v23;
	v16 =	vmul.f32 v32, v12;
	v24 =	vbroadcast v14, $0x0  }
0x5bf: {  	v36 =	vmul.f32 v35, v12;
	v35 =	vld.idx.msk [tilespmem:v17+s20+$0x0], $0xffff;
	[tilespmem:v26+s18+$0x0] =	vst.idx.msk $0xffff, v29  }
0x5c0: {  	v32 =	vld.idx.msk [tilespmem:v22+s20+$0x0], $0xffff;
	[tilespmem:v28+s18+$0x0] =	vst.idx.msk $0xffff, v16;
	v25 =	vadd.s32 v0, v24  }
0x5c1: {  	v29 =	vld.idx.msk [tilespmem:v15+s20+$0x0], $0xffff;
	v14 =	vadd.s32 v4, v24;
	v28 =	vadd.s32 v6, v24;
	v16 =	vadd.s32 v7, v24  }
0x5c2: {  	v33 =	vld.idx.msk [tilespmem:v27+s20+$0x0], $0xffff;
	v23 =	vadd.s32 v8, v24;
	v26 =	vadd.s32 v9, v24;
	v37 =	vmul.f32 v37, v12  }
.LBB2_55:
0x5c3: {  	v38 =	vadd.s32 v10, v24;
	v39 =	vmul.f32 v31, v12;
	v40 =	vmov v27  }
0x5c4: {  	s1 =	sadd.s32 $0x8, s1;
	[tilespmem:v21+s18+$0x0] =	vst.idx.msk $0xffff, v36;
	v36 =	vmovc v30;
	v41 =	vmovc v11;
	v11 =	vmov v16;
	v21 =	vmov v15;
	v15 =	vmov v23  }
0x5c5: {  	v27 =	vmul.f32 v34, v12;
	v23 =	vmov s1;
	p0 =	slt.u32 s1, $0x18;
	[tilespmem:v20+s18+$0x0] =	vst.idx.msk $0xffff, v37;
	v20 =	vmov v28  }
0x5c6: {  	v32 =	vmul.f32 v32, v12;
	v23 =	vshrl.u32 v23, $0x3;
	v31 =	vld.idx.msk [tilespmem:v25+s20+$0x0], $0xffff;
	[tilespmem:v18+s18+$0x0] =	vst.idx.msk $0xffff, v39;
	v18 =	vmov v25  }
0x5c7: {  	v25 =	vmul.f32 v35, v12;
	v23 =	vshll.u32 v23, $0x3;
	v37 =	vld.idx.msk [tilespmem:v28+s20+$0x0], $0xffff;
	[tilespmem:v19+s18+$0x0] =	vst.idx.msk $0xffff, v27;
	v19 =	vmov v26  }
0x5c8: {  	v27 =	vadd.s32 v5, v24;
	v23 =	vadd.s32 v13, v23;
	v30 =	vld.idx.msk [tilespmem:v16+s20+$0x0], $0xffff;
	[tilespmem:v22+s18+$0x0] =	vst.idx.msk $0xffff, v32  }
.Ltmp26:
0x5c9: {  	v16 =	vmul.f32 v33, v12;
	v22 =	vmov v38;
	v24 =	vbroadcast v23, $0x0;
	v34 =	vld.idx.msk [tilespmem:v26+s20+$0x0], $0xffff;
	[tilespmem:v17+s18+$0x0] =	vst.idx.msk $0xffff, v25;
	(pc) =	sbr.rel @p0 .LBB2_55-.Ltmp26, $4  }
0x5ca: {  	v17 =	vmov v14;
	v32 =	vld.idx.msk [tilespmem:v38+s20+$0x0], $0xffff;
	v38 =	vmul.f32 v36, v12;
	v36 =	vmul.f32 v29, v12  }
0x5cb: {  	v25 =	vadd.s32 v0, v24;
	v35 =	vld.idx.msk [tilespmem:v14+s20+$0x0], $0xffff;
	v14 =	vadd.s32 v4, v24;
	[tilespmem:v40+s18+$0x0] =	vst.idx.msk $0xffff, v16  }
0x5cc: {  	v28 =	vadd.s32 v6, v24;
	v16 =	vadd.s32 v7, v24;
	v23 =	vadd.s32 v8, v24;
	v29 =	vld.idx.msk [tilespmem:v15+s20+$0x0], $0xffff  }
0x5cd: {  	v26 =	vadd.s32 v9, v24;
	v37 =	vmul.f32 v37, v12;
	v33 =	vld.idx.msk [tilespmem:v27+s20+$0x0], $0xffff;
	[tilespmem:v41+s18+$0x0] =	vst.idx.msk $0xffff, v38  }
0x5ce: {  	s1 =	sadd.s32 $0x10, s10  }
0x5cf: {  	v13 =	vmov s1  }
0x5d0: {  	v38 =	vld [tilespmem:s11+$0x4CA0];
	v13 =	vmul.u32 $0x30, v13;
	_ =	sdelay $0x1  }
0x5d1: {  	v39 =	vbroadcast v13, $0x0;
	_ =	sdelay $0x1  }
0x5d2: {  	v40 =	vadd.s32 v3, v39;
	_ =	sdelay $0x3  }
0x5d3: {  	v38 =	vld.idx.msk [tilespmem:v38+s3+$0x0], $0xffff  }
0x5d4: {  	v40 =	vld.idx.msk [tilespmem:v40+s20+$0x0], $0xffff;
	_ =	sdelay $0x4  }
0x5d5: {  	v38 =	vadd.f32 v40, v38;
	_ =	sdelay $0x1  }
0x5d6: {  	v40 =	vmul.f32 $3.000000120e-01, v38  }
0x5d7: {  	v31 =	vmul.f32 v31, v12;
	vm0 =	vge.f32 v38, $0.0e+00  }
0x5d8: {  	[tilespmem:v21+s18+$0x0] =	vst.idx.msk $0xffff, v36;
	v53 =	vadd.s32 v10, v24;
	v38 =	vsel vm0, v38, v40  }
0x5d9: {  	[tilespmem:v20+s18+$0x0] =	vst.idx.msk $0xffff, v37;
	v20 =	vmul.f32 v34, v12;
	v21 =	vmul.f32 $1.442695020e+00, v38  }
0x5da: {  	v54 =	vld.idx.msk [tilespmem:v25+s20+$0x0], $0xffff;
	s29 =	simm.s32 $0x0;
	[tilespmem:v18+s18+$0x0] =	vst.idx.msk $0xffff, v31;
	v18 =	vmul.f32 v32, v12;
	v55 =	vmul.f32 v35, v12  }
0x5db: {  	v31 =	vld.idx.msk [tilespmem:v28+s20+$0x0], $0xffff;
	[tilespmem:v19+s18+$0x0] =	vst.idx.msk $0xffff, v20;
	v19 =	vadd.s32 v5, v24;
	(erf) = vpow2.f32 v21;
	v21 =	vmov s29  }
0x5dc: {  	v24 =	vmul.f32 v29, v12;
	[tilespmem:v22+s18+$0x0] =	vst.idx.msk $0xffff, v18;
	v18 =	vld.idx.msk [tilespmem:v26+s20+$0x0], $0xffff;
	v20 =	vshrl.u32 v21, $0x3  }
0x5dd: {  	[tilespmem:v17+s18+$0x0] =	vst.idx.msk $0xffff, v55;
	v17 =	vmul.f32 v30, v12;
	v22 =	vld.idx.msk [tilespmem:v53+s20+$0x0], $0xffff;
	v20 =	vshll.u32 v20, $0x3  }
0x5de: {  	[tilespmem:v15+s18+$0x0] =	vst.idx.msk $0xffff, v24;
	v21 =	vmul.f32 v33, v12;
	v20 =	vadd.s32 v13, v20  }
0x5df: {  	[tilespmem:v11+s18+$0x0] =	vst.idx.msk $0xffff, v17;
	v11 =	vmul.f32 v54, v12;
	v20 =	vbroadcast v20, $0x0  }
0x5e0: {  	v17 =	vadd.s32 v2, v39;
	v15 =	vld.idx.msk [tilespmem:v19+s20+$0x0], $0xffff;
	[tilespmem:v27+s18+$0x0] =	vst.idx.msk $0xffff, v21;
	v27 =	vmul.f32 v31, v12  }
0x5e1: {  	[tilespmem:v25+s18+$0x0] =	vst.idx.msk $0xffff, v11;
	v18 =	vmul.f32 v18, v12;
	v21 =	vld.idx.msk [tilespmem:v14+s20+$0x0], $0xffff;
	v24 =	vadd.s32 v6, v20  }
0x5e2: {  	s31 =	simm.s32 $0x8;
	v29 =	vld.idx.msk [tilespmem:v16+s20+$0x0], $0xffff;
	v22 =	vmul.f32 v22, v12;
	[tilespmem:v28+s18+$0x0] =	vst.idx.msk $0xffff, v27;
	v27 =	vadd.s32 v0, v20  }
0x5e3: {  	v30 =	vmov s31;
	[tilespmem:v26+s18+$0x0] =	vst.idx.msk $0xffff, v18;
	v28 =	vld.idx.msk [tilespmem:v23+s20+$0x0], $0xffff;
	v26 =	vadd.s32 v10, v20  }
0x5e4: {  	v18 =	vshrl.u32 v30, $0x3;
	[tilespmem:v53+s18+$0x0] =	vst.idx.msk $0xffff, v22;
	v25 =	vadd.s32 v9, v20;
	v11 =	vpop (erf)  }
0x5e5: {  	v15 =	vmul.f32 v15, v12;
	v56 =	vadd.s32 v4, v20;
	[tilespmem:v17+s18+$0x0] =	vst.idx.msk $0xffff, v11;
	v17 =	vshll.u32 v18, $0x3  }
0x5e6: {  	v58 =	vadd.s32 v5, v20;
	v21 =	vmul.f32 v21, v12;
	v18 =	vld.idx.msk [tilespmem:v24+s20+$0x0], $0xffff;
	v17 =	vadd.s32 v13, v17  }
0x5e7: {  	v57 =	vadd.s32 v7, v20;
	v20 =	vadd.s32 v8, v20;
	v22 =	vld.idx.msk [tilespmem:v27+s20+$0x0], $0xffff;
	v30 =	vbroadcast v17, $0x0  }
0x5e8: {  	[tilespmem:v14+s18+$0x0] =	vst.idx.msk $0xffff, v21;
	v14 =	vmul.f32 v29, v12;
	v12 =	vmul.f32 v28, v12;
	v28 =	vld.idx.msk [tilespmem:v26+s20+$0x0], $0xffff  }
0x5e9: {  	[tilespmem:v19+s18+$0x0] =	vst.idx.msk $0xffff, v15;
	v29 =	vld.idx.msk [tilespmem:v25+s20+$0x0], $0xffff;
	v17 =	vadd.s32 v0, v30  }
0x5ea: {  	s1 =	simm.s32 $0x10;
	[tilespmem:v16+s18+$0x0] =	vst.idx.msk $0xffff, v14;
	v14 =	vld.idx.msk [tilespmem:v56+s20+$0x0], $0xffff;
	v21 =	vadd.s32 v6, v30  }
0x5eb: {  	v31 =	vmov s1;
	v59 =	vld.idx.msk [tilespmem:v58+s20+$0x0], $0xffff;
	[tilespmem:v23+s18+$0x0] =	vst.idx.msk $0xffff, v12;
	v12 =	vadd.s32 v7, v30;
	v19 =	vadd.s32 v9, v30  }
0x5ec: {  	v16 =	vld.idx.msk [tilespmem:v57+s20+$0x0], $0xffff;
	v15 =	vadd.s32 v8, v30;
	v23 =	vmul.f32 v18, v11;
	v18 =	vadd.s32 v4, v30  }
0x5ed: {  	v61 =	vld.idx.msk [tilespmem:v20+s20+$0x0], $0xffff;
	v60 =	vmul.f32 v22, v11;
	v22 =	vadd.s32 v10, v30;
	v28 =	vmul.f32 v28, v11  }
0x5ee: {  	[tilespmem:v24+s18+$0x0] =	vst.idx.msk $0xffff, v23;
	v23 =	vmul.f32 v29, v11;
	v24 =	vshrl.u32 v31, $0x3;
	v31 =	vld.idx.msk [tilespmem:v17+s20+$0x0], $0xffff  }
0x5ef: {  	v14 =	vmul.f32 v14, v11;
	[tilespmem:v27+s18+$0x0] =	vst.idx.msk $0xffff, v60;
	v24 =	vshll.u32 v24, $0x3;
	v62 =	vld.idx.msk [tilespmem:v21+s20+$0x0], $0xffff  }
0x5f0: {  	v27 =	vadd.s32 v5, v30;
	v30 =	vld.idx.msk [tilespmem:v12+s20+$0x0], $0xffff;
	[tilespmem:v25+s18+$0x0] =	vst.idx.msk $0xffff, v23;
	v23 =	vadd.s32 v13, v24  }
0x5f1: {  	v63 =	vmul.f32 v16, v11;
	[tilespmem:v26+s18+$0x0] =	vst.idx.msk $0xffff, v28;
	v34 =	vld.idx.msk [tilespmem:v19+s20+$0x0], $0xffff;
	v24 =	vbroadcast v23, $0x0  }
0x5f2: {  	v36 =	vmul.f32 v61, v11;
	[tilespmem:v56+s18+$0x0] =	vst.idx.msk $0xffff, v14;
	v29 =	vld.idx.msk [tilespmem:v15+s20+$0x0], $0xffff;
	v23 =	vmul.f32 v59, v11  }
0x5f3: {  	[tilespmem:v57+s18+$0x0] =	vst.idx.msk $0xffff, v63;
	v32 =	vld.idx.msk [tilespmem:v22+s20+$0x0], $0xffff;
	v25 =	vadd.s32 v0, v24;
	v14 =	vadd.s32 v4, v24  }
0x5f4: {  	v35 =	vld.idx.msk [tilespmem:v18+s20+$0x0], $0xffff;
	[tilespmem:v58+s18+$0x0] =	vst.idx.msk $0xffff, v23;
	v28 =	vadd.s32 v6, v24;
	v16 =	vadd.s32 v7, v24  }
0x5f5: {  	v23 =	vadd.s32 v8, v24;
	v26 =	vadd.s32 v9, v24;
	v33 =	vld.idx.msk [tilespmem:v27+s20+$0x0], $0xffff;
	v37 =	vmul.f32 v62, v11  }
.LBB2_57:
0x5f6: {  	v38 =	vadd.s32 v10, v24;
	v39 =	vmul.f32 v31, v11;
	v40 =	vmov v27  }
0x5f7: {  	s1 =	sadd.s32 $0x8, s1;
	[tilespmem:v20+s18+$0x0] =	vst.idx.msk $0xffff, v36;
	v36 =	vmovc v30;
	v41 =	vmovc v12;
	v12 =	vmov v16;
	v20 =	vmov v15;
	v15 =	vmov v23  }
0x5f8: {  	v27 =	vmul.f32 v34, v11;
	v23 =	vmov s1;
	p0 =	slt.u32 s1, $0x18;
	[tilespmem:v21+s18+$0x0] =	vst.idx.msk $0xffff, v37;
	v21 =	vmov v28  }
0x5f9: {  	v32 =	vmul.f32 v32, v11;
	v23 =	vshrl.u32 v23, $0x3;
	v31 =	vld.idx.msk [tilespmem:v25+s20+$0x0], $0xffff;
	[tilespmem:v17+s18+$0x0] =	vst.idx.msk $0xffff, v39;
	v17 =	vmov v25  }
0x5fa: {  	v25 =	vmul.f32 v35, v11;
	v23 =	vshll.u32 v23, $0x3;
	v37 =	vld.idx.msk [tilespmem:v28+s20+$0x0], $0xffff;
	[tilespmem:v19+s18+$0x0] =	vst.idx.msk $0xffff, v27;
	v19 =	vmov v26  }
0x5fb: {  	v27 =	vadd.s32 v5, v24;
	v23 =	vadd.s32 v13, v23;
	v30 =	vld.idx.msk [tilespmem:v16+s20+$0x0], $0xffff;
	[tilespmem:v22+s18+$0x0] =	vst.idx.msk $0xffff, v32  }
.Ltmp27:
0x5fc: {  	v16 =	vmul.f32 v33, v11;
	v22 =	vmov v38;
	v24 =	vbroadcast v23, $0x0;
	v34 =	vld.idx.msk [tilespmem:v26+s20+$0x0], $0xffff;
	[tilespmem:v18+s18+$0x0] =	vst.idx.msk $0xffff, v25;
	(pc) =	sbr.rel @p0 .LBB2_57-.Ltmp27, $4  }
0x5fd: {  	v18 =	vmov v14;
	v32 =	vld.idx.msk [tilespmem:v38+s20+$0x0], $0xffff;
	v38 =	vmul.f32 v36, v11;
	v36 =	vmul.f32 v29, v11  }
0x5fe: {  	v25 =	vadd.s32 v0, v24;
	v35 =	vld.idx.msk [tilespmem:v14+s20+$0x0], $0xffff;
	v14 =	vadd.s32 v4, v24;
	[tilespmem:v40+s18+$0x0] =	vst.idx.msk $0xffff, v16  }
0x5ff: {  	v28 =	vadd.s32 v6, v24;
	v16 =	vadd.s32 v7, v24;
	v23 =	vadd.s32 v8, v24;
	v29 =	vld.idx.msk [tilespmem:v15+s20+$0x0], $0xffff  }
0x600: {  	v26 =	vadd.s32 v9, v24;
	v37 =	vmul.f32 v37, v11;
	v33 =	vld.idx.msk [tilespmem:v27+s20+$0x0], $0xffff;
	[tilespmem:v41+s18+$0x0] =	vst.idx.msk $0xffff, v38  }
0x601: {  	s1 =	sadd.s32 $0x20, s10  }
0x602: {  	v13 =	vmov s1  }
0x603: {  	v38 =	vld [tilespmem:s11+$0x4CB0];
	v13 =	vmul.u32 $0x30, v13;
	_ =	sdelay $0x1  }
0x604: {  	v39 =	vbroadcast v13, $0x0;
	_ =	sdelay $0x1  }
0x605: {  	v40 =	vadd.s32 v3, v39;
	_ =	sdelay $0x3  }
0x606: {  	v38 =	vld.idx.msk [tilespmem:v38+s3+$0x0], $0xffff  }
0x607: {  	v40 =	vld.idx.msk [tilespmem:v40+s20+$0x0], $0xffff;
	_ =	sdelay $0x4  }
0x608: {  	v38 =	vadd.f32 v40, v38;
	_ =	sdelay $0x1  }
0x609: {  	v40 =	vmul.f32 $3.000000120e-01, v38  }
0x60a: {  	vm0 =	vge.f32 v38, $0.0e+00  }
0x60b: {  	v31 =	vmul.f32 v31, v11;
	[tilespmem:v20+s18+$0x0] =	vst.idx.msk $0xffff, v36;
	v38 =	vsel vm0, v38, v40  }
0x60c: {  	[tilespmem:v21+s18+$0x0] =	vst.idx.msk $0xffff, v37;
	v21 =	vmul.f32 v34, v11;
	v20 =	vmul.f32 $1.442695020e+00, v38  }
0x60d: {  	v53 =	vadd.s32 v10, v24;
	v54 =	vld.idx.msk [tilespmem:v25+s20+$0x0], $0xffff;
	s29 =	simm.s32 $0x0;
	[tilespmem:v17+s18+$0x0] =	vst.idx.msk $0xffff, v31;
	v17 =	vmul.f32 v32, v11  }
0x60e: {  	v31 =	vld.idx.msk [tilespmem:v28+s20+$0x0], $0xffff;
	v55 =	vmul.f32 v35, v11;
	[tilespmem:v19+s18+$0x0] =	vst.idx.msk $0xffff, v21;
	(erf) = vpow2.f32 v20;
	v20 =	vmov s29  }
0x60f: {  	v19 =	vadd.s32 v5, v24;
	[tilespmem:v22+s18+$0x0] =	vst.idx.msk $0xffff, v17;
	v21 =	vmul.f32 v33, v11;
	v20 =	vshrl.u32 v20, $0x3  }
0x610: {  	v17 =	vld.idx.msk [tilespmem:v26+s20+$0x0], $0xffff;
	[tilespmem:v18+s18+$0x0] =	vst.idx.msk $0xffff, v55;
	v18 =	vmul.f32 v30, v11;
	v20 =	vshll.u32 v20, $0x3  }
0x611: {  	[tilespmem:v27+s18+$0x0] =	vst.idx.msk $0xffff, v21;
	v20 =	vadd.s32 v13, v20  }
0x612: {  	v24 =	vmul.f32 v29, v11;
	v22 =	vld.idx.msk [tilespmem:v53+s20+$0x0], $0xffff;
	[tilespmem:v12+s18+$0x0] =	vst.idx.msk $0xffff, v18;
	v20 =	vbroadcast v20, $0x0  }
0x613: {  	v21 =	vld.idx.msk [tilespmem:v14+s20+$0x0], $0xffff;
	v18 =	vadd.s32 v2, v39;
	v12 =	vmul.f32 v54, v11;
	v27 =	vmul.f32 v31, v11  }
0x614: {  	v29 =	vld.idx.msk [tilespmem:v16+s20+$0x0], $0xffff;
	[tilespmem:v15+s18+$0x0] =	vst.idx.msk $0xffff, v24;
	v24 =	vadd.s32 v6, v20  }
0x615: {  	s31 =	simm.s32 $0x8;
	v15 =	vld.idx.msk [tilespmem:v19+s20+$0x0], $0xffff;
	[tilespmem:v28+s18+$0x0] =	vst.idx.msk $0xffff, v27;
	v17 =	vmul.f32 v17, v11;
	v27 =	vadd.s32 v0, v20  }
0x616: {  	v30 =	vmov s31;
	[tilespmem:v25+s18+$0x0] =	vst.idx.msk $0xffff, v12;
	v28 =	vld.idx.msk [tilespmem:v23+s20+$0x0], $0xffff;
	v25 =	vadd.s32 v9, v20  }
0x617: {  	v22 =	vmul.f32 v22, v11;
	[tilespmem:v26+s18+$0x0] =	vst.idx.msk $0xffff, v17;
	v17 =	vshrl.u32 v30, $0x3;
	v26 =	vadd.s32 v10, v20;
	v12 =	vpop (erf)  }
0x618: {  	v21 =	vmul.f32 v21, v11;
	v17 =	vshll.u32 v17, $0x3;
	v56 =	vadd.s32 v4, v20;
	[tilespmem:v18+s18+$0x0] =	vst.idx.msk $0xffff, v12  }
0x619: {  	[tilespmem:v53+s18+$0x0] =	vst.idx.msk $0xffff, v22;
	v17 =	vadd.s32 v13, v17;
	v57 =	vadd.s32 v7, v20;
	v18 =	vld.idx.msk [tilespmem:v24+s20+$0x0], $0xffff  }
0x61a: {  	v15 =	vmul.f32 v15, v11;
	v30 =	vbroadcast v17, $0x0;
	v58 =	vadd.s32 v5, v20;
	v22 =	vld.idx.msk [tilespmem:v27+s20+$0x0], $0xffff  }
0x61b: {  	[tilespmem:v14+s18+$0x0] =	vst.idx.msk $0xffff, v21;
	v14 =	vmul.f32 v29, v11;
	v20 =	vadd.s32 v8, v20;
	v29 =	vld.idx.msk [tilespmem:v25+s20+$0x0], $0xffff  }
0x61c: {  	v11 =	vmul.f32 v28, v11;
	[tilespmem:v19+s18+$0x0] =	vst.idx.msk $0xffff, v15;
	v21 =	vadd.s32 v6, v30;
	v28 =	vld.idx.msk [tilespmem:v26+s20+$0x0], $0xffff  }
0x61d: {  	[tilespmem:v16+s18+$0x0] =	vst.idx.msk $0xffff, v14;
	v19 =	vadd.s32 v9, v30;
	v14 =	vld.idx.msk [tilespmem:v56+s20+$0x0], $0xffff  }
0x61e: {  	v16 =	vld.idx.msk [tilespmem:v57+s20+$0x0], $0xffff  }
0x61f: {  	v59 =	vld.idx.msk [tilespmem:v58+s20+$0x0], $0xffff  }
0x620: {  	s1 =	simm.s32 $0x10;
	v17 =	vadd.s32 v0, v30;
	v61 =	vld.idx.msk [tilespmem:v20+s20+$0x0], $0xffff  }
0x621: {  	v31 =	vmov s1;
	[tilespmem:v23+s18+$0x0] =	vst.idx.msk $0xffff, v11;
	v11 =	vadd.s32 v7, v30;
	v62 =	vld.idx.msk [tilespmem:v21+s20+$0x0], $0xffff;
	v23 =	vmul.f32 v18, v12  }
0x622: {  	v15 =	vadd.s32 v8, v30;
	v34 =	vld.idx.msk [tilespmem:v19+s20+$0x0], $0xffff;
	v18 =	vadd.s32 v4, v30;
	v60 =	vmul.f32 v22, v12  }
0x623: {  	v22 =	vadd.s32 v10, v30;
	[tilespmem:v24+s18+$0x0] =	vst.idx.msk $0xffff, v23;
	v23 =	vmul.f32 v29, v12;
	v24 =	vshrl.u32 v31, $0x3  }
0x624: {  	v28 =	vmul.f32 v28, v12;
	v14 =	vmul.f32 v14, v12;
	[tilespmem:v27+s18+$0x0] =	vst.idx.msk $0xffff, v60;
	v24 =	vshll.u32 v24, $0x3  }
0x625: {  	v31 =	vld.idx.msk [tilespmem:v17+s20+$0x0], $0xffff;
	v27 =	vadd.s32 v5, v30;
	[tilespmem:v25+s18+$0x0] =	vst.idx.msk $0xffff, v23;
	v23 =	vadd.s32 v13, v24  }
0x626: {  	v63 =	vmul.f32 v16, v12;
	v30 =	vld.idx.msk [tilespmem:v11+s20+$0x0], $0xffff;
	[tilespmem:v26+s18+$0x0] =	vst.idx.msk $0xffff, v28;
	v24 =	vbroadcast v23, $0x0  }
0x627: {  	v36 =	vmul.f32 v61, v12;
	[tilespmem:v56+s18+$0x0] =	vst.idx.msk $0xffff, v14;
	v29 =	vld.idx.msk [tilespmem:v15+s20+$0x0], $0xffff;
	v23 =	vmul.f32 v59, v12  }
0x628: {  	v37 =	vmul.f32 v62, v12;
	[tilespmem:v57+s18+$0x0] =	vst.idx.msk $0xffff, v63;
	v32 =	vld.idx.msk [tilespmem:v22+s20+$0x0], $0xffff;
	v25 =	vadd.s32 v0, v24  }
0x629: {  	v35 =	vld.idx.msk [tilespmem:v18+s20+$0x0], $0xffff;
	v14 =	vadd.s32 v4, v24;
	[tilespmem:v58+s18+$0x0] =	vst.idx.msk $0xffff, v23;
	v28 =	vadd.s32 v6, v24  }
0x62a: {  	v16 =	vadd.s32 v7, v24;
	v23 =	vadd.s32 v8, v24;
	v26 =	vadd.s32 v9, v24;
	v33 =	vld.idx.msk [tilespmem:v27+s20+$0x0], $0xffff  }
.LBB2_59:
0x62b: {  	v38 =	vadd.s32 v10, v24;
	v39 =	vmul.f32 v31, v12;
	v40 =	vmov v27  }
0x62c: {  	s1 =	sadd.s32 $0x8, s1;
	[tilespmem:v20+s18+$0x0] =	vst.idx.msk $0xffff, v36;
	v36 =	vmovc v30;
	v41 =	vmovc v11;
	v11 =	vmov v16;
	v20 =	vmov v15;
	v15 =	vmov v23  }
0x62d: {  	v27 =	vmul.f32 v34, v12;
	v23 =	vmov s1;
	p0 =	slt.u32 s1, $0x18;
	[tilespmem:v21+s18+$0x0] =	vst.idx.msk $0xffff, v37;
	v21 =	vmov v28  }
0x62e: {  	v32 =	vmul.f32 v32, v12;
	v23 =	vshrl.u32 v23, $0x3;
	v31 =	vld.idx.msk [tilespmem:v25+s20+$0x0], $0xffff;
	[tilespmem:v17+s18+$0x0] =	vst.idx.msk $0xffff, v39;
	v17 =	vmov v25  }
0x62f: {  	v25 =	vmul.f32 v35, v12;
	v23 =	vshll.u32 v23, $0x3;
	v37 =	vld.idx.msk [tilespmem:v28+s20+$0x0], $0xffff;
	[tilespmem:v19+s18+$0x0] =	vst.idx.msk $0xffff, v27;
	v19 =	vmov v26  }
0x630: {  	v27 =	vadd.s32 v5, v24;
	v23 =	vadd.s32 v13, v23;
	v30 =	vld.idx.msk [tilespmem:v16+s20+$0x0], $0xffff;
	[tilespmem:v22+s18+$0x0] =	vst.idx.msk $0xffff, v32  }
.Ltmp28:
0x631: {  	v16 =	vmul.f32 v33, v12;
	v22 =	vmov v38;
	v24 =	vbroadcast v23, $0x0;
	v34 =	vld.idx.msk [tilespmem:v26+s20+$0x0], $0xffff;
	[tilespmem:v18+s18+$0x0] =	vst.idx.msk $0xffff, v25;
	(pc) =	sbr.rel @p0 .LBB2_59-.Ltmp28, $4  }
0x632: {  	v18 =	vmov v14;
	v32 =	vld.idx.msk [tilespmem:v38+s20+$0x0], $0xffff;
	v38 =	vmul.f32 v36, v12;
	v36 =	vmul.f32 v29, v12  }
0x633: {  	v25 =	vadd.s32 v0, v24;
	v35 =	vld.idx.msk [tilespmem:v14+s20+$0x0], $0xffff;
	v14 =	vadd.s32 v4, v24;
	[tilespmem:v40+s18+$0x0] =	vst.idx.msk $0xffff, v16  }
0x634: {  	v28 =	vadd.s32 v6, v24;
	v16 =	vadd.s32 v7, v24;
	v23 =	vadd.s32 v8, v24;
	v29 =	vld.idx.msk [tilespmem:v15+s20+$0x0], $0xffff  }
0x635: {  	v26 =	vadd.s32 v9, v24;
	v37 =	vmul.f32 v37, v12;
	v33 =	vld.idx.msk [tilespmem:v27+s20+$0x0], $0xffff;
	[tilespmem:v41+s18+$0x0] =	vst.idx.msk $0xffff, v38  }
0x636: {  	s1 =	sadd.s32 $0x30, s10  }
0x637: {  	v13 =	vmov s1  }
0x638: {  	v38 =	vld [tilespmem:s11+$0x4CC0];
	v13 =	vmul.u32 $0x30, v13;
	_ =	sdelay $0x1  }
0x639: {  	v39 =	vbroadcast v13, $0x0;
	_ =	sdelay $0x1  }
0x63a: {  	v40 =	vadd.s32 v3, v39;
	_ =	sdelay $0x3  }
0x63b: {  	v38 =	vld.idx.msk [tilespmem:v38+s3+$0x0], $0xffff  }
0x63c: {  	v40 =	vld.idx.msk [tilespmem:v40+s20+$0x0], $0xffff;
	_ =	sdelay $0x4  }
0x63d: {  	v38 =	vadd.f32 v40, v38;
	_ =	sdelay $0x1  }
0x63e: {  	v40 =	vmul.f32 $3.000000120e-01, v38  }
0x63f: {  	v31 =	vmul.f32 v31, v12;
	vm0 =	vge.f32 v38, $0.0e+00  }
0x640: {  	[tilespmem:v20+s18+$0x0] =	vst.idx.msk $0xffff, v36;
	v54 =	vadd.s32 v10, v24;
	v38 =	vsel vm0, v38, v40  }
0x641: {  	[tilespmem:v21+s18+$0x0] =	vst.idx.msk $0xffff, v37;
	v21 =	vmul.f32 v34, v12;
	v20 =	vmul.f32 $1.442695020e+00, v38  }
0x642: {  	v55 =	vld.idx.msk [tilespmem:v25+s20+$0x0], $0xffff;
	s29 =	simm.s32 $0x0;
	[tilespmem:v17+s18+$0x0] =	vst.idx.msk $0xffff, v31;
	v17 =	vmul.f32 v32, v12;
	v56 =	vmul.f32 v35, v12  }
0x643: {  	v31 =	vld.idx.msk [tilespmem:v28+s20+$0x0], $0xffff;
	[tilespmem:v19+s18+$0x0] =	vst.idx.msk $0xffff, v21;
	v19 =	vadd.s32 v5, v24;
	(erf) = vpow2.f32 v20;
	v20 =	vmov s29  }
0x644: {  	[tilespmem:v22+s18+$0x0] =	vst.idx.msk $0xffff, v17;
	v17 =	vld.idx.msk [tilespmem:v26+s20+$0x0], $0xffff;
	v21 =	vmul.f32 v33, v12;
	v20 =	vshrl.u32 v20, $0x3  }
0x645: {  	[tilespmem:v18+s18+$0x0] =	vst.idx.msk $0xffff, v56;
	v18 =	vmul.f32 v30, v12;
	v22 =	vld.idx.msk [tilespmem:v54+s20+$0x0], $0xffff;
	v20 =	vshll.u32 v20, $0x3  }
0x646: {  	v24 =	vmul.f32 v29, v12;
	[tilespmem:v27+s18+$0x0] =	vst.idx.msk $0xffff, v21;
	v20 =	vadd.s32 v13, v20  }
0x647: {  	v21 =	vld.idx.msk [tilespmem:v14+s20+$0x0], $0xffff;
	[tilespmem:v11+s18+$0x0] =	vst.idx.msk $0xffff, v18;
	v11 =	vmul.f32 v55, v12;
	v20 =	vbroadcast v20, $0x0  }
0x648: {  	[tilespmem:v15+s18+$0x0] =	vst.idx.msk $0xffff, v24;
	v18 =	vadd.s32 v2, v39;
	v27 =	vmul.f32 v31, v12;
	v24 =	vld.idx.msk [tilespmem:v19+s20+$0x0], $0xffff  }
0x649: {  	v29 =	vld.idx.msk [tilespmem:v16+s20+$0x0], $0xffff;
	[tilespmem:v25+s18+$0x0] =	vst.idx.msk $0xffff, v11;
	v17 =	vmul.f32 v17, v12;
	v15 =	vadd.s32 v6, v20  }
0x64a: {  	[tilespmem:v28+s18+$0x0] =	vst.idx.msk $0xffff, v27;
	v28 =	vld.idx.msk [tilespmem:v23+s20+$0x0], $0xffff;
	v22 =	vmul.f32 v22, v12;
	v27 =	vadd.s32 v0, v20  }
0x64b: {  	s31 =	simm.s32 $0x8;
	[tilespmem:v26+s18+$0x0] =	vst.idx.msk $0xffff, v17;
	v25 =	vadd.s32 v9, v20  }
0x64c: {  	v30 =	vmov s31;
	v21 =	vmul.f32 v21, v12;
	[tilespmem:v54+s18+$0x0] =	vst.idx.msk $0xffff, v22;
	v57 =	vadd.s32 v7, v20;
	v11 =	vpop (erf)  }
0x64d: {  	v26 =	vshrl.u32 v30, $0x3;
	v22 =	vmul.f32 v24, v12;
	v17 =	vadd.s32 v10, v20;
	[tilespmem:v18+s18+$0x0] =	vst.idx.msk $0xffff, v11  }
0x64e: {  	[tilespmem:v14+s18+$0x0] =	vst.idx.msk $0xffff, v21;
	v30 =	vadd.s32 v4, v20;
	v18 =	vshll.u32 v26, $0x3;
	v26 =	vld.idx.msk [tilespmem:v15+s20+$0x0], $0xffff  }
0x64f: {  	v14 =	vmul.f32 v29, v12;
	v12 =	vmul.f32 v28, v12;
	v18 =	vadd.s32 v13, v18;
	v24 =	vld.idx.msk [tilespmem:v27+s20+$0x0], $0xffff  }
0x650: {  	v58 =	vadd.s32 v5, v20;
	v29 =	vld.idx.msk [tilespmem:v25+s20+$0x0], $0xffff;
	v31 =	vbroadcast v18, $0x0  }
0x651: {  	[tilespmem:v23+s18+$0x0] =	vst.idx.msk $0xffff, v12;
	v21 =	vadd.s32 v8, v20;
	v12 =	vld.idx.msk [tilespmem:v57+s20+$0x0], $0xffff  }
0x652: {  	[tilespmem:v19+s18+$0x0] =	vst.idx.msk $0xffff, v22;
	v28 =	vld.idx.msk [tilespmem:v17+s20+$0x0], $0xffff;
	v18 =	vadd.s32 v0, v31  }
0x653: {  	[tilespmem:v16+s18+$0x0] =	vst.idx.msk $0xffff, v14;
	v59 =	vld.idx.msk [tilespmem:v30+s20+$0x0], $0xffff;
	v22 =	vadd.s32 v6, v31;
	v14 =	vadd.s32 v7, v31  }
0x654: {  	v19 =	vadd.s32 v4, v31;
	v20 =	vadd.s32 v9, v31;
	v26 =	vmul.f32 v26, v11  }
0x655: {  	s1 =	simm.s32 $0x10;
	v60 =	vld.idx.msk [tilespmem:v58+s20+$0x0], $0xffff;
	v16 =	vadd.s32 v8, v31;
	v23 =	vadd.s32 v10, v31;
	v24 =	vmul.f32 v24, v11  }
0x656: {  	v62 =	vmov s1;
	v61 =	vld.idx.msk [tilespmem:v21+s20+$0x0], $0xffff;
	v12 =	vmul.f32 v12, v11;
	[tilespmem:v15+s18+$0x0] =	vst.idx.msk $0xffff, v26;
	v15 =	vmul.f32 v29, v11  }
0x657: {  	v26 =	vshrl.u32 v62, $0x3;
	[tilespmem:v27+s18+$0x0] =	vst.idx.msk $0xffff, v24;
	v24 =	vmul.f32 v28, v11;
	v32 =	vld.idx.msk [tilespmem:v18+s20+$0x0], $0xffff  }
0x658: {  	v27 =	vmul.f32 v59, v11;
	[tilespmem:v57+s18+$0x0] =	vst.idx.msk $0xffff, v12;
	v26 =	vshll.u32 v26, $0x3;
	v63 =	vld.idx.msk [tilespmem:v22+s20+$0x0], $0xffff  }
0x659: {  	v28 =	vadd.s32 v5, v31;
	v31 =	vld.idx.msk [tilespmem:v14+s20+$0x0], $0xffff;
	[tilespmem:v25+s18+$0x0] =	vst.idx.msk $0xffff, v15;
	v15 =	vadd.s32 v13, v26  }
0x65a: {  	v35 =	vld.idx.msk [tilespmem:v20+s20+$0x0], $0xffff;
	[tilespmem:v17+s18+$0x0] =	vst.idx.msk $0xffff, v24;
	v17 =	vmul.f32 v60, v11;
	v25 =	vbroadcast v15, $0x0  }
0x65b: {  	v33 =	vld.idx.msk [tilespmem:v23+s20+$0x0], $0xffff;
	[tilespmem:v30+s18+$0x0] =	vst.idx.msk $0xffff, v27  }
0x65c: {  	v37 =	vmul.f32 v61, v11;
	v36 =	vld.idx.msk [tilespmem:v19+s20+$0x0], $0xffff;
	[tilespmem:v58+s18+$0x0] =	vst.idx.msk $0xffff, v17;
	v26 =	vadd.s32 v0, v25  }
0x65d: {  	v30 =	vld.idx.msk [tilespmem:v16+s20+$0x0], $0xffff;
	v15 =	vadd.s32 v4, v25;
	v29 =	vadd.s32 v6, v25;
	v17 =	vadd.s32 v7, v25  }
0x65e: {  	v24 =	vadd.s32 v8, v25;
	v27 =	vadd.s32 v9, v25;
	v34 =	vld.idx.msk [tilespmem:v28+s20+$0x0], $0xffff;
	v38 =	vmul.f32 v63, v11  }
.LBB2_61:
0x65f: {  	v12 =	vadd.s32 v10, v25;
	v39 =	vmul.f32 v32, v11;
	v40 =	vmov v28  }
0x660: {  	s1 =	sadd.s32 $0x8, s1;
	[tilespmem:v21+s18+$0x0] =	vst.idx.msk $0xffff, v37;
	v37 =	vmovc v31;
	v41 =	vmovc v14;
	v14 =	vmov v17;
	v21 =	vmov v16;
	v16 =	vmov v24  }
0x661: {  	v28 =	vmul.f32 v35, v11;
	v24 =	vmov s1;
	p0 =	slt.u32 s1, $0x18;
	[tilespmem:v22+s18+$0x0] =	vst.idx.msk $0xffff, v38;
	v22 =	vmov v29  }
0x662: {  	v33 =	vmul.f32 v33, v11;
	v24 =	vshrl.u32 v24, $0x3;
	v32 =	vld.idx.msk [tilespmem:v26+s20+$0x0], $0xffff;
	[tilespmem:v18+s18+$0x0] =	vst.idx.msk $0xffff, v39;
	v18 =	vmov v26  }
0x663: {  	v26 =	vmul.f32 v36, v11;
	v24 =	vshll.u32 v24, $0x3;
	v38 =	vld.idx.msk [tilespmem:v29+s20+$0x0], $0xffff;
	[tilespmem:v20+s18+$0x0] =	vst.idx.msk $0xffff, v28;
	v20 =	vmov v27  }
0x664: {  	v28 =	vadd.s32 v5, v25;
	v24 =	vadd.s32 v13, v24;
	v31 =	vld.idx.msk [tilespmem:v17+s20+$0x0], $0xffff;
	[tilespmem:v23+s18+$0x0] =	vst.idx.msk $0xffff, v33  }
.Ltmp29:
0x665: {  	v17 =	vmul.f32 v34, v11;
	v23 =	vmov v12;
	v25 =	vbroadcast v24, $0x0;
	v35 =	vld.idx.msk [tilespmem:v27+s20+$0x0], $0xffff;
	[tilespmem:v19+s18+$0x0] =	vst.idx.msk $0xffff, v26;
	(pc) =	sbr.rel @p0 .LBB2_61-.Ltmp29, $4  }
0x666: {  	v19 =	vmov v15;
	v33 =	vld.idx.msk [tilespmem:v12+s20+$0x0], $0xffff;
	v12 =	vmul.f32 v37, v11;
	v37 =	vmul.f32 v30, v11  }
0x667: {  	v26 =	vadd.s32 v0, v25;
	v36 =	vld.idx.msk [tilespmem:v15+s20+$0x0], $0xffff;
	v15 =	vadd.s32 v4, v25;
	[tilespmem:v40+s18+$0x0] =	vst.idx.msk $0xffff, v17  }
0x668: {  	v29 =	vadd.s32 v6, v25;
	v17 =	vadd.s32 v7, v25;
	v24 =	vadd.s32 v8, v25;
	v30 =	vld.idx.msk [tilespmem:v16+s20+$0x0], $0xffff  }
0x669: {  	v27 =	vadd.s32 v9, v25;
	v38 =	vmul.f32 v38, v11;
	v34 =	vld.idx.msk [tilespmem:v28+s20+$0x0], $0xffff;
	[tilespmem:v41+s18+$0x0] =	vst.idx.msk $0xffff, v12  }
0x66a: {  	s1 =	sadd.s32 $0x40, s10  }
0x66b: {  	v12 =	vmov s1  }
0x66c: {  	v13 =	vld [tilespmem:s11+$0x4CD0];
	v12 =	vmul.u32 $0x30, v12;
	_ =	sdelay $0x1  }
0x66d: {  	v39 =	vbroadcast v12, $0x0;
	_ =	sdelay $0x1  }
0x66e: {  	v40 =	vadd.s32 v3, v39;
	_ =	sdelay $0x3  }
0x66f: {  	v13 =	vld.idx.msk [tilespmem:v13+s3+$0x0], $0xffff  }
0x670: {  	v40 =	vld.idx.msk [tilespmem:v40+s20+$0x0], $0xffff;
	_ =	sdelay $0x4  }
0x671: {  	v13 =	vadd.f32 v40, v13;
	_ =	sdelay $0x1  }
0x672: {  	v40 =	vmul.f32 $3.000000120e-01, v13  }
0x673: {  	v32 =	vmul.f32 v32, v11;
	vm0 =	vge.f32 v13, $0.0e+00  }
0x674: {  	[tilespmem:v21+s18+$0x0] =	vst.idx.msk $0xffff, v37;
	v21 =	vadd.s32 v10, v25;
	v13 =	vsel vm0, v13, v40  }
0x675: {  	[tilespmem:v22+s18+$0x0] =	vst.idx.msk $0xffff, v38;
	v22 =	vmul.f32 v35, v11;
	v13 =	vmul.f32 $1.442695020e+00, v13  }
0x676: {  	s29 =	simm.s32 $0x0;
	v54 =	vld.idx.msk [tilespmem:v29+s20+$0x0], $0xffff;
	[tilespmem:v18+s18+$0x0] =	vst.idx.msk $0xffff, v32;
	v18 =	vmul.f32 v33, v11;
	v55 =	vmul.f32 v36, v11  }
0x677: {  	v53 =	vld.idx.msk [tilespmem:v26+s20+$0x0], $0xffff;
	[tilespmem:v20+s18+$0x0] =	vst.idx.msk $0xffff, v22;
	v20 =	vadd.s32 v5, v25;
	(erf) = vpow2.f32 v13;
	v13 =	vmov s29  }
0x678: {  	v25 =	vmul.f32 v30, v11;
	[tilespmem:v23+s18+$0x0] =	vst.idx.msk $0xffff, v18;
	v18 =	vld.idx.msk [tilespmem:v27+s20+$0x0], $0xffff;
	v13 =	vshrl.u32 v13, $0x3  }
0x679: {  	v22 =	vmul.f32 v34, v11;
	[tilespmem:v19+s18+$0x0] =	vst.idx.msk $0xffff, v55;
	v23 =	vld.idx.msk [tilespmem:v21+s20+$0x0], $0xffff;
	v13 =	vshll.u32 v13, $0x3  }
0x67a: {  	v19 =	vmul.f32 v31, v11;
	[tilespmem:v16+s18+$0x0] =	vst.idx.msk $0xffff, v25;
	v13 =	vadd.s32 v12, v13  }
0x67b: {  	[tilespmem:v28+s18+$0x0] =	vst.idx.msk $0xffff, v22;
	v22 =	vbroadcast v13, $0x0;
	v13 =	vmul.f32 v54, v11  }
0x67c: {  	v30 =	vmul.f32 v53, v11;
	v28 =	vld.idx.msk [tilespmem:v15+s20+$0x0], $0xffff;
	[tilespmem:v14+s18+$0x0] =	vst.idx.msk $0xffff, v19  }
0x67d: {  	v14 =	vadd.s32 v2, v39;
	v16 =	vld.idx.msk [tilespmem:v20+s20+$0x0], $0xffff;
	[tilespmem:v29+s18+$0x0] =	vst.idx.msk $0xffff, v13;
	v13 =	vmul.f32 v18, v11  }
0x67e: {  	v23 =	vmul.f32 v23, v11;
	v25 =	vadd.s32 v6, v22  }
0x67f: {  	s31 =	simm.s32 $0x8;
	v19 =	vld.idx.msk [tilespmem:v17+s20+$0x0], $0xffff;
	[tilespmem:v26+s18+$0x0] =	vst.idx.msk $0xffff, v30;
	v29 =	vadd.s32 v0, v22  }
0x680: {  	v30 =	vmov s31;
	[tilespmem:v21+s18+$0x0] =	vst.idx.msk $0xffff, v23;
	v18 =	vld.idx.msk [tilespmem:v24+s20+$0x0], $0xffff;
	v26 =	vadd.s32 v9, v22  }
0x681: {  	v28 =	vmul.f32 v28, v11;
	v31 =	vadd.s32 v10, v22;
	[tilespmem:v27+s18+$0x0] =	vst.idx.msk $0xffff, v13;
	v27 =	vshrl.u32 v30, $0x3;
	v13 =	vpop (erf)  }
0x682: {  	v23 =	vmul.f32 v16, v11;
	v30 =	vadd.s32 v4, v22;
	[tilespmem:v14+s18+$0x0] =	vst.idx.msk $0xffff, v13;
	v14 =	vshll.u32 v27, $0x3  }
0x683: {  	[tilespmem:v15+s18+$0x0] =	vst.idx.msk $0xffff, v28;
	v57 =	vadd.s32 v5, v22;
	v21 =	vld.idx.msk [tilespmem:v25+s20+$0x0], $0xffff;
	v14 =	vadd.s32 v12, v14  }
0x684: {  	v56 =	vadd.s32 v7, v22;
	v27 =	vld.idx.msk [tilespmem:v29+s20+$0x0], $0xffff;
	v58 =	vbroadcast v14, $0x0;
	v14 =	vmul.f32 v19, v11  }
0x685: {  	[tilespmem:v20+s18+$0x0] =	vst.idx.msk $0xffff, v23;
	v16 =	vadd.s32 v8, v22;
	v22 =	vld.idx.msk [tilespmem:v26+s20+$0x0], $0xffff;
	v11 =	vmul.f32 v18, v11  }
0x686: {  	v20 =	vld.idx.msk [tilespmem:v31+s20+$0x0], $0xffff;
	v15 =	vadd.s32 v0, v58;
	[tilespmem:v17+s18+$0x0] =	vst.idx.msk $0xffff, v14  }
0x687: {  	v23 =	vld.idx.msk [tilespmem:v30+s20+$0x0], $0xffff;
	v19 =	vadd.s32 v6, v58;
	[tilespmem:v24+s18+$0x0] =	vst.idx.msk $0xffff, v11  }
0x688: {  	v59 =	vld.idx.msk [tilespmem:v57+s20+$0x0], $0xffff;
	v11 =	vadd.s32 v7, v58;
	v18 =	vadd.s32 v4, v58;
	v17 =	vadd.s32 v9, v58  }
0x689: {  	s1 =	simm.s32 $0x10;
	v24 =	vld.idx.msk [tilespmem:v56+s20+$0x0], $0xffff;
	v14 =	vadd.s32 v8, v58;
	v28 =	vmul.f32 v21, v13;
	v60 =	vmul.f32 v27, v13  }
0x68a: {  	v61 =	vld.idx.msk [tilespmem:v16+s20+$0x0], $0xffff;
	v21 =	vadd.s32 v10, v58;
	v27 =	vmov s1;
	v22 =	vmul.f32 v22, v13  }
0x68b: {  	v20 =	vmul.f32 v20, v13;
	[tilespmem:v25+s18+$0x0] =	vst.idx.msk $0xffff, v28;
	v25 =	vshrl.u32 v27, $0x3;
	v27 =	vld.idx.msk [tilespmem:v15+s20+$0x0], $0xffff  }
0x68c: {  	[tilespmem:v29+s18+$0x0] =	vst.idx.msk $0xffff, v60;
	v29 =	vmul.f32 v23, v13;
	v25 =	vshll.u32 v25, $0x3;
	v62 =	vld.idx.msk [tilespmem:v19+s20+$0x0], $0xffff  }
0x68d: {  	[tilespmem:v26+s18+$0x0] =	vst.idx.msk $0xffff, v22;
	v26 =	vadd.s32 v5, v58;
	v28 =	vld.idx.msk [tilespmem:v11+s20+$0x0], $0xffff;
	v22 =	vadd.s32 v12, v25  }
0x68e: {  	[tilespmem:v31+s18+$0x0] =	vst.idx.msk $0xffff, v20;
	v32 =	vld.idx.msk [tilespmem:v17+s20+$0x0], $0xffff;
	v63 =	vmul.f32 v24, v13;
	v23 =	vbroadcast v22, $0x0  }
0x68f: {  	v36 =	vmul.f32 v61, v13;
	v34 =	vld.idx.msk [tilespmem:v18+s20+$0x0], $0xffff;
	[tilespmem:v30+s18+$0x0] =	vst.idx.msk $0xffff, v29;
	v22 =	vmul.f32 v59, v13  }
0x690: {  	v29 =	vld.idx.msk [tilespmem:v14+s20+$0x0], $0xffff;
	[tilespmem:v56+s18+$0x0] =	vst.idx.msk $0xffff, v63;
	v24 =	vadd.s32 v0, v23;
	v20 =	vadd.s32 v4, v23  }
0x691: {  	v33 =	vld.idx.msk [tilespmem:v21+s20+$0x0], $0xffff;
	[tilespmem:v57+s18+$0x0] =	vst.idx.msk $0xffff, v22;
	v30 =	vadd.s32 v6, v23;
	v22 =	vadd.s32 v7, v23  }
0x692: {  	v31 =	vadd.s32 v8, v23;
	v25 =	vadd.s32 v9, v23;
	v35 =	vld.idx.msk [tilespmem:v26+s20+$0x0], $0xffff;
	v37 =	vmul.f32 v62, v13  }
.LBB2_63:
0x693: {  	v38 =	vadd.s32 v10, v23;
	v39 =	vmul.f32 v27, v13;
	v40 =	vmov v26  }
0x694: {  	s1 =	sadd.s32 $0x8, s1;
	[tilespmem:v16+s18+$0x0] =	vst.idx.msk $0xffff, v36;
	v36 =	vmovc v28;
	v41 =	vmovc v11;
	v11 =	vmov v22;
	v16 =	vmov v14;
	v14 =	vmov v31  }
0x695: {  	v28 =	vmul.f32 v32, v13;
	v26 =	vmov s1;
	p0 =	slt.u32 s1, $0x18;
	[tilespmem:v19+s18+$0x0] =	vst.idx.msk $0xffff, v37;
	v19 =	vmov v30  }
0x696: {  	v31 =	vmul.f32 v33, v13;
	v26 =	vshrl.u32 v26, $0x3;
	v27 =	vld.idx.msk [tilespmem:v24+s20+$0x0], $0xffff;
	[tilespmem:v15+s18+$0x0] =	vst.idx.msk $0xffff, v39;
	v15 =	vmov v24  }
0x697: {  	v24 =	vshll.u32 v26, $0x3;
	v37 =	vld.idx.msk [tilespmem:v30+s20+$0x0], $0xffff;
	v30 =	vmul.f32 v34, v13;
	[tilespmem:v17+s18+$0x0] =	vst.idx.msk $0xffff, v28;
	v17 =	vmov v25  }
0x698: {  	v26 =	vadd.s32 v5, v23;
	v24 =	vadd.s32 v12, v24;
	v28 =	vld.idx.msk [tilespmem:v22+s20+$0x0], $0xffff;
	[tilespmem:v21+s18+$0x0] =	vst.idx.msk $0xffff, v31  }
.Ltmp30:
0x699: {  	v22 =	vmul.f32 v35, v13;
	v21 =	vmov v38;
	v23 =	vbroadcast v24, $0x0;
	v32 =	vld.idx.msk [tilespmem:v25+s20+$0x0], $0xffff;
	[tilespmem:v18+s18+$0x0] =	vst.idx.msk $0xffff, v30;
	(pc) =	sbr.rel @p0 .LBB2_63-.Ltmp30, $4  }
0x69a: {  	v18 =	vmov v20;
	v33 =	vld.idx.msk [tilespmem:v38+s20+$0x0], $0xffff;
	v38 =	vmul.f32 v36, v13;
	v36 =	vmul.f32 v29, v13  }
0x69b: {  	v24 =	vadd.s32 v0, v23;
	v34 =	vld.idx.msk [tilespmem:v20+s20+$0x0], $0xffff;
	v20 =	vadd.s32 v4, v23;
	[tilespmem:v40+s18+$0x0] =	vst.idx.msk $0xffff, v22  }
0x69c: {  	v30 =	vadd.s32 v6, v23;
	v22 =	vadd.s32 v7, v23;
	v31 =	vadd.s32 v8, v23;
	v29 =	vld.idx.msk [tilespmem:v14+s20+$0x0], $0xffff  }
0x69d: {  	v25 =	vadd.s32 v9, v23;
	v37 =	vmul.f32 v37, v13;
	v35 =	vld.idx.msk [tilespmem:v26+s20+$0x0], $0xffff;
	[tilespmem:v41+s18+$0x0] =	vst.idx.msk $0xffff, v38  }
0x69e: {  	_ =	sdelay $0x3  }
0x69f: {  	v27 =	vmul.f32 v27, v13;
	[tilespmem:v16+s18+$0x0] =	vst.idx.msk $0xffff, v36  }
0x6a0: {  	v46 =	vmul.f32 v32, v13;
	[tilespmem:v19+s18+$0x0] =	vst.idx.msk $0xffff, v37  }
0x6a1: {  	v48 =	vld.idx.msk [tilespmem:v30+s20+$0x0], $0xffff;
	v55 =	vmul.f32 v28, v13;
	[tilespmem:v15+s18+$0x0] =	vst.idx.msk $0xffff, v27  }
0x6a2: {  	v12 =	vadd.s32 v10, v23;
	v50 =	vld.idx.msk [tilespmem:v24+s20+$0x0], $0xffff;
	v47 =	vmul.f32 v33, v13;
	[tilespmem:v17+s18+$0x0] =	vst.idx.msk $0xffff, v46  }
0x6a3: {  	v49 =	vadd.s32 v5, v23;
	v52 =	vld.idx.msk [tilespmem:v25+s20+$0x0], $0xffff;
	v51 =	vmul.f32 v34, v13;
	[tilespmem:v11+s18+$0x0] =	vst.idx.msk $0xffff, v55  }
0x6a4: {  	v57 =	vld.idx.msk [tilespmem:v20+s20+$0x0], $0xffff;
	[tilespmem:v21+s18+$0x0] =	vst.idx.msk $0xffff, v47;
	v56 =	vmul.f32 v29, v13  }
0x6a5: {  	v60 =	vld.idx.msk [tilespmem:v31+s20+$0x0], $0xffff;
	v53 =	vmul.f32 v35, v13;
	[tilespmem:v18+s18+$0x0] =	vst.idx.msk $0xffff, v51  }
0x6a6: {  	v11 =	vld.idx.msk [tilespmem:v22+s20+$0x0], $0xffff;
	v19 =	vmul.f32 v48, v13;
	[tilespmem:v14+s18+$0x0] =	vst.idx.msk $0xffff, v56  }
0x6a7: {  	v54 =	vld.idx.msk [tilespmem:v12+s20+$0x0], $0xffff;
	v59 =	vmul.f32 v50, v13;
	[tilespmem:v26+s18+$0x0] =	vst.idx.msk $0xffff, v53  }
0x6a8: {  	v58 =	vld.idx.msk [tilespmem:v49+s20+$0x0], $0xffff;
	v15 =	vmul.f32 v52, v13;
	[tilespmem:v30+s18+$0x0] =	vst.idx.msk $0xffff, v19  }
0x6a9: {  	v61 =	vmul.f32 v57, v13;
	[tilespmem:v24+s18+$0x0] =	vst.idx.msk $0xffff, v59  }
0x6aa: {  	p0 =	slt.u32 s8, $0x14;
	v63 =	vmul.f32 v60, v13;
	[tilespmem:v25+s18+$0x0] =	vst.idx.msk $0xffff, v15  }
.Ltmp31:
0x6ab: {  	[tilespmem:v20+s18+$0x0] =	vst.idx.msk $0xffff, v61;
	v11 =	vmul.f32 v11, v13;
	(pc) =	sbr.rel @p0 .LBB2_54-.Ltmp31, $4  }
0x6ac: {  	[tilespmem:v31+s18+$0x0] =	vst.idx.msk $0xffff, v63;
	v17 =	vmul.f32 v54, v13  }
0x6ad: {  	[tilespmem:v22+s18+$0x0] =	vst.idx.msk $0xffff, v11;
	v62 =	vmul.f32 v58, v13  }
0x6ae: {  	s1 =	sadd.s32 $0x5, s8;
	[tilespmem:v12+s18+$0x0] =	vst.idx.msk $0xffff, v17  }
0x6af: {  	s8 =	smov.u32 s1;
	[tilespmem:v49+s18+$0x0] =	vst.idx.msk $0xffff, v62  }
0x6b0: {  	s1 =	simm.s32 $0x4C90  }
0x6b1: {  	[spmem:s2] =	stream.indirect.scatter.add.f32 [tilespmem:s18], [sflag:$0x3], $0x30, s1, s23, $0xb8;
	[tilespmem:$0x1CE30] =	vst v63  }
0x6b2: {  	s11 =	simm.s32 $0x4CE0  }
0x6b3: {  	[spmem:s2] =	stream.indirect.scatter.add.f32 [tilespmem:s19], [sflag:$0x3], $0x30, s11, s23, $0xb8;
	[tilespmem:$0x1CE30] =	vst v63  }
0x6b4: {  	s14 =	simm.s32 $0x4D30  }
0x6b5: {  	[spmem:s2] =	stream.indirect.scatter.add.f32 [tilespmem:s4], [sflag:$0x3], $0x30, s14, s23, $0xb8;
	[tilespmem:$0x1CE30] =	vst v63  }
0x6b6: {  	s15 =	simm.s32 $0x4D80  }
0x6b7: {  	[spmem:s2] =	stream.indirect.scatter.add.f32 [tilespmem:s6], [sflag:$0x3], $0x30, s15, s23, $0xb8;
	[tilespmem:$0x1CE30] =	vst v63  }
0x6b8: {  	s16 =	simm.s32 $0x4DD0  }
0x6b9: {  	[spmem:s2] =	stream.indirect.scatter.add.f32 [tilespmem:s7], [sflag:$0x3], $0x30, s16, s23, $0xb8;
	[tilespmem:$0x1CE30] =	vst v63  }
0x6ba: {  	_ =	swait.ge [sflag:s9], $0xF00  }
0x6bb: {  	[sflag:s9] =	ssyncset.done $0x0  }
0x6bc: {  	[sflag:s9] =	ssyncadd.s32 $0xFFFFF100  }
0x6bd: {  	_ =	swait.ge [sflag:s9], $0xF00  }
0x6be: {  	[sflag:s9] =	ssyncset.done $0x0  }
0x6bf: {  	[sflag:s9] =	ssyncadd.s32 $0xFFFFF100  }
0x6c0: {  	_ =	swait.ge [sflag:s9], $0xF00  }
0x6c1: {  	[sflag:s9] =	ssyncset.done $0x0  }
0x6c2: {  	[sflag:s9] =	ssyncadd.s32 $0xFFFFF100  }
0x6c3: {  	_ =	swait.ge [sflag:s9], $0xF00  }
0x6c4: {  	[sflag:s9] =	ssyncset.done $0x0  }
0x6c5: {  	[sflag:s9] =	ssyncadd.s32 $0xFFFFF100  }
0x6c6: {  	_ =	swait.ge [sflag:s9], $0xF00  }
0x6c7: {  	[sflag:s9] =	ssyncset.done $0x0  }
0x6c8: {  	[sflag:s9] =	ssyncadd.s32 $0xFFFFF100  }
0x6c9: {  	s17 =	stileid.u32;
	[bflag:$0x0] =	sbarrier.arrive $0xFFFF  }
0x6ca: {  	s24 =	simm.s32 $0x4;
	s1 =	sshll.u32 s17, $0x6;
	s11 =	rddreg [dreg:$0x7]  }
0x6cb: {  	s1 =	sor.u32 $0x1C04, s1;
	s10 =	rddreg [dreg:$0xf];
	s8 =	sshrl.u32 s11, $0x3  }
0x6cc: {  	[hbm:s10], [sflag:s1] =	dma.local [spmem:s8], $0xF00  }
0x6cd: {  	_ =	swait.ge [sflag:s24], $0xF00  }
0x6ce: {  	s29 =	rddreg [dreg:$0x11]  }
0x6cf: {  	s31 =	rddreg [dreg:$0x10];
	s10 =	sadd.s32 $0x1, s29  }
0x6d0: {  	p0 =	sne.s32 s10, s31  }
.Ltmp32:
0x6d1: {  	_ = 	snop;
	(pc) =	sbr.rel @p0 .LBB2_1-.Ltmp32, $3  }
0x6d2: {  	_ =	sdelay $0x1  }
0x6d3: {  	[sflag:s24] =	ssyncset.done $0x0  }
0x6d4: {  	[sflag:s24] =	ssyncadd.s32 $0xFFFFF100  }
0x6d5: {  	_ =	sfence.sel $0x180000  }
0x6d6: {  	[bflag:$0x0] =	sbarrier.arrive $0xFFFF  }
0x6d7: {  	_ =	strace $0x90000047  }
0x6d8: {  	s0 =	stileid.u32;
	[bflag:$0x2] =	sbarrier.arrive $0xFFFF  }
0x6d9: {  	p0 =	sne.s32 s0, $0x0;
	s0 =	rddreg [dreg:$0x3]  }
0x6da: {  	s0 =	sadd.s32 @!p0 $0x100000, s0  }
0x6db: {  	[sflag:s0] =	ssyncadd.tile.s32 @!p0 $0x1;
	_ =	shalt  }
.Lfunc_end2:
_tile_overlayer_lowered:
.L_overlay_start_2:
0x6dc: {  	(tag) =	ssettag $0x2  }
0x6dd: {  	s0 =	rddreg [dreg:$0x0];
	s2 =	stileid.u32  }
0x6de: {  	s1 =	rddreg [dreg:$0x1];
	p0 =	sne.s32 s2, $0x0  }
0x6df: {  	s3 =	rddreg [dreg:$0x2];
	[bflag:$0x3] =	sbarrier.arrive $0xFFFF;
	s2 =	simm.s32 @!p0 $0x1C04  }
0x6e0: {  	[timem:s3], [sflag:s2] =	dma.local @!p0 [hbm:s0], s1  }
0x6e1: {  	s0 =	simm.s32 @!p0 $0x4  }
0x6e2: {  	_ =	swait.ge @!p0 [sflag:s0], s1  }
0x6e3: {  	s1 =	ssub.s32 @!p0 $0x0, s1;
	[sflag:s0] =	ssyncset.done @!p0 $0x0  }
0x6e4: {  	[sflag:s0] =	ssyncadd.s32 @!p0 s1  }
0x6e5: {  	[bflag:$0x3] =	sbarrier.arrive $0xFFFF  }
0x6e6: {  	_ =	shalt  }

</sc_bundles>
